<compile_context>
chip_gen: v7x
topology: tpu7x:2x2x1
jax: 0.10.2.dev20260603
libtpu: 0.0.44.dev20260713+nightly
codegen_flags: <defaults>
</compile_context>

<pallas_src>
import jax
import jax.numpy as jnp
from jax import lax
from jax.experimental import pallas as pl
from jax.experimental.pallas import tpu as pltpu
from jax.experimental.pallas import tpu_sc as plsc

EPS = 1e-5
MAX_NORM = 1.0 - 1e-3
D = 128
NC, NS = 2, 16
NW = NC * NS
N_ENT = 10000
N_ITM = 6000
N_USR = 4000

E1 = 327680
R1 = E1 // 128
K1 = R1 // NW
G1, CH1 = 10, 8
E2 = 425984
R2 = E2 // 128
K2 = R2 // NW
G2, CH2 = 13, 8
NSEG = 10112
TRASH = 10000
F = NSEG // NS


def _mk_mesh():
    return plsc.VectorSubcoreMesh(core_axis_name="c", subcore_axis_name="s",
                                  num_cores=NC, num_subcores=NS)


def _wid():
    return lax.axis_index("s") * NC + lax.axis_index("c")


K1H = K1 // 2


def _kg_gather_body(ent, src_i, dst_i, comb_o,
                    idx_s, idx_d, b0, b1, g0, g1, w0, w1):
    w = _wid()
    row0 = w * K1H
    pltpu.sync_copy(src_i.at[pl.ds(row0, K1H)], idx_s)
    pltpu.sync_copy(dst_i.at[pl.ds(row0, K1H)], idx_d)
    base = row0 * 256
    H = K1H // 2

    pltpu.make_async_copy(ent.at[idx_s.at[0]], b0.at[pl.ds(0, 128)], g0).start()
    pltpu.make_async_copy(ent.at[idx_d.at[0]], b0.at[pl.ds(128, 128)], g0).start()

    def grp(g, carry):
        j0 = 2 * g
        j1 = j0 + 1
        off0 = base + j0 * 256
        off1 = off0 + 256

        @pl.when(g > 0)
        def _():
            pltpu.make_async_copy(b1, comb_o.at[pl.ds(off1, 256)], w1).wait()

        pltpu.make_async_copy(ent.at[idx_s.at[j1]], b1.at[pl.ds(0, 128)], g1).start()
        pltpu.make_async_copy(ent.at[idx_d.at[j1]], b1.at[pl.ds(128, 128)], g1).start()

        pltpu.make_async_copy(ent.at[idx_s.at[j0]], b0.at[pl.ds(0, 128)], g0).wait()
        pltpu.make_async_copy(ent.at[idx_d.at[j0]], b0.at[pl.ds(128, 128)], g0).wait()
        pltpu.make_async_copy(b0, comb_o.at[pl.ds(off0, 256)], w0).start()

        @pl.when(g < H - 1)
        def _():
            pltpu.make_async_copy(b0, comb_o.at[pl.ds(off0, 256)], w0).wait()
            pltpu.make_async_copy(ent.at[idx_s.at[j0 + 2]], b0.at[pl.ds(0, 128)], g0).start()
            pltpu.make_async_copy(ent.at[idx_d.at[j0 + 2]], b0.at[pl.ds(128, 128)], g0).start()

        pltpu.make_async_copy(ent.at[idx_s.at[j1]], b1.at[pl.ds(0, 128)], g1).wait()
        pltpu.make_async_copy(ent.at[idx_d.at[j1]], b1.at[pl.ds(128, 128)], g1).wait()
        pltpu.make_async_copy(b1, comb_o.at[pl.ds(off1, 256)], w1).start()
        return carry

    lax.fori_loop(0, H, grp, 0)

    endo = base + (K1H - 2) * 256
    pltpu.make_async_copy(b0, comb_o.at[pl.ds(endo, 256)], w0).wait()
    pltpu.make_async_copy(b1, comb_o.at[pl.ds(endo + 256, 256)], w1).wait()


def _kg_gather(ent, src_i, dst_i):
    fn = pl.kernel(
        _kg_gather_body,
        out_type=jax.ShapeDtypeStruct((E1, D), jnp.float32),
        mesh=_mk_mesh(),
        name="sc_kg_gather",
        scratch_types=[
            pltpu.VMEM((K1H, 128), jnp.int32),
            pltpu.VMEM((K1H, 128), jnp.int32),
            pltpu.VMEM((256, D), jnp.float32),
            pltpu.VMEM((256, D), jnp.float32),
            pltpu.SemaphoreType.DMA,
            pltpu.SemaphoreType.DMA,
            pltpu.SemaphoreType.DMA,
            pltpu.SemaphoreType.DMA,
        ],
    )
    return fn(ent, src_i, dst_i)


def _kg_scatter_body(tan_a, tan_b, seg_i, zer_s, out_s,
                     acc, idx_v, b0, b1, r0, r1):
    c = lax.axis_index("c")
    s = lax.axis_index("s")
    w = s * NC + c
    pltpu.sync_copy(zer_s.at[pl.ds(s * F, F)], acc.at[pl.ds(s * F, F)])
    plsc.subcore_barrier()

    def run(tan, base):
        def group(g, carry):
            pltpu.sync_copy(seg_i.at[w, g], idx_v)
            goff = base + g * (CH1 * 128)
            pltpu.make_async_copy(tan.at[pl.ds(goff, 128)], b0, r0).start()

            def pair(p, carry2):
                j0 = 2 * p
                j1 = j0 + 1
                pltpu.make_async_copy(
                    tan.at[pl.ds(goff + j1 * 128, 128)], b1, r1).start()
                pltpu.make_async_copy(
                    tan.at[pl.ds(goff + j0 * 128, 128)], b0, r0).wait()
                pltpu.sync_copy(b0, acc.at[idx_v.at[j0]], add=True)

                @pl.when(p < CH1 // 2 - 1)
                def _():
                    pltpu.make_async_copy(
                        tan.at[pl.ds(goff + (j0 + 2) * 128, 128)], b0,
                        r0).start()

                pltpu.make_async_copy(
                    tan.at[pl.ds(goff + j1 * 128, 128)], b1, r1).wait()
                pltpu.sync_copy(b1, acc.at[idx_v.at[j1]], add=True)
                return carry2

            lax.fori_loop(0, CH1 // 2, pair, 0)
            return carry

        lax.fori_loop(0, G1, group, 0)

    @pl.when(w < NS)
    def _():
        run(tan_a, w * (K1 * 128))

    @pl.when(w >= NS)
    def _():
        run(tan_b, (w - NS) * (K1 * 128))

    plsc.subcore_barrier()
    pltpu.sync_copy(acc.at[pl.ds(s * F, F)], out_s.at[c].at[pl.ds(s * F, F)])


def _kg_scatter(tan_a, tan_b, seg_i, zer_s):
    fn = pl.kernel(
        _kg_scatter_body,
        out_type=jax.ShapeDtypeStruct((NC, NSEG, D), jnp.float32),
        mesh=_mk_mesh(),
        name="sc_kg_scatter",
        scratch_types=[
            pltpu.VMEM_SHARED((NSEG, D), jnp.float32),
            pltpu.VMEM((CH1, 128), jnp.int32),
            pltpu.VMEM((128, D), jnp.float32),
            pltpu.VMEM((128, D), jnp.float32),
            pltpu.SemaphoreType.DMA,
            pltpu.SemaphoreType.DMA,
        ],
    )
    return fn(tan_a, tan_b, seg_i, zer_s)


def _int_body(node, src_i, dst_i, zer_s, out_s,
              acc, idx_s, idx_d, b0, g0):
    c = lax.axis_index("c")
    s = lax.axis_index("s")
    w = s * NC + c
    pltpu.sync_copy(zer_s.at[pl.ds(s * F, F)], acc.at[pl.ds(s * F, F)])
    plsc.subcore_barrier()

    def group(g, carry):
        pltpu.sync_copy(src_i.at[w, g], idx_s)
        pltpu.sync_copy(dst_i.at[w, g], idx_d)

        def body(j, carry2):
            pltpu.make_async_copy(node.at[idx_s.at[j]], b0, g0).start()
            pltpu.make_async_copy(node.at[idx_s.at[j]], b0, g0).wait()
            pltpu.sync_copy(b0, acc.at[idx_d.at[j]], add=True)
            return carry2

        lax.fori_loop(0, CH2, body, 0)
        return carry

    lax.fori_loop(0, G2, group, 0)
    plsc.subcore_barrier()
    pltpu.sync_copy(acc.at[pl.ds(s * F, F)], out_s.at[c].at[pl.ds(s * F, F)])


def _int_agg(node, src_i, dst_i, zer_s):
    fn = pl.kernel(
        _int_body,
        out_type=jax.ShapeDtypeStruct((NC, NSEG, D), jnp.float32),
        mesh=_mk_mesh(),
        name="sc_int_agg",
        scratch_types=[
            pltpu.VMEM_SHARED((NSEG, D), jnp.float32),
            pltpu.VMEM((CH2, 128), jnp.int32),
            pltpu.VMEM((CH2, 128), jnp.int32),
            pltpu.VMEM((128, D), jnp.float32),
            pltpu.SemaphoreType.DMA,
        ],
    )
    return fn(node, src_i, dst_i, zer_s)


def _cnt_body(seg_i, dst_i, ones_h, zer_s, out_c1, out_c2,
              cnt, idx1, idx2, ones_v, sc):
    c = lax.axis_index("c")
    s = lax.axis_index("s")
    w = s * NC + c
    pltpu.sync_copy(zer_s.at[pl.ds(s * F, F)], cnt.at[pl.ds(s * F, F)])
    pltpu.sync_copy(ones_h, ones_v)
    plsc.subcore_barrier()

    def group1(g, carry):
        pltpu.sync_copy(seg_i.at[w, g], idx1)

        def fire(j, carry2):
            pltpu.make_async_copy(ones_v, cnt.at[idx1.at[j]], sc).start(
                add=True)
            return carry2

        lax.fori_loop(0, CH1, fire, 0)

        def drain(j, carry2):
            pltpu.make_async_copy(ones_v, cnt.at[idx1.at[j]], sc).wait()
            return carry2

        lax.fori_loop(0, CH1, drain, 0)
        return carry

    lax.fori_loop(0, G1, group1, 0)
    plsc.subcore_barrier()
    pltpu.sync_copy(cnt.at[pl.ds(s * F, F)], out_c1.at[c].at[pl.ds(s * F, F)])
    plsc.subcore_barrier()
    pltpu.sync_copy(zer_s.at[pl.ds(s * F, F)], cnt.at[pl.ds(s * F, F)])
    plsc.subcore_barrier()

    def group2(g, carry):
        pltpu.sync_copy(dst_i.at[w, g], idx2)

        def fire(j, carry2):
            pltpu.make_async_copy(ones_v, cnt.at[idx2.at[j]], sc).start(
                add=True)
            return carry2

        lax.fori_loop(0, CH2, fire, 0)

        def drain(j, carry2):
            pltpu.make_async_copy(ones_v, cnt.at[idx2.at[j]], sc).wait()
            return carry2

        lax.fori_loop(0, CH2, drain, 0)
        return carry

    lax.fori_loop(0, G2, group2, 0)
    plsc.subcore_barrier()
    pltpu.sync_copy(cnt.at[pl.ds(s * F, F)], out_c2.at[c].at[pl.ds(s * F, F)])


def _counts(seg_i, dst_i, ones_h, zer_s):
    fn = pl.kernel(
        _cnt_body,
        out_type=(jax.ShapeDtypeStruct((NC, NSEG, D), jnp.float32),
                  jax.ShapeDtypeStruct((NC, NSEG, D), jnp.float32)),
        mesh=_mk_mesh(),
        name="sc_counts",
        scratch_types=[
            pltpu.VMEM_SHARED((NSEG, D), jnp.float32),
            pltpu.VMEM((CH1, 128), jnp.int32),
            pltpu.VMEM((CH2, 128), jnp.int32),
            pltpu.VMEM((128, D), jnp.float32),
            pltpu.SemaphoreType.DMA,
        ],
    )
    return fn(seg_i, dst_i, ones_h, zer_s)


def _sq(x):
    return jnp.sum(x * x, axis=-1, keepdims=True)


BE = 1024


def _edge_body(comb_ref, et_ref, rt_ref, rtsq_ref, out_ref):
    u = comb_ref[:, 0].reshape(BE, D)
    p = comb_ref[:, 1].reshape(BE, D)
    et = et_ref[...]
    onehot = jnp.where(
        et + 2 == lax.broadcasted_iota(jnp.int32, (BE, 16), 1), 1.0, 0.0)
    rel = jnp.dot(onehot, rt_ref[...], preferred_element_type=jnp.float32)
    rr0 = jnp.dot(onehot, rtsq_ref[...], preferred_element_type=jnp.float32)

    uu0 = _sq(u)
    pp0 = _sq(p)
    up0 = jnp.sum(u * p, axis=-1, keepdims=True)
    ur0 = jnp.sum(u * rel, axis=-1, keepdims=True)
    pr0 = jnp.sum(p * rel, axis=-1, keepdims=True)
    S = jnp.concatenate([uu0, pp0, rr0, up0, ur0, pr0, uu0, uu0], axis=1)
    T = S.T
    uu = T[0:1]
    pp = T[1:2]
    rr = T[2:3]
    up = T[3:4]
    ur = T[4:5]
    pr = T[5:6]

    def qf(cu, cp, cr):
        return jnp.maximum(
            cu * cu * uu + cp * cp * pp + cr * cr * rr
            + 2.0 * (cu * cp * up + cu * cr * ur + cp * cr * pr), 0.0)

    n0 = jnp.maximum(jnp.sqrt(uu + 1e-15), EPS)
    sb0 = jnp.tanh(n0) / n0
    nb = jnp.sqrt(uu * sb0 * sb0 + 1e-15)
    fb = jnp.where(nb > MAX_NORM, MAX_NORM / nb, 1.0)
    sb = sb0 * fb
    bb = uu * sb * sb
    mb = jnp.maximum(1.0 - bb, EPS)

    def emap_coef(vv, uv):
        nv = jnp.maximum(jnp.sqrt(vv + 1e-15), EPS)
        sv = jnp.tanh(nv / mb) / nv
        y2 = vv * sv * sv
        xy = uv * sb * sv
        num_a = 1.0 + 2.0 * xy + y2
        num_b = 1.0 - bb
        rden = 1.0 / jnp.maximum(1.0 + 2.0 * xy + bb * y2, 1e-15)
        cb = num_a * rden * sb
        cv = num_b * rden * sv
        s2 = jnp.maximum(cb * cb * uu + 2.0 * cb * cv * uv + cv * cv * vv,
                         0.0)
        na = jnp.sqrt(s2 + 1e-15)
        fa = jnp.where(na > MAX_NORM, MAX_NORM / na, 1.0)
        return cb * fa, cv * fa, s2 * fa * fa

    au, ap, a2 = emap_coef(pp, up)
    bu, br, b2 = emap_coef(rr, ur)
    ab = au * bu * uu + au * br * ur + ap * bu * up + ap * br * pr
    a3 = 1.0 + 2.0 * ab + b2
    b3 = 1.0 - a2
    rd3 = 1.0 / jnp.maximum(1.0 + 2.0 * ab + a2 * b2, 1e-15)
    mu = a3 * rd3 * au + b3 * rd3 * bu
    mp = a3 * rd3 * ap
    mr = b3 * rd3 * br
    m2p = qf(mu, mp, mr)
    nm = jnp.sqrt(m2p + 1e-15)
    fm = jnp.where(nm > MAX_NORM, MAX_NORM / nm, 1.0)
    mu = mu * fm
    mp = mp * fm
    mr = mr * fm
    m2 = m2p * fm * fm
    bm = sb * (mu * uu + mp * up + mr * ur)
    a4 = 1.0 - 2.0 * bm + m2
    b4 = 1.0 - bb
    rd4 = 1.0 / jnp.maximum(1.0 - 2.0 * bm + bb * m2, 1e-15)
    su = -a4 * rd4 * sb + b4 * rd4 * mu
    sp = b4 * rd4 * mp
    sr = b4 * rd4 * mr
    s2s = qf(su, sp, sr)
    ns = jnp.clip(jnp.sqrt(s2s + 1e-15), EPS, 1.0 - 1e-5)
    atanh = 0.5 * jnp.log((1.0 + ns) / (1.0 - ns))
    scal = mb * atanh / ns
    cu = scal * su
    cp = scal * sp
    cr = scal * sr

    C = jnp.concatenate([cu, cp, cr, cu, cu, cu, cu, cu], axis=0)
    Ct = C.T
    out_ref[...] = (u * Ct[:, 0:1] + p * Ct[:, 1:2] + rel * Ct[:, 2:3])


def _edge_transform(comb4, et2, reltab, rtsq):
    grid = (E1 // 2 // BE,)
    nch = BE // 128
    return pl.pallas_call(
        _edge_body,
        grid=grid,
        in_specs=[
            pl.BlockSpec((nch, 2, 128, D), lambda i: (i, 0, 0, 0)),
            pl.BlockSpec((BE, 1), lambda i: (i, 0)),
            pl.BlockSpec((16, D), lambda i: (0, 0)),
            pl.BlockSpec((16, 1), lambda i: (0, 0)),
        ],
        out_specs=pl.BlockSpec((BE, D), lambda i: (i, 0)),
        out_shape=jax.ShapeDtypeStruct((E1 // 2, D), jnp.float32),
    )(comb4, et2, reltab, rtsq)


RF = 1000


def _fuse_body(e_ref, cf_ref, w1_ref, w2_ref, out_ref):
    e = e_ref[...]
    cf = cf_ref[...]
    g = jax.nn.sigmoid(
        jnp.dot(e, w1_ref[...], preferred_element_type=jnp.float32)
        + jnp.dot(cf, w2_ref[...], preferred_element_type=jnp.float32))
    out_ref[...] = g * e + (1.0 - g) * cf


def _fusion(ent_itm, cf, w1t, w2t):
    return pl.pallas_call(
        _fuse_body,
        grid=(N_ITM // RF,),
        in_specs=[
            pl.BlockSpec((RF, D), lambda i: (i, 0)),
            pl.BlockSpec((RF, D), lambda i: (i, 0)),
            pl.BlockSpec((D, D), lambda i: (0, 0)),
            pl.BlockSpec((D, D), lambda i: (0, 0)),
        ],
        out_specs=pl.BlockSpec((RF, D), lambda i: (i, 0)),
        out_shape=jax.ShapeDtypeStruct((N_ITM, D), jnp.float32),
    )(ent_itm, cf, w1t, w2t)


RB = 2528


def _final_body(s1_ref, c1_ref, s2_ref, c2_ref, o1_ref, o2_ref):
    s1 = s1_ref[0] + s1_ref[1]
    c1 = c1_ref[0, :, 0:1] + c1_ref[1, :, 0:1]
    o1_ref[...] = s1 / jnp.maximum(c1, 1.0)
    s2 = s2_ref[0] + s2_ref[1]
    c2 = c2_ref[0, :, 0:1] + c2_ref[1, :, 0:1]
    o2_ref[...] = s2 / jnp.maximum(c2, 1.0)


def _finalize(s1, c1, s2, c2):
    return pl.pallas_call(
        _final_body,
        grid=(NSEG // RB,),
        in_specs=[
            pl.BlockSpec((NC, RB, D), lambda i: (0, i, 0)),
            pl.BlockSpec((NC, RB, D), lambda i: (0, i, 0)),
            pl.BlockSpec((NC, RB, D), lambda i: (0, i, 0)),
            pl.BlockSpec((NC, RB, D), lambda i: (0, i, 0)),
        ],
        out_specs=(pl.BlockSpec((RB, D), lambda i: (i, 0)),
                   pl.BlockSpec((RB, D), lambda i: (i, 0))),
        out_shape=(jax.ShapeDtypeStruct((NSEG, D), jnp.float32),
                   jax.ShapeDtypeStruct((NSEG, D), jnp.float32)),
    )(s1, c1, s2, c2)


@jax.jit
def kernel(entity_embed, user_embed, relation_table, item_cf_embed, W1, W2,
           kg_src, kg_dst, edge_type, item_idx, user_idx):
    e_kg = kg_src.shape[0]
    e_int = item_idx.shape[0]

    pad1 = E1 - e_kg
    trash1 = TRASH + jnp.arange(pad1, dtype=jnp.int32) % (NSEG - TRASH)
    src_i = jnp.concatenate([kg_src, jnp.zeros((pad1,), jnp.int32)])
    dst_i = jnp.concatenate([kg_dst, jnp.zeros((pad1,), jnp.int32)])
    seg_i = jnp.concatenate([kg_src, trash1])
    et2 = jnp.concatenate([edge_type, jnp.zeros((pad1,), jnp.int32)])
    src_i = src_i.reshape(R1, 128)
    dst_i = dst_i.reshape(R1, 128)
    seg_i = seg_i.reshape(NW, G1, CH1, 128)
    et2 = et2.reshape(E1, 1)

    pad2 = E2 - 2 * e_int
    trash2 = TRASH + jnp.arange(pad2, dtype=jnp.int32) % (NSEG - TRASH)
    src2 = jnp.concatenate([item_idx, user_idx + N_ITM, trash2])
    dst2 = jnp.concatenate([user_idx + N_ITM, item_idx, trash2])
    src2 = src2.reshape(NW, G2, CH2, 128)
    dst2 = dst2.reshape(NW, G2, CH2, 128)

    reltab = jnp.concatenate(
        [relation_table, jnp.zeros((16 - relation_table.shape[0], D),
                                   jnp.float32)])
    rtsq = jnp.sum(reltab * reltab, axis=1, keepdims=True)
    ones_h = jnp.ones((128, D), jnp.float32)
    zer_s = jnp.zeros((NSEG, D), jnp.float32)

    comb_a = _kg_gather(entity_embed, src_i[:R1 // 2], dst_i[:R1 // 2])
    comb_b = _kg_gather(entity_embed, src_i[R1 // 2:], dst_i[R1 // 2:])
    comb4_a = comb_a.reshape(E1 // 256, 2, 128, D)
    comb4_b = comb_b.reshape(E1 // 256, 2, 128, D)

    c1, c2 = _counts(seg_i, dst2, ones_h, zer_s)

    fus = _fusion(entity_embed[:N_ITM], item_cf_embed, W1.T, W2.T)
    node = jnp.concatenate([fus, user_embed,
                            jnp.zeros((NSEG - N_ITM - N_USR, D),
                                      jnp.float32)])

    tan_a = _edge_transform(comb4_a, et2[:E1 // 2], reltab, rtsq)
    tan_b = _edge_transform(comb4_b, et2[E1 // 2:], reltab, rtsq)

    s1 = _kg_scatter(tan_a, tan_b, seg_i, zer_s)

    s2 = _int_agg(node, src2, dst2, zer_s)

    o1, o2 = _finalize(s1, c1, s2, c2)

    out = o1[:N_ENT]
    u = o2[N_ITM:N_ITM + N_USR]
    i_cf = o2[:N_ITM]
    return (out, u, i_cf)

# --- scband reference (transcript-rebuilt; emitter-appended) ---
"""Pipeline reference for scband-aggregator-89258010346031 (READ-ONLY COPY).

The authoritative reference and input builder live on the scoring server;
editing this copy changes nothing except your own understanding.
"""

import jax, jax.numpy as jnp
import numpy as np

EPS = 1e-5
MAX_NORM = 1.0 - 1e-3
N_ENT = 10000; N_USR = 4000; N_ITM = 6000; D = 128; E_KG = 320000; E_INT = 200000; N_REL = 10

def _sqnorm(x):
    return jnp.sum(x * x, axis=-1, keepdims=True)

def project(x):
    n = jnp.sqrt(_sqnorm(x) + 1e-15)
    f = jnp.where(n > MAX_NORM, MAX_NORM / n, 1.0)
    return x * f

def mobius_add(x, y):
    x2 = _sqnorm(x); y2 = _sqnorm(y)
    xy = jnp.sum(x * y, axis=-1, keepdims=True)
    num = (1.0 + 2.0 * xy + y2) * x + (1.0 - x2) * y
    den = 1.0 + 2.0 * xy + x2 * y2
    return num / jnp.maximum(den, 1e-15)

def expmap0(u):
    n = jnp.maximum(jnp.sqrt(_sqnorm(u) + 1e-15), EPS)
    return project(jnp.tanh(n) * u / n)

def expmap(u, p):
    lam = 2.0 / jnp.maximum(1.0 - _sqnorm(p), EPS)
    n = jnp.maximum(jnp.sqrt(_sqnorm(u) + 1e-15), EPS)
    second = jnp.tanh(lam * n / 2.0) * u / n
    return project(mobius_add(p, second))

def logmap(y, p):
    sub = mobius_add(-p, y)
    n = jnp.clip(jnp.sqrt(_sqnorm(sub) + 1e-15), EPS, 1.0 - 1e-5)
    lam = 2.0 / jnp.maximum(1.0 - _sqnorm(p), EPS)
    return (2.0 / lam) * jnp.arctanh(n) * sub / n

def setup_inputs(seed: int = 0):
    key = jax.random.key(seed)
    ks = jax.random.split(key, 11)
    entity_embed = jax.random.normal(ks[0], (N_ENT, D), jnp.float32) * 0.1
    user_embed = jax.random.normal(ks[1], (N_USR, D), jnp.float32) * 0.1
    item_cf_embed = jax.random.normal(ks[2], (N_ITM, D), jnp.float32) * 0.1
    relation_table = jax.random.normal(ks[3], (N_REL + 2, D), jnp.float32) * 0.1
    W1 = jax.random.normal(ks[4], (D, D), jnp.float32) / np.sqrt(D)
    W2 = jax.random.normal(ks[5], (D, D), jnp.float32) / np.sqrt(D)
    kg_src = jax.random.randint(ks[6], (E_KG,), 0, N_ENT, jnp.int32)
    kg_dst = jax.random.randint(ks[7], (E_KG,), 0, N_ENT, jnp.int32)
    edge_type = jax.random.randint(ks[8], (E_KG,), 0, N_REL, jnp.int32)
    item_idx = jax.random.randint(ks[9], (E_INT,), 0, N_ITM, jnp.int32)
    user_idx = jax.random.randint(ks[10], (E_INT,), 0, N_USR, jnp.int32)
    return {"entity_embed": entity_embed, "user_embed": user_embed, "relation_table": relation_table, "item_cf_embed": item_cf_embed, "W1": W1, "W2": W2, "kg_src": kg_src, "kg_dst": kg_dst, "edge_type": edge_type, "item_idx": item_idx, "user_idx": user_idx}

def reference(entity_embed, user_embed, relation_table, item_cf_embed, W1, W2, kg_src, kg_dst, edge_type, item_idx, user_idx):
    n_ent = entity_embed.shape[0]; n_itm = item_cf_embed.shape[0]; n_usr = user_embed.shape[0]
    # KG edge messages in hyperbolic (Poincare, c=1) space: tan_sum per edge
    src_p = entity_embed[kg_src]
    dst_p = entity_embed[kg_dst]
    base = expmap0(src_p)
    rel = relation_table[edge_type + 2]
    tan_sum = logmap(project(mobius_add(expmap(dst_p, base), expmap(rel, base))), base)
    # sg_inv mean-aggregation: mean of edge tan_sum grouped by sg src node
    s = jax.ops.segment_sum(tan_sum, kg_src, num_segments=n_ent)
    c = jax.ops.segment_sum(jnp.ones((kg_src.shape[0], 1), tan_sum.dtype), kg_src, num_segments=n_ent)
    out = s / jnp.maximum(c, 1.0)  # message_dropout is identity in eval mode
    # gated fusion of KG item embeddings with CF item embeddings
    gi = jax.nn.sigmoid(entity_embed[:n_itm] @ W1.T + item_cf_embed @ W2.T)
    item_emb_fusion = gi * entity_embed[:n_itm] + (1.0 - gi) * item_cf_embed
    # bipartite item<->user mean aggregation (g_i2u, both directions)
    node = jnp.concatenate([item_emb_fusion, user_embed], axis=0)
    src_all = jnp.concatenate([item_idx, user_idx + n_itm])
    dst_all = jnp.concatenate([user_idx + n_itm, item_idx])
    msg = node[src_all]
    s2 = jax.ops.segment_sum(msg, dst_all, num_segments=n_itm + n_usr)
    c2 = jax.ops.segment_sum(jnp.ones((dst_all.shape[0], 1), msg.dtype), dst_all, num_segments=n_itm + n_usr)
    u_all = s2 / jnp.maximum(c2, 1.0)
    u = u_all[n_itm:]
    i_cf = u_all[:n_itm]
    return (out, u, i_cf)

if __name__ == "__main__":
    import jax
    _d = setup_inputs()
    print(jax.jit(kernel)(*tuple(_d.values())))

</pallas_src>

<mosaic_0001>
#map = affine_map<(d0, d1) -> (0, 0)>
module attributes {stable_mosaic.version = 14 : i64} {
  func.func @sc_kg_gather(%arg0: i32, %arg1: i32, %arg2: memref<10000x128xf32, #tpu.memory_space<hbm>>, %arg3: memref<1280x128xi32, #tpu.memory_space<hbm>>, %arg4: memref<1280x128xi32, #tpu.memory_space<hbm>>, %arg5: memref<327680x128xf32, #tpu.memory_space<hbm>>, %arg6: memref<40x128xi32, #tpu.memory_space<vmem>>, %arg7: memref<40x128xi32, #tpu.memory_space<vmem>>, %arg8: memref<256x128xf32, #tpu.memory_space<vmem>>, %arg9: memref<256x128xf32, #tpu.memory_space<vmem>>, %arg10: memref<!tpu.dma_semaphore, #tpu.memory_space<semaphore_mem>>, %arg11: memref<!tpu.dma_semaphore, #tpu.memory_space<semaphore_mem>>, %arg12: memref<!tpu.dma_semaphore, #tpu.memory_space<semaphore_mem>>, %arg13: memref<!tpu.dma_semaphore, #tpu.memory_space<semaphore_mem>>) attributes {dimension_semantics = [#tpu.dimension_semantics<core_parallel>, #tpu.dimension_semantics<subcore_parallel>], iteration_bounds = array<i64: 2, 16>, scalar_prefetch = 0 : i64, scratch_operands = 8 : i64, tpu.core_type = #tpu.core_type<sc_vector_subcore>, window_params = [{transform_indices = #map}, {transform_indices = #map}, {transform_indices = #map}, {transform_indices = #map}]} {
    %mul3A = arith.constant 2 : i32
    %mul3A_0 = arith.muli %arg1, %mul3A : i32
    %add3A = arith.addi %mul3A_0, %arg0 : i32
    %mul3A_1 = arith.constant 40 : i32
    %mul3A_2 = arith.muli %add3A, %mul3A_1 : i32
    "tpu.region"() ({
      %run_scoped3A = tpu.sem_alloc : memref<!tpu.dma_semaphore, #tpu.memory_space<semaphore_mem>>
      %dma_start3A_40 = arith.constant 0 : i32
      %dma_start3A_41 = tpu.memref_slice %arg3[%mul3A_2, %dma_start3A_40] : memref<1280x128xi32, #tpu.memory_space<hbm>> -> memref<40x128xi32, #tpu.memory_space<hbm>>
      %dma_start3A_42 = arith.constant 0 : i32
      %dma_start3A_43 = tpu.memref_slice %arg3[%mul3A_2, %dma_start3A_42] : memref<1280x128xi32, #tpu.memory_space<hbm>> -> memref<40x128xi32, #tpu.memory_space<hbm>>
      tpu.enqueue_dma source(%dma_start3A_43 : memref<40x128xi32, #tpu.memory_space<hbm>>) target(%arg6 : memref<40x128xi32, #tpu.memory_space<vmem>>) target_semaphore(%run_scoped3A : memref<!tpu.dma_semaphore, #tpu.memory_space<semaphore_mem>>)
      %dma_wait3A_44 = arith.constant 0 : i32
      %dma_wait3A_45 = tpu.memref_slice %arg3[%mul3A_2, %dma_wait3A_44] : memref<1280x128xi32, #tpu.memory_space<hbm>> -> memref<40x128xi32, #tpu.memory_space<hbm>>
      %dma_wait3A_46 = arith.constant 0 : i32
      %dma_wait3A_47 = tpu.memref_slice %arg3[%mul3A_2, %dma_wait3A_46] : memref<1280x128xi32, #tpu.memory_space<hbm>> -> memref<40x128xi32, #tpu.memory_space<hbm>>
      tpu.wait_dma2 semaphore(%run_scoped3A : memref<!tpu.dma_semaphore, #tpu.memory_space<semaphore_mem>>) src(%dma_wait3A_47 : memref<40x128xi32, #tpu.memory_space<hbm>>) dst(%arg6 : memref<40x128xi32, #tpu.memory_space<vmem>>)
      tpu.yield
    }) : () -> ()
    "tpu.region"() ({
      %run_scoped3A = tpu.sem_alloc : memref<!tpu.dma_semaphore, #tpu.memory_space<semaphore_mem>>
      %dma_start3A_40 = arith.constant 0 : i32
      %dma_start3A_41 = tpu.memref_slice %arg4[%mul3A_2, %dma_start3A_40] : memref<1280x128xi32, #tpu.memory_space<hbm>> -> memref<40x128xi32, #tpu.memory_space<hbm>>
      %dma_start3A_42 = arith.constant 0 : i32
      %dma_start3A_43 = tpu.memref_slice %arg4[%mul3A_2, %dma_start3A_42] : memref<1280x128xi32, #tpu.memory_space<hbm>> -> memref<40x128xi32, #tpu.memory_space<hbm>>
      tpu.enqueue_dma source(%dma_start3A_43 : memref<40x128xi32, #tpu.memory_space<hbm>>) target(%arg7 : memref<40x128xi32, #tpu.memory_space<vmem>>) target_semaphore(%run_scoped3A : memref<!tpu.dma_semaphore, #tpu.memory_space<semaphore_mem>>)
      %dma_wait3A_44 = arith.constant 0 : i32
      %dma_wait3A_45 = tpu.memref_slice %arg4[%mul3A_2, %dma_wait3A_44] : memref<1280x128xi32, #tpu.memory_space<hbm>> -> memref<40x128xi32, #tpu.memory_space<hbm>>
      %dma_wait3A_46 = arith.constant 0 : i32
      %dma_wait3A_47 = tpu.memref_slice %arg4[%mul3A_2, %dma_wait3A_46] : memref<1280x128xi32, #tpu.memory_space<hbm>> -> memref<40x128xi32, #tpu.memory_space<hbm>>
      tpu.wait_dma2 semaphore(%run_scoped3A : memref<!tpu.dma_semaphore, #tpu.memory_space<semaphore_mem>>) src(%dma_wait3A_47 : memref<40x128xi32, #tpu.memory_space<hbm>>) dst(%arg7 : memref<40x128xi32, #tpu.memory_space<vmem>>)
      tpu.yield
    }) : () -> ()
    %mul3A_3 = arith.constant 256 : i32
    %mul3A_4 = arith.muli %mul3A_2, %mul3A_3 : i32
    %dma_start3A = arith.constant 0 : i32
    %dma_start3A_5 = arith.constant 0 : i32
    %dma_start3A_6 = arith.constant 0 : i32
    %dma_start3A_7 = tpu.memref_slice %arg8[%dma_start3A_5, %dma_start3A_6] : memref<256x128xf32, #tpu.memory_space<vmem>> -> memref<128x128xf32, #tpu.memory_space<vmem>>
    %dma_start3A_8 = arith.constant 0 : i32
    %dma_start3A_9 = tpu.memref_slice %arg6[%dma_start3A, %dma_start3A_8] : memref<40x128xi32, #tpu.memory_space<vmem>> -> memref<1x128xi32, #tpu.memory_space<vmem>>
    %dma_start3A_10 = tpu.memref_squeeze %dma_start3A_9 : memref<1x128xi32, #tpu.memory_space<vmem>> -> memref<128xi32, #tpu.memory_space<vmem>>
    %dma_start3A_11 = arith.constant 0 : i32
    %dma_start3A_12 = arith.constant 0 : i32
    %dma_start3A_13 = tpu.memref_slice %arg2[%dma_start3A_11, %dma_start3A_12] : memref<10000x128xf32, #tpu.memory_space<hbm>> -> memref<10000x128xf32, #tpu.memory_space<hbm>>
    tpu.enqueue_indirect_dma source(%dma_start3A_13 : memref<10000x128xf32, #tpu.memory_space<hbm>>) target(%dma_start3A_7 : memref<128x128xf32, #tpu.memory_space<vmem>>) offsets(%dma_start3A_10 : memref<128xi32, #tpu.memory_space<vmem>>) semaphore(%arg10 : memref<!tpu.dma_semaphore, #tpu.memory_space<semaphore_mem>>)
    %dma_start3A_14 = arith.constant 0 : i32
    %dma_start3A_15 = arith.constant 128 : i32
    %dma_start3A_16 = arith.constant 0 : i32
    %dma_start3A_17 = tpu.memref_slice %arg8[%dma_start3A_15, %dma_start3A_16] : memref<256x128xf32, #tpu.memory_space<vmem>> -> memref<128x128xf32, #tpu.memory_space<vmem>>
    %dma_start3A_18 = arith.constant 0 : i32
    %dma_start3A_19 = tpu.memref_slice %arg7[%dma_start3A_14, %dma_start3A_18] : memref<40x128xi32, #tpu.memory_space<vmem>> -> memref<1x128xi32, #tpu.memory_space<vmem>>
    %dma_start3A_20 = tpu.memref_squeeze %dma_start3A_19 : memref<1x128xi32, #tpu.memory_space<vmem>> -> memref<128xi32, #tpu.memory_space<vmem>>
    %dma_start3A_21 = arith.constant 0 : i32
    %dma_start3A_22 = arith.constant 0 : i32
    %dma_start3A_23 = tpu.memref_slice %arg2[%dma_start3A_21, %dma_start3A_22] : memref<10000x128xf32, #tpu.memory_space<hbm>> -> memref<10000x128xf32, #tpu.memory_space<hbm>>
    tpu.enqueue_indirect_dma source(%dma_start3A_23 : memref<10000x128xf32, #tpu.memory_space<hbm>>) target(%dma_start3A_17 : memref<128x128xf32, #tpu.memory_space<vmem>>) offsets(%dma_start3A_20 : memref<128xi32, #tpu.memory_space<vmem>>) semaphore(%arg10 : memref<!tpu.dma_semaphore, #tpu.memory_space<semaphore_mem>>)
    %scan3A = arith.constant 0 : i32
    %scan3A_24 = arith.constant 0 : i32
    %scan3A_25 = arith.constant 20 : i32
    %scan3A_26 = arith.addi %scan3A_24, %scan3A_25 : i32
    %scan3A_27 = arith.constant 1 : i32
    scf.for %scan3A_40 = %scan3A_24 to %scan3A_26 step %scan3A_27  : i32 {
      %mul3A_41 = arith.constant 2 : i32
      %mul3A_42 = arith.muli %mul3A_41, %scan3A_40 : i32
      %add3A_43 = arith.constant 1 : i32
      %add3A_44 = arith.addi %mul3A_42, %add3A_43 : i32
      %mul3A_45 = arith.constant 256 : i32
      %mul3A_46 = arith.muli %mul3A_42, %mul3A_45 : i32
      %add3A_47 = arith.addi %mul3A_4, %mul3A_46 : i32
      %add3A_48 = arith.constant 256 : i32
      %add3A_49 = arith.addi %add3A_47, %add3A_48 : i32
      %gt3A = arith.constant 0 : i32
      %gt3A_50 = arith.cmpi sgt, %scan3A_40, %gt3A : i32
      %convert_element_type3A = arith.extui %gt3A_50 : i1 to i32
      %cond3A = arith.constant 0 : i32
      %cond3A_51 = arith.cmpi ne, %convert_element_type3A, %cond3A : i32
      scf.if %cond3A_51 {
        %dma_wait3A_118 = arith.constant 0 : i32
        %dma_wait3A_119 = tpu.memref_slice %arg5[%add3A_49, %dma_wait3A_118] : memref<327680x128xf32, #tpu.memory_space<hbm>> -> memref<256x128xf32, #tpu.memory_space<hbm>>
        %dma_wait3A_120 = arith.constant 0 : i32
        %dma_wait3A_121 = tpu.memref_slice %arg5[%add3A_49, %dma_wait3A_120] : memref<327680x128xf32, #tpu.memory_space<hbm>> -> memref<256x128xf32, #tpu.memory_space<hbm>>
        tpu.wait_dma2 semaphore(%arg13 : memref<!tpu.dma_semaphore, #tpu.memory_space<semaphore_mem>>) src(%arg9 : memref<256x128xf32, #tpu.memory_space<vmem>>) dst(%dma_wait3A_121 : memref<256x128xf32, #tpu.memory_space<hbm>>)
      } else {
      }
      %dma_start3A_52 = arith.constant 0 : i32
      %dma_start3A_53 = arith.constant 0 : i32
      %dma_start3A_54 = tpu.memref_slice %arg9[%dma_start3A_52, %dma_start3A_53] : memref<256x128xf32, #tpu.memory_space<vmem>> -> memref<128x128xf32, #tpu.memory_space<vmem>>
      %dma_start3A_55 = arith.constant 0 : i32
      %dma_start3A_56 = tpu.memref_slice %arg6[%add3A_44, %dma_start3A_55] : memref<40x128xi32, #tpu.memory_space<vmem>> -> memref<1x128xi32, #tpu.memory_space<vmem>>
      %dma_start3A_57 = tpu.memref_squeeze %dma_start3A_56 : memref<1x128xi32, #tpu.memory_space<vmem>> -> memref<128xi32, #tpu.memory_space<vmem>>
      %dma_start3A_58 = arith.constant 0 : i32
      %dma_start3A_59 = arith.constant 0 : i32
      %dma_start3A_60 = tpu.memref_slice %arg2[%dma_start3A_58, %dma_start3A_59] : memref<10000x128xf32, #tpu.memory_space<hbm>> -> memref<10000x128xf32, #tpu.memory_space<hbm>>
      tpu.enqueue_indirect_dma source(%dma_start3A_60 : memref<10000x128xf32, #tpu.memory_space<hbm>>) target(%dma_start3A_54 : memref<128x128xf32, #tpu.memory_space<vmem>>) offsets(%dma_start3A_57 : memref<128xi32, #tpu.memory_space<vmem>>) semaphore(%arg11 : memref<!tpu.dma_semaphore, #tpu.memory_space<semaphore_mem>>)
      %dma_start3A_61 = arith.constant 128 : i32
      %dma_start3A_62 = arith.constant 0 : i32
      %dma_start3A_63 = tpu.memref_slice %arg9[%dma_start3A_61, %dma_start3A_62] : memref<256x128xf32, #tpu.memory_space<vmem>> -> memref<128x128xf32, #tpu.memory_space<vmem>>
      %dma_start3A_64 = arith.constant 0 : i32
      %dma_start3A_65 = tpu.memref_slice %arg7[%add3A_44, %dma_start3A_64] : memref<40x128xi32, #tpu.memory_space<vmem>> -> memref<1x128xi32, #tpu.memory_space<vmem>>
      %dma_start3A_66 = tpu.memref_squeeze %dma_start3A_65 : memref<1x128xi32, #tpu.memory_space<vmem>> -> memref<128xi32, #tpu.memory_space<vmem>>
      %dma_start3A_67 = arith.constant 0 : i32
      %dma_start3A_68 = arith.constant 0 : i32
      %dma_start3A_69 = tpu.memref_slice %arg2[%dma_start3A_67, %dma_start3A_68] : memref<10000x128xf32, #tpu.memory_space<hbm>> -> memref<10000x128xf32, #tpu.memory_space<hbm>>
      tpu.enqueue_indirect_dma source(%dma_start3A_69 : memref<10000x128xf32, #tpu.memory_space<hbm>>) target(%dma_start3A_63 : memref<128x128xf32, #tpu.memory_space<vmem>>) offsets(%dma_start3A_66 : memref<128xi32, #tpu.memory_space<vmem>>) semaphore(%arg11 : memref<!tpu.dma_semaphore, #tpu.memory_space<semaphore_mem>>)
      %dma_wait3A_70 = arith.constant 0 : i32
      %dma_wait3A_71 = arith.constant 0 : i32
      %dma_wait3A_72 = tpu.memref_slice %arg8[%dma_wait3A_70, %dma_wait3A_71] : memref<256x128xf32, #tpu.memory_space<vmem>> -> memref<128x128xf32, #tpu.memory_space<vmem>>
      %dma_wait3A_73 = arith.constant 0 : i32
      %dma_wait3A_74 = tpu.memref_slice %arg6[%mul3A_42, %dma_wait3A_73] : memref<40x128xi32, #tpu.memory_space<vmem>> -> memref<1x128xi32, #tpu.memory_space<vmem>>
      %dma_wait3A_75 = tpu.memref_squeeze %dma_wait3A_74 : memref<1x128xi32, #tpu.memory_space<vmem>> -> memref<128xi32, #tpu.memory_space<vmem>>
      %dma_wait3A_76 = arith.constant 0 : i32
      %dma_wait3A_77 = arith.constant 0 : i32
      %dma_wait3A_78 = tpu.memref_slice %arg2[%dma_wait3A_76, %dma_wait3A_77] : memref<10000x128xf32, #tpu.memory_space<hbm>> -> memref<10000x128xf32, #tpu.memory_space<hbm>>
      tpu.wait_indirect_dma semaphore(%arg10 : memref<!tpu.dma_semaphore, #tpu.memory_space<semaphore_mem>>) src(%dma_wait3A_78 : memref<10000x128xf32, #tpu.memory_space<hbm>>) dst(%dma_wait3A_72 : memref<128x128xf32, #tpu.memory_space<vmem>>)
      %dma_wait3A_79 = arith.constant 128 : i32
      %dma_wait3A_80 = arith.constant 0 : i32
      %dma_wait3A_81 = tpu.memref_slice %arg8[%dma_wait3A_79, %dma_wait3A_80] : memref<256x128xf32, #tpu.memory_space<vmem>> -> memref<128x128xf32, #tpu.memory_space<vmem>>
      %dma_wait3A_82 = arith.constant 0 : i32
      %dma_wait3A_83 = tpu.memref_slice %arg7[%mul3A_42, %dma_wait3A_82] : memref<40x128xi32, #tpu.memory_space<vmem>> -> memref<1x128xi32, #tpu.memory_space<vmem>>
      %dma_wait3A_84 = tpu.memref_squeeze %dma_wait3A_83 : memref<1x128xi32, #tpu.memory_space<vmem>> -> memref<128xi32, #tpu.memory_space<vmem>>
      %dma_wait3A_85 = arith.constant 0 : i32
      %dma_wait3A_86 = arith.constant 0 : i32
      %dma_wait3A_87 = tpu.memref_slice %arg2[%dma_wait3A_85, %dma_wait3A_86] : memref<10000x128xf32, #tpu.memory_space<hbm>> -> memref<10000x128xf32, #tpu.memory_space<hbm>>
      tpu.wait_indirect_dma semaphore(%arg10 : memref<!tpu.dma_semaphore, #tpu.memory_space<semaphore_mem>>) src(%dma_wait3A_87 : memref<10000x128xf32, #tpu.memory_space<hbm>>) dst(%dma_wait3A_81 : memref<128x128xf32, #tpu.memory_space<vmem>>)
      %dma_start3A_88 = arith.constant 0 : i32
      %dma_start3A_89 = tpu.memref_slice %arg5[%add3A_47, %dma_start3A_88] : memref<327680x128xf32, #tpu.memory_space<hbm>> -> memref<256x128xf32, #tpu.memory_space<hbm>>
      %dma_start3A_90 = arith.constant 0 : i32
      %dma_start3A_91 = tpu.memref_slice %arg5[%add3A_47, %dma_start3A_90] : memref<327680x128xf32, #tpu.memory_space<hbm>> -> memref<256x128xf32, #tpu.memory_space<hbm>>
      tpu.enqueue_dma source(%arg8 : memref<256x128xf32, #tpu.memory_space<vmem>>) target(%dma_start3A_91 : memref<256x128xf32, #tpu.memory_space<hbm>>) target_semaphore(%arg12 : memref<!tpu.dma_semaphore, #tpu.memory_space<semaphore_mem>>)
      %lt3A = arith.constant 19 : i32
      %lt3A_92 = arith.cmpi slt, %scan3A_40, %lt3A : i32
      %convert_element_type3A_93 = arith.extui %lt3A_92 : i1 to i32
      %cond3A_94 = arith.constant 0 : i32
      %cond3A_95 = arith.cmpi ne, %convert_element_type3A_93, %cond3A_94 : i32
      scf.if %cond3A_95 {
        %dma_wait3A_118 = arith.constant 0 : i32
        %dma_wait3A_119 = tpu.memref_slice %arg5[%add3A_47, %dma_wait3A_118] : memref<327680x128xf32, #tpu.memory_space<hbm>> -> memref<256x128xf32, #tpu.memory_space<hbm>>
        %dma_wait3A_120 = arith.constant 0 : i32
        %dma_wait3A_121 = tpu.memref_slice %arg5[%add3A_47, %dma_wait3A_120] : memref<327680x128xf32, #tpu.memory_space<hbm>> -> memref<256x128xf32, #tpu.memory_space<hbm>>
        tpu.wait_dma2 semaphore(%arg12 : memref<!tpu.dma_semaphore, #tpu.memory_space<semaphore_mem>>) src(%arg8 : memref<256x128xf32, #tpu.memory_space<vmem>>) dst(%dma_wait3A_121 : memref<256x128xf32, #tpu.memory_space<hbm>>)
        %add3A_122 = arith.constant 2 : i32
        %add3A_123 = arith.addi %mul3A_42, %add3A_122 : i32
        %dma_start3A_124 = arith.constant 0 : i32
        %dma_start3A_125 = arith.constant 0 : i32
        %dma_start3A_126 = tpu.memref_slice %arg8[%dma_start3A_124, %dma_start3A_125] : memref<256x128xf32, #tpu.memory_space<vmem>> -> memref<128x128xf32, #tpu.memory_space<vmem>>
        %dma_start3A_127 = arith.constant 0 : i32
        %dma_start3A_128 = tpu.memref_slice %arg6[%add3A_123, %dma_start3A_127] : memref<40x128xi32, #tpu.memory_space<vmem>> -> memref<1x128xi32, #tpu.memory_space<vmem>>
        %dma_start3A_129 = tpu.memref_squeeze %dma_start3A_128 : memref<1x128xi32, #tpu.memory_space<vmem>> -> memref<128xi32, #tpu.memory_space<vmem>>
        %dma_start3A_130 = arith.constant 0 : i32
        %dma_start3A_131 = arith.constant 0 : i32
        %dma_start3A_132 = tpu.memref_slice %arg2[%dma_start3A_130, %dma_start3A_131] : memref<10000x128xf32, #tpu.memory_space<hbm>> -> memref<10000x128xf32, #tpu.memory_space<hbm>>
        tpu.enqueue_indirect_dma source(%dma_start3A_132 : memref<10000x128xf32, #tpu.memory_space<hbm>>) target(%dma_start3A_126 : memref<128x128xf32, #tpu.memory_space<vmem>>) offsets(%dma_start3A_129 : memref<128xi32, #tpu.memory_space<vmem>>) semaphore(%arg10 : memref<!tpu.dma_semaphore, #tpu.memory_space<semaphore_mem>>)
        %add3A_133 = arith.constant 2 : i32
        %add3A_134 = arith.addi %mul3A_42, %add3A_133 : i32
        %dma_start3A_135 = arith.constant 128 : i32
        %dma_start3A_136 = arith.constant 0 : i32
        %dma_start3A_137 = tpu.memref_slice %arg8[%dma_start3A_135, %dma_start3A_136] : memref<256x128xf32, #tpu.memory_space<vmem>> -> memref<128x128xf32, #tpu.memory_space<vmem>>
        %dma_start3A_138 = arith.constant 0 : i32
        %dma_start3A_139 = tpu.memref_slice %arg7[%add3A_134, %dma_start3A_138] : memref<40x128xi32, #tpu.memory_space<vmem>> -> memref<1x128xi32, #tpu.memory_space<vmem>>
        %dma_start3A_140 = tpu.memref_squeeze %dma_start3A_139 : memref<1x128xi32, #tpu.memory_space<vmem>> -> memref<128xi32, #tpu.memory_space<vmem>>
        %dma_start3A_141 = arith.constant 0 : i32
        %dma_start3A_142 = arith.constant 0 : i32
        %dma_start3A_143 = tpu.memref_slice %arg2[%dma_start3A_141, %dma_start3A_142] : memref<10000x128xf32, #tpu.memory_space<hbm>> -> memref<10000x128xf32, #tpu.memory_space<hbm>>
        tpu.enqueue_indirect_dma source(%dma_start3A_143 : memref<10000x128xf32, #tpu.memory_space<hbm>>) target(%dma_start3A_137 : memref<128x128xf32, #tpu.memory_space<vmem>>) offsets(%dma_start3A_140 : memref<128xi32, #tpu.memory_space<vmem>>) semaphore(%arg10 : memref<!tpu.dma_semaphore, #tpu.memory_space<semaphore_mem>>)
      } else {
      }
      %dma_wait3A_96 = arith.constant 0 : i32
      %dma_wait3A_97 = arith.constant 0 : i32
      %dma_wait3A_98 = tpu.memref_slice %arg9[%dma_wait3A_96, %dma_wait3A_97] : memref<256x128xf32, #tpu.memory_space<vmem>> -> memref<128x128xf32, #tpu.memory_space<vmem>>
      %dma_wait3A_99 = arith.constant 0 : i32
      %dma_wait3A_100 = tpu.memref_slice %arg6[%add3A_44, %dma_wait3A_99] : memref<40x128xi32, #tpu.memory_space<vmem>> -> memref<1x128xi32, #tpu.memory_space<vmem>>
      %dma_wait3A_101 = tpu.memref_squeeze %dma_wait3A_100 : memref<1x128xi32, #tpu.memory_space<vmem>> -> memref<128xi32, #tpu.memory_space<vmem>>
      %dma_wait3A_102 = arith.constant 0 : i32
      %dma_wait3A_103 = arith.constant 0 : i32
      %dma_wait3A_104 = tpu.memref_slice %arg2[%dma_wait3A_102, %dma_wait3A_103] : memref<10000x128xf32, #tpu.memory_space<hbm>> -> memref<10000x128xf32, #tpu.memory_space<hbm>>
      tpu.wait_indirect_dma semaphore(%arg11 : memref<!tpu.dma_semaphore, #tpu.memory_space<semaphore_mem>>) src(%dma_wait3A_104 : memref<10000x128xf32, #tpu.memory_space<hbm>>) dst(%dma_wait3A_98 : memref<128x128xf32, #tpu.memory_space<vmem>>)
      %dma_wait3A_105 = arith.constant 128 : i32
      %dma_wait3A_106 = arith.constant 0 : i32
      %dma_wait3A_107 = tpu.memref_slice %arg9[%dma_wait3A_105, %dma_wait3A_106] : memref<256x128xf32, #tpu.memory_space<vmem>> -> memref<128x128xf32, #tpu.memory_space<vmem>>
      %dma_wait3A_108 = arith.constant 0 : i32
      %dma_wait3A_109 = tpu.memref_slice %arg7[%add3A_44, %dma_wait3A_108] : memref<40x128xi32, #tpu.memory_space<vmem>> -> memref<1x128xi32, #tpu.memory_space<vmem>>
      %dma_wait3A_110 = tpu.memref_squeeze %dma_wait3A_109 : memref<1x128xi32, #tpu.memory_space<vmem>> -> memref<128xi32, #tpu.memory_space<vmem>>
      %dma_wait3A_111 = arith.constant 0 : i32
      %dma_wait3A_112 = arith.constant 0 : i32
      %dma_wait3A_113 = tpu.memref_slice %arg2[%dma_wait3A_111, %dma_wait3A_112] : memref<10000x128xf32, #tpu.memory_space<hbm>> -> memref<10000x128xf32, #tpu.memory_space<hbm>>
      tpu.wait_indirect_dma semaphore(%arg11 : memref<!tpu.dma_semaphore, #tpu.memory_space<semaphore_mem>>) src(%dma_wait3A_113 : memref<10000x128xf32, #tpu.memory_space<hbm>>) dst(%dma_wait3A_107 : memref<128x128xf32, #tpu.memory_space<vmem>>)
      %dma_start3A_114 = arith.constant 0 : i32
      %dma_start3A_115 = tpu.memref_slice %arg5[%add3A_49, %dma_start3A_114] : memref<327680x128xf32, #tpu.memory_space<hbm>> -> memref<256x128xf32, #tpu.memory_space<hbm>>
      %dma_start3A_116 = arith.constant 0 : i32
      %dma_start3A_117 = tpu.memref_slice %arg5[%add3A_49, %dma_start3A_116] : memref<327680x128xf32, #tpu.memory_space<hbm>> -> memref<256x128xf32, #tpu.memory_space<hbm>>
      tpu.enqueue_dma source(%arg9 : memref<256x128xf32, #tpu.memory_space<vmem>>) target(%dma_start3A_117 : memref<256x128xf32, #tpu.memory_space<hbm>>) target_semaphore(%arg13 : memref<!tpu.dma_semaphore, #tpu.memory_space<semaphore_mem>>)
    }
    %scan3A_28 = arith.constant 20 : i32
    %add3A_29 = arith.constant 9728 : i32
    %add3A_30 = arith.addi %mul3A_4, %add3A_29 : i32
    %dma_wait3A = arith.constant 0 : i32
    %dma_wait3A_31 = tpu.memref_slice %arg5[%add3A_30, %dma_wait3A] : memref<327680x128xf32, #tpu.memory_space<hbm>> -> memref<256x128xf32, #tpu.memory_space<hbm>>
    %dma_wait3A_32 = arith.constant 0 : i32
    %dma_wait3A_33 = tpu.memref_slice %arg5[%add3A_30, %dma_wait3A_32] : memref<327680x128xf32, #tpu.memory_space<hbm>> -> memref<256x128xf32, #tpu.memory_space<hbm>>
    tpu.wait_dma2 semaphore(%arg12 : memref<!tpu.dma_semaphore, #tpu.memory_space<semaphore_mem>>) src(%arg8 : memref<256x128xf32, #tpu.memory_space<vmem>>) dst(%dma_wait3A_33 : memref<256x128xf32, #tpu.memory_space<hbm>>)
    %add3A_34 = arith.constant 256 : i32
    %add3A_35 = arith.addi %add3A_30, %add3A_34 : i32
    %dma_wait3A_36 = arith.constant 0 : i32
    %dma_wait3A_37 = tpu.memref_slice %arg5[%add3A_35, %dma_wait3A_36] : memref<327680x128xf32, #tpu.memory_space<hbm>> -> memref<256x128xf32, #tpu.memory_space<hbm>>
    %dma_wait3A_38 = arith.constant 0 : i32
    %dma_wait3A_39 = tpu.memref_slice %arg5[%add3A_35, %dma_wait3A_38] : memref<327680x128xf32, #tpu.memory_space<hbm>> -> memref<256x128xf32, #tpu.memory_space<hbm>>
    tpu.wait_dma2 semaphore(%arg13 : memref<!tpu.dma_semaphore, #tpu.memory_space<semaphore_mem>>) src(%arg9 : memref<256x128xf32, #tpu.memory_space<vmem>>) dst(%dma_wait3A_39 : memref<256x128xf32, #tpu.memory_space<hbm>>)
    return
  }
}

#map = affine_map<(d0, d1) -> (0, 0)>
module attributes {stable_mosaic.version = 14 : i64} {
  func.func @sc_kg_gather(%arg0: i32, %arg1: i32, %arg2: memref<10000x128xf32, #tpu.memory_space<hbm>>, %arg3: memref<1280x128xi32, #tpu.memory_space<hbm>>, %arg4: memref<1280x128xi32, #tpu.memory_space<hbm>>, %arg5: memref<327680x128xf32, #tpu.memory_space<hbm>>, %arg6: memref<40x128xi32, #tpu.memory_space<vmem>>, %arg7: memref<40x128xi32, #tpu.memory_space<vmem>>, %arg8: memref<256x128xf32, #tpu.memory_space<vmem>>, %arg9: memref<256x128xf32, #tpu.memory_space<vmem>>, %arg10: memref<!tpu.dma_semaphore, #tpu.memory_space<semaphore_mem>>, %arg11: memref<!tpu.dma_semaphore, #tpu.memory_space<semaphore_mem>>, %arg12: memref<!tpu.dma_semaphore, #tpu.memory_space<semaphore_mem>>, %arg13: memref<!tpu.dma_semaphore, #tpu.memory_space<semaphore_mem>>) attributes {dimension_semantics = [#tpu.dimension_semantics<core_parallel>, #tpu.dimension_semantics<subcore_parallel>], iteration_bounds = array<i64: 2, 16>, scalar_prefetch = 0 : i64, scratch_operands = 8 : i64, tpu.core_type = #tpu.core_type<sc_vector_subcore>, window_params = [{transform_indices = #map}, {transform_indices = #map}, {transform_indices = #map}, {transform_indices = #map}]} {
    %mul3A = arith.constant 2 : i32
    %mul3A_0 = arith.muli %arg1, %mul3A : i32
    %add3A = arith.addi %mul3A_0, %arg0 : i32
    %mul3A_1 = arith.constant 40 : i32
    %mul3A_2 = arith.muli %add3A, %mul3A_1 : i32
    "tpu.region"() ({
      %run_scoped3A = tpu.sem_alloc : memref<!tpu.dma_semaphore, #tpu.memory_space<semaphore_mem>>
      %dma_start3A_40 = arith.constant 0 : i32
      %dma_start3A_41 = tpu.memref_slice %arg3[%mul3A_2, %dma_start3A_40] : memref<1280x128xi32, #tpu.memory_space<hbm>> -> memref<40x128xi32, #tpu.memory_space<hbm>>
      %dma_start3A_42 = arith.constant 0 : i32
      %dma_start3A_43 = tpu.memref_slice %arg3[%mul3A_2, %dma_start3A_42] : memref<1280x128xi32, #tpu.memory_space<hbm>> -> memref<40x128xi32, #tpu.memory_space<hbm>>
      tpu.enqueue_dma source(%dma_start3A_43 : memref<40x128xi32, #tpu.memory_space<hbm>>) target(%arg6 : memref<40x128xi32, #tpu.memory_space<vmem>>) target_semaphore(%run_scoped3A : memref<!tpu.dma_semaphore, #tpu.memory_space<semaphore_mem>>)
      %dma_wait3A_44 = arith.constant 0 : i32
      %dma_wait3A_45 = tpu.memref_slice %arg3[%mul3A_2, %dma_wait3A_44] : memref<1280x128xi32, #tpu.memory_space<hbm>> -> memref<40x128xi32, #tpu.memory_space<hbm>>
      %dma_wait3A_46 = arith.constant 0 : i32
      %dma_wait3A_47 = tpu.memref_slice %arg3[%mul3A_2, %dma_wait3A_46] : memref<1280x128xi32, #tpu.memory_space<hbm>> -> memref<40x128xi32, #tpu.memory_space<hbm>>
      tpu.wait_dma2 semaphore(%run_scoped3A : memref<!tpu.dma_semaphore, #tpu.memory_space<semaphore_mem>>) src(%dma_wait3A_47 : memref<40x128xi32, #tpu.memory_space<hbm>>) dst(%arg6 : memref<40x128xi32, #tpu.memory_space<vmem>>)
      tpu.yield
    }) : () -> ()
    "tpu.region"() ({
      %run_scoped3A = tpu.sem_alloc : memref<!tpu.dma_semaphore, #tpu.memory_space<semaphore_mem>>
      %dma_start3A_40 = arith.constant 0 : i32
      %dma_start3A_41 = tpu.memref_slice %arg4[%mul3A_2, %dma_start3A_40] : memref<1280x128xi32, #tpu.memory_space<hbm>> -> memref<40x128xi32, #tpu.memory_space<hbm>>
      %dma_start3A_42 = arith.constant 0 : i32
      %dma_start3A_43 = tpu.memref_slice %arg4[%mul3A_2, %dma_start3A_42] : memref<1280x128xi32, #tpu.memory_space<hbm>> -> memref<40x128xi32, #tpu.memory_space<hbm>>
      tpu.enqueue_dma source(%dma_start3A_43 : memref<40x128xi32, #tpu.memory_space<hbm>>) target(%arg7 : memref<40x128xi32, #tpu.memory_space<vmem>>) target_semaphore(%run_scoped3A : memref<!tpu.dma_semaphore, #tpu.memory_space<semaphore_mem>>)
      %dma_wait3A_44 = arith.constant 0 : i32
      %dma_wait3A_45 = tpu.memref_slice %arg4[%mul3A_2, %dma_wait3A_44] : memref<1280x128xi32, #tpu.memory_space<hbm>> -> memref<40x128xi32, #tpu.memory_space<hbm>>
      %dma_wait3A_46 = arith.constant 0 : i32
      %dma_wait3A_47 = tpu.memref_slice %arg4[%mul3A_2, %dma_wait3A_46] : memref<1280x128xi32, #tpu.memory_space<hbm>> -> memref<40x128xi32, #tpu.memory_space<hbm>>
      tpu.wait_dma2 semaphore(%run_scoped3A : memref<!tpu.dma_semaphore, #tpu.memory_space<semaphore_mem>>) src(%dma_wait3A_47 : memref<40x128xi32, #tpu.memory_space<hbm>>) dst(%arg7 : memref<40x128xi32, #tpu.memory_space<vmem>>)
      tpu.yield
    }) : () -> ()
    %mul3A_3 = arith.constant 256 : i32
    %mul3A_4 = arith.muli %mul3A_2, %mul3A_3 : i32
    %dma_start3A = arith.constant 0 : i32
    %dma_start3A_5 = arith.constant 0 : i32
    %dma_start3A_6 = arith.constant 0 : i32
    %dma_start3A_7 = tpu.memref_slice %arg8[%dma_start3A_5, %dma_start3A_6] : memref<256x128xf32, #tpu.memory_space<vmem>> -> memref<128x128xf32, #tpu.memory_space<vmem>>
    %dma_start3A_8 = arith.constant 0 : i32
    %dma_start3A_9 = tpu.memref_slice %arg6[%dma_start3A, %dma_start3A_8] : memref<40x128xi32, #tpu.memory_space<vmem>> -> memref<1x128xi32, #tpu.memory_space<vmem>>
    %dma_start3A_10 = tpu.memref_squeeze %dma_start3A_9 : memref<1x128xi32, #tpu.memory_space<vmem>> -> memref<128xi32, #tpu.memory_space<vmem>>
    %dma_start3A_11 = arith.constant 0 : i32
    %dma_start3A_12 = arith.constant 0 : i32
    %dma_start3A_13 = tpu.memref_slice %arg2[%dma_start3A_11, %dma_start3A_12] : memref<10000x128xf32, #tpu.memory_space<hbm>> -> memref<10000x128xf32, #tpu.memory_space<hbm>>
    tpu.enqueue_indirect_dma source(%dma_start3A_13 : memref<10000x128xf32, #tpu.memory_space<hbm>>) target(%dma_start3A_7 : memref<128x128xf32, #tpu.memory_space<vmem>>) offsets(%dma_start3A_10 : memref<128xi32, #tpu.memory_space<vmem>>) semaphore(%arg10 : memref<!tpu.dma_semaphore, #tpu.memory_space<semaphore_mem>>)
    %dma_start3A_14 = arith.constant 0 : i32
    %dma_start3A_15 = arith.constant 128 : i32
    %dma_start3A_16 = arith.constant 0 : i32
    %dma_start3A_17 = tpu.memref_slice %arg8[%dma_start3A_15, %dma_start3A_16] : memref<256x128xf32, #tpu.memory_space<vmem>> -> memref<128x128xf32, #tpu.memory_space<vmem>>
    %dma_start3A_18 = arith.constant 0 : i32
    %dma_start3A_19 = tpu.memref_slice %arg7[%dma_start3A_14, %dma_start3A_18] : memref<40x128xi32, #tpu.memory_space<vmem>> -> memref<1x128xi32, #tpu.memory_space<vmem>>
    %dma_start3A_20 = tpu.memref_squeeze %dma_start3A_19 : memref<1x128xi32, #tpu.memory_space<vmem>> -> memref<128xi32, #tpu.memory_space<vmem>>
    %dma_start3A_21 = arith.constant 0 : i32
    %dma_start3A_22 = arith.constant 0 : i32
    %dma_start3A_23 = tpu.memref_slice %arg2[%dma_start3A_21, %dma_start3A_22] : memref<10000x128xf32, #tpu.memory_space<hbm>> -> memref<10000x128xf32, #tpu.memory_space<hbm>>
    tpu.enqueue_indirect_dma source(%dma_start3A_23 : memref<10000x128xf32, #tpu.memory_space<hbm>>) target(%dma_start3A_17 : memref<128x128xf32, #tpu.memory_space<vmem>>) offsets(%dma_start3A_20 : memref<128xi32, #tpu.memory_space<vmem>>) semaphore(%arg10 : memref<!tpu.dma_semaphore, #tpu.memory_space<semaphore_mem>>)
    %scan3A = arith.constant 0 : i32
    %scan3A_24 = arith.constant 0 : i32
    %scan3A_25 = arith.constant 20 : i32
    %scan3A_26 = arith.addi %scan3A_24, %scan3A_25 : i32
    %scan3A_27 = arith.constant 1 : i32
    scf.for %scan3A_40 = %scan3A_24 to %scan3A_26 step %scan3A_27  : i32 {
      %mul3A_41 = arith.constant 2 : i32
      %mul3A_42 = arith.muli %mul3A_41, %scan3A_40 : i32
      %add3A_43 = arith.constant 1 : i32
      %add3A_44 = arith.addi %mul3A_42, %add3A_43 : i32
      %mul3A_45 = arith.constant 256 : i32
      %mul3A_46 = arith.muli %mul3A_42, %mul3A_45 : i32
      %add3A_47 = arith.addi %mul3A_4, %mul3A_46 : i32
      %add3A_48 = arith.constant 256 : i32
      %add3A_49 = arith.addi %add3A_47, %add3A_48 : i32
      %gt3A = arith.constant 0 : i32
      %gt3A_50 = arith.cmpi sgt, %scan3A_40, %gt3A : i32
      %convert_element_type3A = arith.extui %gt3A_50 : i1 to i32
      %cond3A = arith.constant 0 : i32
      %cond3A_51 = arith.cmpi ne, %convert_element_type3A, %cond3A : i32
      scf.if %cond3A_51 {
        %dma_wait3A_118 = arith.constant 0 : i32
        %dma_wait3A_119 = tpu.memref_slice %arg5[%add3A_49, %dma_wait3A_118] : memref<327680x128xf32, #tpu.memory_space<hbm>> -> memref<256x128xf32, #tpu.memory_space<hbm>>
        %dma_wait3A_120 = arith.constant 0 : i32
        %dma_wait3A_121 = tpu.memref_slice %arg5[%add3A_49, %dma_wait3A_120] : memref<327680x128xf32, #tpu.memory_space<hbm>> -> memref<256x128xf32, #tpu.memory_space<hbm>>
        tpu.wait_dma2 semaphore(%arg13 : memref<!tpu.dma_semaphore, #tpu.memory_space<semaphore_mem>>) src(%arg9 : memref<256x128xf32, #tpu.memory_space<vmem>>) dst(%dma_wait3A_121 : memref<256x128xf32, #tpu.memory_space<hbm>>)
      } else {
      }
      %dma_start3A_52 = arith.constant 0 : i32
      %dma_start3A_53 = arith.constant 0 : i32
      %dma_start3A_54 = tpu.memref_slice %arg9[%dma_start3A_52, %dma_start3A_53] : memref<256x128xf32, #tpu.memory_space<vmem>> -> memref<128x128xf32, #tpu.memory_space<vmem>>
      %dma_start3A_55 = arith.constant 0 : i32
      %dma_start3A_56 = tpu.memref_slice %arg6[%add3A_44, %dma_start3A_55] : memref<40x128xi32, #tpu.memory_space<vmem>> -> memref<1x128xi32, #tpu.memory_space<vmem>>
      %dma_start3A_57 = tpu.memref_squeeze %dma_start3A_56 : memref<1x128xi32, #tpu.memory_space<vmem>> -> memref<128xi32, #tpu.memory_space<vmem>>
      %dma_start3A_58 = arith.constant 0 : i32
      %dma_start3A_59 = arith.constant 0 : i32
      %dma_start3A_60 = tpu.memref_slice %arg2[%dma_start3A_58, %dma_start3A_59] : memref<10000x128xf32, #tpu.memory_space<hbm>> -> memref<10000x128xf32, #tpu.memory_space<hbm>>
      tpu.enqueue_indirect_dma source(%dma_start3A_60 : memref<10000x128xf32, #tpu.memory_space<hbm>>) target(%dma_start3A_54 : memref<128x128xf32, #tpu.memory_space<vmem>>) offsets(%dma_start3A_57 : memref<128xi32, #tpu.memory_space<vmem>>) semaphore(%arg11 : memref<!tpu.dma_semaphore, #tpu.memory_space<semaphore_mem>>)
      %dma_start3A_61 = arith.constant 128 : i32
      %dma_start3A_62 = arith.constant 0 : i32
      %dma_start3A_63 = tpu.memref_slice %arg9[%dma_start3A_61, %dma_start3A_62] : memref<256x128xf32, #tpu.memory_space<vmem>> -> memref<128x128xf32, #tpu.memory_space<vmem>>
      %dma_start3A_64 = arith.constant 0 : i32
      %dma_start3A_65 = tpu.memref_slice %arg7[%add3A_44, %dma_start3A_64] : memref<40x128xi32, #tpu.memory_space<vmem>> -> memref<1x128xi32, #tpu.memory_space<vmem>>
      %dma_start3A_66 = tpu.memref_squeeze %dma_start3A_65 : memref<1x128xi32, #tpu.memory_space<vmem>> -> memref<128xi32, #tpu.memory_space<vmem>>
      %dma_start3A_67 = arith.constant 0 : i32
      %dma_start3A_68 = arith.constant 0 : i32
      %dma_start3A_69 = tpu.memref_slice %arg2[%dma_start3A_67, %dma_start3A_68] : memref<10000x128xf32, #tpu.memory_space<hbm>> -> memref<10000x128xf32, #tpu.memory_space<hbm>>
      tpu.enqueue_indirect_dma source(%dma_start3A_69 : memref<10000x128xf32, #tpu.memory_space<hbm>>) target(%dma_start3A_63 : memref<128x128xf32, #tpu.memory_space<vmem>>) offsets(%dma_start3A_66 : memref<128xi32, #tpu.memory_space<vmem>>) semaphore(%arg11 : memref<!tpu.dma_semaphore, #tpu.memory_space<semaphore_mem>>)
      %dma_wait3A_70 = arith.constant 0 : i32
      %dma_wait3A_71 = arith.constant 0 : i32
      %dma_wait3A_72 = tpu.memref_slice %arg8[%dma_wait3A_70, %dma_wait3A_71] : memref<256x128xf32, #tpu.memory_space<vmem>> -> memref<128x128xf32, #tpu.memory_space<vmem>>
      %dma_wait3A_73 = arith.constant 0 : i32
      %dma_wait3A_74 = tpu.memref_slice %arg6[%mul3A_42, %dma_wait3A_73] : memref<40x128xi32, #tpu.memory_space<vmem>> -> memref<1x128xi32, #tpu.memory_space<vmem>>
      %dma_wait3A_75 = tpu.memref_squeeze %dma_wait3A_74 : memref<1x128xi32, #tpu.memory_space<vmem>> -> memref<128xi32, #tpu.memory_space<vmem>>
      %dma_wait3A_76 = arith.constant 0 : i32
      %dma_wait3A_77 = arith.constant 0 : i32
      %dma_wait3A_78 = tpu.memref_slice %arg2[%dma_wait3A_76, %dma_wait3A_77] : memref<10000x128xf32, #tpu.memory_space<hbm>> -> memref<10000x128xf32, #tpu.memory_space<hbm>>
      tpu.wait_indirect_dma semaphore(%arg10 : memref<!tpu.dma_semaphore, #tpu.memory_space<semaphore_mem>>) src(%dma_wait3A_78 : memref<10000x128xf32, #tpu.memory_space<hbm>>) dst(%dma_wait3A_72 : memref<128x128xf32, #tpu.memory_space<vmem>>)
      %dma_wait3A_79 = arith.constant 128 : i32
      %dma_wait3A_80 = arith.constant 0 : i32
      %dma_wait3A_81 = tpu.memref_slice %arg8[%dma_wait3A_79, %dma_wait3A_80] : memref<256x128xf32, #tpu.memory_space<vmem>> -> memref<128x128xf32, #tpu.memory_space<vmem>>
      %dma_wait3A_82 = arith.constant 0 : i32
      %dma_wait3A_83 = tpu.memref_slice %arg7[%mul3A_42, %dma_wait3A_82] : memref<40x128xi32, #tpu.memory_space<vmem>> -> memref<1x128xi32, #tpu.memory_space<vmem>>
      %dma_wait3A_84 = tpu.memref_squeeze %dma_wait3A_83 : memref<1x128xi32, #tpu.memory_space<vmem>> -> memref<128xi32, #tpu.memory_space<vmem>>
      %dma_wait3A_85 = arith.constant 0 : i32
      %dma_wait3A_86 = arith.constant 0 : i32
      %dma_wait3A_87 = tpu.memref_slice %arg2[%dma_wait3A_85, %dma_wait3A_86] : memref<10000x128xf32, #tpu.memory_space<hbm>> -> memref<10000x128xf32, #tpu.memory_space<hbm>>
      tpu.wait_indirect_dma semaphore(%arg10 : memref<!tpu.dma_semaphore, #tpu.memory_space<semaphore_mem>>) src(%dma_wait3A_87 : memref<10000x128xf32, #tpu.memory_space<hbm>>) dst(%dma_wait3A_81 : memref<128x128xf32, #tpu.memory_space<vmem>>)
      %dma_start3A_88 = arith.constant 0 : i32
      %dma_start3A_89 = tpu.memref_slice %arg5[%add3A_47, %dma_start3A_88] : memref<327680x128xf32, #tpu.memory_space<hbm>> -> memref<256x128xf32, #tpu.memory_space<hbm>>
      %dma_start3A_90 = arith.constant 0 : i32
      %dma_start3A_91 = tpu.memref_slice %arg5[%add3A_47, %dma_start3A_90] : memref<327680x128xf32, #tpu.memory_space<hbm>> -> memref<256x128xf32, #tpu.memory_space<hbm>>
      tpu.enqueue_dma source(%arg8 : memref<256x128xf32, #tpu.memory_space<vmem>>) target(%dma_start3A_91 : memref<256x128xf32, #tpu.memory_space<hbm>>) target_semaphore(%arg12 : memref<!tpu.dma_semaphore, #tpu.memory_space<semaphore_mem>>)
      %lt3A = arith.constant 19 : i32
      %lt3A_92 = arith.cmpi slt, %scan3A_40, %lt3A : i32
      %convert_element_type3A_93 = arith.extui %lt3A_92 : i1 to i32
      %cond3A_94 = arith.constant 0 : i32
      %cond3A_95 = arith.cmpi ne, %convert_element_type3A_93, %cond3A_94 : i32
      scf.if %cond3A_95 {
        %dma_wait3A_118 = arith.constant 0 : i32
        %dma_wait3A_119 = tpu.memref_slice %arg5[%add3A_47, %dma_wait3A_118] : memref<327680x128xf32, #tpu.memory_space<hbm>> -> memref<256x128xf32, #tpu.memory_space<hbm>>
        %dma_wait3A_120 = arith.constant 0 : i32
        %dma_wait3A_121 = tpu.memref_slice %arg5[%add3A_47, %dma_wait3A_120] : memref<327680x128xf32, #tpu.memory_space<hbm>> -> memref<256x128xf32, #tpu.memory_space<hbm>>
        tpu.wait_dma2 semaphore(%arg12 : memref<!tpu.dma_semaphore, #tpu.memory_space<semaphore_mem>>) src(%arg8 : memref<256x128xf32, #tpu.memory_space<vmem>>) dst(%dma_wait3A_121 : memref<256x128xf32, #tpu.memory_space<hbm>>)
        %add3A_122 = arith.constant 2 : i32
        %add3A_123 = arith.addi %mul3A_42, %add3A_122 : i32
        %dma_start3A_124 = arith.constant 0 : i32
        %dma_start3A_125 = arith.constant 0 : i32
        %dma_start3A_126 = tpu.memref_slice %arg8[%dma_start3A_124, %dma_start3A_125] : memref<256x128xf32, #tpu.memory_space<vmem>> -> memref<128x128xf32, #tpu.memory_space<vmem>>
        %dma_start3A_127 = arith.constant 0 : i32
        %dma_start3A_128 = tpu.memref_slice %arg6[%add3A_123, %dma_start3A_127] : memref<40x128xi32, #tpu.memory_space<vmem>> -> memref<1x128xi32, #tpu.memory_space<vmem>>
        %dma_start3A_129 = tpu.memref_squeeze %dma_start3A_128 : memref<1x128xi32, #tpu.memory_space<vmem>> -> memref<128xi32, #tpu.memory_space<vmem>>
        %dma_start3A_130 = arith.constant 0 : i32
        %dma_start3A_131 = arith.constant 0 : i32
        %dma_start3A_132 = tpu.memref_slice %arg2[%dma_start3A_130, %dma_start3A_131] : memref<10000x128xf32, #tpu.memory_space<hbm>> -> memref<10000x128xf32, #tpu.memory_space<hbm>>
        tpu.enqueue_indirect_dma source(%dma_start3A_132 : memref<10000x128xf32, #tpu.memory_space<hbm>>) target(%dma_start3A_126 : memref<128x128xf32, #tpu.memory_space<vmem>>) offsets(%dma_start3A_129 : memref<128xi32, #tpu.memory_space<vmem>>) semaphore(%arg10 : memref<!tpu.dma_semaphore, #tpu.memory_space<semaphore_mem>>)
        %add3A_133 = arith.constant 2 : i32
        %add3A_134 = arith.addi %mul3A_42, %add3A_133 : i32
        %dma_start3A_135 = arith.constant 128 : i32
        %dma_start3A_136 = arith.constant 0 : i32
        %dma_start3A_137 = tpu.memref_slice %arg8[%dma_start3A_135, %dma_start3A_136] : memref<256x128xf32, #tpu.memory_space<vmem>> -> memref<128x128xf32, #tpu.memory_space<vmem>>
        %dma_start3A_138 = arith.constant 0 : i32
        %dma_start3A_139 = tpu.memref_slice %arg7[%add3A_134, %dma_start3A_138] : memref<40x128xi32, #tpu.memory_space<vmem>> -> memref<1x128xi32, #tpu.memory_space<vmem>>
        %dma_start3A_140 = tpu.memref_squeeze %dma_start3A_139 : memref<1x128xi32, #tpu.memory_space<vmem>> -> memref<128xi32, #tpu.memory_space<vmem>>
        %dma_start3A_141 = arith.constant 0 : i32
        %dma_start3A_142 = arith.constant 0 : i32
        %dma_start3A_143 = tpu.memref_slice %arg2[%dma_start3A_141, %dma_start3A_142] : memref<10000x128xf32, #tpu.memory_space<hbm>> -> memref<10000x128xf32, #tpu.memory_space<hbm>>
        tpu.enqueue_indirect_dma source(%dma_start3A_143 : memref<10000x128xf32, #tpu.memory_space<hbm>>) target(%dma_start3A_137 : memref<128x128xf32, #tpu.memory_space<vmem>>) offsets(%dma_start3A_140 : memref<128xi32, #tpu.memory_space<vmem>>) semaphore(%arg10 : memref<!tpu.dma_semaphore, #tpu.memory_space<semaphore_mem>>)
      } else {
      }
      %dma_wait3A_96 = arith.constant 0 : i32
      %dma_wait3A_97 = arith.constant 0 : i32
      %dma_wait3A_98 = tpu.memref_slice %arg9[%dma_wait3A_96, %dma_wait3A_97] : memref<256x128xf32, #tpu.memory_space<vmem>> -> memref<128x128xf32, #tpu.memory_space<vmem>>
      %dma_wait3A_99 = arith.constant 0 : i32
      %dma_wait3A_100 = tpu.memref_slice %arg6[%add3A_44, %dma_wait3A_99] : memref<40x128xi32, #tpu.memory_space<vmem>> -> memref<1x128xi32, #tpu.memory_space<vmem>>
      %dma_wait3A_101 = tpu.memref_squeeze %dma_wait3A_100 : memref<1x128xi32, #tpu.memory_space<vmem>> -> memref<128xi32, #tpu.memory_space<vmem>>
      %dma_wait3A_102 = arith.constant 0 : i32
      %dma_wait3A_103 = arith.constant 0 : i32
      %dma_wait3A_104 = tpu.memref_slice %arg2[%dma_wait3A_102, %dma_wait3A_103] : memref<10000x128xf32, #tpu.memory_space<hbm>> -> memref<10000x128xf32, #tpu.memory_space<hbm>>
      tpu.wait_indirect_dma semaphore(%arg11 : memref<!tpu.dma_semaphore, #tpu.memory_space<semaphore_mem>>) src(%dma_wait3A_104 : memref<10000x128xf32, #tpu.memory_space<hbm>>) dst(%dma_wait3A_98 : memref<128x128xf32, #tpu.memory_space<vmem>>)
      %dma_wait3A_105 = arith.constant 128 : i32
      %dma_wait3A_106 = arith.constant 0 : i32
      %dma_wait3A_107 = tpu.memref_slice %arg9[%dma_wait3A_105, %dma_wait3A_106] : memref<256x128xf32, #tpu.memory_space<vmem>> -> memref<128x128xf32, #tpu.memory_space<vmem>>
      %dma_wait3A_108 = arith.constant 0 : i32
      %dma_wait3A_109 = tpu.memref_slice %arg7[%add3A_44, %dma_wait3A_108] : memref<40x128xi32, #tpu.memory_space<vmem>> -> memref<1x128xi32, #tpu.memory_space<vmem>>
      %dma_wait3A_110 = tpu.memref_squeeze %dma_wait3A_109 : memref<1x128xi32, #tpu.memory_space<vmem>> -> memref<128xi32, #tpu.memory_space<vmem>>
      %dma_wait3A_111 = arith.constant 0 : i32
      %dma_wait3A_112 = arith.constant 0 : i32
      %dma_wait3A_113 = tpu.memref_slice %arg2[%dma_wait3A_111, %dma_wait3A_112] : memref<10000x128xf32, #tpu.memory_space<hbm>> -> memref<10000x128xf32, #tpu.memory_space<hbm>>
      tpu.wait_indirect_dma semaphore(%arg11 : memref<!tpu.dma_semaphore, #tpu.memory_space<semaphore_mem>>) src(%dma_wait3A_113 : memref<10000x128xf32, #tpu.memory_space<hbm>>) dst(%dma_wait3A_107 : memref<128x128xf32, #tpu.memory_space<vmem>>)
      %dma_start3A_114 = arith.constant 0 : i32
      %dma_start3A_115 = tpu.memref_slice %arg5[%add3A_49, %dma_start3A_114] : memref<327680x128xf32, #tpu.memory_space<hbm>> -> memref<256x128xf32, #tpu.memory_space<hbm>>
      %dma_start3A_116 = arith.constant 0 : i32
      %dma_start3A_117 = tpu.memref_slice %arg5[%add3A_49, %dma_start3A_116] : memref<327680x128xf32, #tpu.memory_space<hbm>> -> memref<256x128xf32, #tpu.memory_space<hbm>>
      tpu.enqueue_dma source(%arg9 : memref<256x128xf32, #tpu.memory_space<vmem>>) target(%dma_start3A_117 : memref<256x128xf32, #tpu.memory_space<hbm>>) target_semaphore(%arg13 : memref<!tpu.dma_semaphore, #tpu.memory_space<semaphore_mem>>)
    }
    %scan3A_28 = arith.constant 20 : i32
    %add3A_29 = arith.constant 9728 : i32
    %add3A_30 = arith.addi %mul3A_4, %add3A_29 : i32
    %dma_wait3A = arith.constant 0 : i32
    %dma_wait3A_31 = tpu.memref_slice %arg5[%add3A_30, %dma_wait3A] : memref<327680x128xf32, #tpu.memory_space<hbm>> -> memref<256x128xf32, #tpu.memory_space<hbm>>
    %dma_wait3A_32 = arith.constant 0 : i32
    %dma_wait3A_33 = tpu.memref_slice %arg5[%add3A_30, %dma_wait3A_32] : memref<327680x128xf32, #tpu.memory_space<hbm>> -> memref<256x128xf32, #tpu.memory_space<hbm>>
    tpu.wait_dma2 semaphore(%arg12 : memref<!tpu.dma_semaphore, #tpu.memory_space<semaphore_mem>>) src(%arg8 : memref<256x128xf32, #tpu.memory_space<vmem>>) dst(%dma_wait3A_33 : memref<256x128xf32, #tpu.memory_space<hbm>>)
    %add3A_34 = arith.constant 256 : i32
    %add3A_35 = arith.addi %add3A_30, %add3A_34 : i32
    %dma_wait3A_36 = arith.constant 0 : i32
    %dma_wait3A_37 = tpu.memref_slice %arg5[%add3A_35, %dma_wait3A_36] : memref<327680x128xf32, #tpu.memory_space<hbm>> -> memref<256x128xf32, #tpu.memory_space<hbm>>
    %dma_wait3A_38 = arith.constant 0 : i32
    %dma_wait3A_39 = tpu.memref_slice %arg5[%add3A_35, %dma_wait3A_38] : memref<327680x128xf32, #tpu.memory_space<hbm>> -> memref<256x128xf32, #tpu.memory_space<hbm>>
    tpu.wait_dma2 semaphore(%arg13 : memref<!tpu.dma_semaphore, #tpu.memory_space<semaphore_mem>>) src(%arg9 : memref<256x128xf32, #tpu.memory_space<vmem>>) dst(%dma_wait3A_39 : memref<256x128xf32, #tpu.memory_space<hbm>>)
    return
  }
}

#map = affine_map<(d0, d1) -> (0, 0, 0, 0)>
#map1 = affine_map<(d0, d1) -> (0, 0)>
#map2 = affine_map<(d0, d1) -> (0, 0, 0)>
module attributes {stable_mosaic.version = 14 : i64} {
  func.func @sc_counts(%arg0: i32, %arg1: i32, %arg2: memref<32x10x8x128xi32, #tpu.memory_space<hbm>>, %arg3: memref<32x13x8x128xi32, #tpu.memory_space<hbm>>, %arg4: memref<128x128xf32, #tpu.memory_space<hbm>>, %arg5: memref<10112x128xf32, #tpu.memory_space<hbm>>, %arg6: memref<2x10112x128xf32, #tpu.memory_space<hbm>>, %arg7: memref<2x10112x128xf32, #tpu.memory_space<hbm>>, %arg8: memref<10112x128xf32, #tpu.memory_space<vmem_shared>>, %arg9: memref<8x128xi32, #tpu.memory_space<vmem>>, %arg10: memref<8x128xi32, #tpu.memory_space<vmem>>, %arg11: memref<128x128xf32, #tpu.memory_space<vmem>>, %arg12: memref<!tpu.dma_semaphore, #tpu.memory_space<semaphore_mem>>) attributes {dimension_semantics = [#tpu.dimension_semantics<core_parallel>, #tpu.dimension_semantics<subcore_parallel>], iteration_bounds = array<i64: 2, 16>, scalar_prefetch = 0 : i64, scratch_operands = 5 : i64, tpu.core_type = #tpu.core_type<sc_vector_subcore>, window_params = [{transform_indices = #map}, {transform_indices = #map}, {transform_indices = #map1}, {transform_indices = #map1}, {transform_indices = #map2}, {transform_indices = #map2}]} {
    %mul3A = arith.constant 2 : i32
    %mul3A_0 = arith.muli %arg1, %mul3A : i32
    %add3A = arith.addi %mul3A_0, %arg0 : i32
    %mul3A_1 = arith.constant 632 : i32
    %mul3A_2 = arith.muli %arg1, %mul3A_1 : i32
    %mul3A_3 = arith.constant 632 : i32
    %mul3A_4 = arith.muli %arg1, %mul3A_3 : i32
    "tpu.region"() ({
      %run_scoped3A = tpu.sem_alloc : memref<!tpu.dma_semaphore, #tpu.memory_space<semaphore_mem>>
      %dma_start3A = arith.constant 0 : i32
      %dma_start3A_32 = tpu.memref_slice %arg8[%mul3A_4, %dma_start3A] : memref<10112x128xf32, #tpu.memory_space<vmem_shared>> -> memref<632x128xf32, #tpu.memory_space<vmem_shared>>
      %dma_start3A_33 = arith.constant 0 : i32
      %dma_start3A_34 = tpu.memref_slice %arg5[%mul3A_2, %dma_start3A_33] : memref<10112x128xf32, #tpu.memory_space<hbm>> -> memref<632x128xf32, #tpu.memory_space<hbm>>
      tpu.enqueue_dma source(%dma_start3A_34 : memref<632x128xf32, #tpu.memory_space<hbm>>) target(%dma_start3A_32 : memref<632x128xf32, #tpu.memory_space<vmem_shared>>) target_semaphore(%run_scoped3A : memref<!tpu.dma_semaphore, #tpu.memory_space<semaphore_mem>>)
      %dma_wait3A = arith.constant 0 : i32
      %dma_wait3A_35 = tpu.memref_slice %arg8[%mul3A_4, %dma_wait3A] : memref<10112x128xf32, #tpu.memory_space<vmem_shared>> -> memref<632x128xf32, #tpu.memory_space<vmem_shared>>
      %dma_wait3A_36 = arith.constant 0 : i32
      %dma_wait3A_37 = tpu.memref_slice %arg5[%mul3A_2, %dma_wait3A_36] : memref<10112x128xf32, #tpu.memory_space<hbm>> -> memref<632x128xf32, #tpu.memory_space<hbm>>
      tpu.wait_dma2 semaphore(%run_scoped3A : memref<!tpu.dma_semaphore, #tpu.memory_space<semaphore_mem>>) src(%dma_wait3A_37 : memref<632x128xf32, #tpu.memory_space<hbm>>) dst(%dma_wait3A_35 : memref<632x128xf32, #tpu.memory_space<vmem_shared>>)
      tpu.yield
    }) : () -> ()
    "tpu.region"() ({
      %run_scoped3A = tpu.sem_alloc : memref<!tpu.dma_semaphore, #tpu.memory_space<semaphore_mem>>
      tpu.enqueue_dma source(%arg4 : memref<128x128xf32, #tpu.memory_space<hbm>>) target(%arg11 : memref<128x128xf32, #tpu.memory_space<vmem>>) target_semaphore(%run_scoped3A : memref<!tpu.dma_semaphore, #tpu.memory_space<semaphore_mem>>)
      tpu.wait_dma2 semaphore(%run_scoped3A : memref<!tpu.dma_semaphore, #tpu.memory_space<semaphore_mem>>) src(%arg4 : memref<128x128xf32, #tpu.memory_space<hbm>>) dst(%arg11 : memref<128x128xf32, #tpu.memory_space<vmem>>)
      tpu.yield
    }) : () -> ()
    %barrier3A = arith.constant 0 : index
    tpu.barrier barrier_id(%barrier3A)
    %scan3A = arith.constant 0 : i32
    %scan3A_5 = arith.constant 0 : i32
    %scan3A_6 = arith.constant 10 : i32
    %scan3A_7 = arith.addi %scan3A_5, %scan3A_6 : i32
    %scan3A_8 = arith.constant 1 : i32
    scf.for %scan3A_32 = %scan3A_5 to %scan3A_7 step %scan3A_8  : i32 {
      "tpu.region"() ({
        %run_scoped3A = tpu.sem_alloc : memref<!tpu.dma_semaphore, #tpu.memory_space<semaphore_mem>>
        %dma_start3A = arith.constant 0 : i32
        %dma_start3A_45 = arith.constant 0 : i32
        %dma_start3A_46 = tpu.memref_slice %arg2[%add3A, %scan3A_32, %dma_start3A, %dma_start3A_45] : memref<32x10x8x128xi32, #tpu.memory_space<hbm>> -> memref<1x1x8x128xi32, #tpu.memory_space<hbm>>
        %dma_start3A_47 = tpu.memref_squeeze %dma_start3A_46 : memref<1x1x8x128xi32, #tpu.memory_space<hbm>> -> memref<8x128xi32, #tpu.memory_space<hbm>>
        %dma_start3A_48 = arith.constant 0 : i32
        %dma_start3A_49 = arith.constant 0 : i32
        %dma_start3A_50 = tpu.memref_slice %arg2[%add3A, %scan3A_32, %dma_start3A_48, %dma_start3A_49] : memref<32x10x8x128xi32, #tpu.memory_space<hbm>> -> memref<1x1x8x128xi32, #tpu.memory_space<hbm>>
        %dma_start3A_51 = tpu.memref_squeeze %dma_start3A_50 : memref<1x1x8x128xi32, #tpu.memory_space<hbm>> -> memref<8x128xi32, #tpu.memory_space<hbm>>
        tpu.enqueue_dma source(%dma_start3A_51 : memref<8x128xi32, #tpu.memory_space<hbm>>) target(%arg9 : memref<8x128xi32, #tpu.memory_space<vmem>>) target_semaphore(%run_scoped3A : memref<!tpu.dma_semaphore, #tpu.memory_space<semaphore_mem>>)
        %dma_wait3A = arith.constant 0 : i32
        %dma_wait3A_52 = arith.constant 0 : i32
        %dma_wait3A_53 = tpu.memref_slice %arg2[%add3A, %scan3A_32, %dma_wait3A, %dma_wait3A_52] : memref<32x10x8x128xi32, #tpu.memory_space<hbm>> -> memref<1x1x8x128xi32, #tpu.memory_space<hbm>>
        %dma_wait3A_54 = tpu.memref_squeeze %dma_wait3A_53 : memref<1x1x8x128xi32, #tpu.memory_space<hbm>> -> memref<8x128xi32, #tpu.memory_space<hbm>>
        %dma_wait3A_55 = arith.constant 0 : i32
        %dma_wait3A_56 = arith.constant 0 : i32
        %dma_wait3A_57 = tpu.memref_slice %arg2[%add3A, %scan3A_32, %dma_wait3A_55, %dma_wait3A_56] : memref<32x10x8x128xi32, #tpu.memory_space<hbm>> -> memref<1x1x8x128xi32, #tpu.memory_space<hbm>>
        %dma_wait3A_58 = tpu.memref_squeeze %dma_wait3A_57 : memref<1x1x8x128xi32, #tpu.memory_space<hbm>> -> memref<8x128xi32, #tpu.memory_space<hbm>>
        tpu.wait_dma2 semaphore(%run_scoped3A : memref<!tpu.dma_semaphore, #tpu.memory_space<semaphore_mem>>) src(%dma_wait3A_58 : memref<8x128xi32, #tpu.memory_space<hbm>>) dst(%arg9 : memref<8x128xi32, #tpu.memory_space<vmem>>)
        tpu.yield
      }) : () -> ()
      %scan3A_33 = arith.constant 0 : i32
      %scan3A_34 = arith.constant 0 : i32
      %scan3A_35 = arith.constant 8 : i32
      %scan3A_36 = arith.addi %scan3A_34, %scan3A_35 : i32
      %scan3A_37 = arith.constant 1 : i32
      scf.for %scan3A_45 = %scan3A_34 to %scan3A_36 step %scan3A_37  : i32 {
        %dma_start3A = arith.constant 0 : i32
        %dma_start3A_46 = tpu.memref_slice %arg9[%scan3A_45, %dma_start3A] : memref<8x128xi32, #tpu.memory_space<vmem>> -> memref<1x128xi32, #tpu.memory_space<vmem>>
        %dma_start3A_47 = tpu.memref_squeeze %dma_start3A_46 : memref<1x128xi32, #tpu.memory_space<vmem>> -> memref<128xi32, #tpu.memory_space<vmem>>
        %dma_start3A_48 = arith.constant 0 : i32
        %dma_start3A_49 = arith.constant 0 : i32
        %dma_start3A_50 = tpu.memref_slice %arg8[%dma_start3A_48, %dma_start3A_49] : memref<10112x128xf32, #tpu.memory_space<vmem_shared>> -> memref<10112x128xf32, #tpu.memory_space<vmem_shared>>
        tpu.enqueue_indirect_dma source(%arg11 : memref<128x128xf32, #tpu.memory_space<vmem>>) target(%dma_start3A_50 : memref<10112x128xf32, #tpu.memory_space<vmem_shared>>) offsets(%dma_start3A_47 : memref<128xi32, #tpu.memory_space<vmem>>) semaphore(%arg12 : memref<!tpu.dma_semaphore, #tpu.memory_space<semaphore_mem>>) {add = true}
      }
      %scan3A_38 = arith.constant 8 : i32
      %scan3A_39 = arith.constant 0 : i32
      %scan3A_40 = arith.constant 0 : i32
      %scan3A_41 = arith.constant 8 : i32
      %scan3A_42 = arith.addi %scan3A_40, %scan3A_41 : i32
      %scan3A_43 = arith.constant 1 : i32
      scf.for %scan3A_45 = %scan3A_40 to %scan3A_42 step %scan3A_43  : i32 {
        %dma_wait3A = arith.constant 0 : i32
        %dma_wait3A_46 = tpu.memref_slice %arg9[%scan3A_45, %dma_wait3A] : memref<8x128xi32, #tpu.memory_space<vmem>> -> memref<1x128xi32, #tpu.memory_space<vmem>>
        %dma_wait3A_47 = tpu.memref_squeeze %dma_wait3A_46 : memref<1x128xi32, #tpu.memory_space<vmem>> -> memref<128xi32, #tpu.memory_space<vmem>>
        %dma_wait3A_48 = arith.constant 0 : i32
        %dma_wait3A_49 = arith.constant 0 : i32
        %dma_wait3A_50 = tpu.memref_slice %arg8[%dma_wait3A_48, %dma_wait3A_49] : memref<10112x128xf32, #tpu.memory_space<vmem_shared>> -> memref<10112x128xf32, #tpu.memory_space<vmem_shared>>
        tpu.wait_indirect_dma semaphore(%arg12 : memref<!tpu.dma_semaphore, #tpu.memory_space<semaphore_mem>>) src(%arg11 : memref<128x128xf32, #tpu.memory_space<vmem>>) dst(%dma_wait3A_50 : memref<10112x128xf32, #tpu.memory_space<vmem_shared>>)
      }
      %scan3A_44 = arith.constant 8 : i32
    }
    %scan3A_9 = arith.constant 10 : i32
    %barrier3A_10 = arith.constant 0 : index
    tpu.barrier barrier_id(%barrier3A_10)
    %mul3A_11 = arith.constant 632 : i32
    %mul3A_12 = arith.muli %arg1, %mul3A_11 : i32
    %mul3A_13 = arith.constant 632 : i32
    %mul3A_14 = arith.muli %arg1, %mul3A_13 : i32
    "tpu.region"() ({
      %run_scoped3A = tpu.sem_alloc : memref<!tpu.dma_semaphore, #tpu.memory_space<semaphore_mem>>
      %dma_start3A = arith.constant 0 : i32
      %dma_start3A_32 = arith.constant 0 : i32
      %dma_start3A_33 = tpu.memref_slice %arg6[%arg0, %dma_start3A, %dma_start3A_32] : memref<2x10112x128xf32, #tpu.memory_space<hbm>> -> memref<1x10112x128xf32, #tpu.memory_space<hbm>>
      %dma_start3A_34 = tpu.memref_squeeze %dma_start3A_33 : memref<1x10112x128xf32, #tpu.memory_space<hbm>> -> memref<10112x128xf32, #tpu.memory_space<hbm>>
      %dma_start3A_35 = arith.constant 0 : i32
      %dma_start3A_36 = tpu.memref_slice %dma_start3A_34[%mul3A_14, %dma_start3A_35] : memref<10112x128xf32, #tpu.memory_space<hbm>> -> memref<632x128xf32, #tpu.memory_space<hbm>>
      %dma_start3A_37 = arith.constant 0 : i32
      %dma_start3A_38 = tpu.memref_slice %arg8[%mul3A_12, %dma_start3A_37] : memref<10112x128xf32, #tpu.memory_space<vmem_shared>> -> memref<632x128xf32, #tpu.memory_space<vmem_shared>>
      tpu.enqueue_dma source(%dma_start3A_38 : memref<632x128xf32, #tpu.memory_space<vmem_shared>>) target(%dma_start3A_36 : memref<632x128xf32, #tpu.memory_space<hbm>>) target_semaphore(%run_scoped3A : memref<!tpu.dma_semaphore, #tpu.memory_space<semaphore_mem>>)
      %dma_wait3A = arith.constant 0 : i32
      %dma_wait3A_39 = arith.constant 0 : i32
      %dma_wait3A_40 = tpu.memref_slice %arg6[%arg0, %dma_wait3A, %dma_wait3A_39] : memref<2x10112x128xf32, #tpu.memory_space<hbm>> -> memref<1x10112x128xf32, #tpu.memory_space<hbm>>
      %dma_wait3A_41 = tpu.memref_squeeze %dma_wait3A_40 : memref<1x10112x128xf32, #tpu.memory_space<hbm>> -> memref<10112x128xf32, #tpu.memory_space<hbm>>
      %dma_wait3A_42 = arith.constant 0 : i32
      %dma_wait3A_43 = tpu.memref_slice %dma_wait3A_41[%mul3A_14, %dma_wait3A_42] : memref<10112x128xf32, #tpu.memory_space<hbm>> -> memref<632x128xf32, #tpu.memory_space<hbm>>
      %dma_wait3A_44 = arith.constant 0 : i32
      %dma_wait3A_45 = tpu.memref_slice %arg8[%mul3A_12, %dma_wait3A_44] : memref<10112x128xf32, #tpu.memory_space<vmem_shared>> -> memref<632x128xf32, #tpu.memory_space<vmem_shared>>
      tpu.wait_dma2 semaphore(%run_scoped3A : memref<!tpu.dma_semaphore, #tpu.memory_space<semaphore_mem>>) src(%dma_wait3A_45 : memref<632x128xf32, #tpu.memory_space<vmem_shared>>) dst(%dma_wait3A_43 : memref<632x128xf32, #tpu.memory_space<hbm>>)
      tpu.yield
    }) : () -> ()
    %barrier3A_15 = arith.constant 0 : index
    tpu.barrier barrier_id(%barrier3A_15)
    %mul3A_16 = arith.constant 632 : i32
    %mul3A_17 = arith.muli %arg1, %mul3A_16 : i32
    %mul3A_18 = arith.constant 632 : i32
    %mul3A_19 = arith.muli %arg1, %mul3A_18 : i32
    "tpu.region"() ({
      %run_scoped3A = tpu.sem_alloc : memref<!tpu.dma_semaphore, #tpu.memory_space<semaphore_mem>>
      %dma_start3A = arith.constant 0 : i32
      %dma_start3A_32 = tpu.memref_slice %arg8[%mul3A_19, %dma_start3A] : memref<10112x128xf32, #tpu.memory_space<vmem_shared>> -> memref<632x128xf32, #tpu.memory_space<vmem_shared>>
      %dma_start3A_33 = arith.constant 0 : i32
      %dma_start3A_34 = tpu.memref_slice %arg5[%mul3A_17, %dma_start3A_33] : memref<10112x128xf32, #tpu.memory_space<hbm>> -> memref<632x128xf32, #tpu.memory_space<hbm>>
      tpu.enqueue_dma source(%dma_start3A_34 : memref<632x128xf32, #tpu.memory_space<hbm>>) target(%dma_start3A_32 : memref<632x128xf32, #tpu.memory_space<vmem_shared>>) target_semaphore(%run_scoped3A : memref<!tpu.dma_semaphore, #tpu.memory_space<semaphore_mem>>)
      %dma_wait3A = arith.constant 0 : i32
      %dma_wait3A_35 = tpu.memref_slice %arg8[%mul3A_19, %dma_wait3A] : memref<10112x128xf32, #tpu.memory_space<vmem_shared>> -> memref<632x128xf32, #tpu.memory_space<vmem_shared>>
      %dma_wait3A_36 = arith.constant 0 : i32
      %dma_wait3A_37 = tpu.memref_slice %arg5[%mul3A_17, %dma_wait3A_36] : memref<10112x128xf32, #tpu.memory_space<hbm>> -> memref<632x128xf32, #tpu.memory_space<hbm>>
      tpu.wait_dma2 semaphore(%run_scoped3A : memref<!tpu.dma_semaphore, #tpu.memory_space<semaphore_mem>>) src(%dma_wait3A_37 : memref<632x128xf32, #tpu.memory_space<hbm>>) dst(%dma_wait3A_35 : memref<632x128xf32, #tpu.memory_space<vmem_shared>>)
      tpu.yield
    }) : () -> ()
    %barrier3A_20 = arith.constant 0 : index
    tpu.barrier barrier_id(%barrier3A_20)
    %scan3A_21 = arith.constant 0 : i32
    %scan3A_22 = arith.constant 0 : i32
    %scan3A_23 = arith.constant 13 : i32
    %scan3A_24 = arith.addi %scan3A_22, %scan3A_23 : i32
    %scan3A_25 = arith.constant 1 : i32
    scf.for %scan3A_32 = %scan3A_22 to %scan3A_24 step %scan3A_25  : i32 {
      "tpu.region"() ({
        %run_scoped3A = tpu.sem_alloc : memref<!tpu.dma_semaphore, #tpu.memory_space<semaphore_mem>>
        %dma_start3A = arith.constant 0 : i32
        %dma_start3A_45 = arith.constant 0 : i32
        %dma_start3A_46 = tpu.memref_slice %arg3[%add3A, %scan3A_32, %dma_start3A, %dma_start3A_45] : memref<32x13x8x128xi32, #tpu.memory_space<hbm>> -> memref<1x1x8x128xi32, #tpu.memory_space<hbm>>
        %dma_start3A_47 = tpu.memref_squeeze %dma_start3A_46 : memref<1x1x8x128xi32, #tpu.memory_space<hbm>> -> memref<8x128xi32, #tpu.memory_space<hbm>>
        %dma_start3A_48 = arith.constant 0 : i32
        %dma_start3A_49 = arith.constant 0 : i32
        %dma_start3A_50 = tpu.memref_slice %arg3[%add3A, %scan3A_32, %dma_start3A_48, %dma_start3A_49] : memref<32x13x8x128xi32, #tpu.memory_space<hbm>> -> memref<1x1x8x128xi32, #tpu.memory_space<hbm>>
        %dma_start3A_51 = tpu.memref_squeeze %dma_start3A_50 : memref<1x1x8x128xi32, #tpu.memory_space<hbm>> -> memref<8x128xi32, #tpu.memory_space<hbm>>
        tpu.enqueue_dma source(%dma_start3A_51 : memref<8x128xi32, #tpu.memory_space<hbm>>) target(%arg10 : memref<8x128xi32, #tpu.memory_space<vmem>>) target_semaphore(%run_scoped3A : memref<!tpu.dma_semaphore, #tpu.memory_space<semaphore_mem>>)
        %dma_wait3A = arith.constant 0 : i32
        %dma_wait3A_52 = arith.constant 0 : i32
        %dma_wait3A_53 = tpu.memref_slice %arg3[%add3A, %scan3A_32, %dma_wait3A, %dma_wait3A_52] : memref<32x13x8x128xi32, #tpu.memory_space<hbm>> -> memref<1x1x8x128xi32, #tpu.memory_space<hbm>>
        %dma_wait3A_54 = tpu.memref_squeeze %dma_wait3A_53 : memref<1x1x8x128xi32, #tpu.memory_space<hbm>> -> memref<8x128xi32, #tpu.memory_space<hbm>>
        %dma_wait3A_55 = arith.constant 0 : i32
        %dma_wait3A_56 = arith.constant 0 : i32
        %dma_wait3A_57 = tpu.memref_slice %arg3[%add3A, %scan3A_32, %dma_wait3A_55, %dma_wait3A_56] : memref<32x13x8x128xi32, #tpu.memory_space<hbm>> -> memref<1x1x8x128xi32, #tpu.memory_space<hbm>>
        %dma_wait3A_58 = tpu.memref_squeeze %dma_wait3A_57 : memref<1x1x8x128xi32, #tpu.memory_space<hbm>> -> memref<8x128xi32, #tpu.memory_space<hbm>>
        tpu.wait_dma2 semaphore(%run_scoped3A : memref<!tpu.dma_semaphore, #tpu.memory_space<semaphore_mem>>) src(%dma_wait3A_58 : memref<8x128xi32, #tpu.memory_space<hbm>>) dst(%arg10 : memref<8x128xi32, #tpu.memory_space<vmem>>)
        tpu.yield
      }) : () -> ()
      %scan3A_33 = arith.constant 0 : i32
      %scan3A_34 = arith.constant 0 : i32
      %scan3A_35 = arith.constant 8 : i32
      %scan3A_36 = arith.addi %scan3A_34, %scan3A_35 : i32
      %scan3A_37 = arith.constant 1 : i32
      scf.for %scan3A_45 = %scan3A_34 to %scan3A_36 step %scan3A_37  : i32 {
        %dma_start3A = arith.constant 0 : i32
        %dma_start3A_46 = tpu.memref_slice %arg10[%scan3A_45, %dma_start3A] : memref<8x128xi32, #tpu.memory_space<vmem>> -> memref<1x128xi32, #tpu.memory_space<vmem>>
        %dma_start3A_47 = tpu.memref_squeeze %dma_start3A_46 : memref<1x128xi32, #tpu.memory_space<vmem>> -> memref<128xi32, #tpu.memory_space<vmem>>
        %dma_start3A_48 = arith.constant 0 : i32
        %dma_start3A_49 = arith.constant 0 : i32
        %dma_start3A_50 = tpu.memref_slice %arg8[%dma_start3A_48, %dma_start3A_49] : memref<10112x128xf32, #tpu.memory_space<vmem_shared>> -> memref<10112x128xf32, #tpu.memory_space<vmem_shared>>
        tpu.enqueue_indirect_dma source(%arg11 : memref<128x128xf32, #tpu.memory_space<vmem>>) target(%dma_start3A_50 : memref<10112x128xf32, #tpu.memory_space<vmem_shared>>) offsets(%dma_start3A_47 : memref<128xi32, #tpu.memory_space<vmem>>) semaphore(%arg12 : memref<!tpu.dma_semaphore, #tpu.memory_space<semaphore_mem>>) {add = true}
      }
      %scan3A_38 = arith.constant 8 : i32
      %scan3A_39 = arith.constant 0 : i32
      %scan3A_40 = arith.constant 0 : i32
      %scan3A_41 = arith.constant 8 : i32
      %scan3A_42 = arith.addi %scan3A_40, %scan3A_41 : i32
      %scan3A_43 = arith.constant 1 : i32
      scf.for %scan3A_45 = %scan3A_40 to %scan3A_42 step %scan3A_43  : i32 {
        %dma_wait3A = arith.constant 0 : i32
        %dma_wait3A_46 = tpu.memref_slice %arg10[%scan3A_45, %dma_wait3A] : memref<8x128xi32, #tpu.memory_space<vmem>> -> memref<1x128xi32, #tpu.memory_space<vmem>>
        %dma_wait3A_47 = tpu.memref_squeeze %dma_wait3A_46 : memref<1x128xi32, #tpu.memory_space<vmem>> -> memref<128xi32, #tpu.memory_space<vmem>>
        %dma_wait3A_48 = arith.constant 0 : i32
        %dma_wait3A_49 = arith.constant 0 : i32
        %dma_wait3A_50 = tpu.memref_slice %arg8[%dma_wait3A_48, %dma_wait3A_49] : memref<10112x128xf32, #tpu.memory_space<vmem_shared>> -> memref<10112x128xf32, #tpu.memory_space<vmem_shared>>
        tpu.wait_indirect_dma semaphore(%arg12 : memref<!tpu.dma_semaphore, #tpu.memory_space<semaphore_mem>>) src(%arg11 : memref<128x128xf32, #tpu.memory_space<vmem>>) dst(%dma_wait3A_50 : memref<10112x128xf32, #tpu.memory_space<vmem_shared>>)
      }
      %scan3A_44 = arith.constant 8 : i32
    }
    %scan3A_26 = arith.constant 13 : i32
    %barrier3A_27 = arith.constant 0 : index
    tpu.barrier barrier_id(%barrier3A_27)
    %mul3A_28 = arith.constant 632 : i32
    %mul3A_29 = arith.muli %arg1, %mul3A_28 : i32
    %mul3A_30 = arith.constant 632 : i32
    %mul3A_31 = arith.muli %arg1, %mul3A_30 : i32
    "tpu.region"() ({
      %run_scoped3A = tpu.sem_alloc : memref<!tpu.dma_semaphore, #tpu.memory_space<semaphore_mem>>
      %dma_start3A = arith.constant 0 : i32
      %dma_start3A_32 = arith.constant 0 : i32
      %dma_start3A_33 = tpu.memref_slice %arg7[%arg0, %dma_start3A, %dma_start3A_32] : memref<2x10112x128xf32, #tpu.memory_space<hbm>> -> memref<1x10112x128xf32, #tpu.memory_space<hbm>>
      %dma_start3A_34 = tpu.memref_squeeze %dma_start3A_33 : memref<1x10112x128xf32, #tpu.memory_space<hbm>> -> memref<10112x128xf32, #tpu.memory_space<hbm>>
      %dma_start3A_35 = arith.constant 0 : i32
      %dma_start3A_36 = tpu.memref_slice %dma_start3A_34[%mul3A_31, %dma_start3A_35] : memref<10112x128xf32, #tpu.memory_space<hbm>> -> memref<632x128xf32, #tpu.memory_space<hbm>>
      %dma_start3A_37 = arith.constant 0 : i32
      %dma_start3A_38 = tpu.memref_slice %arg8[%mul3A_29, %dma_start3A_37] : memref<10112x128xf32, #tpu.memory_space<vmem_shared>> -> memref<632x128xf32, #tpu.memory_space<vmem_shared>>
      tpu.enqueue_dma source(%dma_start3A_38 : memref<632x128xf32, #tpu.memory_space<vmem_shared>>) target(%dma_start3A_36 : memref<632x128xf32, #tpu.memory_space<hbm>>) target_semaphore(%run_scoped3A : memref<!tpu.dma_semaphore, #tpu.memory_space<semaphore_mem>>)
      %dma_wait3A = arith.constant 0 : i32
      %dma_wait3A_39 = arith.constant 0 : i32
      %dma_wait3A_40 = tpu.memref_slice %arg7[%arg0, %dma_wait3A, %dma_wait3A_39] : memref<2x10112x128xf32, #tpu.memory_space<hbm>> -> memref<1x10112x128xf32, #tpu.memory_space<hbm>>
      %dma_wait3A_41 = tpu.memref_squeeze %dma_wait3A_40 : memref<1x10112x128xf32, #tpu.memory_space<hbm>> -> memref<10112x128xf32, #tpu.memory_space<hbm>>
      %dma_wait3A_42 = arith.constant 0 : i32
      %dma_wait3A_43 = tpu.memref_slice %dma_wait3A_41[%mul3A_31, %dma_wait3A_42] : memref<10112x128xf32, #tpu.memory_space<hbm>> -> memref<632x128xf32, #tpu.memory_space<hbm>>
      %dma_wait3A_44 = arith.constant 0 : i32
      %dma_wait3A_45 = tpu.memref_slice %arg8[%mul3A_29, %dma_wait3A_44] : memref<10112x128xf32, #tpu.memory_space<vmem_shared>> -> memref<632x128xf32, #tpu.memory_space<vmem_shared>>
      tpu.wait_dma2 semaphore(%run_scoped3A : memref<!tpu.dma_semaphore, #tpu.memory_space<semaphore_mem>>) src(%dma_wait3A_45 : memref<632x128xf32, #tpu.memory_space<vmem_shared>>) dst(%dma_wait3A_43 : memref<632x128xf32, #tpu.memory_space<hbm>>)
      tpu.yield
    }) : () -> ()
    return
  }
}

#map = affine_map<(d0, d1) -> (0, 0)>
#map1 = affine_map<(d0, d1) -> (0, 0, 0, 0)>
#map2 = affine_map<(d0, d1) -> (0, 0, 0)>
module attributes {stable_mosaic.version = 14 : i64} {
  func.func @sc_int_agg(%arg0: i32, %arg1: i32, %arg2: memref<10112x128xf32, #tpu.memory_space<hbm>>, %arg3: memref<32x13x8x128xi32, #tpu.memory_space<hbm>>, %arg4: memref<32x13x8x128xi32, #tpu.memory_space<hbm>>, %arg5: memref<10112x128xf32, #tpu.memory_space<hbm>>, %arg6: memref<2x10112x128xf32, #tpu.memory_space<hbm>>, %arg7: memref<10112x128xf32, #tpu.memory_space<vmem_shared>>, %arg8: memref<8x128xi32, #tpu.memory_space<vmem>>, %arg9: memref<8x128xi32, #tpu.memory_space<vmem>>, %arg10: memref<128x128xf32, #tpu.memory_space<vmem>>, %arg11: memref<!tpu.dma_semaphore, #tpu.memory_space<semaphore_mem>>) attributes {dimension_semantics = [#tpu.dimension_semantics<core_parallel>, #tpu.dimension_semantics<subcore_parallel>], iteration_bounds = array<i64: 2, 16>, scalar_prefetch = 0 : i64, scratch_operands = 5 : i64, tpu.core_type = #tpu.core_type<sc_vector_subcore>, window_params = [{transform_indices = #map}, {transform_indices = #map1}, {transform_indices = #map1}, {transform_indices = #map}, {transform_indices = #map2}]} {
    %mul3A = arith.constant 2 : i32
    %mul3A_0 = arith.muli %arg1, %mul3A : i32
    %add3A = arith.addi %mul3A_0, %arg0 : i32
    %mul3A_1 = arith.constant 632 : i32
    %mul3A_2 = arith.muli %arg1, %mul3A_1 : i32
    %mul3A_3 = arith.constant 632 : i32
    %mul3A_4 = arith.muli %arg1, %mul3A_3 : i32
    "tpu.region"() ({
      %run_scoped3A = tpu.sem_alloc : memref<!tpu.dma_semaphore, #tpu.memory_space<semaphore_mem>>
      %dma_start3A = arith.constant 0 : i32
      %dma_start3A_15 = tpu.memref_slice %arg7[%mul3A_4, %dma_start3A] : memref<10112x128xf32, #tpu.memory_space<vmem_shared>> -> memref<632x128xf32, #tpu.memory_space<vmem_shared>>
      %dma_start3A_16 = arith.constant 0 : i32
      %dma_start3A_17 = tpu.memref_slice %arg5[%mul3A_2, %dma_start3A_16] : memref<10112x128xf32, #tpu.memory_space<hbm>> -> memref<632x128xf32, #tpu.memory_space<hbm>>
      tpu.enqueue_dma source(%dma_start3A_17 : memref<632x128xf32, #tpu.memory_space<hbm>>) target(%dma_start3A_15 : memref<632x128xf32, #tpu.memory_space<vmem_shared>>) target_semaphore(%run_scoped3A : memref<!tpu.dma_semaphore, #tpu.memory_space<semaphore_mem>>)
      %dma_wait3A = arith.constant 0 : i32
      %dma_wait3A_18 = tpu.memref_slice %arg7[%mul3A_4, %dma_wait3A] : memref<10112x128xf32, #tpu.memory_space<vmem_shared>> -> memref<632x128xf32, #tpu.memory_space<vmem_shared>>
      %dma_wait3A_19 = arith.constant 0 : i32
      %dma_wait3A_20 = tpu.memref_slice %arg5[%mul3A_2, %dma_wait3A_19] : memref<10112x128xf32, #tpu.memory_space<hbm>> -> memref<632x128xf32, #tpu.memory_space<hbm>>
      tpu.wait_dma2 semaphore(%run_scoped3A : memref<!tpu.dma_semaphore, #tpu.memory_space<semaphore_mem>>) src(%dma_wait3A_20 : memref<632x128xf32, #tpu.memory_space<hbm>>) dst(%dma_wait3A_18 : memref<632x128xf32, #tpu.memory_space<vmem_shared>>)
      tpu.yield
    }) : () -> ()
    %barrier3A = arith.constant 0 : index
    tpu.barrier barrier_id(%barrier3A)
    %scan3A = arith.constant 0 : i32
    %scan3A_5 = arith.constant 0 : i32
    %scan3A_6 = arith.constant 13 : i32
    %scan3A_7 = arith.addi %scan3A_5, %scan3A_6 : i32
    %scan3A_8 = arith.constant 1 : i32
    scf.for %scan3A_15 = %scan3A_5 to %scan3A_7 step %scan3A_8  : i32 {
      "tpu.region"() ({
        %run_scoped3A = tpu.sem_alloc : memref<!tpu.dma_semaphore, #tpu.memory_space<semaphore_mem>>
        %dma_start3A = arith.constant 0 : i32
        %dma_start3A_22 = arith.constant 0 : i32
        %dma_start3A_23 = tpu.memref_slice %arg3[%add3A, %scan3A_15, %dma_start3A, %dma_start3A_22] : memref<32x13x8x128xi32, #tpu.memory_space<hbm>> -> memref<1x1x8x128xi32, #tpu.memory_space<hbm>>
        %dma_start3A_24 = tpu.memref_squeeze %dma_start3A_23 : memref<1x1x8x128xi32, #tpu.memory_space<hbm>> -> memref<8x128xi32, #tpu.memory_space<hbm>>
        %dma_start3A_25 = arith.constant 0 : i32
        %dma_start3A_26 = arith.constant 0 : i32
        %dma_start3A_27 = tpu.memref_slice %arg3[%add3A, %scan3A_15, %dma_start3A_25, %dma_start3A_26] : memref<32x13x8x128xi32, #tpu.memory_space<hbm>> -> memref<1x1x8x128xi32, #tpu.memory_space<hbm>>
        %dma_start3A_28 = tpu.memref_squeeze %dma_start3A_27 : memref<1x1x8x128xi32, #tpu.memory_space<hbm>> -> memref<8x128xi32, #tpu.memory_space<hbm>>
        tpu.enqueue_dma source(%dma_start3A_28 : memref<8x128xi32, #tpu.memory_space<hbm>>) target(%arg8 : memref<8x128xi32, #tpu.memory_space<vmem>>) target_semaphore(%run_scoped3A : memref<!tpu.dma_semaphore, #tpu.memory_space<semaphore_mem>>)
        %dma_wait3A = arith.constant 0 : i32
        %dma_wait3A_29 = arith.constant 0 : i32
        %dma_wait3A_30 = tpu.memref_slice %arg3[%add3A, %scan3A_15, %dma_wait3A, %dma_wait3A_29] : memref<32x13x8x128xi32, #tpu.memory_space<hbm>> -> memref<1x1x8x128xi32, #tpu.memory_space<hbm>>
        %dma_wait3A_31 = tpu.memref_squeeze %dma_wait3A_30 : memref<1x1x8x128xi32, #tpu.memory_space<hbm>> -> memref<8x128xi32, #tpu.memory_space<hbm>>
        %dma_wait3A_32 = arith.constant 0 : i32
        %dma_wait3A_33 = arith.constant 0 : i32
        %dma_wait3A_34 = tpu.memref_slice %arg3[%add3A, %scan3A_15, %dma_wait3A_32, %dma_wait3A_33] : memref<32x13x8x128xi32, #tpu.memory_space<hbm>> -> memref<1x1x8x128xi32, #tpu.memory_space<hbm>>
        %dma_wait3A_35 = tpu.memref_squeeze %dma_wait3A_34 : memref<1x1x8x128xi32, #tpu.memory_space<hbm>> -> memref<8x128xi32, #tpu.memory_space<hbm>>
        tpu.wait_dma2 semaphore(%run_scoped3A : memref<!tpu.dma_semaphore, #tpu.memory_space<semaphore_mem>>) src(%dma_wait3A_35 : memref<8x128xi32, #tpu.memory_space<hbm>>) dst(%arg8 : memref<8x128xi32, #tpu.memory_space<vmem>>)
        tpu.yield
      }) : () -> ()
      "tpu.region"() ({
        %run_scoped3A = tpu.sem_alloc : memref<!tpu.dma_semaphore, #tpu.memory_space<semaphore_mem>>
        %dma_start3A = arith.constant 0 : i32
        %dma_start3A_22 = arith.constant 0 : i32
        %dma_start3A_23 = tpu.memref_slice %arg4[%add3A, %scan3A_15, %dma_start3A, %dma_start3A_22] : memref<32x13x8x128xi32, #tpu.memory_space<hbm>> -> memref<1x1x8x128xi32, #tpu.memory_space<hbm>>
        %dma_start3A_24 = tpu.memref_squeeze %dma_start3A_23 : memref<1x1x8x128xi32, #tpu.memory_space<hbm>> -> memref<8x128xi32, #tpu.memory_space<hbm>>
        %dma_start3A_25 = arith.constant 0 : i32
        %dma_start3A_26 = arith.constant 0 : i32
        %dma_start3A_27 = tpu.memref_slice %arg4[%add3A, %scan3A_15, %dma_start3A_25, %dma_start3A_26] : memref<32x13x8x128xi32, #tpu.memory_space<hbm>> -> memref<1x1x8x128xi32, #tpu.memory_space<hbm>>
        %dma_start3A_28 = tpu.memref_squeeze %dma_start3A_27 : memref<1x1x8x128xi32, #tpu.memory_space<hbm>> -> memref<8x128xi32, #tpu.memory_space<hbm>>
        tpu.enqueue_dma source(%dma_start3A_28 : memref<8x128xi32, #tpu.memory_space<hbm>>) target(%arg9 : memref<8x128xi32, #tpu.memory_space<vmem>>) target_semaphore(%run_scoped3A : memref<!tpu.dma_semaphore, #tpu.memory_space<semaphore_mem>>)
        %dma_wait3A = arith.constant 0 : i32
        %dma_wait3A_29 = arith.constant 0 : i32
        %dma_wait3A_30 = tpu.memref_slice %arg4[%add3A, %scan3A_15, %dma_wait3A, %dma_wait3A_29] : memref<32x13x8x128xi32, #tpu.memory_space<hbm>> -> memref<1x1x8x128xi32, #tpu.memory_space<hbm>>
        %dma_wait3A_31 = tpu.memref_squeeze %dma_wait3A_30 : memref<1x1x8x128xi32, #tpu.memory_space<hbm>> -> memref<8x128xi32, #tpu.memory_space<hbm>>
        %dma_wait3A_32 = arith.constant 0 : i32
        %dma_wait3A_33 = arith.constant 0 : i32
        %dma_wait3A_34 = tpu.memref_slice %arg4[%add3A, %scan3A_15, %dma_wait3A_32, %dma_wait3A_33] : memref<32x13x8x128xi32, #tpu.memory_space<hbm>> -> memref<1x1x8x128xi32, #tpu.memory_space<hbm>>
        %dma_wait3A_35 = tpu.memref_squeeze %dma_wait3A_34 : memref<1x1x8x128xi32, #tpu.memory_space<hbm>> -> memref<8x128xi32, #tpu.memory_space<hbm>>
        tpu.wait_dma2 semaphore(%run_scoped3A : memref<!tpu.dma_semaphore, #tpu.memory_space<semaphore_mem>>) src(%dma_wait3A_35 : memref<8x128xi32, #tpu.memory_space<hbm>>) dst(%arg9 : memref<8x128xi32, #tpu.memory_space<vmem>>)
        tpu.yield
      }) : () -> ()
      %scan3A_16 = arith.constant 0 : i32
      %scan3A_17 = arith.constant 0 : i32
      %scan3A_18 = arith.constant 8 : i32
      %scan3A_19 = arith.addi %scan3A_17, %scan3A_18 : i32
      %scan3A_20 = arith.constant 1 : i32
      scf.for %scan3A_22 = %scan3A_17 to %scan3A_19 step %scan3A_20  : i32 {
        %dma_start3A = arith.constant 0 : i32
        %dma_start3A_23 = tpu.memref_slice %arg8[%scan3A_22, %dma_start3A] : memref<8x128xi32, #tpu.memory_space<vmem>> -> memref<1x128xi32, #tpu.memory_space<vmem>>
        %dma_start3A_24 = tpu.memref_squeeze %dma_start3A_23 : memref<1x128xi32, #tpu.memory_space<vmem>> -> memref<128xi32, #tpu.memory_space<vmem>>
        %dma_start3A_25 = arith.constant 0 : i32
        %dma_start3A_26 = arith.constant 0 : i32
        %dma_start3A_27 = tpu.memref_slice %arg2[%dma_start3A_25, %dma_start3A_26] : memref<10112x128xf32, #tpu.memory_space<hbm>> -> memref<10112x128xf32, #tpu.memory_space<hbm>>
        tpu.enqueue_indirect_dma source(%dma_start3A_27 : memref<10112x128xf32, #tpu.memory_space<hbm>>) target(%arg10 : memref<128x128xf32, #tpu.memory_space<vmem>>) offsets(%dma_start3A_24 : memref<128xi32, #tpu.memory_space<vmem>>) semaphore(%arg11 : memref<!tpu.dma_semaphore, #tpu.memory_space<semaphore_mem>>)
        %dma_wait3A = arith.constant 0 : i32
        %dma_wait3A_28 = tpu.memref_slice %arg8[%scan3A_22, %dma_wait3A] : memref<8x128xi32, #tpu.memory_space<vmem>> -> memref<1x128xi32, #tpu.memory_space<vmem>>
        %dma_wait3A_29 = tpu.memref_squeeze %dma_wait3A_28 : memref<1x128xi32, #tpu.memory_space<vmem>> -> memref<128xi32, #tpu.memory_space<vmem>>
        %dma_wait3A_30 = arith.constant 0 : i32
        %dma_wait3A_31 = arith.constant 0 : i32
        %dma_wait3A_32 = tpu.memref_slice %arg2[%dma_wait3A_30, %dma_wait3A_31] : memref<10112x128xf32, #tpu.memory_space<hbm>> -> memref<10112x128xf32, #tpu.memory_space<hbm>>
        tpu.wait_indirect_dma semaphore(%arg11 : memref<!tpu.dma_semaphore, #tpu.memory_space<semaphore_mem>>) src(%dma_wait3A_32 : memref<10112x128xf32, #tpu.memory_space<hbm>>) dst(%arg10 : memref<128x128xf32, #tpu.memory_space<vmem>>)
        "tpu.region"() ({
          %run_scoped3A = tpu.sem_alloc : memref<!tpu.dma_semaphore, #tpu.memory_space<semaphore_mem>>
          %dma_start3A_33 = arith.constant 0 : i32
          %dma_start3A_34 = tpu.memref_slice %arg9[%scan3A_22, %dma_start3A_33] : memref<8x128xi32, #tpu.memory_space<vmem>> -> memref<1x128xi32, #tpu.memory_space<vmem>>
          %dma_start3A_35 = tpu.memref_squeeze %dma_start3A_34 : memref<1x128xi32, #tpu.memory_space<vmem>> -> memref<128xi32, #tpu.memory_space<vmem>>
          %dma_start3A_36 = arith.constant 0 : i32
          %dma_start3A_37 = arith.constant 0 : i32
          %dma_start3A_38 = tpu.memref_slice %arg7[%dma_start3A_36, %dma_start3A_37] : memref<10112x128xf32, #tpu.memory_space<vmem_shared>> -> memref<10112x128xf32, #tpu.memory_space<vmem_shared>>
          tpu.enqueue_indirect_dma source(%arg10 : memref<128x128xf32, #tpu.memory_space<vmem>>) target(%dma_start3A_38 : memref<10112x128xf32, #tpu.memory_space<vmem_shared>>) offsets(%dma_start3A_35 : memref<128xi32, #tpu.memory_space<vmem>>) semaphore(%run_scoped3A : memref<!tpu.dma_semaphore, #tpu.memory_space<semaphore_mem>>) {add = true}
          %dma_wait3A_39 = arith.constant 0 : i32
          %dma_wait3A_40 = tpu.memref_slice %arg9[%scan3A_22, %dma_wait3A_39] : memref<8x128xi32, #tpu.memory_space<vmem>> -> memref<1x128xi32, #tpu.memory_space<vmem>>
          %dma_wait3A_41 = tpu.memref_squeeze %dma_wait3A_40 : memref<1x128xi32, #tpu.memory_space<vmem>> -> memref<128xi32, #tpu.memory_space<vmem>>
          %dma_wait3A_42 = arith.constant 0 : i32
          %dma_wait3A_43 = arith.constant 0 : i32
          %dma_wait3A_44 = tpu.memref_slice %arg7[%dma_wait3A_42, %dma_wait3A_43] : memref<10112x128xf32, #tpu.memory_space<vmem_shared>> -> memref<10112x128xf32, #tpu.memory_space<vmem_shared>>
          tpu.wait_indirect_dma semaphore(%run_scoped3A : memref<!tpu.dma_semaphore, #tpu.memory_space<semaphore_mem>>) src(%arg10 : memref<128x128xf32, #tpu.memory_space<vmem>>) dst(%dma_wait3A_44 : memref<10112x128xf32, #tpu.memory_space<vmem_shared>>)
          tpu.yield
        }) : () -> ()
      }
      %scan3A_21 = arith.constant 8 : i32
    }
    %scan3A_9 = arith.constant 13 : i32
    %barrier3A_10 = arith.constant 0 : index
    tpu.barrier barrier_id(%barrier3A_10)
    %mul3A_11 = arith.constant 632 : i32
    %mul3A_12 = arith.muli %arg1, %mul3A_11 : i32
    %mul3A_13 = arith.constant 632 : i32
    %mul3A_14 = arith.muli %arg1, %mul3A_13 : i32
    "tpu.region"() ({
      %run_scoped3A = tpu.sem_alloc : memref<!tpu.dma_semaphore, #tpu.memory_space<semaphore_mem>>
      %dma_start3A = arith.constant 0 : i32
      %dma_start3A_15 = arith.constant 0 : i32
      %dma_start3A_16 = tpu.memref_slice %arg6[%arg0, %dma_start3A, %dma_start3A_15] : memref<2x10112x128xf32, #tpu.memory_space<hbm>> -> memref<1x10112x128xf32, #tpu.memory_space<hbm>>
      %dma_start3A_17 = tpu.memref_squeeze %dma_start3A_16 : memref<1x10112x128xf32, #tpu.memory_space<hbm>> -> memref<10112x128xf32, #tpu.memory_space<hbm>>
      %dma_start3A_18 = arith.constant 0 : i32
      %dma_start3A_19 = tpu.memref_slice %dma_start3A_17[%mul3A_14, %dma_start3A_18] : memref<10112x128xf32, #tpu.memory_space<hbm>> -> memref<632x128xf32, #tpu.memory_space<hbm>>
      %dma_start3A_20 = arith.constant 0 : i32
      %dma_start3A_21 = tpu.memref_slice %arg7[%mul3A_12, %dma_start3A_20] : memref<10112x128xf32, #tpu.memory_space<vmem_shared>> -> memref<632x128xf32, #tpu.memory_space<vmem_shared>>
      tpu.enqueue_dma source(%dma_start3A_21 : memref<632x128xf32, #tpu.memory_space<vmem_shared>>) target(%dma_start3A_19 : memref<632x128xf32, #tpu.memory_space<hbm>>) target_semaphore(%run_scoped3A : memref<!tpu.dma_semaphore, #tpu.memory_space<semaphore_mem>>)
      %dma_wait3A = arith.constant 0 : i32
      %dma_wait3A_22 = arith.constant 0 : i32
      %dma_wait3A_23 = tpu.memref_slice %arg6[%arg0, %dma_wait3A, %dma_wait3A_22] : memref<2x10112x128xf32, #tpu.memory_space<hbm>> -> memref<1x10112x128xf32, #tpu.memory_space<hbm>>
      %dma_wait3A_24 = tpu.memref_squeeze %dma_wait3A_23 : memref<1x10112x128xf32, #tpu.memory_space<hbm>> -> memref<10112x128xf32, #tpu.memory_space<hbm>>
      %dma_wait3A_25 = arith.constant 0 : i32
      %dma_wait3A_26 = tpu.memref_slice %dma_wait3A_24[%mul3A_14, %dma_wait3A_25] : memref<10112x128xf32, #tpu.memory_space<hbm>> -> memref<632x128xf32, #tpu.memory_space<hbm>>
      %dma_wait3A_27 = arith.constant 0 : i32
      %dma_wait3A_28 = tpu.memref_slice %arg7[%mul3A_12, %dma_wait3A_27] : memref<10112x128xf32, #tpu.memory_space<vmem_shared>> -> memref<632x128xf32, #tpu.memory_space<vmem_shared>>
      tpu.wait_dma2 semaphore(%run_scoped3A : memref<!tpu.dma_semaphore, #tpu.memory_space<semaphore_mem>>) src(%dma_wait3A_28 : memref<632x128xf32, #tpu.memory_space<vmem_shared>>) dst(%dma_wait3A_26 : memref<632x128xf32, #tpu.memory_space<hbm>>)
      tpu.yield
    }) : () -> ()
    return
  }
}

#map = affine_map<(d0, d1) -> (0, 0)>
#map1 = affine_map<(d0, d1) -> (0, 0, 0, 0)>
#map2 = affine_map<(d0, d1) -> (0, 0, 0)>
module attributes {stable_mosaic.version = 14 : i64} {
  func.func @sc_kg_scatter(%arg0: i32, %arg1: i32, %arg2: memref<163840x128xf32, #tpu.memory_space<hbm>>, %arg3: memref<163840x128xf32, #tpu.memory_space<hbm>>, %arg4: memref<32x10x8x128xi32, #tpu.memory_space<hbm>>, %arg5: memref<10112x128xf32, #tpu.memory_space<hbm>>, %arg6: memref<2x10112x128xf32, #tpu.memory_space<hbm>>, %arg7: memref<10112x128xf32, #tpu.memory_space<vmem_shared>>, %arg8: memref<8x128xi32, #tpu.memory_space<vmem>>, %arg9: memref<128x128xf32, #tpu.memory_space<vmem>>, %arg10: memref<128x128xf32, #tpu.memory_space<vmem>>, %arg11: memref<!tpu.dma_semaphore, #tpu.memory_space<semaphore_mem>>, %arg12: memref<!tpu.dma_semaphore, #tpu.memory_space<semaphore_mem>>) attributes {dimension_semantics = [#tpu.dimension_semantics<core_parallel>, #tpu.dimension_semantics<subcore_parallel>], iteration_bounds = array<i64: 2, 16>, scalar_prefetch = 0 : i64, scratch_operands = 6 : i64, tpu.core_type = #tpu.core_type<sc_vector_subcore>, window_params = [{transform_indices = #map}, {transform_indices = #map}, {transform_indices = #map1}, {transform_indices = #map}, {transform_indices = #map2}]} {
    %mul3A = arith.constant 2 : i32
    %mul3A_0 = arith.muli %arg1, %mul3A : i32
    %add3A = arith.addi %mul3A_0, %arg0 : i32
    %mul3A_1 = arith.constant 632 : i32
    %mul3A_2 = arith.muli %arg1, %mul3A_1 : i32
    %mul3A_3 = arith.constant 632 : i32
    %mul3A_4 = arith.muli %arg1, %mul3A_3 : i32
    "tpu.region"() ({
      %run_scoped3A = tpu.sem_alloc : memref<!tpu.dma_semaphore, #tpu.memory_space<semaphore_mem>>
      %dma_start3A = arith.constant 0 : i32
      %dma_start3A_16 = tpu.memref_slice %arg7[%mul3A_4, %dma_start3A] : memref<10112x128xf32, #tpu.memory_space<vmem_shared>> -> memref<632x128xf32, #tpu.memory_space<vmem_shared>>
      %dma_start3A_17 = arith.constant 0 : i32
      %dma_start3A_18 = tpu.memref_slice %arg5[%mul3A_2, %dma_start3A_17] : memref<10112x128xf32, #tpu.memory_space<hbm>> -> memref<632x128xf32, #tpu.memory_space<hbm>>
      tpu.enqueue_dma source(%dma_start3A_18 : memref<632x128xf32, #tpu.memory_space<hbm>>) target(%dma_start3A_16 : memref<632x128xf32, #tpu.memory_space<vmem_shared>>) target_semaphore(%run_scoped3A : memref<!tpu.dma_semaphore, #tpu.memory_space<semaphore_mem>>)
      %dma_wait3A = arith.constant 0 : i32
      %dma_wait3A_19 = tpu.memref_slice %arg7[%mul3A_4, %dma_wait3A] : memref<10112x128xf32, #tpu.memory_space<vmem_shared>> -> memref<632x128xf32, #tpu.memory_space<vmem_shared>>
      %dma_wait3A_20 = arith.constant 0 : i32
      %dma_wait3A_21 = tpu.memref_slice %arg5[%mul3A_2, %dma_wait3A_20] : memref<10112x128xf32, #tpu.memory_space<hbm>> -> memref<632x128xf32, #tpu.memory_space<hbm>>
      tpu.wait_dma2 semaphore(%run_scoped3A : memref<!tpu.dma_semaphore, #tpu.memory_space<semaphore_mem>>) src(%dma_wait3A_21 : memref<632x128xf32, #tpu.memory_space<hbm>>) dst(%dma_wait3A_19 : memref<632x128xf32, #tpu.memory_space<vmem_shared>>)
      tpu.yield
    }) : () -> ()
    %barrier3A = arith.constant 0 : index
    tpu.barrier barrier_id(%barrier3A)
    %lt3A = arith.constant 16 : i32
    %lt3A_5 = arith.cmpi slt, %add3A, %lt3A : i32
    %convert_element_type3A = arith.extui %lt3A_5 : i1 to i32
    %cond3A = arith.constant 0 : i32
    %cond3A_6 = arith.cmpi ne, %convert_element_type3A, %cond3A : i32
    scf.if %cond3A_6 {
      %mul3A_16 = arith.constant 10240 : i32
      %mul3A_17 = arith.muli %add3A, %mul3A_16 : i32
      %scan3A = arith.constant 0 : i32
      %scan3A_18 = arith.constant 0 : i32
      %scan3A_19 = arith.constant 10 : i32
      %scan3A_20 = arith.addi %scan3A_18, %scan3A_19 : i32
      %scan3A_21 = arith.constant 1 : i32
      scf.for %scan3A_23 = %scan3A_18 to %scan3A_20 step %scan3A_21  : i32 {
        "tpu.region"() ({
          %run_scoped3A = tpu.sem_alloc : memref<!tpu.dma_semaphore, #tpu.memory_space<semaphore_mem>>
          %dma_start3A_36 = arith.constant 0 : i32
          %dma_start3A_37 = arith.constant 0 : i32
          %dma_start3A_38 = tpu.memref_slice %arg4[%add3A, %scan3A_23, %dma_start3A_36, %dma_start3A_37] : memref<32x10x8x128xi32, #tpu.memory_space<hbm>> -> memref<1x1x8x128xi32, #tpu.memory_space<hbm>>
          %dma_start3A_39 = tpu.memref_squeeze %dma_start3A_38 : memref<1x1x8x128xi32, #tpu.memory_space<hbm>> -> memref<8x128xi32, #tpu.memory_space<hbm>>
          %dma_start3A_40 = arith.constant 0 : i32
          %dma_start3A_41 = arith.constant 0 : i32
          %dma_start3A_42 = tpu.memref_slice %arg4[%add3A, %scan3A_23, %dma_start3A_40, %dma_start3A_41] : memref<32x10x8x128xi32, #tpu.memory_space<hbm>> -> memref<1x1x8x128xi32, #tpu.memory_space<hbm>>
          %dma_start3A_43 = tpu.memref_squeeze %dma_start3A_42 : memref<1x1x8x128xi32, #tpu.memory_space<hbm>> -> memref<8x128xi32, #tpu.memory_space<hbm>>
          tpu.enqueue_dma source(%dma_start3A_43 : memref<8x128xi32, #tpu.memory_space<hbm>>) target(%arg8 : memref<8x128xi32, #tpu.memory_space<vmem>>) target_semaphore(%run_scoped3A : memref<!tpu.dma_semaphore, #tpu.memory_space<semaphore_mem>>)
          %dma_wait3A = arith.constant 0 : i32
          %dma_wait3A_44 = arith.constant 0 : i32
          %dma_wait3A_45 = tpu.memref_slice %arg4[%add3A, %scan3A_23, %dma_wait3A, %dma_wait3A_44] : memref<32x10x8x128xi32, #tpu.memory_space<hbm>> -> memref<1x1x8x128xi32, #tpu.memory_space<hbm>>
          %dma_wait3A_46 = tpu.memref_squeeze %dma_wait3A_45 : memref<1x1x8x128xi32, #tpu.memory_space<hbm>> -> memref<8x128xi32, #tpu.memory_space<hbm>>
          %dma_wait3A_47 = arith.constant 0 : i32
          %dma_wait3A_48 = arith.constant 0 : i32
          %dma_wait3A_49 = tpu.memref_slice %arg4[%add3A, %scan3A_23, %dma_wait3A_47, %dma_wait3A_48] : memref<32x10x8x128xi32, #tpu.memory_space<hbm>> -> memref<1x1x8x128xi32, #tpu.memory_space<hbm>>
          %dma_wait3A_50 = tpu.memref_squeeze %dma_wait3A_49 : memref<1x1x8x128xi32, #tpu.memory_space<hbm>> -> memref<8x128xi32, #tpu.memory_space<hbm>>
          tpu.wait_dma2 semaphore(%run_scoped3A : memref<!tpu.dma_semaphore, #tpu.memory_space<semaphore_mem>>) src(%dma_wait3A_50 : memref<8x128xi32, #tpu.memory_space<hbm>>) dst(%arg8 : memref<8x128xi32, #tpu.memory_space<vmem>>)
          tpu.yield
        }) : () -> ()
        %mul3A_24 = arith.constant 1024 : i32
        %mul3A_25 = arith.muli %scan3A_23, %mul3A_24 : i32
        %add3A_26 = arith.addi %mul3A_17, %mul3A_25 : i32
        %dma_start3A = arith.constant 0 : i32
        %dma_start3A_27 = tpu.memref_slice %arg2[%add3A_26, %dma_start3A] : memref<163840x128xf32, #tpu.memory_space<hbm>> -> memref<128x128xf32, #tpu.memory_space<hbm>>
        %dma_start3A_28 = arith.constant 0 : i32
        %dma_start3A_29 = tpu.memref_slice %arg2[%add3A_26, %dma_start3A_28] : memref<163840x128xf32, #tpu.memory_space<hbm>> -> memref<128x128xf32, #tpu.memory_space<hbm>>
        tpu.enqueue_dma source(%dma_start3A_29 : memref<128x128xf32, #tpu.memory_space<hbm>>) target(%arg9 : memref<128x128xf32, #tpu.memory_space<vmem>>) target_semaphore(%arg11 : memref<!tpu.dma_semaphore, #tpu.memory_space<semaphore_mem>>)
        %scan3A_30 = arith.constant 0 : i32
        %scan3A_31 = arith.constant 0 : i32
        %scan3A_32 = arith.constant 4 : i32
        %scan3A_33 = arith.addi %scan3A_31, %scan3A_32 : i32
        %scan3A_34 = arith.constant 1 : i32
        scf.for %scan3A_36 = %scan3A_31 to %scan3A_33 step %scan3A_34  : i32 {
          %mul3A_37 = arith.constant 2 : i32
          %mul3A_38 = arith.muli %mul3A_37, %scan3A_36 : i32
          %add3A_39 = arith.constant 1 : i32
          %add3A_40 = arith.addi %mul3A_38, %add3A_39 : i32
          %mul3A_41 = arith.constant 128 : i32
          %mul3A_42 = arith.muli %add3A_40, %mul3A_41 : i32
          %add3A_43 = arith.addi %add3A_26, %mul3A_42 : i32
          %dma_start3A_44 = arith.constant 0 : i32
          %dma_start3A_45 = tpu.memref_slice %arg2[%add3A_43, %dma_start3A_44] : memref<163840x128xf32, #tpu.memory_space<hbm>> -> memref<128x128xf32, #tpu.memory_space<hbm>>
          %dma_start3A_46 = arith.constant 0 : i32
          %dma_start3A_47 = tpu.memref_slice %arg2[%add3A_43, %dma_start3A_46] : memref<163840x128xf32, #tpu.memory_space<hbm>> -> memref<128x128xf32, #tpu.memory_space<hbm>>
          tpu.enqueue_dma source(%dma_start3A_47 : memref<128x128xf32, #tpu.memory_space<hbm>>) target(%arg10 : memref<128x128xf32, #tpu.memory_space<vmem>>) target_semaphore(%arg12 : memref<!tpu.dma_semaphore, #tpu.memory_space<semaphore_mem>>)
          %mul3A_48 = arith.constant 128 : i32
          %mul3A_49 = arith.muli %mul3A_38, %mul3A_48 : i32
          %add3A_50 = arith.addi %add3A_26, %mul3A_49 : i32
          %dma_wait3A = arith.constant 0 : i32
          %dma_wait3A_51 = tpu.memref_slice %arg2[%add3A_50, %dma_wait3A] : memref<163840x128xf32, #tpu.memory_space<hbm>> -> memref<128x128xf32, #tpu.memory_space<hbm>>
          %dma_wait3A_52 = arith.constant 0 : i32
          %dma_wait3A_53 = tpu.memref_slice %arg2[%add3A_50, %dma_wait3A_52] : memref<163840x128xf32, #tpu.memory_space<hbm>> -> memref<128x128xf32, #tpu.memory_space<hbm>>
          tpu.wait_dma2 semaphore(%arg11 : memref<!tpu.dma_semaphore, #tpu.memory_space<semaphore_mem>>) src(%dma_wait3A_53 : memref<128x128xf32, #tpu.memory_space<hbm>>) dst(%arg9 : memref<128x128xf32, #tpu.memory_space<vmem>>)
          "tpu.region"() ({
            %run_scoped3A = tpu.sem_alloc : memref<!tpu.dma_semaphore, #tpu.memory_space<semaphore_mem>>
            %dma_start3A_66 = arith.constant 0 : i32
            %dma_start3A_67 = tpu.memref_slice %arg8[%mul3A_38, %dma_start3A_66] : memref<8x128xi32, #tpu.memory_space<vmem>> -> memref<1x128xi32, #tpu.memory_space<vmem>>
            %dma_start3A_68 = tpu.memref_squeeze %dma_start3A_67 : memref<1x128xi32, #tpu.memory_space<vmem>> -> memref<128xi32, #tpu.memory_space<vmem>>
            %dma_start3A_69 = arith.constant 0 : i32
            %dma_start3A_70 = arith.constant 0 : i32
            %dma_start3A_71 = tpu.memref_slice %arg7[%dma_start3A_69, %dma_start3A_70] : memref<10112x128xf32, #tpu.memory_space<vmem_shared>> -> memref<10112x128xf32, #tpu.memory_space<vmem_shared>>
            tpu.enqueue_indirect_dma source(%arg9 : memref<128x128xf32, #tpu.memory_space<vmem>>) target(%dma_start3A_71 : memref<10112x128xf32, #tpu.memory_space<vmem_shared>>) offsets(%dma_start3A_68 : memref<128xi32, #tpu.memory_space<vmem>>) semaphore(%run_scoped3A : memref<!tpu.dma_semaphore, #tpu.memory_space<semaphore_mem>>) {add = true}
            %dma_wait3A_72 = arith.constant 0 : i32
            %dma_wait3A_73 = tpu.memref_slice %arg8[%mul3A_38, %dma_wait3A_72] : memref<8x128xi32, #tpu.memory_space<vmem>> -> memref<1x128xi32, #tpu.memory_space<vmem>>
            %dma_wait3A_74 = tpu.memref_squeeze %dma_wait3A_73 : memref<1x128xi32, #tpu.memory_space<vmem>> -> memref<128xi32, #tpu.memory_space<vmem>>
            %dma_wait3A_75 = arith.constant 0 : i32
            %dma_wait3A_76 = arith.constant 0 : i32
            %dma_wait3A_77 = tpu.memref_slice %arg7[%dma_wait3A_75, %dma_wait3A_76] : memref<10112x128xf32, #tpu.memory_space<vmem_shared>> -> memref<10112x128xf32, #tpu.memory_space<vmem_shared>>
            tpu.wait_indirect_dma semaphore(%run_scoped3A : memref<!tpu.dma_semaphore, #tpu.memory_space<semaphore_mem>>) src(%arg9 : memref<128x128xf32, #tpu.memory_space<vmem>>) dst(%dma_wait3A_77 : memref<10112x128xf32, #tpu.memory_space<vmem_shared>>)
            tpu.yield
          }) : () -> ()
          %lt3A_54 = arith.constant 3 : i32
          %lt3A_55 = arith.cmpi slt, %scan3A_36, %lt3A_54 : i32
          %convert_element_type3A_56 = arith.extui %lt3A_55 : i1 to i32
          %cond3A_57 = arith.constant 0 : i32
          %cond3A_58 = arith.cmpi ne, %convert_element_type3A_56, %cond3A_57 : i32
          scf.if %cond3A_58 {
            %add3A_66 = arith.constant 2 : i32
            %add3A_67 = arith.addi %mul3A_38, %add3A_66 : i32
            %mul3A_68 = arith.constant 128 : i32
            %mul3A_69 = arith.muli %add3A_67, %mul3A_68 : i32
            %add3A_70 = arith.addi %add3A_26, %mul3A_69 : i32
            %dma_start3A_71 = arith.constant 0 : i32
            %dma_start3A_72 = tpu.memref_slice %arg2[%add3A_70, %dma_start3A_71] : memref<163840x128xf32, #tpu.memory_space<hbm>> -> memref<128x128xf32, #tpu.memory_space<hbm>>
            %dma_start3A_73 = arith.constant 0 : i32
            %dma_start3A_74 = tpu.memref_slice %arg2[%add3A_70, %dma_start3A_73] : memref<163840x128xf32, #tpu.memory_space<hbm>> -> memref<128x128xf32, #tpu.memory_space<hbm>>
            tpu.enqueue_dma source(%dma_start3A_74 : memref<128x128xf32, #tpu.memory_space<hbm>>) target(%arg9 : memref<128x128xf32, #tpu.memory_space<vmem>>) target_semaphore(%arg11 : memref<!tpu.dma_semaphore, #tpu.memory_space<semaphore_mem>>)
          } else {
          }
          %mul3A_59 = arith.constant 128 : i32
          %mul3A_60 = arith.muli %add3A_40, %mul3A_59 : i32
          %add3A_61 = arith.addi %add3A_26, %mul3A_60 : i32
          %dma_wait3A_62 = arith.constant 0 : i32
          %dma_wait3A_63 = tpu.memref_slice %arg2[%add3A_61, %dma_wait3A_62] : memref<163840x128xf32, #tpu.memory_space<hbm>> -> memref<128x128xf32, #tpu.memory_space<hbm>>
          %dma_wait3A_64 = arith.constant 0 : i32
          %dma_wait3A_65 = tpu.memref_slice %arg2[%add3A_61, %dma_wait3A_64] : memref<163840x128xf32, #tpu.memory_space<hbm>> -> memref<128x128xf32, #tpu.memory_space<hbm>>
          tpu.wait_dma2 semaphore(%arg12 : memref<!tpu.dma_semaphore, #tpu.memory_space<semaphore_mem>>) src(%dma_wait3A_65 : memref<128x128xf32, #tpu.memory_space<hbm>>) dst(%arg10 : memref<128x128xf32, #tpu.memory_space<vmem>>)
          "tpu.region"() ({
            %run_scoped3A = tpu.sem_alloc : memref<!tpu.dma_semaphore, #tpu.memory_space<semaphore_mem>>
            %dma_start3A_66 = arith.constant 0 : i32
            %dma_start3A_67 = tpu.memref_slice %arg8[%add3A_40, %dma_start3A_66] : memref<8x128xi32, #tpu.memory_space<vmem>> -> memref<1x128xi32, #tpu.memory_space<vmem>>
            %dma_start3A_68 = tpu.memref_squeeze %dma_start3A_67 : memref<1x128xi32, #tpu.memory_space<vmem>> -> memref<128xi32, #tpu.memory_space<vmem>>
            %dma_start3A_69 = arith.constant 0 : i32
            %dma_start3A_70 = arith.constant 0 : i32
            %dma_start3A_71 = tpu.memref_slice %arg7[%dma_start3A_69, %dma_start3A_70] : memref<10112x128xf32, #tpu.memory_space<vmem_shared>> -> memref<10112x128xf32, #tpu.memory_space<vmem_shared>>
            tpu.enqueue_indirect_dma source(%arg10 : memref<128x128xf32, #tpu.memory_space<vmem>>) target(%dma_start3A_71 : memref<10112x128xf32, #tpu.memory_space<vmem_shared>>) offsets(%dma_start3A_68 : memref<128xi32, #tpu.memory_space<vmem>>) semaphore(%run_scoped3A : memref<!tpu.dma_semaphore, #tpu.memory_space<semaphore_mem>>) {add = true}
            %dma_wait3A_72 = arith.constant 0 : i32
            %dma_wait3A_73 = tpu.memref_slice %arg8[%add3A_40, %dma_wait3A_72] : memref<8x128xi32, #tpu.memory_space<vmem>> -> memref<1x128xi32, #tpu.memory_space<vmem>>
            %dma_wait3A_74 = tpu.memref_squeeze %dma_wait3A_73 : memref<1x128xi32, #tpu.memory_space<vmem>> -> memref<128xi32, #tpu.memory_space<vmem>>
            %dma_wait3A_75 = arith.constant 0 : i32
            %dma_wait3A_76 = arith.constant 0 : i32
            %dma_wait3A_77 = tpu.memref_slice %arg7[%dma_wait3A_75, %dma_wait3A_76] : memref<10112x128xf32, #tpu.memory_space<vmem_shared>> -> memref<10112x128xf32, #tpu.memory_space<vmem_shared>>
            tpu.wait_indirect_dma semaphore(%run_scoped3A : memref<!tpu.dma_semaphore, #tpu.memory_space<semaphore_mem>>) src(%arg10 : memref<128x128xf32, #tpu.memory_space<vmem>>) dst(%dma_wait3A_77 : memref<10112x128xf32, #tpu.memory_space<vmem_shared>>)
            tpu.yield
          }) : () -> ()
        }
        %scan3A_35 = arith.constant 4 : i32
      }
      %scan3A_22 = arith.constant 10 : i32
    } else {
    }
    %ge3A = arith.constant 16 : i32
    %ge3A_7 = arith.cmpi sge, %add3A, %ge3A : i32
    %convert_element_type3A_8 = arith.extui %ge3A_7 : i1 to i32
    %cond3A_9 = arith.constant 0 : i32
    %cond3A_10 = arith.cmpi ne, %convert_element_type3A_8, %cond3A_9 : i32
    scf.if %cond3A_10 {
      %sub3A = arith.constant 16 : i32
      %sub3A_16 = arith.subi %add3A, %sub3A : i32
      %mul3A_17 = arith.constant 10240 : i32
      %mul3A_18 = arith.muli %sub3A_16, %mul3A_17 : i32
      %scan3A = arith.constant 0 : i32
      %scan3A_19 = arith.constant 0 : i32
      %scan3A_20 = arith.constant 10 : i32
      %scan3A_21 = arith.addi %scan3A_19, %scan3A_20 : i32
      %scan3A_22 = arith.constant 1 : i32
      scf.for %scan3A_24 = %scan3A_19 to %scan3A_21 step %scan3A_22  : i32 {
        "tpu.region"() ({
          %run_scoped3A = tpu.sem_alloc : memref<!tpu.dma_semaphore, #tpu.memory_space<semaphore_mem>>
          %dma_start3A_37 = arith.constant 0 : i32
          %dma_start3A_38 = arith.constant 0 : i32
          %dma_start3A_39 = tpu.memref_slice %arg4[%add3A, %scan3A_24, %dma_start3A_37, %dma_start3A_38] : memref<32x10x8x128xi32, #tpu.memory_space<hbm>> -> memref<1x1x8x128xi32, #tpu.memory_space<hbm>>
          %dma_start3A_40 = tpu.memref_squeeze %dma_start3A_39 : memref<1x1x8x128xi32, #tpu.memory_space<hbm>> -> memref<8x128xi32, #tpu.memory_space<hbm>>
          %dma_start3A_41 = arith.constant 0 : i32
          %dma_start3A_42 = arith.constant 0 : i32
          %dma_start3A_43 = tpu.memref_slice %arg4[%add3A, %scan3A_24, %dma_start3A_41, %dma_start3A_42] : memref<32x10x8x128xi32, #tpu.memory_space<hbm>> -> memref<1x1x8x128xi32, #tpu.memory_space<hbm>>
          %dma_start3A_44 = tpu.memref_squeeze %dma_start3A_43 : memref<1x1x8x128xi32, #tpu.memory_space<hbm>> -> memref<8x128xi32, #tpu.memory_space<hbm>>
          tpu.enqueue_dma source(%dma_start3A_44 : memref<8x128xi32, #tpu.memory_space<hbm>>) target(%arg8 : memref<8x128xi32, #tpu.memory_space<vmem>>) target_semaphore(%run_scoped3A : memref<!tpu.dma_semaphore, #tpu.memory_space<semaphore_mem>>)
          %dma_wait3A = arith.constant 0 : i32
          %dma_wait3A_45 = arith.constant 0 : i32
          %dma_wait3A_46 = tpu.memref_slice %arg4[%add3A, %scan3A_24, %dma_wait3A, %dma_wait3A_45] : memref<32x10x8x128xi32, #tpu.memory_space<hbm>> -> memref<1x1x8x128xi32, #tpu.memory_space<hbm>>
          %dma_wait3A_47 = tpu.memref_squeeze %dma_wait3A_46 : memref<1x1x8x128xi32, #tpu.memory_space<hbm>> -> memref<8x128xi32, #tpu.memory_space<hbm>>
          %dma_wait3A_48 = arith.constant 0 : i32
          %dma_wait3A_49 = arith.constant 0 : i32
          %dma_wait3A_50 = tpu.memref_slice %arg4[%add3A, %scan3A_24, %dma_wait3A_48, %dma_wait3A_49] : memref<32x10x8x128xi32, #tpu.memory_space<hbm>> -> memref<1x1x8x128xi32, #tpu.memory_space<hbm>>
          %dma_wait3A_51 = tpu.memref_squeeze %dma_wait3A_50 : memref<1x1x8x128xi32, #tpu.memory_space<hbm>> -> memref<8x128xi32, #tpu.memory_space<hbm>>
          tpu.wait_dma2 semaphore(%run_scoped3A : memref<!tpu.dma_semaphore, #tpu.memory_space<semaphore_mem>>) src(%dma_wait3A_51 : memref<8x128xi32, #tpu.memory_space<hbm>>) dst(%arg8 : memref<8x128xi32, #tpu.memory_space<vmem>>)
          tpu.yield
        }) : () -> ()
        %mul3A_25 = arith.constant 1024 : i32
        %mul3A_26 = arith.muli %scan3A_24, %mul3A_25 : i32
        %add3A_27 = arith.addi %mul3A_18, %mul3A_26 : i32
        %dma_start3A = arith.constant 0 : i32
        %dma_start3A_28 = tpu.memref_slice %arg3[%add3A_27, %dma_start3A] : memref<163840x128xf32, #tpu.memory_space<hbm>> -> memref<128x128xf32, #tpu.memory_space<hbm>>
        %dma_start3A_29 = arith.constant 0 : i32
        %dma_start3A_30 = tpu.memref_slice %arg3[%add3A_27, %dma_start3A_29] : memref<163840x128xf32, #tpu.memory_space<hbm>> -> memref<128x128xf32, #tpu.memory_space<hbm>>
        tpu.enqueue_dma source(%dma_start3A_30 : memref<128x128xf32, #tpu.memory_space<hbm>>) target(%arg9 : memref<128x128xf32, #tpu.memory_space<vmem>>) target_semaphore(%arg11 : memref<!tpu.dma_semaphore, #tpu.memory_space<semaphore_mem>>)
        %scan3A_31 = arith.constant 0 : i32
        %scan3A_32 = arith.constant 0 : i32
        %scan3A_33 = arith.constant 4 : i32
        %scan3A_34 = arith.addi %scan3A_32, %scan3A_33 : i32
        %scan3A_35 = arith.constant 1 : i32
        scf.for %scan3A_37 = %scan3A_32 to %scan3A_34 step %scan3A_35  : i32 {
          %mul3A_38 = arith.constant 2 : i32
          %mul3A_39 = arith.muli %mul3A_38, %scan3A_37 : i32
          %add3A_40 = arith.constant 1 : i32
          %add3A_41 = arith.addi %mul3A_39, %add3A_40 : i32
          %mul3A_42 = arith.constant 128 : i32
          %mul3A_43 = arith.muli %add3A_41, %mul3A_42 : i32
          %add3A_44 = arith.addi %add3A_27, %mul3A_43 : i32
          %dma_start3A_45 = arith.constant 0 : i32
          %dma_start3A_46 = tpu.memref_slice %arg3[%add3A_44, %dma_start3A_45] : memref<163840x128xf32, #tpu.memory_space<hbm>> -> memref<128x128xf32, #tpu.memory_space<hbm>>
          %dma_start3A_47 = arith.constant 0 : i32
          %dma_start3A_48 = tpu.memref_slice %arg3[%add3A_44, %dma_start3A_47] : memref<163840x128xf32, #tpu.memory_space<hbm>> -> memref<128x128xf32, #tpu.memory_space<hbm>>
          tpu.enqueue_dma source(%dma_start3A_48 : memref<128x128xf32, #tpu.memory_space<hbm>>) target(%arg10 : memref<128x128xf32, #tpu.memory_space<vmem>>) target_semaphore(%arg12 : memref<!tpu.dma_semaphore, #tpu.memory_space<semaphore_mem>>)
          %mul3A_49 = arith.constant 128 : i32
          %mul3A_50 = arith.muli %mul3A_39, %mul3A_49 : i32
          %add3A_51 = arith.addi %add3A_27, %mul3A_50 : i32
          %dma_wait3A = arith.constant 0 : i32
          %dma_wait3A_52 = tpu.memref_slice %arg3[%add3A_51, %dma_wait3A] : memref<163840x128xf32, #tpu.memory_space<hbm>> -> memref<128x128xf32, #tpu.memory_space<hbm>>
          %dma_wait3A_53 = arith.constant 0 : i32
          %dma_wait3A_54 = tpu.memref_slice %arg3[%add3A_51, %dma_wait3A_53] : memref<163840x128xf32, #tpu.memory_space<hbm>> -> memref<128x128xf32, #tpu.memory_space<hbm>>
          tpu.wait_dma2 semaphore(%arg11 : memref<!tpu.dma_semaphore, #tpu.memory_space<semaphore_mem>>) src(%dma_wait3A_54 : memref<128x128xf32, #tpu.memory_space<hbm>>) dst(%arg9 : memref<128x128xf32, #tpu.memory_space<vmem>>)
          "tpu.region"() ({
            %run_scoped3A = tpu.sem_alloc : memref<!tpu.dma_semaphore, #tpu.memory_space<semaphore_mem>>
            %dma_start3A_67 = arith.constant 0 : i32
            %dma_start3A_68 = tpu.memref_slice %arg8[%mul3A_39, %dma_start3A_67] : memref<8x128xi32, #tpu.memory_space<vmem>> -> memref<1x128xi32, #tpu.memory_space<vmem>>
            %dma_start3A_69 = tpu.memref_squeeze %dma_start3A_68 : memref<1x128xi32, #tpu.memory_space<vmem>> -> memref<128xi32, #tpu.memory_space<vmem>>
            %dma_start3A_70 = arith.constant 0 : i32
            %dma_start3A_71 = arith.constant 0 : i32
            %dma_start3A_72 = tpu.memref_slice %arg7[%dma_start3A_70, %dma_start3A_71] : memref<10112x128xf32, #tpu.memory_space<vmem_shared>> -> memref<10112x128xf32, #tpu.memory_space<vmem_shared>>
            tpu.enqueue_indirect_dma source(%arg9 : memref<128x128xf32, #tpu.memory_space<vmem>>) target(%dma_start3A_72 : memref<10112x128xf32, #tpu.memory_space<vmem_shared>>) offsets(%dma_start3A_69 : memref<128xi32, #tpu.memory_space<vmem>>) semaphore(%run_scoped3A : memref<!tpu.dma_semaphore, #tpu.memory_space<semaphore_mem>>) {add = true}
            %dma_wait3A_73 = arith.constant 0 : i32
            %dma_wait3A_74 = tpu.memref_slice %arg8[%mul3A_39, %dma_wait3A_73] : memref<8x128xi32, #tpu.memory_space<vmem>> -> memref<1x128xi32, #tpu.memory_space<vmem>>
            %dma_wait3A_75 = tpu.memref_squeeze %dma_wait3A_74 : memref<1x128xi32, #tpu.memory_space<vmem>> -> memref<128xi32, #tpu.memory_space<vmem>>
            %dma_wait3A_76 = arith.constant 0 : i32
            %dma_wait3A_77 = arith.constant 0 : i32
            %dma_wait3A_78 = tpu.memref_slice %arg7[%dma_wait3A_76, %dma_wait3A_77] : memref<10112x128xf32, #tpu.memory_space<vmem_shared>> -> memref<10112x128xf32, #tpu.memory_space<vmem_shared>>
            tpu.wait_indirect_dma semaphore(%run_scoped3A : memref<!tpu.dma_semaphore, #tpu.memory_space<semaphore_mem>>) src(%arg9 : memref<128x128xf32, #tpu.memory_space<vmem>>) dst(%dma_wait3A_78 : memref<10112x128xf32, #tpu.memory_space<vmem_shared>>)
            tpu.yield
          }) : () -> ()
          %lt3A_55 = arith.constant 3 : i32
          %lt3A_56 = arith.cmpi slt, %scan3A_37, %lt3A_55 : i32
          %convert_element_type3A_57 = arith.extui %lt3A_56 : i1 to i32
          %cond3A_58 = arith.constant 0 : i32
          %cond3A_59 = arith.cmpi ne, %convert_element_type3A_57, %cond3A_58 : i32
          scf.if %cond3A_59 {
            %add3A_67 = arith.constant 2 : i32
            %add3A_68 = arith.addi %mul3A_39, %add3A_67 : i32
            %mul3A_69 = arith.constant 128 : i32
            %mul3A_70 = arith.muli %add3A_68, %mul3A_69 : i32
            %add3A_71 = arith.addi %add3A_27, %mul3A_70 : i32
            %dma_start3A_72 = arith.constant 0 : i32
            %dma_start3A_73 = tpu.memref_slice %arg3[%add3A_71, %dma_start3A_72] : memref<163840x128xf32, #tpu.memory_space<hbm>> -> memref<128x128xf32, #tpu.memory_space<hbm>>
            %dma_start3A_74 = arith.constant 0 : i32
            %dma_start3A_75 = tpu.memref_slice %arg3[%add3A_71, %dma_start3A_74] : memref<163840x128xf32, #tpu.memory_space<hbm>> -> memref<128x128xf32, #tpu.memory_space<hbm>>
            tpu.enqueue_dma source(%dma_start3A_75 : memref<128x128xf32, #tpu.memory_space<hbm>>) target(%arg9 : memref<128x128xf32, #tpu.memory_space<vmem>>) target_semaphore(%arg11 : memref<!tpu.dma_semaphore, #tpu.memory_space<semaphore_mem>>)
          } else {
          }
          %mul3A_60 = arith.constant 128 : i32
          %mul3A_61 = arith.muli %add3A_41, %mul3A_60 : i32
          %add3A_62 = arith.addi %add3A_27, %mul3A_61 : i32
          %dma_wait3A_63 = arith.constant 0 : i32
          %dma_wait3A_64 = tpu.memref_slice %arg3[%add3A_62, %dma_wait3A_63] : memref<163840x128xf32, #tpu.memory_space<hbm>> -> memref<128x128xf32, #tpu.memory_space<hbm>>
          %dma_wait3A_65 = arith.constant 0 : i32
          %dma_wait3A_66 = tpu.memref_slice %arg3[%add3A_62, %dma_wait3A_65] : memref<163840x128xf32, #tpu.memory_space<hbm>> -> memref<128x128xf32, #tpu.memory_space<hbm>>
          tpu.wait_dma2 semaphore(%arg12 : memref<!tpu.dma_semaphore, #tpu.memory_space<semaphore_mem>>) src(%dma_wait3A_66 : memref<128x128xf32, #tpu.memory_space<hbm>>) dst(%arg10 : memref<128x128xf32, #tpu.memory_space<vmem>>)
          "tpu.region"() ({
            %run_scoped3A = tpu.sem_alloc : memref<!tpu.dma_semaphore, #tpu.memory_space<semaphore_mem>>
            %dma_start3A_67 = arith.constant 0 : i32
            %dma_start3A_68 = tpu.memref_slice %arg8[%add3A_41, %dma_start3A_67] : memref<8x128xi32, #tpu.memory_space<vmem>> -> memref<1x128xi32, #tpu.memory_space<vmem>>
            %dma_start3A_69 = tpu.memref_squeeze %dma_start3A_68 : memref<1x128xi32, #tpu.memory_space<vmem>> -> memref<128xi32, #tpu.memory_space<vmem>>
            %dma_start3A_70 = arith.constant 0 : i32
            %dma_start3A_71 = arith.constant 0 : i32
            %dma_start3A_72 = tpu.memref_slice %arg7[%dma_start3A_70, %dma_start3A_71] : memref<10112x128xf32, #tpu.memory_space<vmem_shared>> -> memref<10112x128xf32, #tpu.memory_space<vmem_shared>>
            tpu.enqueue_indirect_dma source(%arg10 : memref<128x128xf32, #tpu.memory_space<vmem>>) target(%dma_start3A_72 : memref<10112x128xf32, #tpu.memory_space<vmem_shared>>) offsets(%dma_start3A_69 : memref<128xi32, #tpu.memory_space<vmem>>) semaphore(%run_scoped3A : memref<!tpu.dma_semaphore, #tpu.memory_space<semaphore_mem>>) {add = true}
            %dma_wait3A_73 = arith.constant 0 : i32
            %dma_wait3A_74 = tpu.memref_slice %arg8[%add3A_41, %dma_wait3A_73] : memref<8x128xi32, #tpu.memory_space<vmem>> -> memref<1x128xi32, #tpu.memory_space<vmem>>
            %dma_wait3A_75 = tpu.memref_squeeze %dma_wait3A_74 : memref<1x128xi32, #tpu.memory_space<vmem>> -> memref<128xi32, #tpu.memory_space<vmem>>
            %dma_wait3A_76 = arith.constant 0 : i32
            %dma_wait3A_77 = arith.constant 0 : i32
            %dma_wait3A_78 = tpu.memref_slice %arg7[%dma_wait3A_76, %dma_wait3A_77] : memref<10112x128xf32, #tpu.memory_space<vmem_shared>> -> memref<10112x128xf32, #tpu.memory_space<vmem_shared>>
            tpu.wait_indirect_dma semaphore(%run_scoped3A : memref<!tpu.dma_semaphore, #tpu.memory_space<semaphore_mem>>) src(%arg10 : memref<128x128xf32, #tpu.memory_space<vmem>>) dst(%dma_wait3A_78 : memref<10112x128xf32, #tpu.memory_space<vmem_shared>>)
            tpu.yield
          }) : () -> ()
        }
        %scan3A_36 = arith.constant 4 : i32
      }
      %scan3A_23 = arith.constant 10 : i32
    } else {
    }
    %barrier3A_11 = arith.constant 0 : index
    tpu.barrier barrier_id(%barrier3A_11)
    %mul3A_12 = arith.constant 632 : i32
    %mul3A_13 = arith.muli %arg1, %mul3A_12 : i32
    %mul3A_14 = arith.constant 632 : i32
    %mul3A_15 = arith.muli %arg1, %mul3A_14 : i32
    "tpu.region"() ({
      %run_scoped3A = tpu.sem_alloc : memref<!tpu.dma_semaphore, #tpu.memory_space<semaphore_mem>>
      %dma_start3A = arith.constant 0 : i32
      %dma_start3A_16 = arith.constant 0 : i32
      %dma_start3A_17 = tpu.memref_slice %arg6[%arg0, %dma_start3A, %dma_start3A_16] : memref<2x10112x128xf32, #tpu.memory_space<hbm>> -> memref<1x10112x128xf32, #tpu.memory_space<hbm>>
      %dma_start3A_18 = tpu.memref_squeeze %dma_start3A_17 : memref<1x10112x128xf32, #tpu.memory_space<hbm>> -> memref<10112x128xf32, #tpu.memory_space<hbm>>
      %dma_start3A_19 = arith.constant 0 : i32
      %dma_start3A_20 = tpu.memref_slice %dma_start3A_18[%mul3A_15, %dma_start3A_19] : memref<10112x128xf32, #tpu.memory_space<hbm>> -> memref<632x128xf32, #tpu.memory_space<hbm>>
      %dma_start3A_21 = arith.constant 0 : i32
      %dma_start3A_22 = tpu.memref_slice %arg7[%mul3A_13, %dma_start3A_21] : memref<10112x128xf32, #tpu.memory_space<vmem_shared>> -> memref<632x128xf32, #tpu.memory_space<vmem_shared>>
      tpu.enqueue_dma source(%dma_start3A_22 : memref<632x128xf32, #tpu.memory_space<vmem_shared>>) target(%dma_start3A_20 : memref<632x128xf32, #tpu.memory_space<hbm>>) target_semaphore(%run_scoped3A : memref<!tpu.dma_semaphore, #tpu.memory_space<semaphore_mem>>)
      %dma_wait3A = arith.constant 0 : i32
      %dma_wait3A_23 = arith.constant 0 : i32
      %dma_wait3A_24 = tpu.memref_slice %arg6[%arg0, %dma_wait3A, %dma_wait3A_23] : memref<2x10112x128xf32, #tpu.memory_space<hbm>> -> memref<1x10112x128xf32, #tpu.memory_space<hbm>>
      %dma_wait3A_25 = tpu.memref_squeeze %dma_wait3A_24 : memref<1x10112x128xf32, #tpu.memory_space<hbm>> -> memref<10112x128xf32, #tpu.memory_space<hbm>>
      %dma_wait3A_26 = arith.constant 0 : i32
      %dma_wait3A_27 = tpu.memref_slice %dma_wait3A_25[%mul3A_15, %dma_wait3A_26] : memref<10112x128xf32, #tpu.memory_space<hbm>> -> memref<632x128xf32, #tpu.memory_space<hbm>>
      %dma_wait3A_28 = arith.constant 0 : i32
      %dma_wait3A_29 = tpu.memref_slice %arg7[%mul3A_13, %dma_wait3A_28] : memref<10112x128xf32, #tpu.memory_space<vmem_shared>> -> memref<632x128xf32, #tpu.memory_space<vmem_shared>>
      tpu.wait_dma2 semaphore(%run_scoped3A : memref<!tpu.dma_semaphore, #tpu.memory_space<semaphore_mem>>) src(%dma_wait3A_29 : memref<632x128xf32, #tpu.memory_space<vmem_shared>>) dst(%dma_wait3A_27 : memref<632x128xf32, #tpu.memory_space<hbm>>)
      tpu.yield
    }) : () -> ()
    return
  }
}

module attributes {stable_mosaic.version = 14 : i64} {
  func.func @_fuse_body(%arg0: i32, %arg1: memref<1000x128xf32, #tpu.memory_space<vmem>>, %arg2: memref<1000x128xf32, #tpu.memory_space<vmem>>, %arg3: memref<128x128xf32, #tpu.memory_space<vmem>>, %arg4: memref<128x128xf32, #tpu.memory_space<vmem>>, %arg5: memref<1000x128xf32, #tpu.memory_space<vmem>>) attributes {dimension_semantics = [#tpu.dimension_semantics<arbitrary>], iteration_bounds = array<i64: 6>, scalar_prefetch = 0 : i64, scratch_operands = 0 : i64, tpu.core_type = #tpu.core_type<tc>, window_params = [{transform_indices = @transform_0, window_bounds = array<i64: 1000, 128>}, {transform_indices = @transform_1, window_bounds = array<i64: 1000, 128>}, {pipeline_mode = #tpu.pipeline_mode<synchronous>, transform_indices = @transform_2, window_bounds = array<i64: 128, 128>}, {pipeline_mode = #tpu.pipeline_mode<synchronous>, transform_indices = @transform_3, window_bounds = array<i64: 128, 128>}, {transform_indices = @transform_4, window_bounds = array<i64: 1000, 128>}]} {
    %get3A = arith.constant 0 : index
    %get3A_0 = arith.constant 0 : index
    %get3A_1 = vector.load %arg1[%get3A, %get3A_0] : memref<1000x128xf32, #tpu.memory_space<vmem>>, vector<1000x128xf32>
    %get3A_2 = arith.constant 0 : index
    %get3A_3 = arith.constant 0 : index
    %get3A_4 = vector.load %arg2[%get3A_2, %get3A_3] : memref<1000x128xf32, #tpu.memory_space<vmem>>, vector<1000x128xf32>
    %get3A_5 = arith.constant 0 : index
    %get3A_6 = arith.constant 0 : index
    %get3A_7 = vector.load %arg3[%get3A_5, %get3A_6] : memref<128x128xf32, #tpu.memory_space<vmem>>, vector<128x128xf32>
    %dot_general3A = arith.constant dense<0.000000e+00> : vector<1000x128xf32>
    %dot_general3A_8 = tpu.matmul %get3A_1, %get3A_7, %dot_general3A {dimension_numbers = #tpu.dot_dimension_numbers<[1], [0], [0], [1], [0, 0, 1, 1], [], []>, transpose_lhs_hint = false} : vector<1000x128xf32>, vector<128x128xf32>, vector<1000x128xf32> -> vector<1000x128xf32>
    %get3A_9 = arith.constant 0 : index
    %get3A_10 = arith.constant 0 : index
    %get3A_11 = vector.load %arg4[%get3A_9, %get3A_10] : memref<128x128xf32, #tpu.memory_space<vmem>>, vector<128x128xf32>
    %dot_general3A_12 = arith.constant dense<0.000000e+00> : vector<1000x128xf32>
    %dot_general3A_13 = tpu.matmul %get3A_4, %get3A_11, %dot_general3A_12 {dimension_numbers = #tpu.dot_dimension_numbers<[1], [0], [0], [1], [0, 0, 1, 1], [], []>, transpose_lhs_hint = false} : vector<1000x128xf32>, vector<128x128xf32>, vector<1000x128xf32> -> vector<1000x128xf32>
    %add3A = arith.addf %dot_general3A_8, %dot_general3A_13 : vector<1000x128xf32>
    %logistic3A = arith.negf %add3A : vector<1000x128xf32>
    %logistic3A_14 = math.exp %logistic3A : vector<1000x128xf32>
    %logistic3A_15 = arith.constant 1.000000e+00 : f32
    %logistic3A_16 = vector.broadcast %logistic3A_15 : f32 to vector<1000x128xf32>
    %logistic3A_17 = arith.addf %logistic3A_16, %logistic3A_14 : vector<1000x128xf32>
    %logistic3A_18 = arith.divf %logistic3A_16, %logistic3A_17 : vector<1000x128xf32>
    %mul3A = arith.mulf %logistic3A_18, %get3A_1 : vector<1000x128xf32>
    %sub3A = arith.constant 1.000000e+00 : f32
    %sub3A_19 = vector.broadcast %sub3A : f32 to vector<1000x128xf32>
    %sub3A_20 = arith.subf %sub3A_19, %logistic3A_18 : vector<1000x128xf32>
    %mul3A_21 = arith.mulf %sub3A_20, %get3A_4 : vector<1000x128xf32>
    %add3A_22 = arith.addf %mul3A, %mul3A_21 : vector<1000x128xf32>
    %swap3A = arith.constant 0 : index
    %swap3A_23 = arith.constant 0 : index
    %swap3A_24 = vector.load %arg5[%swap3A, %swap3A_23] : memref<1000x128xf32, #tpu.memory_space<vmem>>, vector<1000x128xf32>
    tpu.vector_store %arg5[%swap3A, %swap3A_23], %add3A_22 {strides = array<i32>} : memref<1000x128xf32, #tpu.memory_space<vmem>>, vector<1000x128xf32>,
    return
  }
  func.func @transform_0(%arg0: i32) -> (i32, i32) {
    %c0_i32 = arith.constant 0 : i32
    %c0_i32_0 = arith.constant 0 : i32
    return %arg0, %c0_i32 : i32, i32
  }
  func.func @transform_1(%arg0: i32) -> (i32, i32) {
    %c0_i32 = arith.constant 0 : i32
    %c0_i32_0 = arith.constant 0 : i32
    return %arg0, %c0_i32 : i32, i32
  }
  func.func @transform_2(%arg0: i32) -> (i32, i32) {
    %c0_i32 = arith.constant 0 : i32
    %c0_i32_0 = arith.constant 0 : i32
    %c0_i32_1 = arith.constant 0 : i32
    return %c0_i32, %c0_i32_0 : i32, i32
  }
  func.func @transform_3(%arg0: i32) -> (i32, i32) {
    %c0_i32 = arith.constant 0 : i32
    %c0_i32_0 = arith.constant 0 : i32
    %c0_i32_1 = arith.constant 0 : i32
    return %c0_i32, %c0_i32_0 : i32, i32
  }
  func.func @transform_4(%arg0: i32) -> (i32, i32) {
    %c0_i32 = arith.constant 0 : i32
    %c0_i32_0 = arith.constant 0 : i32
    return %arg0, %c0_i32 : i32, i32
  }
}

module attributes {stable_mosaic.version = 14 : i64} {
  func.func @_edge_body(%arg0: i32, %arg1: memref<8x2x128x128xf32, #tpu.memory_space<vmem>>, %arg2: memref<1024x1xi32, #tpu.memory_space<vmem>>, %arg3: memref<16x128xf32, #tpu.memory_space<vmem>>, %arg4: memref<16x1xf32, #tpu.memory_space<vmem>>, %arg5: memref<1024x128xf32, #tpu.memory_space<vmem>>) attributes {dimension_semantics = [#tpu.dimension_semantics<arbitrary>], iteration_bounds = array<i64: 160>, scalar_prefetch = 0 : i64, scratch_operands = 0 : i64, tpu.core_type = #tpu.core_type<tc>, window_params = [{transform_indices = @transform_0, window_bounds = array<i64: 8, 2, 128, 128>}, {transform_indices = @transform_1, window_bounds = array<i64: 1024, 1>}, {pipeline_mode = #tpu.pipeline_mode<synchronous>, transform_indices = @transform_2, window_bounds = array<i64: 16, 128>}, {pipeline_mode = #tpu.pipeline_mode<synchronous>, transform_indices = @transform_3, window_bounds = array<i64: 16, 1>}, {transform_indices = @transform_4, window_bounds = array<i64: 1024, 128>}]} {
    %get3A = arith.constant 0 : index
    %get3A_0 = arith.constant 0 : index
    %get3A_1 = arith.constant 0 : index
    %get3A_2 = arith.constant 0 : index
    %get3A_3 = vector.load %arg1[%get3A, %get3A_0, %get3A_1, %get3A_2] : memref<8x2x128x128xf32, #tpu.memory_space<vmem>>, vector<8x1x128x128xf32>
    %get3A_4 = vector.shape_cast %get3A_3 : vector<8x1x128x128xf32> to vector<8x128x128xf32>
    %reshape3A = vector.shape_cast %get3A_4 : vector<8x128x128xf32> to vector<1024x128xf32>
    %get3A_5 = arith.constant 0 : index
    %get3A_6 = arith.constant 1 : index
    %get3A_7 = arith.constant 0 : index
    %get3A_8 = arith.constant 0 : index
    %get3A_9 = vector.load %arg1[%get3A_5, %get3A_6, %get3A_7, %get3A_8] : memref<8x2x128x128xf32, #tpu.memory_space<vmem>>, vector<8x1x128x128xf32>
    %get3A_10 = vector.shape_cast %get3A_9 : vector<8x1x128x128xf32> to vector<8x128x128xf32>
    %reshape3A_11 = vector.shape_cast %get3A_10 : vector<8x128x128xf32> to vector<1024x128xf32>
    %get3A_12 = arith.constant 0 : index
    %get3A_13 = arith.constant 0 : index
    %get3A_14 = vector.load %arg2[%get3A_12, %get3A_13] : memref<1024x1xi32, #tpu.memory_space<vmem>>, vector<1024x1xi32>
    %add3A = arith.constant 2 : i32
    %add3A_15 = vector.broadcast %add3A : i32 to vector<1024x1xi32>
    %add3A_16 = arith.addi %get3A_14, %add3A_15 : vector<1024x1xi32>
    %iota3A = tpu.iota {dimensions = array<i32: 1>} : vector<1024x16xi32>
    %eq3A = vector.broadcast %add3A_16 : vector<1024x1xi32> to vector<1024x16xi32>
    %eq3A_17 = arith.cmpi eq, %eq3A, %iota3A : vector<1024x16xi32>
    %jit3A = arith.constant 1.000000e+00 : f32
    %jit3A_18 = arith.constant 0.000000e+00 : f32
    %broadcast_in_dim3A = vector.broadcast %jit3A : f32 to vector<1024x16xf32>
    %broadcast_in_dim3A_19 = vector.broadcast %jit3A_18 : f32 to vector<1024x16xf32>
    %select_n3A = arith.select %eq3A_17, %broadcast_in_dim3A, %broadcast_in_dim3A_19 : vector<1024x16xi1>, vector<1024x16xf32>
    %get3A_20 = arith.constant 0 : index
    %get3A_21 = arith.constant 0 : index
    %get3A_22 = vector.load %arg3[%get3A_20, %get3A_21] : memref<16x128xf32, #tpu.memory_space<vmem>>, vector<16x128xf32>
    %dot_general3A = arith.constant dense<0.000000e+00> : vector<1024x128xf32>
    %dot_general3A_23 = tpu.matmul %select_n3A, %get3A_22, %dot_general3A {dimension_numbers = #tpu.dot_dimension_numbers<[1], [0], [0], [1], [0, 0, 1, 1], [], []>, transpose_lhs_hint = false} : vector<1024x16xf32>, vector<16x128xf32>, vector<1024x128xf32> -> vector<1024x128xf32>
    %get3A_24 = arith.constant 0 : index
    %get3A_25 = arith.constant 0 : index
    %get3A_26 = vector.load %arg4[%get3A_24, %get3A_25] : memref<16x1xf32, #tpu.memory_space<vmem>>, vector<16x1xf32>
    %dot_general3A_27 = arith.constant dense<0.000000e+00> : vector<1024x1xf32>
    %dot_general3A_28 = tpu.matmul %select_n3A, %get3A_26, %dot_general3A_27 {dimension_numbers = #tpu.dot_dimension_numbers<[1], [0], [0], [1], [0, 0, 1, 1], [], []>, transpose_lhs_hint = false} : vector<1024x16xf32>, vector<16x1xf32>, vector<1024x1xf32> -> vector<1024x1xf32>
    %mul3A = arith.mulf %reshape3A, %reshape3A : vector<1024x128xf32>
    %reduce_sum3A = arith.constant dense<0.000000e+00> : vector<1024xf32>
    %reduce_sum3A_29 = vector.multi_reduction <add>, %mul3A, %reduce_sum3A [1] : vector<1024x128xf32> to vector<1024xf32>
    %broadcast_in_dim3A_30 = vector.shape_cast %reduce_sum3A_29 : vector<1024xf32> to vector<1024x1xf32>
    %mul3A_31 = arith.mulf %reshape3A_11, %reshape3A_11 : vector<1024x128xf32>
    %reduce_sum3A_32 = arith.constant dense<0.000000e+00> : vector<1024xf32>
    %reduce_sum3A_33 = vector.multi_reduction <add>, %mul3A_31, %reduce_sum3A_32 [1] : vector<1024x128xf32> to vector<1024xf32>
    %broadcast_in_dim3A_34 = vector.shape_cast %reduce_sum3A_33 : vector<1024xf32> to vector<1024x1xf32>
    %mul3A_35 = arith.mulf %reshape3A, %reshape3A_11 : vector<1024x128xf32>
    %reduce_sum3A_36 = arith.constant dense<0.000000e+00> : vector<1024xf32>
    %reduce_sum3A_37 = vector.multi_reduction <add>, %mul3A_35, %reduce_sum3A_36 [1] : vector<1024x128xf32> to vector<1024xf32>
    %broadcast_in_dim3A_38 = vector.shape_cast %reduce_sum3A_37 : vector<1024xf32> to vector<1024x1xf32>
    %mul3A_39 = arith.mulf %reshape3A, %dot_general3A_23 : vector<1024x128xf32>
    %reduce_sum3A_40 = arith.constant dense<0.000000e+00> : vector<1024xf32>
    %reduce_sum3A_41 = vector.multi_reduction <add>, %mul3A_39, %reduce_sum3A_40 [1] : vector<1024x128xf32> to vector<1024xf32>
    %broadcast_in_dim3A_42 = vector.shape_cast %reduce_sum3A_41 : vector<1024xf32> to vector<1024x1xf32>
    %mul3A_43 = arith.mulf %reshape3A_11, %dot_general3A_23 : vector<1024x128xf32>
    %reduce_sum3A_44 = arith.constant dense<0.000000e+00> : vector<1024xf32>
    %reduce_sum3A_45 = vector.multi_reduction <add>, %mul3A_43, %reduce_sum3A_44 [1] : vector<1024x128xf32> to vector<1024xf32>
    %broadcast_in_dim3A_46 = vector.shape_cast %reduce_sum3A_45 : vector<1024xf32> to vector<1024x1xf32>
    %concatenate3A = tpu.concatenate %broadcast_in_dim3A_30, %broadcast_in_dim3A_34, %dot_general3A_28, %broadcast_in_dim3A_38, %broadcast_in_dim3A_42, %broadcast_in_dim3A_46, %broadcast_in_dim3A_30, %broadcast_in_dim3A_30 in 1 : vector<1024x1xf32>, vector<1024x1xf32>, vector<1024x1xf32>, vector<1024x1xf32>, vector<1024x1xf32>, vector<1024x1xf32>, vector<1024x1xf32>, vector<1024x1xf32> -> vector<1024x8xf32>
    %transpose3A = tpu.transpose %concatenate3A, [1, 0] : vector<1024x8xf32> -> vector<8x1024xf32>
    %slice3A = vector.extract_strided_slice %transpose3A {offsets = [0, 0], sizes = [1, 1024], strides = [1, 1]} : vector<8x1024xf32> to vector<1x1024xf32>
    %slice3A_47 = vector.extract_strided_slice %transpose3A {offsets = [1, 0], sizes = [1, 1024], strides = [1, 1]} : vector<8x1024xf32> to vector<1x1024xf32>
    %slice3A_48 = vector.extract_strided_slice %transpose3A {offsets = [2, 0], sizes = [1, 1024], strides = [1, 1]} : vector<8x1024xf32> to vector<1x1024xf32>
    %slice3A_49 = vector.extract_strided_slice %transpose3A {offsets = [3, 0], sizes = [1, 1024], strides = [1, 1]} : vector<8x1024xf32> to vector<1x1024xf32>
    %slice3A_50 = vector.extract_strided_slice %transpose3A {offsets = [4, 0], sizes = [1, 1024], strides = [1, 1]} : vector<8x1024xf32> to vector<1x1024xf32>
    %slice3A_51 = vector.extract_strided_slice %transpose3A {offsets = [5, 0], sizes = [1, 1024], strides = [1, 1]} : vector<8x1024xf32> to vector<1x1024xf32>
    %add3A_52 = arith.constant 1.000000e-15 : f32
    %add3A_53 = vector.broadcast %add3A_52 : f32 to vector<1x1024xf32>
    %add3A_54 = arith.addf %slice3A, %add3A_53 : vector<1x1024xf32>
    %sqrt3A = math.sqrt %add3A_54 : vector<1x1024xf32>
    %max3A = arith.constant 9.99999974E-6 : f32
    %max3A_55 = vector.broadcast %max3A : f32 to vector<1x1024xf32>
    %max3A_56 = arith.maximumf %sqrt3A, %max3A_55 : vector<1x1024xf32>
    %tanh3A = math.tanh %max3A_56 : vector<1x1024xf32>
    %div3A = arith.divf %tanh3A, %max3A_56 : vector<1x1024xf32>
    %mul3A_57 = arith.mulf %slice3A, %div3A : vector<1x1024xf32>
    %mul3A_58 = arith.mulf %mul3A_57, %div3A : vector<1x1024xf32>
    %add3A_59 = arith.constant 1.000000e-15 : f32
    %add3A_60 = vector.broadcast %add3A_59 : f32 to vector<1x1024xf32>
    %add3A_61 = arith.addf %mul3A_58, %add3A_60 : vector<1x1024xf32>
    %sqrt3A_62 = math.sqrt %add3A_61 : vector<1x1024xf32>
    %gt3A = arith.constant 9.990000e-01 : f32
    %gt3A_63 = vector.broadcast %gt3A : f32 to vector<1x1024xf32>
    %gt3A_64 = arith.cmpf ogt, %sqrt3A_62, %gt3A_63 : vector<1x1024xf32>
    %div3A_65 = arith.constant 9.990000e-01 : f32
    %div3A_66 = vector.broadcast %div3A_65 : f32 to vector<1x1024xf32>
    %div3A_67 = arith.divf %div3A_66, %sqrt3A_62 : vector<1x1024xf32>
    %jit3A_68 = arith.constant 1.000000e+00 : f32
    %broadcast_in_dim3A_69 = vector.broadcast %jit3A_68 : f32 to vector<1x1024xf32>
    %select_n3A_70 = arith.select %gt3A_64, %div3A_67, %broadcast_in_dim3A_69 : vector<1x1024xi1>, vector<1x1024xf32>
    %mul3A_71 = arith.mulf %div3A, %select_n3A_70 : vector<1x1024xf32>
    %mul3A_72 = arith.mulf %slice3A, %mul3A_71 : vector<1x1024xf32>
    %mul3A_73 = arith.mulf %mul3A_72, %mul3A_71 : vector<1x1024xf32>
    %sub3A = arith.constant 1.000000e+00 : f32
    %sub3A_74 = vector.broadcast %sub3A : f32 to vector<1x1024xf32>
    %sub3A_75 = arith.subf %sub3A_74, %mul3A_73 : vector<1x1024xf32>
    %max3A_76 = arith.constant 9.99999974E-6 : f32
    %max3A_77 = vector.broadcast %max3A_76 : f32 to vector<1x1024xf32>
    %max3A_78 = arith.maximumf %sub3A_75, %max3A_77 : vector<1x1024xf32>
    %add3A_79 = arith.constant 1.000000e-15 : f32
    %add3A_80 = vector.broadcast %add3A_79 : f32 to vector<1x1024xf32>
    %add3A_81 = arith.addf %slice3A_47, %add3A_80 : vector<1x1024xf32>
    %sqrt3A_82 = math.sqrt %add3A_81 : vector<1x1024xf32>
    %max3A_83 = arith.constant 9.99999974E-6 : f32
    %max3A_84 = vector.broadcast %max3A_83 : f32 to vector<1x1024xf32>
    %max3A_85 = arith.maximumf %sqrt3A_82, %max3A_84 : vector<1x1024xf32>
    %div3A_86 = arith.divf %max3A_85, %max3A_78 : vector<1x1024xf32>
    %tanh3A_87 = math.tanh %div3A_86 : vector<1x1024xf32>
    %div3A_88 = arith.divf %tanh3A_87, %max3A_85 : vector<1x1024xf32>
    %mul3A_89 = arith.mulf %slice3A_47, %div3A_88 : vector<1x1024xf32>
    %mul3A_90 = arith.mulf %mul3A_89, %div3A_88 : vector<1x1024xf32>
    %mul3A_91 = arith.mulf %slice3A_49, %mul3A_71 : vector<1x1024xf32>
    %mul3A_92 = arith.mulf %mul3A_91, %div3A_88 : vector<1x1024xf32>
    %mul3A_93 = arith.constant 2.000000e+00 : f32
    %mul3A_94 = vector.broadcast %mul3A_93 : f32 to vector<1x1024xf32>
    %mul3A_95 = arith.mulf %mul3A_94, %mul3A_92 : vector<1x1024xf32>
    %add3A_96 = arith.constant 1.000000e+00 : f32
    %add3A_97 = vector.broadcast %add3A_96 : f32 to vector<1x1024xf32>
    %add3A_98 = arith.addf %add3A_97, %mul3A_95 : vector<1x1024xf32>
    %add3A_99 = arith.addf %add3A_98, %mul3A_90 : vector<1x1024xf32>
    %sub3A_100 = arith.constant 1.000000e+00 : f32
    %sub3A_101 = vector.broadcast %sub3A_100 : f32 to vector<1x1024xf32>
    %sub3A_102 = arith.subf %sub3A_101, %mul3A_73 : vector<1x1024xf32>
    %mul3A_103 = arith.constant 2.000000e+00 : f32
    %mul3A_104 = vector.broadcast %mul3A_103 : f32 to vector<1x1024xf32>
    %mul3A_105 = arith.mulf %mul3A_104, %mul3A_92 : vector<1x1024xf32>
    %add3A_106 = arith.constant 1.000000e+00 : f32
    %add3A_107 = vector.broadcast %add3A_106 : f32 to vector<1x1024xf32>
    %add3A_108 = arith.addf %add3A_107, %mul3A_105 : vector<1x1024xf32>
    %mul3A_109 = arith.mulf %mul3A_73, %mul3A_90 : vector<1x1024xf32>
    %add3A_110 = arith.addf %add3A_108, %mul3A_109 : vector<1x1024xf32>
    %max3A_111 = arith.constant 1.000000e-15 : f32
    %max3A_112 = vector.broadcast %max3A_111 : f32 to vector<1x1024xf32>
    %max3A_113 = arith.maximumf %add3A_110, %max3A_112 : vector<1x1024xf32>
    %div3A_114 = arith.constant 1.000000e+00 : f32
    %div3A_115 = vector.broadcast %div3A_114 : f32 to vector<1x1024xf32>
    %div3A_116 = arith.divf %div3A_115, %max3A_113 : vector<1x1024xf32>
    %mul3A_117 = arith.mulf %add3A_99, %div3A_116 : vector<1x1024xf32>
    %mul3A_118 = arith.mulf %mul3A_117, %mul3A_71 : vector<1x1024xf32>
    %mul3A_119 = arith.mulf %sub3A_102, %div3A_116 : vector<1x1024xf32>
    %mul3A_120 = arith.mulf %mul3A_119, %div3A_88 : vector<1x1024xf32>
    %mul3A_121 = arith.mulf %mul3A_118, %mul3A_118 : vector<1x1024xf32>
    %mul3A_122 = arith.mulf %mul3A_121, %slice3A : vector<1x1024xf32>
    %mul3A_123 = arith.constant 2.000000e+00 : f32
    %mul3A_124 = vector.broadcast %mul3A_123 : f32 to vector<1x1024xf32>
    %mul3A_125 = arith.mulf %mul3A_124, %mul3A_118 : vector<1x1024xf32>
    %mul3A_126 = arith.mulf %mul3A_125, %mul3A_120 : vector<1x1024xf32>
    %mul3A_127 = arith.mulf %mul3A_126, %slice3A_49 : vector<1x1024xf32>
    %add3A_128 = arith.addf %mul3A_122, %mul3A_127 : vector<1x1024xf32>
    %mul3A_129 = arith.mulf %mul3A_120, %mul3A_120 : vector<1x1024xf32>
    %mul3A_130 = arith.mulf %mul3A_129, %slice3A_47 : vector<1x1024xf32>
    %add3A_131 = arith.addf %add3A_128, %mul3A_130 : vector<1x1024xf32>
    %max3A_132 = arith.constant 0.000000e+00 : f32
    %max3A_133 = vector.broadcast %max3A_132 : f32 to vector<1x1024xf32>
    %max3A_134 = arith.maximumf %add3A_131, %max3A_133 : vector<1x1024xf32>
    %add3A_135 = arith.constant 1.000000e-15 : f32
    %add3A_136 = vector.broadcast %add3A_135 : f32 to vector<1x1024xf32>
    %add3A_137 = arith.addf %max3A_134, %add3A_136 : vector<1x1024xf32>
    %sqrt3A_138 = math.sqrt %add3A_137 : vector<1x1024xf32>
    %gt3A_139 = arith.constant 9.990000e-01 : f32
    %gt3A_140 = vector.broadcast %gt3A_139 : f32 to vector<1x1024xf32>
    %gt3A_141 = arith.cmpf ogt, %sqrt3A_138, %gt3A_140 : vector<1x1024xf32>
    %div3A_142 = arith.constant 9.990000e-01 : f32
    %div3A_143 = vector.broadcast %div3A_142 : f32 to vector<1x1024xf32>
    %div3A_144 = arith.divf %div3A_143, %sqrt3A_138 : vector<1x1024xf32>
    %jit3A_145 = arith.constant 1.000000e+00 : f32
    %broadcast_in_dim3A_146 = vector.broadcast %jit3A_145 : f32 to vector<1x1024xf32>
    %select_n3A_147 = arith.select %gt3A_141, %div3A_144, %broadcast_in_dim3A_146 : vector<1x1024xi1>, vector<1x1024xf32>
    %mul3A_148 = arith.mulf %mul3A_118, %select_n3A_147 : vector<1x1024xf32>
    %mul3A_149 = arith.mulf %mul3A_120, %select_n3A_147 : vector<1x1024xf32>
    %mul3A_150 = arith.mulf %max3A_134, %select_n3A_147 : vector<1x1024xf32>
    %mul3A_151 = arith.mulf %mul3A_150, %select_n3A_147 : vector<1x1024xf32>
    %add3A_152 = arith.constant 1.000000e-15 : f32
    %add3A_153 = vector.broadcast %add3A_152 : f32 to vector<1x1024xf32>
    %add3A_154 = arith.addf %slice3A_48, %add3A_153 : vector<1x1024xf32>
    %sqrt3A_155 = math.sqrt %add3A_154 : vector<1x1024xf32>
    %max3A_156 = arith.constant 9.99999974E-6 : f32
    %max3A_157 = vector.broadcast %max3A_156 : f32 to vector<1x1024xf32>
    %max3A_158 = arith.maximumf %sqrt3A_155, %max3A_157 : vector<1x1024xf32>
    %div3A_159 = arith.divf %max3A_158, %max3A_78 : vector<1x1024xf32>
    %tanh3A_160 = math.tanh %div3A_159 : vector<1x1024xf32>
    %div3A_161 = arith.divf %tanh3A_160, %max3A_158 : vector<1x1024xf32>
    %mul3A_162 = arith.mulf %slice3A_48, %div3A_161 : vector<1x1024xf32>
    %mul3A_163 = arith.mulf %mul3A_162, %div3A_161 : vector<1x1024xf32>
    %mul3A_164 = arith.mulf %slice3A_50, %mul3A_71 : vector<1x1024xf32>
    %mul3A_165 = arith.mulf %mul3A_164, %div3A_161 : vector<1x1024xf32>
    %mul3A_166 = arith.constant 2.000000e+00 : f32
    %mul3A_167 = vector.broadcast %mul3A_166 : f32 to vector<1x1024xf32>
    %mul3A_168 = arith.mulf %mul3A_167, %mul3A_165 : vector<1x1024xf32>
    %add3A_169 = arith.constant 1.000000e+00 : f32
    %add3A_170 = vector.broadcast %add3A_169 : f32 to vector<1x1024xf32>
    %add3A_171 = arith.addf %add3A_170, %mul3A_168 : vector<1x1024xf32>
    %add3A_172 = arith.addf %add3A_171, %mul3A_163 : vector<1x1024xf32>
    %sub3A_173 = arith.constant 1.000000e+00 : f32
    %sub3A_174 = vector.broadcast %sub3A_173 : f32 to vector<1x1024xf32>
    %sub3A_175 = arith.subf %sub3A_174, %mul3A_73 : vector<1x1024xf32>
    %mul3A_176 = arith.constant 2.000000e+00 : f32
    %mul3A_177 = vector.broadcast %mul3A_176 : f32 to vector<1x1024xf32>
    %mul3A_178 = arith.mulf %mul3A_177, %mul3A_165 : vector<1x1024xf32>
    %add3A_179 = arith.constant 1.000000e+00 : f32
    %add3A_180 = vector.broadcast %add3A_179 : f32 to vector<1x1024xf32>
    %add3A_181 = arith.addf %add3A_180, %mul3A_178 : vector<1x1024xf32>
    %mul3A_182 = arith.mulf %mul3A_73, %mul3A_163 : vector<1x1024xf32>
    %add3A_183 = arith.addf %add3A_181, %mul3A_182 : vector<1x1024xf32>
    %max3A_184 = arith.constant 1.000000e-15 : f32
    %max3A_185 = vector.broadcast %max3A_184 : f32 to vector<1x1024xf32>
    %max3A_186 = arith.maximumf %add3A_183, %max3A_185 : vector<1x1024xf32>
    %div3A_187 = arith.constant 1.000000e+00 : f32
    %div3A_188 = vector.broadcast %div3A_187 : f32 to vector<1x1024xf32>
    %div3A_189 = arith.divf %div3A_188, %max3A_186 : vector<1x1024xf32>
    %mul3A_190 = arith.mulf %add3A_172, %div3A_189 : vector<1x1024xf32>
    %mul3A_191 = arith.mulf %mul3A_190, %mul3A_71 : vector<1x1024xf32>
    %mul3A_192 = arith.mulf %sub3A_175, %div3A_189 : vector<1x1024xf32>
    %mul3A_193 = arith.mulf %mul3A_192, %div3A_161 : vector<1x1024xf32>
    %mul3A_194 = arith.mulf %mul3A_191, %mul3A_191 : vector<1x1024xf32>
    %mul3A_195 = arith.mulf %mul3A_194, %slice3A : vector<1x1024xf32>
    %mul3A_196 = arith.constant 2.000000e+00 : f32
    %mul3A_197 = vector.broadcast %mul3A_196 : f32 to vector<1x1024xf32>
    %mul3A_198 = arith.mulf %mul3A_197, %mul3A_191 : vector<1x1024xf32>
    %mul3A_199 = arith.mulf %mul3A_198, %mul3A_193 : vector<1x1024xf32>
    %mul3A_200 = arith.mulf %mul3A_199, %slice3A_50 : vector<1x1024xf32>
    %add3A_201 = arith.addf %mul3A_195, %mul3A_200 : vector<1x1024xf32>
    %mul3A_202 = arith.mulf %mul3A_193, %mul3A_193 : vector<1x1024xf32>
    %mul3A_203 = arith.mulf %mul3A_202, %slice3A_48 : vector<1x1024xf32>
    %add3A_204 = arith.addf %add3A_201, %mul3A_203 : vector<1x1024xf32>
    %max3A_205 = arith.constant 0.000000e+00 : f32
    %max3A_206 = vector.broadcast %max3A_205 : f32 to vector<1x1024xf32>
    %max3A_207 = arith.maximumf %add3A_204, %max3A_206 : vector<1x1024xf32>
    %add3A_208 = arith.constant 1.000000e-15 : f32
    %add3A_209 = vector.broadcast %add3A_208 : f32 to vector<1x1024xf32>
    %add3A_210 = arith.addf %max3A_207, %add3A_209 : vector<1x1024xf32>
    %sqrt3A_211 = math.sqrt %add3A_210 : vector<1x1024xf32>
    %gt3A_212 = arith.constant 9.990000e-01 : f32
    %gt3A_213 = vector.broadcast %gt3A_212 : f32 to vector<1x1024xf32>
    %gt3A_214 = arith.cmpf ogt, %sqrt3A_211, %gt3A_213 : vector<1x1024xf32>
    %div3A_215 = arith.constant 9.990000e-01 : f32
    %div3A_216 = vector.broadcast %div3A_215 : f32 to vector<1x1024xf32>
    %div3A_217 = arith.divf %div3A_216, %sqrt3A_211 : vector<1x1024xf32>
    %jit3A_218 = arith.constant 1.000000e+00 : f32
    %broadcast_in_dim3A_219 = vector.broadcast %jit3A_218 : f32 to vector<1x1024xf32>
    %select_n3A_220 = arith.select %gt3A_214, %div3A_217, %broadcast_in_dim3A_219 : vector<1x1024xi1>, vector<1x1024xf32>
    %mul3A_221 = arith.mulf %mul3A_191, %select_n3A_220 : vector<1x1024xf32>
    %mul3A_222 = arith.mulf %mul3A_193, %select_n3A_220 : vector<1x1024xf32>
    %mul3A_223 = arith.mulf %max3A_207, %select_n3A_220 : vector<1x1024xf32>
    %mul3A_224 = arith.mulf %mul3A_223, %select_n3A_220 : vector<1x1024xf32>
    %mul3A_225 = arith.mulf %mul3A_148, %mul3A_221 : vector<1x1024xf32>
    %mul3A_226 = arith.mulf %mul3A_225, %slice3A : vector<1x1024xf32>
    %mul3A_227 = arith.mulf %mul3A_148, %mul3A_222 : vector<1x1024xf32>
    %mul3A_228 = arith.mulf %mul3A_227, %slice3A_50 : vector<1x1024xf32>
    %add3A_229 = arith.addf %mul3A_226, %mul3A_228 : vector<1x1024xf32>
    %mul3A_230 = arith.mulf %mul3A_149, %mul3A_221 : vector<1x1024xf32>
    %mul3A_231 = arith.mulf %mul3A_230, %slice3A_49 : vector<1x1024xf32>
    %add3A_232 = arith.addf %add3A_229, %mul3A_231 : vector<1x1024xf32>
    %mul3A_233 = arith.mulf %mul3A_149, %mul3A_222 : vector<1x1024xf32>
    %mul3A_234 = arith.mulf %mul3A_233, %slice3A_51 : vector<1x1024xf32>
    %add3A_235 = arith.addf %add3A_232, %mul3A_234 : vector<1x1024xf32>
    %mul3A_236 = arith.constant 2.000000e+00 : f32
    %mul3A_237 = vector.broadcast %mul3A_236 : f32 to vector<1x1024xf32>
    %mul3A_238 = arith.mulf %mul3A_237, %add3A_235 : vector<1x1024xf32>
    %add3A_239 = arith.constant 1.000000e+00 : f32
    %add3A_240 = vector.broadcast %add3A_239 : f32 to vector<1x1024xf32>
    %add3A_241 = arith.addf %add3A_240, %mul3A_238 : vector<1x1024xf32>
    %add3A_242 = arith.addf %add3A_241, %mul3A_224 : vector<1x1024xf32>
    %sub3A_243 = arith.constant 1.000000e+00 : f32
    %sub3A_244 = vector.broadcast %sub3A_243 : f32 to vector<1x1024xf32>
    %sub3A_245 = arith.subf %sub3A_244, %mul3A_151 : vector<1x1024xf32>
    %mul3A_246 = arith.constant 2.000000e+00 : f32
    %mul3A_247 = vector.broadcast %mul3A_246 : f32 to vector<1x1024xf32>
    %mul3A_248 = arith.mulf %mul3A_247, %add3A_235 : vector<1x1024xf32>
    %add3A_249 = arith.constant 1.000000e+00 : f32
    %add3A_250 = vector.broadcast %add3A_249 : f32 to vector<1x1024xf32>
    %add3A_251 = arith.addf %add3A_250, %mul3A_248 : vector<1x1024xf32>
    %mul3A_252 = arith.mulf %mul3A_151, %mul3A_224 : vector<1x1024xf32>
    %add3A_253 = arith.addf %add3A_251, %mul3A_252 : vector<1x1024xf32>
    %max3A_254 = arith.constant 1.000000e-15 : f32
    %max3A_255 = vector.broadcast %max3A_254 : f32 to vector<1x1024xf32>
    %max3A_256 = arith.maximumf %add3A_253, %max3A_255 : vector<1x1024xf32>
    %div3A_257 = arith.constant 1.000000e+00 : f32
    %div3A_258 = vector.broadcast %div3A_257 : f32 to vector<1x1024xf32>
    %div3A_259 = arith.divf %div3A_258, %max3A_256 : vector<1x1024xf32>
    %mul3A_260 = arith.mulf %add3A_242, %div3A_259 : vector<1x1024xf32>
    %mul3A_261 = arith.mulf %mul3A_260, %mul3A_148 : vector<1x1024xf32>
    %mul3A_262 = arith.mulf %sub3A_245, %div3A_259 : vector<1x1024xf32>
    %mul3A_263 = arith.mulf %mul3A_262, %mul3A_221 : vector<1x1024xf32>
    %add3A_264 = arith.addf %mul3A_261, %mul3A_263 : vector<1x1024xf32>
    %mul3A_265 = arith.mulf %add3A_242, %div3A_259 : vector<1x1024xf32>
    %mul3A_266 = arith.mulf %mul3A_265, %mul3A_149 : vector<1x1024xf32>
    %mul3A_267 = arith.mulf %sub3A_245, %div3A_259 : vector<1x1024xf32>
    %mul3A_268 = arith.mulf %mul3A_267, %mul3A_222 : vector<1x1024xf32>
    %mul3A_269 = arith.mulf %add3A_264, %add3A_264 : vector<1x1024xf32>
    %mul3A_270 = arith.mulf %mul3A_269, %slice3A : vector<1x1024xf32>
    %mul3A_271 = arith.mulf %mul3A_266, %mul3A_266 : vector<1x1024xf32>
    %mul3A_272 = arith.mulf %mul3A_271, %slice3A_47 : vector<1x1024xf32>
    %add3A_273 = arith.addf %mul3A_270, %mul3A_272 : vector<1x1024xf32>
    %mul3A_274 = arith.mulf %mul3A_268, %mul3A_268 : vector<1x1024xf32>
    %mul3A_275 = arith.mulf %mul3A_274, %slice3A_48 : vector<1x1024xf32>
    %add3A_276 = arith.addf %add3A_273, %mul3A_275 : vector<1x1024xf32>
    %mul3A_277 = arith.mulf %add3A_264, %mul3A_266 : vector<1x1024xf32>
    %mul3A_278 = arith.mulf %mul3A_277, %slice3A_49 : vector<1x1024xf32>
    %mul3A_279 = arith.mulf %add3A_264, %mul3A_268 : vector<1x1024xf32>
    %mul3A_280 = arith.mulf %mul3A_279, %slice3A_50 : vector<1x1024xf32>
    %add3A_281 = arith.addf %mul3A_278, %mul3A_280 : vector<1x1024xf32>
    %mul3A_282 = arith.mulf %mul3A_266, %mul3A_268 : vector<1x1024xf32>
    %mul3A_283 = arith.mulf %mul3A_282, %slice3A_51 : vector<1x1024xf32>
    %add3A_284 = arith.addf %add3A_281, %mul3A_283 : vector<1x1024xf32>
    %mul3A_285 = arith.constant 2.000000e+00 : f32
    %mul3A_286 = vector.broadcast %mul3A_285 : f32 to vector<1x1024xf32>
    %mul3A_287 = arith.mulf %mul3A_286, %add3A_284 : vector<1x1024xf32>
    %add3A_288 = arith.addf %add3A_276, %mul3A_287 : vector<1x1024xf32>
    %max3A_289 = arith.constant 0.000000e+00 : f32
    %max3A_290 = vector.broadcast %max3A_289 : f32 to vector<1x1024xf32>
    %max3A_291 = arith.maximumf %add3A_288, %max3A_290 : vector<1x1024xf32>
    %add3A_292 = arith.constant 1.000000e-15 : f32
    %add3A_293 = vector.broadcast %add3A_292 : f32 to vector<1x1024xf32>
    %add3A_294 = arith.addf %max3A_291, %add3A_293 : vector<1x1024xf32>
    %sqrt3A_295 = math.sqrt %add3A_294 : vector<1x1024xf32>
    %gt3A_296 = arith.constant 9.990000e-01 : f32
    %gt3A_297 = vector.broadcast %gt3A_296 : f32 to vector<1x1024xf32>
    %gt3A_298 = arith.cmpf ogt, %sqrt3A_295, %gt3A_297 : vector<1x1024xf32>
    %div3A_299 = arith.constant 9.990000e-01 : f32
    %div3A_300 = vector.broadcast %div3A_299 : f32 to vector<1x1024xf32>
    %div3A_301 = arith.divf %div3A_300, %sqrt3A_295 : vector<1x1024xf32>
    %jit3A_302 = arith.constant 1.000000e+00 : f32
    %broadcast_in_dim3A_303 = vector.broadcast %jit3A_302 : f32 to vector<1x1024xf32>
    %select_n3A_304 = arith.select %gt3A_298, %div3A_301, %broadcast_in_dim3A_303 : vector<1x1024xi1>, vector<1x1024xf32>
    %mul3A_305 = arith.mulf %add3A_264, %select_n3A_304 : vector<1x1024xf32>
    %mul3A_306 = arith.mulf %mul3A_266, %select_n3A_304 : vector<1x1024xf32>
    %mul3A_307 = arith.mulf %mul3A_268, %select_n3A_304 : vector<1x1024xf32>
    %mul3A_308 = arith.mulf %max3A_291, %select_n3A_304 : vector<1x1024xf32>
    %mul3A_309 = arith.mulf %mul3A_308, %select_n3A_304 : vector<1x1024xf32>
    %mul3A_310 = arith.mulf %mul3A_305, %slice3A : vector<1x1024xf32>
    %mul3A_311 = arith.mulf %mul3A_306, %slice3A_49 : vector<1x1024xf32>
    %add3A_312 = arith.addf %mul3A_310, %mul3A_311 : vector<1x1024xf32>
    %mul3A_313 = arith.mulf %mul3A_307, %slice3A_50 : vector<1x1024xf32>
    %add3A_314 = arith.addf %add3A_312, %mul3A_313 : vector<1x1024xf32>
    %mul3A_315 = arith.mulf %mul3A_71, %add3A_314 : vector<1x1024xf32>
    %mul3A_316 = arith.constant 2.000000e+00 : f32
    %mul3A_317 = vector.broadcast %mul3A_316 : f32 to vector<1x1024xf32>
    %mul3A_318 = arith.mulf %mul3A_317, %mul3A_315 : vector<1x1024xf32>
    %sub3A_319 = arith.constant 1.000000e+00 : f32
    %sub3A_320 = vector.broadcast %sub3A_319 : f32 to vector<1x1024xf32>
    %sub3A_321 = arith.subf %sub3A_320, %mul3A_318 : vector<1x1024xf32>
    %add3A_322 = arith.addf %sub3A_321, %mul3A_309 : vector<1x1024xf32>
    %sub3A_323 = arith.constant 1.000000e+00 : f32
    %sub3A_324 = vector.broadcast %sub3A_323 : f32 to vector<1x1024xf32>
    %sub3A_325 = arith.subf %sub3A_324, %mul3A_73 : vector<1x1024xf32>
    %mul3A_326 = arith.constant 2.000000e+00 : f32
    %mul3A_327 = vector.broadcast %mul3A_326 : f32 to vector<1x1024xf32>
    %mul3A_328 = arith.mulf %mul3A_327, %mul3A_315 : vector<1x1024xf32>
    %sub3A_329 = arith.constant 1.000000e+00 : f32
    %sub3A_330 = vector.broadcast %sub3A_329 : f32 to vector<1x1024xf32>
    %sub3A_331 = arith.subf %sub3A_330, %mul3A_328 : vector<1x1024xf32>
    %mul3A_332 = arith.mulf %mul3A_73, %mul3A_309 : vector<1x1024xf32>
    %add3A_333 = arith.addf %sub3A_331, %mul3A_332 : vector<1x1024xf32>
    %max3A_334 = arith.constant 1.000000e-15 : f32
    %max3A_335 = vector.broadcast %max3A_334 : f32 to vector<1x1024xf32>
    %max3A_336 = arith.maximumf %add3A_333, %max3A_335 : vector<1x1024xf32>
    %div3A_337 = arith.constant 1.000000e+00 : f32
    %div3A_338 = vector.broadcast %div3A_337 : f32 to vector<1x1024xf32>
    %div3A_339 = arith.divf %div3A_338, %max3A_336 : vector<1x1024xf32>
    %neg3A = arith.constant 0.000000e+00 : f32
    %neg3A_340 = vector.broadcast %neg3A : f32 to vector<1x1024xf32>
    %neg3A_341 = arith.subf %neg3A_340, %add3A_322 : vector<1x1024xf32>
    %mul3A_342 = arith.mulf %neg3A_341, %div3A_339 : vector<1x1024xf32>
    %mul3A_343 = arith.mulf %mul3A_342, %mul3A_71 : vector<1x1024xf32>
    %mul3A_344 = arith.mulf %sub3A_325, %div3A_339 : vector<1x1024xf32>
    %mul3A_345 = arith.mulf %mul3A_344, %mul3A_305 : vector<1x1024xf32>
    %add3A_346 = arith.addf %mul3A_343, %mul3A_345 : vector<1x1024xf32>
    %mul3A_347 = arith.mulf %sub3A_325, %div3A_339 : vector<1x1024xf32>
    %mul3A_348 = arith.mulf %mul3A_347, %mul3A_306 : vector<1x1024xf32>
    %mul3A_349 = arith.mulf %sub3A_325, %div3A_339 : vector<1x1024xf32>
    %mul3A_350 = arith.mulf %mul3A_349, %mul3A_307 : vector<1x1024xf32>
    %mul3A_351 = arith.mulf %add3A_346, %add3A_346 : vector<1x1024xf32>
    %mul3A_352 = arith.mulf %mul3A_351, %slice3A : vector<1x1024xf32>
    %mul3A_353 = arith.mulf %mul3A_348, %mul3A_348 : vector<1x1024xf32>
    %mul3A_354 = arith.mulf %mul3A_353, %slice3A_47 : vector<1x1024xf32>
    %add3A_355 = arith.addf %mul3A_352, %mul3A_354 : vector<1x1024xf32>
    %mul3A_356 = arith.mulf %mul3A_350, %mul3A_350 : vector<1x1024xf32>
    %mul3A_357 = arith.mulf %mul3A_356, %slice3A_48 : vector<1x1024xf32>
    %add3A_358 = arith.addf %add3A_355, %mul3A_357 : vector<1x1024xf32>
    %mul3A_359 = arith.mulf %add3A_346, %mul3A_348 : vector<1x1024xf32>
    %mul3A_360 = arith.mulf %mul3A_359, %slice3A_49 : vector<1x1024xf32>
    %mul3A_361 = arith.mulf %add3A_346, %mul3A_350 : vector<1x1024xf32>
    %mul3A_362 = arith.mulf %mul3A_361, %slice3A_50 : vector<1x1024xf32>
    %add3A_363 = arith.addf %mul3A_360, %mul3A_362 : vector<1x1024xf32>
    %mul3A_364 = arith.mulf %mul3A_348, %mul3A_350 : vector<1x1024xf32>
    %mul3A_365 = arith.mulf %mul3A_364, %slice3A_51 : vector<1x1024xf32>
    %add3A_366 = arith.addf %add3A_363, %mul3A_365 : vector<1x1024xf32>
    %mul3A_367 = arith.constant 2.000000e+00 : f32
    %mul3A_368 = vector.broadcast %mul3A_367 : f32 to vector<1x1024xf32>
    %mul3A_369 = arith.mulf %mul3A_368, %add3A_366 : vector<1x1024xf32>
    %add3A_370 = arith.addf %add3A_358, %mul3A_369 : vector<1x1024xf32>
    %max3A_371 = arith.constant 0.000000e+00 : f32
    %max3A_372 = vector.broadcast %max3A_371 : f32 to vector<1x1024xf32>
    %max3A_373 = arith.maximumf %add3A_370, %max3A_372 : vector<1x1024xf32>
    %add3A_374 = arith.constant 1.000000e-15 : f32
    %add3A_375 = vector.broadcast %add3A_374 : f32 to vector<1x1024xf32>
    %add3A_376 = arith.addf %max3A_373, %add3A_375 : vector<1x1024xf32>
    %sqrt3A_377 = math.sqrt %add3A_376 : vector<1x1024xf32>
    %jit3A_378 = arith.constant 9.99999974E-6 : f32
    %jit3A_379 = arith.constant 0.999989986 : f32
    %max3A_380 = vector.broadcast %jit3A_378 : f32 to vector<1x1024xf32>
    %max3A_381 = arith.maximumf %max3A_380, %sqrt3A_377 : vector<1x1024xf32>
    %min3A = vector.broadcast %jit3A_379 : f32 to vector<1x1024xf32>
    %min3A_382 = arith.minimumf %min3A, %max3A_381 : vector<1x1024xf32>
    %add3A_383 = arith.constant 1.000000e+00 : f32
    %add3A_384 = vector.broadcast %add3A_383 : f32 to vector<1x1024xf32>
    %add3A_385 = arith.addf %add3A_384, %min3A_382 : vector<1x1024xf32>
    %sub3A_386 = arith.constant 1.000000e+00 : f32
    %sub3A_387 = vector.broadcast %sub3A_386 : f32 to vector<1x1024xf32>
    %sub3A_388 = arith.subf %sub3A_387, %min3A_382 : vector<1x1024xf32>
    %div3A_389 = arith.divf %add3A_385, %sub3A_388 : vector<1x1024xf32>
    %log3A = math.log %div3A_389 : vector<1x1024xf32>
    %mul3A_390 = arith.constant 5.000000e-01 : f32
    %mul3A_391 = vector.broadcast %mul3A_390 : f32 to vector<1x1024xf32>
    %mul3A_392 = arith.mulf %mul3A_391, %log3A : vector<1x1024xf32>
    %mul3A_393 = arith.mulf %max3A_78, %mul3A_392 : vector<1x1024xf32>
    %div3A_394 = arith.divf %mul3A_393, %min3A_382 : vector<1x1024xf32>
    %mul3A_395 = arith.mulf %div3A_394, %add3A_346 : vector<1x1024xf32>
    %mul3A_396 = arith.mulf %div3A_394, %mul3A_348 : vector<1x1024xf32>
    %mul3A_397 = arith.mulf %div3A_394, %mul3A_350 : vector<1x1024xf32>
    %concatenate3A_398 = tpu.concatenate %mul3A_395, %mul3A_396, %mul3A_397, %mul3A_395, %mul3A_395, %mul3A_395, %mul3A_395, %mul3A_395 in 0 : vector<1x1024xf32>, vector<1x1024xf32>, vector<1x1024xf32>, vector<1x1024xf32>, vector<1x1024xf32>, vector<1x1024xf32>, vector<1x1024xf32>, vector<1x1024xf32> -> vector<8x1024xf32>
    %transpose3A_399 = tpu.transpose %concatenate3A_398, [1, 0] : vector<8x1024xf32> -> vector<1024x8xf32>
    %slice3A_400 = vector.extract_strided_slice %transpose3A_399 {offsets = [0, 0], sizes = [1024, 1], strides = [1, 1]} : vector<1024x8xf32> to vector<1024x1xf32>
    %mul3A_401 = vector.broadcast %slice3A_400 : vector<1024x1xf32> to vector<1024x128xf32>
    %mul3A_402 = arith.mulf %reshape3A, %mul3A_401 : vector<1024x128xf32>
    %slice3A_403 = vector.extract_strided_slice %transpose3A_399 {offsets = [0, 1], sizes = [1024, 1], strides = [1, 1]} : vector<1024x8xf32> to vector<1024x1xf32>
    %mul3A_404 = vector.broadcast %slice3A_403 : vector<1024x1xf32> to vector<1024x128xf32>
    %mul3A_405 = arith.mulf %reshape3A_11, %mul3A_404 : vector<1024x128xf32>
    %add3A_406 = arith.addf %mul3A_402, %mul3A_405 : vector<1024x128xf32>
    %slice3A_407 = vector.extract_strided_slice %transpose3A_399 {offsets = [0, 2], sizes = [1024, 1], strides = [1, 1]} : vector<1024x8xf32> to vector<1024x1xf32>
    %mul3A_408 = vector.broadcast %slice3A_407 : vector<1024x1xf32> to vector<1024x128xf32>
    %mul3A_409 = arith.mulf %dot_general3A_23, %mul3A_408 : vector<1024x128xf32>
    %add3A_410 = arith.addf %add3A_406, %mul3A_409 : vector<1024x128xf32>
    %swap3A = arith.constant 0 : index
    %swap3A_411 = arith.constant 0 : index
    %swap3A_412 = vector.load %arg5[%swap3A, %swap3A_411] : memref<1024x128xf32, #tpu.memory_space<vmem>>, vector<1024x128xf32>
    tpu.vector_store %arg5[%swap3A, %swap3A_411], %add3A_410 {strides = array<i32>} : memref<1024x128xf32, #tpu.memory_space<vmem>>, vector<1024x128xf32>,
    return
  }
  func.func @transform_0(%arg0: i32) -> (i32, i32, i32, i32) {
    %c0_i32 = arith.constant 0 : i32
    %c0_i32_0 = arith.constant 0 : i32
    %c0_i32_1 = arith.constant 0 : i32
    %c0_i32_2 = arith.constant 0 : i32
    return %arg0, %c0_i32, %c0_i32_0, %c0_i32_1 : i32, i32, i32, i32
  }
  func.func @transform_1(%arg0: i32) -> (i32, i32) {
    %c0_i32 = arith.constant 0 : i32
    %c0_i32_0 = arith.constant 0 : i32
    return %arg0, %c0_i32 : i32, i32
  }
  func.func @transform_2(%arg0: i32) -> (i32, i32) {
    %c0_i32 = arith.constant 0 : i32
    %c0_i32_0 = arith.constant 0 : i32
    %c0_i32_1 = arith.constant 0 : i32
    return %c0_i32, %c0_i32_0 : i32, i32
  }
  func.func @transform_3(%arg0: i32) -> (i32, i32) {
    %c0_i32 = arith.constant 0 : i32
    %c0_i32_0 = arith.constant 0 : i32
    %c0_i32_1 = arith.constant 0 : i32
    return %c0_i32, %c0_i32_0 : i32, i32
  }
  func.func @transform_4(%arg0: i32) -> (i32, i32) {
    %c0_i32 = arith.constant 0 : i32
    %c0_i32_0 = arith.constant 0 : i32
    return %arg0, %c0_i32 : i32, i32
  }
}

module attributes {stable_mosaic.version = 14 : i64} {
  func.func @_final_body(%arg0: i32, %arg1: memref<2x2528x128xf32, #tpu.memory_space<vmem>>, %arg2: memref<2x2528x128xf32, #tpu.memory_space<vmem>>, %arg3: memref<2x2528x128xf32, #tpu.memory_space<vmem>>, %arg4: memref<2x2528x128xf32, #tpu.memory_space<vmem>>, %arg5: memref<2528x128xf32, #tpu.memory_space<vmem>>, %arg6: memref<2528x128xf32, #tpu.memory_space<vmem>>) attributes {dimension_semantics = [#tpu.dimension_semantics<arbitrary>], iteration_bounds = array<i64: 4>, scalar_prefetch = 0 : i64, scratch_operands = 0 : i64, tpu.core_type = #tpu.core_type<tc>, window_params = [{transform_indices = @transform_0, window_bounds = array<i64: 2, 2528, 128>}, {transform_indices = @transform_1, window_bounds = array<i64: 2, 2528, 128>}, {transform_indices = @transform_2, window_bounds = array<i64: 2, 2528, 128>}, {transform_indices = @transform_3, window_bounds = array<i64: 2, 2528, 128>}, {transform_indices = @transform_4, window_bounds = array<i64: 2528, 128>}, {transform_indices = @transform_5, window_bounds = array<i64: 2528, 128>}]} {
    %get3A = arith.constant 0 : index
    %get3A_0 = arith.constant 0 : index
    %get3A_1 = arith.constant 0 : index
    %get3A_2 = vector.load %arg1[%get3A, %get3A_0, %get3A_1] : memref<2x2528x128xf32, #tpu.memory_space<vmem>>, vector<1x2528x128xf32>
    %get3A_3 = vector.shape_cast %get3A_2 : vector<1x2528x128xf32> to vector<2528x128xf32>
    %get3A_4 = arith.constant 1 : index
    %get3A_5 = arith.constant 0 : index
    %get3A_6 = arith.constant 0 : index
    %get3A_7 = vector.load %arg1[%get3A_4, %get3A_5, %get3A_6] : memref<2x2528x128xf32, #tpu.memory_space<vmem>>, vector<1x2528x128xf32>
    %get3A_8 = vector.shape_cast %get3A_7 : vector<1x2528x128xf32> to vector<2528x128xf32>
    %add3A = arith.addf %get3A_3, %get3A_8 : vector<2528x128xf32>
    %get3A_9 = arith.constant 0 : index
    %get3A_10 = arith.constant 0 : index
    %get3A_11 = arith.constant 0 : index
    %get3A_12 = vector.load %arg2[%get3A_9, %get3A_10, %get3A_11] : memref<2x2528x128xf32, #tpu.memory_space<vmem>>, vector<1x2528x1xf32>
    %get3A_13 = vector.shape_cast %get3A_12 : vector<1x2528x1xf32> to vector<2528x1xf32>
    %get3A_14 = arith.constant 1 : index
    %get3A_15 = arith.constant 0 : index
    %get3A_16 = arith.constant 0 : index
    %get3A_17 = vector.load %arg2[%get3A_14, %get3A_15, %get3A_16] : memref<2x2528x128xf32, #tpu.memory_space<vmem>>, vector<1x2528x1xf32>
    %get3A_18 = vector.shape_cast %get3A_17 : vector<1x2528x1xf32> to vector<2528x1xf32>
    %add3A_19 = arith.addf %get3A_13, %get3A_18 : vector<2528x1xf32>
    %max3A = arith.constant 1.000000e+00 : f32
    %max3A_20 = vector.broadcast %max3A : f32 to vector<2528x1xf32>
    %max3A_21 = arith.maximumf %add3A_19, %max3A_20 : vector<2528x1xf32>
    %div3A = vector.broadcast %max3A_21 : vector<2528x1xf32> to vector<2528x128xf32>
    %div3A_22 = arith.divf %add3A, %div3A : vector<2528x128xf32>
    %swap3A = arith.constant 0 : index
    %swap3A_23 = arith.constant 0 : index
    %swap3A_24 = vector.load %arg5[%swap3A, %swap3A_23] : memref<2528x128xf32, #tpu.memory_space<vmem>>, vector<2528x128xf32>
    tpu.vector_store %arg5[%swap3A, %swap3A_23], %div3A_22 {strides = array<i32>} : memref<2528x128xf32, #tpu.memory_space<vmem>>, vector<2528x128xf32>,
    %get3A_25 = arith.constant 0 : index
    %get3A_26 = arith.constant 0 : index
    %get3A_27 = arith.constant 0 : index
    %get3A_28 = vector.load %arg3[%get3A_25, %get3A_26, %get3A_27] : memref<2x2528x128xf32, #tpu.memory_space<vmem>>, vector<1x2528x128xf32>
    %get3A_29 = vector.shape_cast %get3A_28 : vector<1x2528x128xf32> to vector<2528x128xf32>
    %get3A_30 = arith.constant 1 : index
    %get3A_31 = arith.constant 0 : index
    %get3A_32 = arith.constant 0 : index
    %get3A_33 = vector.load %arg3[%get3A_30, %get3A_31, %get3A_32] : memref<2x2528x128xf32, #tpu.memory_space<vmem>>, vector<1x2528x128xf32>
    %get3A_34 = vector.shape_cast %get3A_33 : vector<1x2528x128xf32> to vector<2528x128xf32>
    %add3A_35 = arith.addf %get3A_29, %get3A_34 : vector<2528x128xf32>
    %get3A_36 = arith.constant 0 : index
    %get3A_37 = arith.constant 0 : index
    %get3A_38 = arith.constant 0 : index
    %get3A_39 = vector.load %arg4[%get3A_36, %get3A_37, %get3A_38] : memref<2x2528x128xf32, #tpu.memory_space<vmem>>, vector<1x2528x1xf32>
    %get3A_40 = vector.shape_cast %get3A_39 : vector<1x2528x1xf32> to vector<2528x1xf32>
    %get3A_41 = arith.constant 1 : index
    %get3A_42 = arith.constant 0 : index
    %get3A_43 = arith.constant 0 : index
    %get3A_44 = vector.load %arg4[%get3A_41, %get3A_42, %get3A_43] : memref<2x2528x128xf32, #tpu.memory_space<vmem>>, vector<1x2528x1xf32>
    %get3A_45 = vector.shape_cast %get3A_44 : vector<1x2528x1xf32> to vector<2528x1xf32>
    %add3A_46 = arith.addf %get3A_40, %get3A_45 : vector<2528x1xf32>
    %max3A_47 = arith.constant 1.000000e+00 : f32
    %max3A_48 = vector.broadcast %max3A_47 : f32 to vector<2528x1xf32>
    %max3A_49 = arith.maximumf %add3A_46, %max3A_48 : vector<2528x1xf32>
    %div3A_50 = vector.broadcast %max3A_49 : vector<2528x1xf32> to vector<2528x128xf32>
    %div3A_51 = arith.divf %add3A_35, %div3A_50 : vector<2528x128xf32>
    %swap3A_52 = arith.constant 0 : index
    %swap3A_53 = arith.constant 0 : index
    %swap3A_54 = vector.load %arg6[%swap3A_52, %swap3A_53] : memref<2528x128xf32, #tpu.memory_space<vmem>>, vector<2528x128xf32>
    tpu.vector_store %arg6[%swap3A_52, %swap3A_53], %div3A_51 {strides = array<i32>} : memref<2528x128xf32, #tpu.memory_space<vmem>>, vector<2528x128xf32>,
    return
  }
  func.func @transform_0(%arg0: i32) -> (i32, i32, i32) {
    %c0_i32 = arith.constant 0 : i32
    %c0_i32_0 = arith.constant 0 : i32
    %c0_i32_1 = arith.constant 0 : i32
    return %c0_i32, %arg0, %c0_i32_0 : i32, i32, i32
  }
  func.func @transform_1(%arg0: i32) -> (i32, i32, i32) {
    %c0_i32 = arith.constant 0 : i32
    %c0_i32_0 = arith.constant 0 : i32
    %c0_i32_1 = arith.constant 0 : i32
    return %c0_i32, %arg0, %c0_i32_0 : i32, i32, i32
  }
  func.func @transform_2(%arg0: i32) -> (i32, i32, i32) {
    %c0_i32 = arith.constant 0 : i32
    %c0_i32_0 = arith.constant 0 : i32
    %c0_i32_1 = arith.constant 0 : i32
    return %c0_i32, %arg0, %c0_i32_0 : i32, i32, i32
  }
  func.func @transform_3(%arg0: i32) -> (i32, i32, i32) {
    %c0_i32 = arith.constant 0 : i32
    %c0_i32_0 = arith.constant 0 : i32
    %c0_i32_1 = arith.constant 0 : i32
    return %c0_i32, %arg0, %c0_i32_0 : i32, i32, i32
  }
  func.func @transform_4(%arg0: i32) -> (i32, i32) {
    %c0_i32 = arith.constant 0 : i32
    %c0_i32_0 = arith.constant 0 : i32
    return %arg0, %c0_i32 : i32, i32
  }
  func.func @transform_5(%arg0: i32) -> (i32, i32) {
    %c0_i32 = arith.constant 0 : i32
    %c0_i32_0 = arith.constant 0 : i32
    return %arg0, %c0_i32 : i32, i32
  }
}

</mosaic_0001>

<sc_bundles>
// kernel: sc_counts.3.cloned.1.call-start
scs
__scs_entry_jumppad:
0x0: {  	(pc) =	sbr.rel $0x88, $3  }
0x1: {  	(tag) =	ssettag $0x0;
	lr =	simm.s32 $0x1  }
0x2: {  	[smem:$0x3F96] =	sst lr;
	_ =	strace $0xD0000000  }
0x3: {  	_ = 	snop  }
0x4: {  	_ = 	snop  }
0x5: {  	_ = 	snop  }
0x6: {  	_ = 	snop  }
0x7: {  	_ = 	snop  }
__scs_overlays_trampoline_lowered:
0x8: {  	[smem:$0x3FA5] =	sst s0  }
0x9: {  	[smem:$0x3FA6] =	sst s1  }
0xa: {  	[smem:$0x3FA7] =	sst s2  }
0xb: {  	[smem:$0x3FA8] =	sst s3  }
0xc: {  	[smem:$0x3FA9] =	sst s4  }
0xd: {  	[smem:$0x3FAA] =	sst s5  }
0xe: {  	[smem:$0x3FAB] =	sst s6  }
0xf: {  	[smem:$0x3FAC] =	sst s7  }
0x10: {  	[smem:$0x3FAD] =	sst s8  }
0x11: {  	[smem:$0x3FAE] =	sst s9;
	s0 =	simm.s32 @!p0 $0x0  }
0x12: {  	s1 =	sld [smem:$0x3F94];
	s0 =	simm.s32 @p0 $0x1  }
0x13: {  	[smem:$0x3FAF] =	sst s0;
	s0 =	simm.s32 @!p1 $0x0  }
0x14: {  	s2 =	sld [smem:$0x3F93];
	s0 =	simm.s32 @p1 $0x1  }
0x15: {  	[smem:$0x3FB0] =	sst s0;
	s0 =	simm.s32 @!p2 $0x0  }
0x16: {  	s3 =	sld [smem:$0x3FDB];
	s0 =	simm.s32 @p2 $0x1  }
0x17: {  	s4 =	simm.s32 $0x1BF5;
	[smem:$0x3FB2] =	sst s0  }
0x18: {  	s0 =	sld [smem:$0x3F95];
	_ =	swait.ge [sflag:s4], $0x0  }
0x19: {  	s7 =	sld [smem:$0x3F96]  }
0x1a: {  	s8 =	sadd.s32 $0xFFFFE003, lr  }
0x1b: {  	s9 =	sadd.s32 $0xFFFFFEF7, lr;
	s5 =	simm.s32 $0xFFFFFFFF;
	p2 =	slt.u32 s8, $0xFFFFF086  }
0x1c: {  	p1 =	slt.u32 s9, $0xF7A;
	s5 =	simm.s32 @!p2 $0x0  }
0x1d: {  	s5 =	simm.s32 @p1 $0x1;
	p0 =	seq.s32 s7, s2  }
0x1e: {  	s7 =	smul.u32 @!p0 $0xF7A, s2;
	p2 =	seq.s32 @!p0 s5, $0x0  }
0x1f: {  	s9 =	smul.u32 $0xF7A, s1;
	s8 =	simm.s32 @!p0 $0x1BF5;
	p2 =	por !p2, p0  }
0x20: {  	[sflag:s8] =	ssyncset.s32 @!p0 $0xFFFFF086;
	s6 =	sadd.s32 @!p0 s3, s7;
	s7 =	simm.s32 @!p0 $0x108  }
0x21: {  	s3 =	sadd.s32 s3, s9;
	s6 =	sadd.s32 @!p0 $0x88, s6;
	s7 =	simm.s32 @p2 $0x1082  }
0x22: {  	[simem:s7], [sflag:s8] =	dma.local @!p0 [hbm:s6], $0xF7A  }
0x23: {  	s9 =	sor.u32 $0xD0000000, s2;
	s6 =	simm.s32 $0x108;
	_ =	swait.ge @!p0 [sflag:s8], $0x0  }
0x24: {  	s3 =	sadd.s32 $0x88, s3;
	s6 =	simm.s32 @!p1 $0x1082;
	[sflag:s4] =	ssyncset.s32 $0xFFFFF086  }
0x25: {  	[simem:s6], [sflag:s4] =	dma.local [hbm:s3], $0xF7A  }
0x26: {  	[smem:$0x3F96] =	sst s1;
	(tag) =	ssettag s2;
	_ =	strace s9  }
0x27: {  	s1 =	sld [smem:$0x3FA6]  }
0x28: {  	s2 =	sld [smem:$0x3FA7]  }
0x29: {  	s4 =	sld [smem:$0x3FA9]  }
0x2a: {  	p0 =	seq.s32 s5, $0x0;
	s5 =	sld [smem:$0x3FAA]  }
0x2b: {  	s6 =	sld [smem:$0x3FAB]  }
0x2c: {  	s7 =	sld [smem:$0x3FAC]  }
0x2d: {  	s3 =	simm.s32 $0x108;
	s8 =	sld [smem:$0x3FAD]  }
0x2e: {  	s3 =	simm.s32 @!p0 $0x1082;
	s9 =	sld [smem:$0x3FAE]  }
0x2f: {  	lr =	sadd.s32 s0, s3;
	s0 =	sld [smem:$0x3FA5]  }
0x30: {  	s3 =	sld [smem:$0x3FA8]  }
0x31: {  	[smem:$0x3FB1] =	sst s10  }
0x32: {  	s10 =	sld [smem:$0x3FAF];
	_ =	sdelay $0x3  }
0x33: {  	p0 =	seq.s32 s10, $0x1;
	s10 =	sld [smem:$0x3FB1];
	_ =	sdelay $0x3  }
0x34: {  	[smem:$0x3FB1] =	sst s10  }
0x35: {  	s10 =	sld [smem:$0x3FB0];
	_ =	sdelay $0x3  }
0x36: {  	p1 =	seq.s32 s10, $0x1;
	s10 =	sld [smem:$0x3FB1];
	_ =	sdelay $0x3  }
0x37: {  	[smem:$0x3FB1] =	sst s10  }
0x38: {  	s10 =	sld [smem:$0x3FB2]  }
0x39: {  	_ = 	snop;
	(pc) =	sbr.ind lr, $3  }
0x3a: {  	_ = 	snop  }
0x3b: {  	_ = 	snop  }
0x3c: {  	p2 =	seq.s32 s10, $0x1;
	s10 =	sld [smem:$0x3FB1]  }
0x3d: {  	_ =	shalt  }
0x3e: {  	_ =	shalt  }
0x3f: {  	_ =	shalt  }
0x40: {  	_ =	shalt  }
0x41: {  	_ =	shalt  }
0x42: {  	_ =	shalt  }
0x43: {  	_ =	shalt  }
0x44: {  	_ =	shalt  }
0x45: {  	_ =	shalt  }
0x46: {  	_ =	shalt  }
0x47: {  	_ =	shalt  }
0x48: {  	_ =	shalt  }
0x49: {  	_ =	shalt  }
0x4a: {  	_ =	shalt  }
0x4b: {  	_ =	shalt  }
0x4c: {  	_ =	shalt  }
0x4d: {  	_ =	shalt  }
0x4e: {  	_ =	shalt  }
0x4f: {  	_ =	shalt  }
0x50: {  	_ =	shalt  }
0x51: {  	_ =	shalt  }
0x52: {  	_ =	shalt  }
0x53: {  	_ =	shalt  }
0x54: {  	_ =	shalt  }
0x55: {  	_ =	shalt  }
0x56: {  	_ =	shalt  }
0x57: {  	_ =	shalt  }
0x58: {  	_ =	shalt  }
0x59: {  	_ =	shalt  }
0x5a: {  	_ =	shalt  }
0x5b: {  	_ =	shalt  }
0x5c: {  	_ =	shalt  }
0x5d: {  	_ =	shalt  }
0x5e: {  	_ =	shalt  }
0x5f: {  	_ =	shalt  }
0x60: {  	_ =	shalt  }
0x61: {  	_ =	shalt  }
0x62: {  	_ =	shalt  }
0x63: {  	_ =	shalt  }
0x64: {  	_ =	shalt  }
0x65: {  	_ =	shalt  }
0x66: {  	_ =	shalt  }
0x67: {  	_ =	shalt  }
0x68: {  	_ =	shalt  }
0x69: {  	_ =	shalt  }
0x6a: {  	_ =	shalt  }
0x6b: {  	_ =	shalt  }
0x6c: {  	_ =	shalt  }
0x6d: {  	_ =	shalt  }
0x6e: {  	_ =	shalt  }
0x6f: {  	_ =	shalt  }
0x70: {  	_ =	shalt  }
0x71: {  	_ =	shalt  }
0x72: {  	_ =	shalt  }
0x73: {  	_ =	shalt  }
0x74: {  	_ =	shalt  }
0x75: {  	_ =	shalt  }
0x76: {  	_ =	shalt  }
0x77: {  	_ =	shalt  }
0x78: {  	_ =	shalt  }
0x79: {  	_ =	shalt  }
0x7a: {  	_ =	shalt  }
0x7b: {  	_ =	shalt  }
0x7c: {  	_ =	shalt  }
0x7d: {  	_ =	shalt  }
0x7e: {  	_ =	shalt  }
0x7f: {  	_ =	shalt  }
0x80: {  	_ =	shalt  }
0x81: {  	_ =	shalt  }
0x82: {  	_ =	shalt  }
0x83: {  	_ =	shalt  }
0x84: {  	_ =	shalt  }
0x85: {  	_ =	shalt  }
0x86: {  	_ =	shalt  }
0x87: {  	_ =	shalt  }
.Lfunc_end0:
.L_simem_size_0:
called_computation.2_lowered:
.L_overlay_start_0:
0x88: {  	s2 =	sld [smem:$0x3FD9]  }
0x89: {  	s3 =	sld [smem:$0x3FFE];
	_ =	sdelay $0x1  }
0x8a: {  	s1 =	srdreg.scid  }
0x8b: {  	s0 =	sand.u32 $0x1, s1  }
0x8c: {  	s15 =	sshll.u32 s0, $0xA;
	s2 =	sadd.s32 s3, s2  }
0x8d: {  	s2 =	sadd.s32 s2, s15  }
0x8e: {  	[smem:$0x3FBD] =	sst s2  }
0x8f: {  	_ = 	snop  }
0x90: {  	s2 =	sld [smem:$0x3FD0];
	_ =	sdelay $0x2  }
0x91: {  	s4 =	simm.s32 $0xD;
	s16 =	simm.s32 $0x10  }
0x92: {  	[smem:s16], [sflag:s4] =	dma.local [hbm:s2], $0x1  }
0x93: {  	_ =	swait.eq [sflag:s4], $0x1  }
0x94: {  	[sflag:s4] =	ssyncset.done $0x0  }
0x95: {  	s17 =	sld [smem:$0x10];
	[sflag:s4] =	ssyncadd.s32 $0xFFFFFFFF  }
0x96: {  	s18 =	sld [smem:$0x11];
	(tm) =	ssettm $0x1  }
0x97: {  	s19 =	sld [smem:$0x3FFB];
	_ =	sdelay $0x3  }
0x98: {  	_ =	strace s19  }
0x99: {  	s2 =	sld [smem:$0x3FFC];
	_ =	sdelay $0x3  }
0x9a: {  	_ =	strace s2  }
0x9b: {  	s2 =	sld [smem:$0x3FFD];
	_ =	sdelay $0x3  }
0x9c: {  	_ =	strace s2  }
0x9d: {  	_ =	strace $0x8FFFFFFF  }
0x9e: {  	s20 =	sld [smem:$0x3FDB];
	_ =	sdelay $0x1  }
0x9f: {  	s5 =	simm.s32 $_scs_section_size  }
0xa0: {  	s6 =	simm.s32 $_size__tile_overlayer_lowered;
	s7 =	simm.s32 $_tile_overlayer_lowered  }
0xa1: {  	s8 =	simm.s32 $0x1BFF;
	s21 =	sshll.u32 s7, $0x1;
	s5 =	sadd.s32 s5, s20  }
0xa2: {  	s22 =	simm.s32 $0x0;
	s6 =	sshll.u32 s6, $0x1;
	s7 =	sadd.s32 s21, s5  }
0xa3: {  	[timem:s22], [sflag:s8] =	dma.local [hbm:s7], s6  }
0xa4: {  	_ =	swait.ge [sflag:s8], s6  }
0xa5: {  	s6 =	ssub.s32 $0x0, s6;
	[sflag:s8] =	ssyncset.done $0x0  }
0xa6: {  	[sflag:s8] =	ssyncadd.s32 s6;
	_ =	sdelay $0x1  }
0xa7: {  	s23 =	simm.s32 $0x1B8B  }
0xa8: {  	_ =	swait.ge [sflag:s23], $0x1  }
0xa9: {  	[sflag:s23] =	ssyncset.done $0x0  }
0xaa: {  	[sflag:s23] =	ssyncadd.s32 $0xFFFFFFFF  }
0xab: {  	s6 =	sld [smem:$0x0]  }
0xac: {  	s7 =	sand.u32 $0xFFFFFFFE, s1  }
0xad: {  	p0 =	sne.s32 s1, s7  }
0xae: {  	s7 =	sshll.u32 @p0 s7, $0xE  }
0xaf: {  	s7 =	sadd.s32 @p0 $0x11B8D, s7;
	s8 =	sshll.u32 @p0 s6, $0x11  }
0xb0: {  	s7 =	sor.u32 @p0 s8, s7  }
0xb1: {  	[sflag:s7] =	ssyncadd.remote.s32 @p0 $0x1;
	_ =	sdelay $0x1  }
0xb2: {  	s7 =	simm.s32 @p0 $0x1B8D  }
0xb3: {  	_ =	swait.eq @p0 [sflag:s7], $0x1  }
0xb4: {  	[sflag:s7] =	ssyncadd.s32 @p0 $0xFFFFFFFF  }
0xb5: {  	s8 =	sshll.u32 @!p0 s1, $0xE  }
0xb6: {  	s8 =	sor.u32 @!p0 $0x4000, s8;
	s7 =	simm.s32 @!p0 $0x1B8D  }
0xb7: {  	s6 =	sshll.u32 @!p0 s6, $0x11;
	s8 =	sadd.s32 @!p0 $0x11B8D, s8;
	_ =	swait.eq @!p0 [sflag:s7], $0x1  }
0xb8: {  	s6 =	sor.u32 @!p0 s6, s8;
	[sflag:s7] =	ssyncadd.s32 @!p0 $0xFFFFFFFF  }
0xb9: {  	s25 =	simm.s32 $0x1B8E;
	s24 =	sld [smem:$0x3FFE];
	[sflag:s6] =	ssyncadd.remote.s32 @!p0 $0x1  }
0xba: {  	s26 =	simm.s32 $execute0_lowered;
	[smem:$0x3FD2] =	sst s25  }
0xbb: {  	s7 =	sshll.u32 s26, $0x1;
	_ =	strace $0x8000004C;
	[dreg:$0x1] =	wrdreg $0xFFFFFFFF  }
0xbc: {  	s28 =	simm.s32 $_size_execute0_lowered;
	s5 =	sadd.s32 s5, s7;
	[dreg:$0x0] =	wrdreg $0x0  }
0xbd: {  	s7 =	sshll.u32 s28, $0x1;
	[dreg:$0x2] =	wrdreg s5  }
0xbe: {  	[dreg:$0x3] =	wrdreg s7  }
0xbf: {  	[dreg:$0x4] =	wrdreg $0xC0  }
0xc0: {  	_ =	task [dreg:s22], $0x5FFFF  }
0xc1: {  	[dreg:$0x1] =	wrdreg $0xFFFFFFFF  }
0xc2: {  	[dreg:$0x0] =	wrdreg $0x60  }
0xc3: {  	[dreg:$0x2] =	wrdreg s17  }
0xc4: {  	[dreg:$0x3] =	wrdreg s18  }
0xc5: {  	[dreg:$0x4] =	wrdreg s24  }
0xc6: {  	[dreg:$0x5] =	wrdreg $0x0  }
0xc7: {  	[dreg:$0x6] =	wrdreg $0x9  }
0xc8: {  	_ =	task.clear_ibuf [dreg:s22], $0x7FFFF;
	_ =	strace $0x9000004C  }
0xc9: {  	s29 =	simm.s32 $0x9;
	_ =	strace $0x8000004E  }
0xca: {  	_ =	swait.ge [sflag:s29], $0x1  }
0xcb: {  	[sflag:s29] =	ssyncadd.s32 $0xFFFFFFFF  }
0xcc: {  	_ =	strace $0x9000004E  }
0xcd: {  	_ =	sfence  }
0xce: {  	s30 =	sld [smem:$0x0];
	_ =	sdelay $0x2  }
0xcf: {  	s31 =	sshll.u32 s1, $0xD;
	s1 =	sshrl.u32 s1, $0x2  }
0xd0: {  	s4 =	sand.u32 $0x4000, s31;
	s1 =	sadd.s32 s1, s30  }
0xd1: {  	s0 =	sor.u32 s4, s0;
	s1 =	sshll.u32 s1, $0x11  }
0xd2: {  	s0 =	sor.u32 s1, s0  }
0xd3: {  	s0 =	sadd.s32 $0x8F2B, s0  }
0xd4: {  	[sflag:s0] =	ssyncadd.remote.s32 $0x1  }
0xd5: {  	_ =	sfence.sel $0xFFFF  }
0xd6: {  	[dreg:$0x0] =	wrdreg $0xFFFFFFFF;
	(pc) =	sbr.abs _section_cstart, $3  }
0xd7: {  	[dreg:$0x1] =	wrdreg $0xFFFFFFFF  }
0xd8: {  	_ =	task.clear_ibuf [dreg:s22], $0x2FFFF;
	_ =	strace $0x9FFFFFFF  }
0xd9: {  	(tm) =	ssettm $0x7FFFFFFF  }
tec
execute0_lowered:
.L_overlay_start_1:
0x0: {  	(tag) =	ssettag $0x1  }
0x1: {  	s0 =	rddreg [dreg:$0x0]  }
0x2: {  	s1 =	rddreg [dreg:$0x1]  }
0x3: {  	s4 =	rddreg [dreg:$0x2]  }
0x4: {  	s2 =	rddreg [dreg:$0x3]  }
0x5: {  	s14 =	stileid.u32;
	s5 =	srdreg.scid  }
0x6: {  	s3 =	simm.s32 $0x0;
	s28 =	simm.s32 $0x14100;
	s7 =	smul.u32 $0x2780, s14  }
0x7: {  	s29 =	simm.s32 $0x14180;
	s30 =	simm.s32 $0x14200;
	s8 =	smul.u32 $0x4F000, s14  }
0x8: {  	s31 =	simm.s32 $0x14280;
	s5 =	sand.u32 $0x1, s5;
	s10 =	smul.u32 $0x5000, s14  }
0x9: {  	[smem:$0x7FF] =	sst s3;
	s9 =	sadd.s32 $0xA3F600, s4;
	s16 =	smul.u32 $0x6800, s14  }
0xa: {  	s18 =	sshll.u32 s14, $0x6;
	s14 =	simm.s32 $0x80;
	s6 =	smul.u32 $0x27800, s5  }
0xb: {  	_ =	strace $0x8000004D;
	[dreg:$0x5] =	wrdreg s9;
	s13 =	smul.u32 $0x2800, s5  }
0xc: {  	s15 =	ssub.s32 $0x2, s5;
	s19 =	smul.u32 $0x3400, s5;
	s11 =	sadd.s32 s7, s4  }
0xd: {  	s12 =	sshrl.u32 s15, $0x1;
	s17 =	sshrl.u32 s8, $0x2;
	s4 =	sadd.s32 s6, s4  }
0xe: {  	s9 =	ssub.s32 s15, s12;
	s15 =	sadd.s32 s17, s2;
	s20 =	sadd.s32 $0xA17E00, s11  }
0xf: {  	s6 =	sor.u32 $0x1C02, s18;
	s21 =	sadd.s32 s13, s10;
	s22 =	sadd.s32 s19, s16  }
0x10: {  	s11 =	simm.s32 $0x2;
	s12 =	simm.s32 $0x14400;
	s13 =	simm.s32 $0x13C00  }
0x11: {  	s16 =	simm.s32 $0x13D00;
	s17 =	simm.s32 $0x13D80;
	s18 =	simm.s32 $0x13E00  }
0x12: {  	s19 =	simm.s32 $0x13E80;
	[dreg:$0x6] =	wrdreg s20;
	s23 =	sadd.s32 $0xA3FE00, s4  }
0x13: {  	s4 =	sadd.s32 $0xA8EE00, s4;
	s8 =	sshrl.u32 s21, $0x3;
	s10 =	sshrl.u32 s22, $0x3  }
0x14: {  	s24 =	smax.u32 s9, $0x1;
	s20 =	simm.s32 $0x13F00;
	s21 =	simm.s32 $0x13F80  }
0x15: {  	s22 =	simm.s32 $0x1;
	[dreg:$0x7] =	wrdreg s24;
	s8 =	sadd.s32 s8, s0  }
0x16: {  	s9 =	sadd.s32 s10, s1;
	s10 =	sshrl.u32 s15, $0x3;
	s15 =	simm.s32 $0x13C80  }
0x17: {  	s25 =	sadd.s32 s7, s23;
	s26 =	sadd.s32 s7, s4;
	s0 =	simm.s32 $0x14300  }
0x18: {  	s1 =	simm.s32 $0x14380;
	s4 =	simm.s32 $0x0;
	[dreg:$0x8] =	wrdreg s25  }
0x19: {  	[dreg:$0x9] =	wrdreg s26;
	s25 =	simm.s32 $0x14000;
	s26 =	simm.s32 $0x14080  }
.LBB2_1:
0x1a: {  	s5 =	rddreg [dreg:$0x6]  }
0x1b: {  	[spmem:s10], [sflag:s6] =	dma.local [hbm:s5], $0x2780  }
0x1c: {  	_ =	swait.ge [sflag:s11], $0x2780  }
0x1d: {  	[sflag:s11] =	ssyncset.done $0x0  }
0x1e: {  	s24 =	rddreg [dreg:$0x5];
	[sflag:s11] =	ssyncadd.s32 $0xFFFFD880  }
0x1f: {  	[tilespmem:s12], [sflag:$0x2] =	stream.linear.gather [hbm4b:s24+s3], $0x4000, $0x38;
	[tilespmem:$0x18400] =	vst v63  }
0x20: {  	_ =	swait.ge [sflag:s11], $0x4000  }
0x21: {  	[sflag:s11] =	ssyncset.done $0x0  }
0x22: {  	[sflag:s11] =	ssyncadd.s32 $0xFFFFC000  }
0x23: {  	s7 =	sadd.s32 $0x0, s8;
	[bflag:$0x0] =	sbarrier.arrive $0xFFFF  }
0x24: {  	[tilespmem:s13], [sflag:$0x2] =	stream.linear.gather [hbm4b:s7+s3], $0x400, $0x38;
	[tilespmem:$0x18400] =	vst v63  }
0x25: {  	_ =	swait.ge [sflag:s11], $0x400  }
0x26: {  	[sflag:s11] =	ssyncset.done $0x0  }
0x27: {  	[sflag:s11] =	ssyncadd.s32 $0xFFFFFC00  }
0x28: {  	[spmem:s2] =	stream.indirect.scatter.add.f32 [tilespmem:s12], [sflag:$0x1], $0x80, s13, s14, $0xb8;
	[tilespmem:$0x18400] =	vst v63  }
0x29: {  	_ = 	snop  }
0x2a: {  	[spmem:s2] =	stream.indirect.scatter.add.f32 [tilespmem:s12], [sflag:$0x1], $0x80, s15, s14, $0xb8;
	[tilespmem:$0x18400] =	vst v63  }
0x2b: {  	_ = 	snop  }
0x2c: {  	[spmem:s2] =	stream.indirect.scatter.add.f32 [tilespmem:s12], [sflag:$0x1], $0x80, s16, s14, $0xb8;
	[tilespmem:$0x18400] =	vst v63  }
0x2d: {  	_ = 	snop  }
0x2e: {  	[spmem:s2] =	stream.indirect.scatter.add.f32 [tilespmem:s12], [sflag:$0x1], $0x80, s17, s14, $0xb8;
	[tilespmem:$0x18400] =	vst v63  }
0x2f: {  	_ = 	snop  }
0x30: {  	[spmem:s2] =	stream.indirect.scatter.add.f32 [tilespmem:s12], [sflag:$0x1], $0x80, s18, s14, $0xb8;
	[tilespmem:$0x18400] =	vst v63  }
0x31: {  	_ = 	snop  }
0x32: {  	[spmem:s2] =	stream.indirect.scatter.add.f32 [tilespmem:s12], [sflag:$0x1], $0x80, s19, s14, $0xb8;
	[tilespmem:$0x18400] =	vst v63  }
0x33: {  	_ = 	snop  }
0x34: {  	[spmem:s2] =	stream.indirect.scatter.add.f32 [tilespmem:s12], [sflag:$0x1], $0x80, s20, s14, $0xb8;
	[tilespmem:$0x18400] =	vst v63  }
0x35: {  	_ = 	snop  }
0x36: {  	[spmem:s2] =	stream.indirect.scatter.add.f32 [tilespmem:s12], [sflag:$0x1], $0x80, s21, s14, $0xb8;
	[tilespmem:$0x18400] =	vst v63  }
0x37: {  	_ =	swait.ge [sflag:s22], $0x4000  }
0x38: {  	[sflag:s22] =	ssyncset.done $0x0  }
0x39: {  	[sflag:s22] =	ssyncadd.s32 $0xFFFFC000  }
0x3a: {  	_ =	swait.ge [sflag:s22], $0x4000  }
0x3b: {  	[sflag:s22] =	ssyncset.done $0x0  }
0x3c: {  	[sflag:s22] =	ssyncadd.s32 $0xFFFFC000  }
0x3d: {  	_ =	swait.ge [sflag:s22], $0x4000  }
0x3e: {  	[sflag:s22] =	ssyncset.done $0x0  }
0x3f: {  	[sflag:s22] =	ssyncadd.s32 $0xFFFFC000  }
0x40: {  	_ =	swait.ge [sflag:s22], $0x4000  }
0x41: {  	[sflag:s22] =	ssyncset.done $0x0  }
0x42: {  	[sflag:s22] =	ssyncadd.s32 $0xFFFFC000  }
0x43: {  	_ =	swait.ge [sflag:s22], $0x4000  }
0x44: {  	[sflag:s22] =	ssyncset.done $0x0  }
0x45: {  	[sflag:s22] =	ssyncadd.s32 $0xFFFFC000  }
0x46: {  	_ =	swait.ge [sflag:s22], $0x4000  }
0x47: {  	[sflag:s22] =	ssyncset.done $0x0  }
0x48: {  	[sflag:s22] =	ssyncadd.s32 $0xFFFFC000  }
0x49: {  	_ =	swait.ge [sflag:s22], $0x4000  }
0x4a: {  	[sflag:s22] =	ssyncset.done $0x0  }
0x4b: {  	[sflag:s22] =	ssyncadd.s32 $0xFFFFC000  }
0x4c: {  	_ =	swait.ge [sflag:s22], $0x4000  }
0x4d: {  	s23 =	simm.s32 $0x100;
	s7 =	simm.s32 $0x80;
	[sflag:s22] =	ssyncset.done $0x0  }
.LBB2_2:
0x4e: {  	s5 =	sadd.s32 s7, s8  }
0x4f: {  	[sflag:s22] =	ssyncadd.s32 $0xFFFFC000;
	s7 =	smov.u32 s23;
	s24 =	sadd.s32 $0x80, s23  }
0x50: {  	[tilespmem:s13], [sflag:$0x2] =	stream.linear.gather [hbm4b:s5+s3], $0x400, $0x38;
	[tilespmem:$0x18400] =	vst v63  }
0x51: {  	p0 =	sne.s32 s23, $0x480;
	_ =	swait.ge [sflag:s11], $0x400  }
0x52: {  	[sflag:s11] =	ssyncset.done $0x0  }
0x53: {  	[sflag:s11] =	ssyncadd.s32 $0xFFFFFC00  }
0x54: {  	[spmem:s2] =	stream.indirect.scatter.add.f32 [tilespmem:s12], [sflag:$0x1], $0x80, s13, s14, $0xb8;
	[tilespmem:$0x18400] =	vst v63  }
0x55: {  	_ = 	snop  }
0x56: {  	[spmem:s2] =	stream.indirect.scatter.add.f32 [tilespmem:s12], [sflag:$0x1], $0x80, s15, s14, $0xb8;
	[tilespmem:$0x18400] =	vst v63  }
0x57: {  	_ = 	snop  }
0x58: {  	[spmem:s2] =	stream.indirect.scatter.add.f32 [tilespmem:s12], [sflag:$0x1], $0x80, s16, s14, $0xb8;
	[tilespmem:$0x18400] =	vst v63  }
0x59: {  	_ = 	snop  }
0x5a: {  	[spmem:s2] =	stream.indirect.scatter.add.f32 [tilespmem:s12], [sflag:$0x1], $0x80, s17, s14, $0xb8;
	[tilespmem:$0x18400] =	vst v63  }
0x5b: {  	_ = 	snop  }
0x5c: {  	[spmem:s2] =	stream.indirect.scatter.add.f32 [tilespmem:s12], [sflag:$0x1], $0x80, s18, s14, $0xb8;
	[tilespmem:$0x18400] =	vst v63  }
0x5d: {  	_ = 	snop  }
0x5e: {  	[spmem:s2] =	stream.indirect.scatter.add.f32 [tilespmem:s12], [sflag:$0x1], $0x80, s19, s14, $0xb8;
	[tilespmem:$0x18400] =	vst v63  }
0x5f: {  	_ = 	snop  }
0x60: {  	[spmem:s2] =	stream.indirect.scatter.add.f32 [tilespmem:s12], [sflag:$0x1], $0x80, s20, s14, $0xb8;
	[tilespmem:$0x18400] =	vst v63  }
0x61: {  	_ = 	snop  }
0x62: {  	[spmem:s2] =	stream.indirect.scatter.add.f32 [tilespmem:s12], [sflag:$0x1], $0x80, s21, s14, $0xb8;
	[tilespmem:$0x18400] =	vst v63  }
0x63: {  	_ =	swait.ge [sflag:s22], $0x4000  }
0x64: {  	[sflag:s22] =	ssyncset.done $0x0  }
0x65: {  	[sflag:s22] =	ssyncadd.s32 $0xFFFFC000  }
0x66: {  	_ =	swait.ge [sflag:s22], $0x4000  }
0x67: {  	[sflag:s22] =	ssyncset.done $0x0  }
0x68: {  	[sflag:s22] =	ssyncadd.s32 $0xFFFFC000  }
0x69: {  	_ =	swait.ge [sflag:s22], $0x4000  }
0x6a: {  	[sflag:s22] =	ssyncset.done $0x0  }
0x6b: {  	[sflag:s22] =	ssyncadd.s32 $0xFFFFC000  }
0x6c: {  	_ =	swait.ge [sflag:s22], $0x4000  }
0x6d: {  	[sflag:s22] =	ssyncset.done $0x0  }
0x6e: {  	[sflag:s22] =	ssyncadd.s32 $0xFFFFC000  }
0x6f: {  	_ =	swait.ge [sflag:s22], $0x4000  }
0x70: {  	[sflag:s22] =	ssyncset.done $0x0  }
0x71: {  	[sflag:s22] =	ssyncadd.s32 $0xFFFFC000  }
0x72: {  	_ =	swait.ge [sflag:s22], $0x4000  }
0x73: {  	[sflag:s22] =	ssyncset.done $0x0  }
0x74: {  	[sflag:s22] =	ssyncadd.s32 $0xFFFFC000  }
.Ltmp0:
0x75: {  	_ =	swait.ge [sflag:s22], $0x4000;
	(pc) =	sbr.rel @p0 .LBB2_2-.Ltmp0, $4  }
0x76: {  	[sflag:s22] =	ssyncset.done $0x0  }
0x77: {  	[sflag:s22] =	ssyncadd.s32 $0xFFFFC000  }
0x78: {  	_ =	swait.ge [sflag:s22], $0x4000  }
0x79: {  	s23 =	smov.u32 s24;
	[sflag:s22] =	ssyncset.done $0x0  }
0x7a: {  	s5 =	sadd.s32 s7, s8;
	[sflag:s22] =	ssyncadd.s32 $0xFFFFC000  }
0x7b: {  	[tilespmem:s13], [sflag:$0x2] =	stream.linear.gather [hbm4b:s5+s3], $0x400, $0x38;
	[tilespmem:$0x18400] =	vst v63  }
0x7c: {  	_ =	swait.ge [sflag:s11], $0x400  }
0x7d: {  	[sflag:s11] =	ssyncset.done $0x0  }
0x7e: {  	[sflag:s11] =	ssyncadd.s32 $0xFFFFFC00  }
0x7f: {  	[spmem:s2] =	stream.indirect.scatter.add.f32 [tilespmem:s12], [sflag:$0x1], $0x80, s13, s14, $0xb8;
	[tilespmem:$0x18400] =	vst v63  }
0x80: {  	_ = 	snop  }
0x81: {  	[spmem:s2] =	stream.indirect.scatter.add.f32 [tilespmem:s12], [sflag:$0x1], $0x80, s15, s14, $0xb8;
	[tilespmem:$0x18400] =	vst v63  }
0x82: {  	_ = 	snop  }
0x83: {  	[spmem:s2] =	stream.indirect.scatter.add.f32 [tilespmem:s12], [sflag:$0x1], $0x80, s16, s14, $0xb8;
	[tilespmem:$0x18400] =	vst v63  }
0x84: {  	_ = 	snop  }
0x85: {  	[spmem:s2] =	stream.indirect.scatter.add.f32 [tilespmem:s12], [sflag:$0x1], $0x80, s17, s14, $0xb8;
	[tilespmem:$0x18400] =	vst v63  }
0x86: {  	_ = 	snop  }
0x87: {  	[spmem:s2] =	stream.indirect.scatter.add.f32 [tilespmem:s12], [sflag:$0x1], $0x80, s18, s14, $0xb8;
	[tilespmem:$0x18400] =	vst v63  }
0x88: {  	_ = 	snop  }
0x89: {  	[spmem:s2] =	stream.indirect.scatter.add.f32 [tilespmem:s12], [sflag:$0x1], $0x80, s19, s14, $0xb8;
	[tilespmem:$0x18400] =	vst v63  }
0x8a: {  	_ = 	snop  }
0x8b: {  	[spmem:s2] =	stream.indirect.scatter.add.f32 [tilespmem:s12], [sflag:$0x1], $0x80, s20, s14, $0xb8;
	[tilespmem:$0x18400] =	vst v63  }
0x8c: {  	_ = 	snop  }
0x8d: {  	[spmem:s2] =	stream.indirect.scatter.add.f32 [tilespmem:s12], [sflag:$0x1], $0x80, s21, s14, $0xb8;
	[tilespmem:$0x18400] =	vst v63  }
0x8e: {  	_ =	swait.ge [sflag:s22], $0x4000  }
0x8f: {  	[sflag:s22] =	ssyncset.done $0x0  }
0x90: {  	[sflag:s22] =	ssyncadd.s32 $0xFFFFC000  }
0x91: {  	_ =	swait.ge [sflag:s22], $0x4000  }
0x92: {  	[sflag:s22] =	ssyncset.done $0x0  }
0x93: {  	[sflag:s22] =	ssyncadd.s32 $0xFFFFC000  }
0x94: {  	_ =	swait.ge [sflag:s22], $0x4000  }
0x95: {  	[sflag:s22] =	ssyncset.done $0x0  }
0x96: {  	[sflag:s22] =	ssyncadd.s32 $0xFFFFC000  }
0x97: {  	_ =	swait.ge [sflag:s22], $0x4000  }
0x98: {  	[sflag:s22] =	ssyncset.done $0x0  }
0x99: {  	[sflag:s22] =	ssyncadd.s32 $0xFFFFC000  }
0x9a: {  	_ =	swait.ge [sflag:s22], $0x4000  }
0x9b: {  	[sflag:s22] =	ssyncset.done $0x0  }
0x9c: {  	[sflag:s22] =	ssyncadd.s32 $0xFFFFC000  }
0x9d: {  	_ =	swait.ge [sflag:s22], $0x4000  }
0x9e: {  	[sflag:s22] =	ssyncset.done $0x0  }
0x9f: {  	[sflag:s22] =	ssyncadd.s32 $0xFFFFC000  }
0xa0: {  	_ =	swait.ge [sflag:s22], $0x4000  }
0xa1: {  	[sflag:s22] =	ssyncset.done $0x0  }
0xa2: {  	[sflag:s22] =	ssyncadd.s32 $0xFFFFC000  }
0xa3: {  	_ =	swait.ge [sflag:s22], $0x4000  }
0xa4: {  	[sflag:s22] =	ssyncset.done $0x0  }
0xa5: {  	[sflag:s22] =	ssyncadd.s32 $0xFFFFC000  }
0xa6: {  	[bflag:$0x0] =	sbarrier.arrive $0xFFFF  }
0xa7: {  	s7 =	rddreg [dreg:$0x8]  }
0xa8: {  	[hbm:s7], [sflag:s6] =	dma.local [spmem:s10], $0x2780  }
0xa9: {  	_ =	swait.ge [sflag:s11], $0x2780  }
0xaa: {  	[sflag:s11] =	ssyncset.done $0x0  }
0xab: {  	[sflag:s11] =	ssyncadd.s32 $0xFFFFD880  }
0xac: {  	[bflag:$0x0] =	sbarrier.arrive $0xFFFF  }
0xad: {  	s23 =	rddreg [dreg:$0x6]  }
0xae: {  	[spmem:s10], [sflag:s6] =	dma.local [hbm:s23], $0x2780  }
0xaf: {  	_ =	swait.ge [sflag:s11], $0x2780  }
0xb0: {  	[sflag:s11] =	ssyncset.done $0x0  }
0xb1: {  	[sflag:s11] =	ssyncadd.s32 $0xFFFFD880  }
0xb2: {  	s24 =	sadd.s32 $0x0, s9;
	[bflag:$0x0] =	sbarrier.arrive $0xFFFF  }
0xb3: {  	[tilespmem:s25], [sflag:$0x2] =	stream.linear.gather [hbm4b:s24+s3], $0x400, $0x38;
	[tilespmem:$0x18400] =	vst v63  }
0xb4: {  	_ =	swait.ge [sflag:s11], $0x400  }
0xb5: {  	[sflag:s11] =	ssyncset.done $0x0  }
0xb6: {  	[sflag:s11] =	ssyncadd.s32 $0xFFFFFC00  }
0xb7: {  	[spmem:s2] =	stream.indirect.scatter.add.f32 [tilespmem:s12], [sflag:$0x1], $0x80, s25, s14, $0xb8;
	[tilespmem:$0x18400] =	vst v63  }
0xb8: {  	_ = 	snop  }
0xb9: {  	[spmem:s2] =	stream.indirect.scatter.add.f32 [tilespmem:s12], [sflag:$0x1], $0x80, s26, s14, $0xb8;
	[tilespmem:$0x18400] =	vst v63  }
0xba: {  	_ = 	snop  }
0xbb: {  	[spmem:s2] =	stream.indirect.scatter.add.f32 [tilespmem:s12], [sflag:$0x1], $0x80, s28, s14, $0xb8;
	[tilespmem:$0x18400] =	vst v63  }
0xbc: {  	_ = 	snop  }
0xbd: {  	[spmem:s2] =	stream.indirect.scatter.add.f32 [tilespmem:s12], [sflag:$0x1], $0x80, s29, s14, $0xb8;
	[tilespmem:$0x18400] =	vst v63  }
0xbe: {  	_ = 	snop  }
0xbf: {  	[spmem:s2] =	stream.indirect.scatter.add.f32 [tilespmem:s12], [sflag:$0x1], $0x80, s30, s14, $0xb8;
	[tilespmem:$0x18400] =	vst v63  }
0xc0: {  	_ = 	snop  }
0xc1: {  	[spmem:s2] =	stream.indirect.scatter.add.f32 [tilespmem:s12], [sflag:$0x1], $0x80, s31, s14, $0xb8;
	[tilespmem:$0x18400] =	vst v63  }
0xc2: {  	_ = 	snop  }
0xc3: {  	[spmem:s2] =	stream.indirect.scatter.add.f32 [tilespmem:s12], [sflag:$0x1], $0x80, s0, s14, $0xb8;
	[tilespmem:$0x18400] =	vst v63  }
0xc4: {  	_ = 	snop  }
0xc5: {  	[spmem:s2] =	stream.indirect.scatter.add.f32 [tilespmem:s12], [sflag:$0x1], $0x80, s1, s14, $0xb8;
	[tilespmem:$0x18400] =	vst v63  }
0xc6: {  	_ =	swait.ge [sflag:s22], $0x4000  }
0xc7: {  	[sflag:s22] =	ssyncset.done $0x0  }
0xc8: {  	[sflag:s22] =	ssyncadd.s32 $0xFFFFC000  }
0xc9: {  	_ =	swait.ge [sflag:s22], $0x4000  }
0xca: {  	[sflag:s22] =	ssyncset.done $0x0  }
0xcb: {  	[sflag:s22] =	ssyncadd.s32 $0xFFFFC000  }
0xcc: {  	_ =	swait.ge [sflag:s22], $0x4000  }
0xcd: {  	[sflag:s22] =	ssyncset.done $0x0  }
0xce: {  	[sflag:s22] =	ssyncadd.s32 $0xFFFFC000  }
0xcf: {  	_ =	swait.ge [sflag:s22], $0x4000  }
0xd0: {  	[sflag:s22] =	ssyncset.done $0x0  }
0xd1: {  	[sflag:s22] =	ssyncadd.s32 $0xFFFFC000  }
0xd2: {  	_ =	swait.ge [sflag:s22], $0x4000  }
0xd3: {  	[sflag:s22] =	ssyncset.done $0x0  }
0xd4: {  	[sflag:s22] =	ssyncadd.s32 $0xFFFFC000  }
0xd5: {  	_ =	swait.ge [sflag:s22], $0x4000  }
0xd6: {  	[sflag:s22] =	ssyncset.done $0x0  }
0xd7: {  	[sflag:s22] =	ssyncadd.s32 $0xFFFFC000  }
0xd8: {  	_ =	swait.ge [sflag:s22], $0x4000  }
0xd9: {  	[sflag:s22] =	ssyncset.done $0x0  }
0xda: {  	[sflag:s22] =	ssyncadd.s32 $0xFFFFC000  }
0xdb: {  	_ =	swait.ge [sflag:s22], $0x4000  }
0xdc: {  	s7 =	simm.s32 $0x80;
	s24 =	simm.s32 $0x100;
	[sflag:s22] =	ssyncset.done $0x0  }
.LBB2_4:
0xdd: {  	s5 =	sadd.s32 s7, s9  }
0xde: {  	[sflag:s22] =	ssyncadd.s32 $0xFFFFC000;
	s7 =	smov.u32 s24;
	s23 =	sadd.s32 $0x80, s24  }
0xdf: {  	[tilespmem:s25], [sflag:$0x2] =	stream.linear.gather [hbm4b:s5+s3], $0x400, $0x38;
	[tilespmem:$0x18400] =	vst v63  }
0xe0: {  	p0 =	sne.s32 s24, $0x600;
	_ =	swait.ge [sflag:s11], $0x400  }
0xe1: {  	[sflag:s11] =	ssyncset.done $0x0  }
0xe2: {  	[sflag:s11] =	ssyncadd.s32 $0xFFFFFC00  }
0xe3: {  	[spmem:s2] =	stream.indirect.scatter.add.f32 [tilespmem:s12], [sflag:$0x1], $0x80, s25, s14, $0xb8;
	[tilespmem:$0x18400] =	vst v63  }
0xe4: {  	_ = 	snop  }
0xe5: {  	[spmem:s2] =	stream.indirect.scatter.add.f32 [tilespmem:s12], [sflag:$0x1], $0x80, s26, s14, $0xb8;
	[tilespmem:$0x18400] =	vst v63  }
0xe6: {  	_ = 	snop  }
0xe7: {  	[spmem:s2] =	stream.indirect.scatter.add.f32 [tilespmem:s12], [sflag:$0x1], $0x80, s28, s14, $0xb8;
	[tilespmem:$0x18400] =	vst v63  }
0xe8: {  	_ = 	snop  }
0xe9: {  	[spmem:s2] =	stream.indirect.scatter.add.f32 [tilespmem:s12], [sflag:$0x1], $0x80, s29, s14, $0xb8;
	[tilespmem:$0x18400] =	vst v63  }
0xea: {  	_ = 	snop  }
0xeb: {  	[spmem:s2] =	stream.indirect.scatter.add.f32 [tilespmem:s12], [sflag:$0x1], $0x80, s30, s14, $0xb8;
	[tilespmem:$0x18400] =	vst v63  }
0xec: {  	_ = 	snop  }
0xed: {  	[spmem:s2] =	stream.indirect.scatter.add.f32 [tilespmem:s12], [sflag:$0x1], $0x80, s31, s14, $0xb8;
	[tilespmem:$0x18400] =	vst v63  }
0xee: {  	_ = 	snop  }
0xef: {  	[spmem:s2] =	stream.indirect.scatter.add.f32 [tilespmem:s12], [sflag:$0x1], $0x80, s0, s14, $0xb8;
	[tilespmem:$0x18400] =	vst v63  }
0xf0: {  	_ = 	snop  }
0xf1: {  	[spmem:s2] =	stream.indirect.scatter.add.f32 [tilespmem:s12], [sflag:$0x1], $0x80, s1, s14, $0xb8;
	[tilespmem:$0x18400] =	vst v63  }
0xf2: {  	_ =	swait.ge [sflag:s22], $0x4000  }
0xf3: {  	[sflag:s22] =	ssyncset.done $0x0  }
0xf4: {  	[sflag:s22] =	ssyncadd.s32 $0xFFFFC000  }
0xf5: {  	_ =	swait.ge [sflag:s22], $0x4000  }
0xf6: {  	[sflag:s22] =	ssyncset.done $0x0  }
0xf7: {  	[sflag:s22] =	ssyncadd.s32 $0xFFFFC000  }
0xf8: {  	_ =	swait.ge [sflag:s22], $0x4000  }
0xf9: {  	[sflag:s22] =	ssyncset.done $0x0  }
0xfa: {  	[sflag:s22] =	ssyncadd.s32 $0xFFFFC000  }
0xfb: {  	_ =	swait.ge [sflag:s22], $0x4000  }
0xfc: {  	[sflag:s22] =	ssyncset.done $0x0  }
0xfd: {  	[sflag:s22] =	ssyncadd.s32 $0xFFFFC000  }
0xfe: {  	_ =	swait.ge [sflag:s22], $0x4000  }
0xff: {  	[sflag:s22] =	ssyncset.done $0x0  }
0x100: {  	[sflag:s22] =	ssyncadd.s32 $0xFFFFC000  }
0x101: {  	_ =	swait.ge [sflag:s22], $0x4000  }
0x102: {  	[sflag:s22] =	ssyncset.done $0x0  }
0x103: {  	[sflag:s22] =	ssyncadd.s32 $0xFFFFC000  }
.Ltmp1:
0x104: {  	_ =	swait.ge [sflag:s22], $0x4000;
	(pc) =	sbr.rel @p0 .LBB2_4-.Ltmp1, $4  }
0x105: {  	[sflag:s22] =	ssyncset.done $0x0  }
0x106: {  	[sflag:s22] =	ssyncadd.s32 $0xFFFFC000  }
0x107: {  	_ =	swait.ge [sflag:s22], $0x4000  }
0x108: {  	s24 =	smov.u32 s23;
	[sflag:s22] =	ssyncset.done $0x0  }
0x109: {  	s5 =	sadd.s32 s7, s9;
	[sflag:s22] =	ssyncadd.s32 $0xFFFFC000  }
0x10a: {  	[tilespmem:s25], [sflag:$0x2] =	stream.linear.gather [hbm4b:s5+s3], $0x400, $0x38;
	[tilespmem:$0x18400] =	vst v63  }
0x10b: {  	_ =	swait.ge [sflag:s11], $0x400  }
0x10c: {  	[sflag:s11] =	ssyncset.done $0x0  }
0x10d: {  	[sflag:s11] =	ssyncadd.s32 $0xFFFFFC00  }
0x10e: {  	[spmem:s2] =	stream.indirect.scatter.add.f32 [tilespmem:s12], [sflag:$0x1], $0x80, s25, s14, $0xb8;
	[tilespmem:$0x18400] =	vst v63  }
0x10f: {  	_ = 	snop  }
0x110: {  	[spmem:s2] =	stream.indirect.scatter.add.f32 [tilespmem:s12], [sflag:$0x1], $0x80, s26, s14, $0xb8;
	[tilespmem:$0x18400] =	vst v63  }
0x111: {  	_ = 	snop  }
0x112: {  	[spmem:s2] =	stream.indirect.scatter.add.f32 [tilespmem:s12], [sflag:$0x1], $0x80, s28, s14, $0xb8;
	[tilespmem:$0x18400] =	vst v63  }
0x113: {  	_ = 	snop  }
0x114: {  	[spmem:s2] =	stream.indirect.scatter.add.f32 [tilespmem:s12], [sflag:$0x1], $0x80, s29, s14, $0xb8;
	[tilespmem:$0x18400] =	vst v63  }
0x115: {  	_ = 	snop  }
0x116: {  	[spmem:s2] =	stream.indirect.scatter.add.f32 [tilespmem:s12], [sflag:$0x1], $0x80, s30, s14, $0xb8;
	[tilespmem:$0x18400] =	vst v63  }
0x117: {  	_ = 	snop  }
0x118: {  	[spmem:s2] =	stream.indirect.scatter.add.f32 [tilespmem:s12], [sflag:$0x1], $0x80, s31, s14, $0xb8;
	[tilespmem:$0x18400] =	vst v63  }
0x119: {  	_ = 	snop  }
0x11a: {  	[spmem:s2] =	stream.indirect.scatter.add.f32 [tilespmem:s12], [sflag:$0x1], $0x80, s0, s14, $0xb8;
	[tilespmem:$0x18400] =	vst v63  }
0x11b: {  	_ = 	snop  }
0x11c: {  	[spmem:s2] =	stream.indirect.scatter.add.f32 [tilespmem:s12], [sflag:$0x1], $0x80, s1, s14, $0xb8;
	[tilespmem:$0x18400] =	vst v63  }
0x11d: {  	_ =	swait.ge [sflag:s22], $0x4000  }
0x11e: {  	[sflag:s22] =	ssyncset.done $0x0  }
0x11f: {  	[sflag:s22] =	ssyncadd.s32 $0xFFFFC000  }
0x120: {  	_ =	swait.ge [sflag:s22], $0x4000  }
0x121: {  	[sflag:s22] =	ssyncset.done $0x0  }
0x122: {  	[sflag:s22] =	ssyncadd.s32 $0xFFFFC000  }
0x123: {  	_ =	swait.ge [sflag:s22], $0x4000  }
0x124: {  	[sflag:s22] =	ssyncset.done $0x0  }
0x125: {  	[sflag:s22] =	ssyncadd.s32 $0xFFFFC000  }
0x126: {  	_ =	swait.ge [sflag:s22], $0x4000  }
0x127: {  	[sflag:s22] =	ssyncset.done $0x0  }
0x128: {  	[sflag:s22] =	ssyncadd.s32 $0xFFFFC000  }
0x129: {  	_ =	swait.ge [sflag:s22], $0x4000  }
0x12a: {  	[sflag:s22] =	ssyncset.done $0x0  }
0x12b: {  	[sflag:s22] =	ssyncadd.s32 $0xFFFFC000  }
0x12c: {  	_ =	swait.ge [sflag:s22], $0x4000  }
0x12d: {  	[sflag:s22] =	ssyncset.done $0x0  }
0x12e: {  	[sflag:s22] =	ssyncadd.s32 $0xFFFFC000  }
0x12f: {  	_ =	swait.ge [sflag:s22], $0x4000  }
0x130: {  	[sflag:s22] =	ssyncset.done $0x0  }
0x131: {  	[sflag:s22] =	ssyncadd.s32 $0xFFFFC000  }
0x132: {  	_ =	swait.ge [sflag:s22], $0x4000  }
0x133: {  	[sflag:s22] =	ssyncset.done $0x0  }
0x134: {  	[sflag:s22] =	ssyncadd.s32 $0xFFFFC000  }
0x135: {  	[bflag:$0x0] =	sbarrier.arrive $0xFFFF  }
0x136: {  	s23 =	rddreg [dreg:$0x9]  }
0x137: {  	[hbm:s23], [sflag:s6] =	dma.local [spmem:s10], $0x2780  }
0x138: {  	_ =	swait.ge [sflag:s11], $0x2780  }
0x139: {  	s4 =	sadd.s32 $0x1, s4;
	s24 =	rddreg [dreg:$0x7]  }
0x13a: {  	p0 =	sne.s32 s4, s24  }
.Ltmp2:
0x13b: {  	_ = 	snop;
	(pc) =	sbr.rel @p0 .LBB2_1-.Ltmp2, $3  }
0x13c: {  	_ =	sdelay $0x1  }
0x13d: {  	[sflag:s11] =	ssyncset.done $0x0  }
0x13e: {  	[sflag:s11] =	ssyncadd.s32 $0xFFFFD880  }
0x13f: {  	_ =	sfence.sel $0x180000  }
0x140: {  	[bflag:$0x0] =	sbarrier.arrive $0xFFFF  }
0x141: {  	_ =	strace $0x9000004D  }
0x142: {  	s0 =	stileid.u32;
	[bflag:$0x2] =	sbarrier.arrive $0xFFFF  }
0x143: {  	p0 =	sne.s32 s0, $0x0;
	s0 =	rddreg [dreg:$0x4]  }
0x144: {  	s0 =	sadd.s32 @!p0 $0x100000, s0  }
0x145: {  	[sflag:s0] =	ssyncadd.tile.s32 @!p0 $0x1;
	_ =	shalt  }
.Lfunc_end2:
_tile_overlayer_lowered:
.L_overlay_start_2:
0x146: {  	(tag) =	ssettag $0x2  }
0x147: {  	s0 =	rddreg [dreg:$0x0];
	s2 =	stileid.u32  }
0x148: {  	s1 =	rddreg [dreg:$0x1];
	p0 =	sne.s32 s2, $0x0  }
0x149: {  	s3 =	rddreg [dreg:$0x2];
	[bflag:$0x3] =	sbarrier.arrive $0xFFFF;
	s2 =	simm.s32 @!p0 $0x1C02  }
0x14a: {  	[timem:s3], [sflag:s2] =	dma.local @!p0 [hbm:s0], s1  }
0x14b: {  	s0 =	simm.s32 @!p0 $0x2  }
0x14c: {  	_ =	swait.ge @!p0 [sflag:s0], s1  }
0x14d: {  	s1 =	ssub.s32 @!p0 $0x0, s1;
	[sflag:s0] =	ssyncset.done @!p0 $0x0  }
0x14e: {  	[sflag:s0] =	ssyncadd.s32 @!p0 s1  }
0x14f: {  	[bflag:$0x3] =	sbarrier.arrive $0xFFFF  }
0x150: {  	_ =	shalt  }

// kernel: sc_int_agg.3.cloned.1.call-start
scs
__scs_entry_jumppad:
0x0: {  	(pc) =	sbr.rel $0x88, $3  }
0x1: {  	(tag) =	ssettag $0x0;
	lr =	simm.s32 $0x1  }
0x2: {  	[smem:$0x3F96] =	sst lr;
	_ =	strace $0xD0000000  }
0x3: {  	_ = 	snop  }
0x4: {  	_ = 	snop  }
0x5: {  	_ = 	snop  }
0x6: {  	_ = 	snop  }
0x7: {  	_ = 	snop  }
__scs_overlays_trampoline_lowered:
0x8: {  	[smem:$0x3FA5] =	sst s0  }
0x9: {  	[smem:$0x3FA6] =	sst s1  }
0xa: {  	[smem:$0x3FA7] =	sst s2  }
0xb: {  	[smem:$0x3FA8] =	sst s3  }
0xc: {  	[smem:$0x3FA9] =	sst s4  }
0xd: {  	[smem:$0x3FAA] =	sst s5  }
0xe: {  	[smem:$0x3FAB] =	sst s6  }
0xf: {  	[smem:$0x3FAC] =	sst s7  }
0x10: {  	[smem:$0x3FAD] =	sst s8  }
0x11: {  	[smem:$0x3FAE] =	sst s9;
	s0 =	simm.s32 @!p0 $0x0  }
0x12: {  	s1 =	sld [smem:$0x3F94];
	s0 =	simm.s32 @p0 $0x1  }
0x13: {  	[smem:$0x3FAF] =	sst s0;
	s0 =	simm.s32 @!p1 $0x0  }
0x14: {  	s2 =	sld [smem:$0x3F93];
	s0 =	simm.s32 @p1 $0x1  }
0x15: {  	[smem:$0x3FB0] =	sst s0;
	s0 =	simm.s32 @!p2 $0x0  }
0x16: {  	s3 =	sld [smem:$0x3FDB];
	s0 =	simm.s32 @p2 $0x1  }
0x17: {  	s4 =	simm.s32 $0x1BF5;
	[smem:$0x3FB2] =	sst s0  }
0x18: {  	s0 =	sld [smem:$0x3F95];
	_ =	swait.ge [sflag:s4], $0x0  }
0x19: {  	s7 =	sld [smem:$0x3F96]  }
0x1a: {  	s8 =	sadd.s32 $0xFFFFE003, lr  }
0x1b: {  	s9 =	sadd.s32 $0xFFFFFEF7, lr;
	s5 =	simm.s32 $0xFFFFFFFF;
	p2 =	slt.u32 s8, $0xFFFFF086  }
0x1c: {  	p1 =	slt.u32 s9, $0xF7A;
	s5 =	simm.s32 @!p2 $0x0  }
0x1d: {  	s5 =	simm.s32 @p1 $0x1;
	p0 =	seq.s32 s7, s2  }
0x1e: {  	s7 =	smul.u32 @!p0 $0xF7A, s2;
	p2 =	seq.s32 @!p0 s5, $0x0  }
0x1f: {  	s9 =	smul.u32 $0xF7A, s1;
	s8 =	simm.s32 @!p0 $0x1BF5;
	p2 =	por !p2, p0  }
0x20: {  	[sflag:s8] =	ssyncset.s32 @!p0 $0xFFFFF086;
	s6 =	sadd.s32 @!p0 s3, s7;
	s7 =	simm.s32 @!p0 $0x108  }
0x21: {  	s3 =	sadd.s32 s3, s9;
	s6 =	sadd.s32 @!p0 $0x88, s6;
	s7 =	simm.s32 @p2 $0x1082  }
0x22: {  	[simem:s7], [sflag:s8] =	dma.local @!p0 [hbm:s6], $0xF7A  }
0x23: {  	s9 =	sor.u32 $0xD0000000, s2;
	s6 =	simm.s32 $0x108;
	_ =	swait.ge @!p0 [sflag:s8], $0x0  }
0x24: {  	s3 =	sadd.s32 $0x88, s3;
	s6 =	simm.s32 @!p1 $0x1082;
	[sflag:s4] =	ssyncset.s32 $0xFFFFF086  }
0x25: {  	[simem:s6], [sflag:s4] =	dma.local [hbm:s3], $0xF7A  }
0x26: {  	[smem:$0x3F96] =	sst s1;
	(tag) =	ssettag s2;
	_ =	strace s9  }
0x27: {  	s1 =	sld [smem:$0x3FA6]  }
0x28: {  	s2 =	sld [smem:$0x3FA7]  }
0x29: {  	s4 =	sld [smem:$0x3FA9]  }
0x2a: {  	p0 =	seq.s32 s5, $0x0;
	s5 =	sld [smem:$0x3FAA]  }
0x2b: {  	s6 =	sld [smem:$0x3FAB]  }
0x2c: {  	s7 =	sld [smem:$0x3FAC]  }
0x2d: {  	s3 =	simm.s32 $0x108;
	s8 =	sld [smem:$0x3FAD]  }
0x2e: {  	s3 =	simm.s32 @!p0 $0x1082;
	s9 =	sld [smem:$0x3FAE]  }
0x2f: {  	lr =	sadd.s32 s0, s3;
	s0 =	sld [smem:$0x3FA5]  }
0x30: {  	s3 =	sld [smem:$0x3FA8]  }
0x31: {  	[smem:$0x3FB1] =	sst s10  }
0x32: {  	s10 =	sld [smem:$0x3FAF];
	_ =	sdelay $0x3  }
0x33: {  	p0 =	seq.s32 s10, $0x1;
	s10 =	sld [smem:$0x3FB1];
	_ =	sdelay $0x3  }
0x34: {  	[smem:$0x3FB1] =	sst s10  }
0x35: {  	s10 =	sld [smem:$0x3FB0];
	_ =	sdelay $0x3  }
0x36: {  	p1 =	seq.s32 s10, $0x1;
	s10 =	sld [smem:$0x3FB1];
	_ =	sdelay $0x3  }
0x37: {  	[smem:$0x3FB1] =	sst s10  }
0x38: {  	s10 =	sld [smem:$0x3FB2]  }
0x39: {  	_ = 	snop;
	(pc) =	sbr.ind lr, $3  }
0x3a: {  	_ = 	snop  }
0x3b: {  	_ = 	snop  }
0x3c: {  	p2 =	seq.s32 s10, $0x1;
	s10 =	sld [smem:$0x3FB1]  }
0x3d: {  	_ =	shalt  }
0x3e: {  	_ =	shalt  }
0x3f: {  	_ =	shalt  }
0x40: {  	_ =	shalt  }
0x41: {  	_ =	shalt  }
0x42: {  	_ =	shalt  }
0x43: {  	_ =	shalt  }
0x44: {  	_ =	shalt  }
0x45: {  	_ =	shalt  }
0x46: {  	_ =	shalt  }
0x47: {  	_ =	shalt  }
0x48: {  	_ =	shalt  }
0x49: {  	_ =	shalt  }
0x4a: {  	_ =	shalt  }
0x4b: {  	_ =	shalt  }
0x4c: {  	_ =	shalt  }
0x4d: {  	_ =	shalt  }
0x4e: {  	_ =	shalt  }
0x4f: {  	_ =	shalt  }
0x50: {  	_ =	shalt  }
0x51: {  	_ =	shalt  }
0x52: {  	_ =	shalt  }
0x53: {  	_ =	shalt  }
0x54: {  	_ =	shalt  }
0x55: {  	_ =	shalt  }
0x56: {  	_ =	shalt  }
0x57: {  	_ =	shalt  }
0x58: {  	_ =	shalt  }
0x59: {  	_ =	shalt  }
0x5a: {  	_ =	shalt  }
0x5b: {  	_ =	shalt  }
0x5c: {  	_ =	shalt  }
0x5d: {  	_ =	shalt  }
0x5e: {  	_ =	shalt  }
0x5f: {  	_ =	shalt  }
0x60: {  	_ =	shalt  }
0x61: {  	_ =	shalt  }
0x62: {  	_ =	shalt  }
0x63: {  	_ =	shalt  }
0x64: {  	_ =	shalt  }
0x65: {  	_ =	shalt  }
0x66: {  	_ =	shalt  }
0x67: {  	_ =	shalt  }
0x68: {  	_ =	shalt  }
0x69: {  	_ =	shalt  }
0x6a: {  	_ =	shalt  }
0x6b: {  	_ =	shalt  }
0x6c: {  	_ =	shalt  }
0x6d: {  	_ =	shalt  }
0x6e: {  	_ =	shalt  }
0x6f: {  	_ =	shalt  }
0x70: {  	_ =	shalt  }
0x71: {  	_ =	shalt  }
0x72: {  	_ =	shalt  }
0x73: {  	_ =	shalt  }
0x74: {  	_ =	shalt  }
0x75: {  	_ =	shalt  }
0x76: {  	_ =	shalt  }
0x77: {  	_ =	shalt  }
0x78: {  	_ =	shalt  }
0x79: {  	_ =	shalt  }
0x7a: {  	_ =	shalt  }
0x7b: {  	_ =	shalt  }
0x7c: {  	_ =	shalt  }
0x7d: {  	_ =	shalt  }
0x7e: {  	_ =	shalt  }
0x7f: {  	_ =	shalt  }
0x80: {  	_ =	shalt  }
0x81: {  	_ =	shalt  }
0x82: {  	_ =	shalt  }
0x83: {  	_ =	shalt  }
0x84: {  	_ =	shalt  }
0x85: {  	_ =	shalt  }
0x86: {  	_ =	shalt  }
0x87: {  	_ =	shalt  }
.Lfunc_end0:
.L_simem_size_0:
called_computation.4_lowered:
.L_overlay_start_0:
0x88: {  	s2 =	sld [smem:$0x3FD9]  }
0x89: {  	s3 =	sld [smem:$0x3FFE];
	_ =	sdelay $0x1  }
0x8a: {  	s1 =	srdreg.scid  }
0x8b: {  	s0 =	sand.u32 $0x1, s1  }
0x8c: {  	s15 =	sshll.u32 s0, $0xA;
	s2 =	sadd.s32 s3, s2  }
0x8d: {  	s2 =	sadd.s32 s2, s15  }
0x8e: {  	[smem:$0x3FBD] =	sst s2  }
0x8f: {  	_ = 	snop  }
0x90: {  	s2 =	sld [smem:$0x3FD0];
	_ =	sdelay $0x2  }
0x91: {  	s4 =	simm.s32 $0xD;
	s16 =	simm.s32 $0x10  }
0x92: {  	[smem:s16], [sflag:s4] =	dma.local [hbm:s2], $0x1  }
0x93: {  	_ =	swait.eq [sflag:s4], $0x1  }
0x94: {  	[sflag:s4] =	ssyncset.done $0x0  }
0x95: {  	s17 =	sld [smem:$0x11];
	[sflag:s4] =	ssyncadd.s32 $0xFFFFFFFF  }
0x96: {  	s18 =	sld [smem:$0x12];
	(tm) =	ssettm $0x1  }
0x97: {  	s19 =	sld [smem:$0x3FFB];
	_ =	sdelay $0x3  }
0x98: {  	_ =	strace s19  }
0x99: {  	s2 =	sld [smem:$0x3FFC];
	_ =	sdelay $0x3  }
0x9a: {  	_ =	strace s2  }
0x9b: {  	s2 =	sld [smem:$0x3FFD];
	_ =	sdelay $0x3  }
0x9c: {  	_ =	strace s2  }
0x9d: {  	_ =	strace $0x8FFFFFFF  }
0x9e: {  	s20 =	sld [smem:$0x3FDB];
	_ =	sdelay $0x1  }
0x9f: {  	s5 =	simm.s32 $_scs_section_size  }
0xa0: {  	s6 =	simm.s32 $_size__tile_overlayer_lowered;
	s7 =	simm.s32 $_tile_overlayer_lowered  }
0xa1: {  	s8 =	simm.s32 $0x1BFF;
	s21 =	sshll.u32 s7, $0x1;
	s5 =	sadd.s32 s5, s20  }
0xa2: {  	s22 =	simm.s32 $0x0;
	s6 =	sshll.u32 s6, $0x1;
	s7 =	sadd.s32 s21, s5  }
0xa3: {  	[timem:s22], [sflag:s8] =	dma.local [hbm:s7], s6  }
0xa4: {  	_ =	swait.ge [sflag:s8], s6  }
0xa5: {  	s6 =	ssub.s32 $0x0, s6;
	[sflag:s8] =	ssyncset.done $0x0  }
0xa6: {  	[sflag:s8] =	ssyncadd.s32 s6;
	_ =	sdelay $0x1  }
0xa7: {  	s23 =	simm.s32 $0x1B8B  }
0xa8: {  	_ =	swait.ge [sflag:s23], $0x1  }
0xa9: {  	[sflag:s23] =	ssyncset.done $0x0  }
0xaa: {  	[sflag:s23] =	ssyncadd.s32 $0xFFFFFFFF  }
0xab: {  	s6 =	sld [smem:$0x0]  }
0xac: {  	s7 =	sand.u32 $0xFFFFFFFE, s1  }
0xad: {  	p0 =	sne.s32 s1, s7  }
0xae: {  	s7 =	sshll.u32 @p0 s7, $0xE  }
0xaf: {  	s7 =	sadd.s32 @p0 $0x11B8D, s7;
	s8 =	sshll.u32 @p0 s6, $0x11  }
0xb0: {  	s7 =	sor.u32 @p0 s8, s7  }
0xb1: {  	[sflag:s7] =	ssyncadd.remote.s32 @p0 $0x1;
	_ =	sdelay $0x1  }
0xb2: {  	s7 =	simm.s32 @p0 $0x1B8D  }
0xb3: {  	_ =	swait.eq @p0 [sflag:s7], $0x1  }
0xb4: {  	[sflag:s7] =	ssyncadd.s32 @p0 $0xFFFFFFFF  }
0xb5: {  	s8 =	sshll.u32 @!p0 s1, $0xE  }
0xb6: {  	s8 =	sor.u32 @!p0 $0x4000, s8;
	s7 =	simm.s32 @!p0 $0x1B8D  }
0xb7: {  	s6 =	sshll.u32 @!p0 s6, $0x11;
	s8 =	sadd.s32 @!p0 $0x11B8D, s8;
	_ =	swait.eq @!p0 [sflag:s7], $0x1  }
0xb8: {  	s6 =	sor.u32 @!p0 s6, s8;
	[sflag:s7] =	ssyncadd.s32 @!p0 $0xFFFFFFFF  }
0xb9: {  	s25 =	simm.s32 $0x1B8E;
	s24 =	sld [smem:$0x3FFE];
	[sflag:s6] =	ssyncadd.remote.s32 @!p0 $0x1  }
0xba: {  	s26 =	simm.s32 $execute0_lowered;
	[smem:$0x3FD2] =	sst s25  }
0xbb: {  	s7 =	sshll.u32 s26, $0x1;
	_ =	strace $0x8000004F;
	[dreg:$0x1] =	wrdreg $0xFFFFFFFF  }
0xbc: {  	s28 =	simm.s32 $_size_execute0_lowered;
	s5 =	sadd.s32 s5, s7;
	[dreg:$0x0] =	wrdreg $0x0  }
0xbd: {  	s7 =	sshll.u32 s28, $0x1;
	[dreg:$0x2] =	wrdreg s5  }
0xbe: {  	[dreg:$0x3] =	wrdreg s7  }
0xbf: {  	[dreg:$0x4] =	wrdreg $0xC0  }
0xc0: {  	_ =	task [dreg:s22], $0x5FFFF  }
0xc1: {  	[dreg:$0x1] =	wrdreg $0xFFFFFFFF  }
0xc2: {  	[dreg:$0x0] =	wrdreg $0x60  }
0xc3: {  	[dreg:$0x2] =	wrdreg s24  }
0xc4: {  	[dreg:$0x3] =	wrdreg s18  }
0xc5: {  	[dreg:$0x4] =	wrdreg s17  }
0xc6: {  	[dreg:$0x5] =	wrdreg $0x0  }
0xc7: {  	[dreg:$0x6] =	wrdreg $0xA  }
0xc8: {  	_ =	task.clear_ibuf [dreg:s22], $0x7FFFF;
	_ =	strace $0x9000004F  }
0xc9: {  	s29 =	simm.s32 $0xA;
	_ =	strace $0x80000051  }
0xca: {  	_ =	swait.ge [sflag:s29], $0x1  }
0xcb: {  	[sflag:s29] =	ssyncadd.s32 $0xFFFFFFFF  }
0xcc: {  	_ =	strace $0x90000051  }
0xcd: {  	_ =	sfence  }
0xce: {  	s30 =	sld [smem:$0x0];
	_ =	sdelay $0x2  }
0xcf: {  	s31 =	sshll.u32 s1, $0xD;
	s1 =	sshrl.u32 s1, $0x2  }
0xd0: {  	s4 =	sand.u32 $0x4000, s31;
	s1 =	sadd.s32 s1, s30  }
0xd1: {  	s0 =	sor.u32 s4, s0;
	s1 =	sshll.u32 s1, $0x11  }
0xd2: {  	s0 =	sor.u32 s1, s0  }
0xd3: {  	s0 =	sadd.s32 $0x8F2B, s0  }
0xd4: {  	[sflag:s0] =	ssyncadd.remote.s32 $0x1  }
0xd5: {  	_ =	sfence.sel $0xFFFF  }
0xd6: {  	[dreg:$0x0] =	wrdreg $0xFFFFFFFF;
	(pc) =	sbr.abs _section_cstart, $3  }
0xd7: {  	[dreg:$0x1] =	wrdreg $0xFFFFFFFF  }
0xd8: {  	_ =	task.clear_ibuf [dreg:s22], $0x2FFFF;
	_ =	strace $0x9FFFFFFF  }
0xd9: {  	(tm) =	ssettm $0x7FFFFFFF  }
tec
execute0_lowered:
.L_overlay_start_1:
0x0: {  	(tag) =	ssettag $0x1  }
0x1: {  	s0 =	rddreg [dreg:$0x0]  }
0x2: {  	s1 =	rddreg [dreg:$0x1]  }
0x3: {  	s5 =	rddreg [dreg:$0x2]  }
0x4: {  	s2 =	rddreg [dreg:$0x3]  }
0x5: {  	s14 =	stileid.u32;
	s4 =	srdreg.scid  }
0x6: {  	s3 =	simm.s32 $0x0;
	s15 =	simm.s32 $0x14400;
	s16 =	simm.s32 $0x1  }
0x7: {  	s17 =	simm.s32 $0x13C80;
	s18 =	simm.s32 $0x14080;
	s19 =	simm.s32 $0x13D00  }
0x8: {  	s20 =	simm.s32 $0x14100;
	s21 =	simm.s32 $0x13D80;
	s28 =	simm.s32 $0x14280  }
0x9: {  	s29 =	simm.s32 $0x13F00;
	s30 =	simm.s32 $0x14300;
	s7 =	smul.u32 $0x2780, s14  }
0xa: {  	s31 =	simm.s32 $0x13F80;
	s6 =	sand.u32 $0x1, s4;
	s9 =	smul.u32 $0x4F000, s14  }
0xb: {  	[smem:$0x7FF] =	sst s3;
	s4 =	sadd.s32 $0xADDE00, s0;
	s11 =	smul.u32 $0x6800, s14  }
0xc: {  	s24 =	sshll.u32 s14, $0x6;
	s14 =	simm.s32 $0x80;
	s8 =	smul.u32 $0x27800, s6  }
0xd: {  	_ =	strace $0x80000050;
	s10 =	ssub.s32 $0x2, s6;
	s6 =	smul.u32 $0x3400, s6  }
0xe: {  	s12 =	sadd.s32 s7, s0;
	s13 =	sshrl.u32 s10, $0x1;
	s9 =	sshrl.u32 s9, $0x2  }
0xf: {  	s0 =	sadd.s32 s8, s0;
	s22 =	ssub.s32 s10, s13;
	s23 =	sadd.s32 s9, s2  }
0x10: {  	s11 =	sadd.s32 s6, s11;
	s25 =	sadd.s32 $0xA17E00, s12;
	s6 =	sor.u32 $0x1C02, s24  }
0x11: {  	s12 =	simm.s32 $0x13C00;
	s13 =	simm.s32 $0x14000;
	[dreg:$0x5] =	wrdreg s25  }
0x12: {  	s26 =	sshrl.u32 s11, $0x3;
	s0 =	sadd.s32 $0xB05600, s0;
	s8 =	smax.u32 s22, $0x1  }
0x13: {  	s10 =	sshrl.u32 s23, $0x3;
	s11 =	simm.s32 $0x2;
	s22 =	simm.s32 $0x14180  }
0x14: {  	s23 =	simm.s32 $0x13E00;
	s25 =	simm.s32 $0x14200;
	[dreg:$0x6] =	wrdreg s6  }
0x15: {  	[dreg:$0x7] =	wrdreg s8;
	s8 =	sadd.s32 s26, s5;
	s9 =	sadd.s32 s26, s1  }
0x16: {  	s0 =	sadd.s32 s7, s0;
	s26 =	simm.s32 $0x13E80;
	[dreg:$0x8] =	wrdreg s10  }
0x17: {  	s1 =	simm.s32 $0x0;
	[dreg:$0x9] =	wrdreg s0;
	s0 =	simm.s32 $0x14380  }
.LBB2_1:
0x18: {  	s5 =	rddreg [dreg:$0x5]  }
0x19: {  	[spmem:s10], [sflag:s6] =	dma.local [hbm:s5], $0x2780  }
0x1a: {  	_ =	swait.ge [sflag:s11], $0x2780  }
0x1b: {  	[sflag:s11] =	ssyncset.done $0x0  }
0x1c: {  	[sflag:s11] =	ssyncadd.s32 $0xFFFFD880  }
0x1d: {  	s10 =	sadd.s32 $0x0, s9;
	[bflag:$0x0] =	sbarrier.arrive $0xFFFF  }
0x1e: {  	[tilespmem:s12], [sflag:$0x2] =	stream.linear.gather [hbm4b:s10+s3], $0x400, $0x38;
	[tilespmem:$0x18400] =	vst v63  }
0x1f: {  	_ =	swait.ge [sflag:s11], $0x400  }
0x20: {  	[sflag:s11] =	ssyncset.done $0x0  }
0x21: {  	s24 =	sadd.s32 $0x0, s8;
	[sflag:s11] =	ssyncadd.s32 $0xFFFFFC00  }
0x22: {  	[tilespmem:s13], [sflag:$0x2] =	stream.linear.gather [hbm4b:s24+s3], $0x400, $0x38;
	[tilespmem:$0x18400] =	vst v63  }
0x23: {  	_ =	swait.ge [sflag:s11], $0x400  }
0x24: {  	[sflag:s11] =	ssyncset.done $0x0  }
0x25: {  	[sflag:s11] =	ssyncadd.s32 $0xFFFFFC00  }
0x26: {  	[tilespmem:s15], [sflag:$0x1] =	stream.indirect.gather [hbm4b:s4+s14], $0x80, s12, s14, $0xb8;
	[tilespmem:$0x18400] =	vst v63  }
0x27: {  	_ =	swait.ge [sflag:s16], $0x4000  }
0x28: {  	[sflag:s16] =	ssyncset.done $0x0  }
0x29: {  	[sflag:s16] =	ssyncadd.s32 $0xFFFFC000  }
0x2a: {  	[spmem:s2] =	stream.indirect.scatter.add.f32 [tilespmem:s15], [sflag:$0x2], $0x80, s13, s14, $0xb8;
	[tilespmem:$0x18400] =	vst v63  }
0x2b: {  	_ =	swait.ge [sflag:s11], $0x4000  }
0x2c: {  	[sflag:s11] =	ssyncset.done $0x0  }
0x2d: {  	[sflag:s11] =	ssyncadd.s32 $0xFFFFC000  }
0x2e: {  	[tilespmem:s15], [sflag:$0x1] =	stream.indirect.gather [hbm4b:s4+s14], $0x80, s17, s14, $0xb8;
	[tilespmem:$0x18400] =	vst v63  }
0x2f: {  	_ =	swait.ge [sflag:s16], $0x4000  }
0x30: {  	[sflag:s16] =	ssyncset.done $0x0  }
0x31: {  	[sflag:s16] =	ssyncadd.s32 $0xFFFFC000  }
0x32: {  	[spmem:s2] =	stream.indirect.scatter.add.f32 [tilespmem:s15], [sflag:$0x2], $0x80, s18, s14, $0xb8;
	[tilespmem:$0x18400] =	vst v63  }
0x33: {  	_ =	swait.ge [sflag:s11], $0x4000  }
0x34: {  	[sflag:s11] =	ssyncset.done $0x0  }
0x35: {  	[sflag:s11] =	ssyncadd.s32 $0xFFFFC000  }
0x36: {  	[tilespmem:s15], [sflag:$0x1] =	stream.indirect.gather [hbm4b:s4+s14], $0x80, s19, s14, $0xb8;
	[tilespmem:$0x18400] =	vst v63  }
0x37: {  	_ =	swait.ge [sflag:s16], $0x4000  }
0x38: {  	[sflag:s16] =	ssyncset.done $0x0  }
0x39: {  	[sflag:s16] =	ssyncadd.s32 $0xFFFFC000  }
0x3a: {  	[spmem:s2] =	stream.indirect.scatter.add.f32 [tilespmem:s15], [sflag:$0x2], $0x80, s20, s14, $0xb8;
	[tilespmem:$0x18400] =	vst v63  }
0x3b: {  	_ =	swait.ge [sflag:s11], $0x4000  }
0x3c: {  	[sflag:s11] =	ssyncset.done $0x0  }
0x3d: {  	[sflag:s11] =	ssyncadd.s32 $0xFFFFC000  }
0x3e: {  	[tilespmem:s15], [sflag:$0x1] =	stream.indirect.gather [hbm4b:s4+s14], $0x80, s21, s14, $0xb8;
	[tilespmem:$0x18400] =	vst v63  }
0x3f: {  	_ =	swait.ge [sflag:s16], $0x4000  }
0x40: {  	[sflag:s16] =	ssyncset.done $0x0  }
0x41: {  	[sflag:s16] =	ssyncadd.s32 $0xFFFFC000  }
0x42: {  	[spmem:s2] =	stream.indirect.scatter.add.f32 [tilespmem:s15], [sflag:$0x2], $0x80, s22, s14, $0xb8;
	[tilespmem:$0x18400] =	vst v63  }
0x43: {  	_ =	swait.ge [sflag:s11], $0x4000  }
0x44: {  	[sflag:s11] =	ssyncset.done $0x0  }
0x45: {  	[sflag:s11] =	ssyncadd.s32 $0xFFFFC000  }
0x46: {  	[tilespmem:s15], [sflag:$0x1] =	stream.indirect.gather [hbm4b:s4+s14], $0x80, s23, s14, $0xb8;
	[tilespmem:$0x18400] =	vst v63  }
0x47: {  	_ =	swait.ge [sflag:s16], $0x4000  }
0x48: {  	[sflag:s16] =	ssyncset.done $0x0  }
0x49: {  	[sflag:s16] =	ssyncadd.s32 $0xFFFFC000  }
0x4a: {  	[spmem:s2] =	stream.indirect.scatter.add.f32 [tilespmem:s15], [sflag:$0x2], $0x80, s25, s14, $0xb8;
	[tilespmem:$0x18400] =	vst v63  }
0x4b: {  	_ =	swait.ge [sflag:s11], $0x4000  }
0x4c: {  	[sflag:s11] =	ssyncset.done $0x0  }
0x4d: {  	[sflag:s11] =	ssyncadd.s32 $0xFFFFC000  }
0x4e: {  	[tilespmem:s15], [sflag:$0x1] =	stream.indirect.gather [hbm4b:s4+s14], $0x80, s26, s14, $0xb8;
	[tilespmem:$0x18400] =	vst v63  }
0x4f: {  	_ =	swait.ge [sflag:s16], $0x4000  }
0x50: {  	[sflag:s16] =	ssyncset.done $0x0  }
0x51: {  	[sflag:s16] =	ssyncadd.s32 $0xFFFFC000  }
0x52: {  	[spmem:s2] =	stream.indirect.scatter.add.f32 [tilespmem:s15], [sflag:$0x2], $0x80, s28, s14, $0xb8;
	[tilespmem:$0x18400] =	vst v63  }
0x53: {  	_ =	swait.ge [sflag:s11], $0x4000  }
0x54: {  	[sflag:s11] =	ssyncset.done $0x0  }
0x55: {  	[sflag:s11] =	ssyncadd.s32 $0xFFFFC000  }
0x56: {  	[tilespmem:s15], [sflag:$0x1] =	stream.indirect.gather [hbm4b:s4+s14], $0x80, s29, s14, $0xb8;
	[tilespmem:$0x18400] =	vst v63  }
0x57: {  	_ =	swait.ge [sflag:s16], $0x4000  }
0x58: {  	[sflag:s16] =	ssyncset.done $0x0  }
0x59: {  	[sflag:s16] =	ssyncadd.s32 $0xFFFFC000  }
0x5a: {  	[spmem:s2] =	stream.indirect.scatter.add.f32 [tilespmem:s15], [sflag:$0x2], $0x80, s30, s14, $0xb8;
	[tilespmem:$0x18400] =	vst v63  }
0x5b: {  	_ =	swait.ge [sflag:s11], $0x4000  }
0x5c: {  	[sflag:s11] =	ssyncset.done $0x0  }
0x5d: {  	[sflag:s11] =	ssyncadd.s32 $0xFFFFC000  }
0x5e: {  	[tilespmem:s15], [sflag:$0x1] =	stream.indirect.gather [hbm4b:s4+s14], $0x80, s31, s14, $0xb8;
	[tilespmem:$0x18400] =	vst v63  }
0x5f: {  	_ =	swait.ge [sflag:s16], $0x4000  }
0x60: {  	[sflag:s16] =	ssyncset.done $0x0  }
0x61: {  	[sflag:s16] =	ssyncadd.s32 $0xFFFFC000  }
0x62: {  	[spmem:s2] =	stream.indirect.scatter.add.f32 [tilespmem:s15], [sflag:$0x2], $0x80, s0, s14, $0xb8;
	[tilespmem:$0x18400] =	vst v63  }
0x63: {  	_ =	swait.ge [sflag:s11], $0x4000  }
0x64: {  	s7 =	simm.s32 $0x100;
	s5 =	simm.s32 $0x80;
	[sflag:s11] =	ssyncset.done $0x0  }
.LBB2_2:
0x65: {  	s6 =	sadd.s32 s5, s9  }
0x66: {  	[sflag:s11] =	ssyncadd.s32 $0xFFFFC000;
	s10 =	smov.u32 s7;
	s24 =	sadd.s32 $0x80, s7  }
0x67: {  	[tilespmem:s12], [sflag:$0x2] =	stream.linear.gather [hbm4b:s6+s3], $0x400, $0x38;
	[tilespmem:$0x18400] =	vst v63  }
0x68: {  	p0 =	sne.s32 s7, $0x600;
	_ =	swait.ge [sflag:s11], $0x400  }
0x69: {  	[sflag:s11] =	ssyncset.done $0x0  }
0x6a: {  	s6 =	sadd.s32 s5, s8;
	s5 =	smov.u32 s10;
	[sflag:s11] =	ssyncadd.s32 $0xFFFFFC00  }
0x6b: {  	[tilespmem:s13], [sflag:$0x2] =	stream.linear.gather [hbm4b:s6+s3], $0x400, $0x38;
	[tilespmem:$0x18400] =	vst v63  }
0x6c: {  	_ =	swait.ge [sflag:s11], $0x400  }
0x6d: {  	[sflag:s11] =	ssyncset.done $0x0  }
0x6e: {  	[sflag:s11] =	ssyncadd.s32 $0xFFFFFC00  }
0x6f: {  	[tilespmem:s15], [sflag:$0x1] =	stream.indirect.gather [hbm4b:s4+s14], $0x80, s12, s14, $0xb8;
	[tilespmem:$0x18400] =	vst v63  }
0x70: {  	_ =	swait.ge [sflag:s16], $0x4000  }
0x71: {  	[sflag:s16] =	ssyncset.done $0x0  }
0x72: {  	[sflag:s16] =	ssyncadd.s32 $0xFFFFC000  }
0x73: {  	[spmem:s2] =	stream.indirect.scatter.add.f32 [tilespmem:s15], [sflag:$0x2], $0x80, s13, s14, $0xb8;
	[tilespmem:$0x18400] =	vst v63  }
0x74: {  	_ =	swait.ge [sflag:s11], $0x4000  }
0x75: {  	[sflag:s11] =	ssyncset.done $0x0  }
0x76: {  	[sflag:s11] =	ssyncadd.s32 $0xFFFFC000  }
0x77: {  	[tilespmem:s15], [sflag:$0x1] =	stream.indirect.gather [hbm4b:s4+s14], $0x80, s17, s14, $0xb8;
	[tilespmem:$0x18400] =	vst v63  }
0x78: {  	_ =	swait.ge [sflag:s16], $0x4000  }
0x79: {  	[sflag:s16] =	ssyncset.done $0x0  }
0x7a: {  	[sflag:s16] =	ssyncadd.s32 $0xFFFFC000  }
0x7b: {  	[spmem:s2] =	stream.indirect.scatter.add.f32 [tilespmem:s15], [sflag:$0x2], $0x80, s18, s14, $0xb8;
	[tilespmem:$0x18400] =	vst v63  }
0x7c: {  	_ =	swait.ge [sflag:s11], $0x4000  }
0x7d: {  	[sflag:s11] =	ssyncset.done $0x0  }
0x7e: {  	[sflag:s11] =	ssyncadd.s32 $0xFFFFC000  }
0x7f: {  	[tilespmem:s15], [sflag:$0x1] =	stream.indirect.gather [hbm4b:s4+s14], $0x80, s19, s14, $0xb8;
	[tilespmem:$0x18400] =	vst v63  }
0x80: {  	_ =	swait.ge [sflag:s16], $0x4000  }
0x81: {  	[sflag:s16] =	ssyncset.done $0x0  }
0x82: {  	[sflag:s16] =	ssyncadd.s32 $0xFFFFC000  }
0x83: {  	[spmem:s2] =	stream.indirect.scatter.add.f32 [tilespmem:s15], [sflag:$0x2], $0x80, s20, s14, $0xb8;
	[tilespmem:$0x18400] =	vst v63  }
0x84: {  	_ =	swait.ge [sflag:s11], $0x4000  }
0x85: {  	[sflag:s11] =	ssyncset.done $0x0  }
0x86: {  	[sflag:s11] =	ssyncadd.s32 $0xFFFFC000  }
0x87: {  	[tilespmem:s15], [sflag:$0x1] =	stream.indirect.gather [hbm4b:s4+s14], $0x80, s21, s14, $0xb8;
	[tilespmem:$0x18400] =	vst v63  }
0x88: {  	_ =	swait.ge [sflag:s16], $0x4000  }
0x89: {  	[sflag:s16] =	ssyncset.done $0x0  }
0x8a: {  	[sflag:s16] =	ssyncadd.s32 $0xFFFFC000  }
0x8b: {  	[spmem:s2] =	stream.indirect.scatter.add.f32 [tilespmem:s15], [sflag:$0x2], $0x80, s22, s14, $0xb8;
	[tilespmem:$0x18400] =	vst v63  }
0x8c: {  	_ =	swait.ge [sflag:s11], $0x4000  }
0x8d: {  	[sflag:s11] =	ssyncset.done $0x0  }
0x8e: {  	[sflag:s11] =	ssyncadd.s32 $0xFFFFC000  }
0x8f: {  	[tilespmem:s15], [sflag:$0x1] =	stream.indirect.gather [hbm4b:s4+s14], $0x80, s23, s14, $0xb8;
	[tilespmem:$0x18400] =	vst v63  }
0x90: {  	_ =	swait.ge [sflag:s16], $0x4000  }
0x91: {  	[sflag:s16] =	ssyncset.done $0x0  }
0x92: {  	[sflag:s16] =	ssyncadd.s32 $0xFFFFC000  }
0x93: {  	[spmem:s2] =	stream.indirect.scatter.add.f32 [tilespmem:s15], [sflag:$0x2], $0x80, s25, s14, $0xb8;
	[tilespmem:$0x18400] =	vst v63  }
0x94: {  	_ =	swait.ge [sflag:s11], $0x4000  }
0x95: {  	[sflag:s11] =	ssyncset.done $0x0  }
0x96: {  	[sflag:s11] =	ssyncadd.s32 $0xFFFFC000  }
0x97: {  	[tilespmem:s15], [sflag:$0x1] =	stream.indirect.gather [hbm4b:s4+s14], $0x80, s26, s14, $0xb8;
	[tilespmem:$0x18400] =	vst v63  }
0x98: {  	_ =	swait.ge [sflag:s16], $0x4000  }
0x99: {  	[sflag:s16] =	ssyncset.done $0x0  }
0x9a: {  	[sflag:s16] =	ssyncadd.s32 $0xFFFFC000  }
0x9b: {  	[spmem:s2] =	stream.indirect.scatter.add.f32 [tilespmem:s15], [sflag:$0x2], $0x80, s28, s14, $0xb8;
	[tilespmem:$0x18400] =	vst v63  }
0x9c: {  	_ =	swait.ge [sflag:s11], $0x4000  }
0x9d: {  	[sflag:s11] =	ssyncset.done $0x0  }
0x9e: {  	[sflag:s11] =	ssyncadd.s32 $0xFFFFC000  }
0x9f: {  	[tilespmem:s15], [sflag:$0x1] =	stream.indirect.gather [hbm4b:s4+s14], $0x80, s29, s14, $0xb8;
	[tilespmem:$0x18400] =	vst v63  }
0xa0: {  	_ =	swait.ge [sflag:s16], $0x4000  }
0xa1: {  	[sflag:s16] =	ssyncset.done $0x0  }
0xa2: {  	[sflag:s16] =	ssyncadd.s32 $0xFFFFC000  }
0xa3: {  	[spmem:s2] =	stream.indirect.scatter.add.f32 [tilespmem:s15], [sflag:$0x2], $0x80, s30, s14, $0xb8;
	[tilespmem:$0x18400] =	vst v63  }
0xa4: {  	_ =	swait.ge [sflag:s11], $0x4000  }
0xa5: {  	[sflag:s11] =	ssyncset.done $0x0  }
0xa6: {  	[sflag:s11] =	ssyncadd.s32 $0xFFFFC000  }
0xa7: {  	[tilespmem:s15], [sflag:$0x1] =	stream.indirect.gather [hbm4b:s4+s14], $0x80, s31, s14, $0xb8;
	[tilespmem:$0x18400] =	vst v63  }
0xa8: {  	_ =	swait.ge [sflag:s16], $0x4000  }
.Ltmp0:
0xa9: {  	[sflag:s16] =	ssyncset.done $0x0;
	(pc) =	sbr.rel @p0 .LBB2_2-.Ltmp0, $4  }
0xaa: {  	[sflag:s16] =	ssyncadd.s32 $0xFFFFC000  }
0xab: {  	[spmem:s2] =	stream.indirect.scatter.add.f32 [tilespmem:s15], [sflag:$0x2], $0x80, s0, s14, $0xb8;
	[tilespmem:$0x18400] =	vst v63  }
0xac: {  	_ =	swait.ge [sflag:s11], $0x4000  }
0xad: {  	s7 =	smov.u32 s24;
	[sflag:s11] =	ssyncset.done $0x0  }
0xae: {  	s6 =	sadd.s32 s5, s9;
	[sflag:s11] =	ssyncadd.s32 $0xFFFFC000  }
0xaf: {  	[tilespmem:s12], [sflag:$0x2] =	stream.linear.gather [hbm4b:s6+s3], $0x400, $0x38;
	[tilespmem:$0x18400] =	vst v63  }
0xb0: {  	_ =	swait.ge [sflag:s11], $0x400  }
0xb1: {  	[sflag:s11] =	ssyncset.done $0x0  }
0xb2: {  	s6 =	sadd.s32 s5, s8;
	[sflag:s11] =	ssyncadd.s32 $0xFFFFFC00  }
0xb3: {  	[tilespmem:s13], [sflag:$0x2] =	stream.linear.gather [hbm4b:s6+s3], $0x400, $0x38;
	[tilespmem:$0x18400] =	vst v63  }
0xb4: {  	_ =	swait.ge [sflag:s11], $0x400  }
0xb5: {  	[sflag:s11] =	ssyncset.done $0x0  }
0xb6: {  	[sflag:s11] =	ssyncadd.s32 $0xFFFFFC00  }
0xb7: {  	[tilespmem:s15], [sflag:$0x1] =	stream.indirect.gather [hbm4b:s4+s14], $0x80, s12, s14, $0xb8;
	[tilespmem:$0x18400] =	vst v63  }
0xb8: {  	_ =	swait.ge [sflag:s16], $0x4000  }
0xb9: {  	[sflag:s16] =	ssyncset.done $0x0  }
0xba: {  	[sflag:s16] =	ssyncadd.s32 $0xFFFFC000  }
0xbb: {  	[spmem:s2] =	stream.indirect.scatter.add.f32 [tilespmem:s15], [sflag:$0x2], $0x80, s13, s14, $0xb8;
	[tilespmem:$0x18400] =	vst v63  }
0xbc: {  	_ =	swait.ge [sflag:s11], $0x4000  }
0xbd: {  	[sflag:s11] =	ssyncset.done $0x0  }
0xbe: {  	[sflag:s11] =	ssyncadd.s32 $0xFFFFC000  }
0xbf: {  	[tilespmem:s15], [sflag:$0x1] =	stream.indirect.gather [hbm4b:s4+s14], $0x80, s17, s14, $0xb8;
	[tilespmem:$0x18400] =	vst v63  }
0xc0: {  	_ =	swait.ge [sflag:s16], $0x4000  }
0xc1: {  	[sflag:s16] =	ssyncset.done $0x0  }
0xc2: {  	[sflag:s16] =	ssyncadd.s32 $0xFFFFC000  }
0xc3: {  	[spmem:s2] =	stream.indirect.scatter.add.f32 [tilespmem:s15], [sflag:$0x2], $0x80, s18, s14, $0xb8;
	[tilespmem:$0x18400] =	vst v63  }
0xc4: {  	_ =	swait.ge [sflag:s11], $0x4000  }
0xc5: {  	[sflag:s11] =	ssyncset.done $0x0  }
0xc6: {  	[sflag:s11] =	ssyncadd.s32 $0xFFFFC000  }
0xc7: {  	[tilespmem:s15], [sflag:$0x1] =	stream.indirect.gather [hbm4b:s4+s14], $0x80, s19, s14, $0xb8;
	[tilespmem:$0x18400] =	vst v63  }
0xc8: {  	_ =	swait.ge [sflag:s16], $0x4000  }
0xc9: {  	[sflag:s16] =	ssyncset.done $0x0  }
0xca: {  	[sflag:s16] =	ssyncadd.s32 $0xFFFFC000  }
0xcb: {  	[spmem:s2] =	stream.indirect.scatter.add.f32 [tilespmem:s15], [sflag:$0x2], $0x80, s20, s14, $0xb8;
	[tilespmem:$0x18400] =	vst v63  }
0xcc: {  	_ =	swait.ge [sflag:s11], $0x4000  }
0xcd: {  	[sflag:s11] =	ssyncset.done $0x0  }
0xce: {  	[sflag:s11] =	ssyncadd.s32 $0xFFFFC000  }
0xcf: {  	[tilespmem:s15], [sflag:$0x1] =	stream.indirect.gather [hbm4b:s4+s14], $0x80, s21, s14, $0xb8;
	[tilespmem:$0x18400] =	vst v63  }
0xd0: {  	_ =	swait.ge [sflag:s16], $0x4000  }
0xd1: {  	[sflag:s16] =	ssyncset.done $0x0  }
0xd2: {  	[sflag:s16] =	ssyncadd.s32 $0xFFFFC000  }
0xd3: {  	[spmem:s2] =	stream.indirect.scatter.add.f32 [tilespmem:s15], [sflag:$0x2], $0x80, s22, s14, $0xb8;
	[tilespmem:$0x18400] =	vst v63  }
0xd4: {  	_ =	swait.ge [sflag:s11], $0x4000  }
0xd5: {  	[sflag:s11] =	ssyncset.done $0x0  }
0xd6: {  	[sflag:s11] =	ssyncadd.s32 $0xFFFFC000  }
0xd7: {  	[tilespmem:s15], [sflag:$0x1] =	stream.indirect.gather [hbm4b:s4+s14], $0x80, s23, s14, $0xb8;
	[tilespmem:$0x18400] =	vst v63  }
0xd8: {  	_ =	swait.ge [sflag:s16], $0x4000  }
0xd9: {  	[sflag:s16] =	ssyncset.done $0x0  }
0xda: {  	[sflag:s16] =	ssyncadd.s32 $0xFFFFC000  }
0xdb: {  	[spmem:s2] =	stream.indirect.scatter.add.f32 [tilespmem:s15], [sflag:$0x2], $0x80, s25, s14, $0xb8;
	[tilespmem:$0x18400] =	vst v63  }
0xdc: {  	_ =	swait.ge [sflag:s11], $0x4000  }
0xdd: {  	[sflag:s11] =	ssyncset.done $0x0  }
0xde: {  	[sflag:s11] =	ssyncadd.s32 $0xFFFFC000  }
0xdf: {  	[tilespmem:s15], [sflag:$0x1] =	stream.indirect.gather [hbm4b:s4+s14], $0x80, s26, s14, $0xb8;
	[tilespmem:$0x18400] =	vst v63  }
0xe0: {  	_ =	swait.ge [sflag:s16], $0x4000  }
0xe1: {  	[sflag:s16] =	ssyncset.done $0x0  }
0xe2: {  	[sflag:s16] =	ssyncadd.s32 $0xFFFFC000  }
0xe3: {  	[spmem:s2] =	stream.indirect.scatter.add.f32 [tilespmem:s15], [sflag:$0x2], $0x80, s28, s14, $0xb8;
	[tilespmem:$0x18400] =	vst v63  }
0xe4: {  	_ =	swait.ge [sflag:s11], $0x4000  }
0xe5: {  	[sflag:s11] =	ssyncset.done $0x0  }
0xe6: {  	[sflag:s11] =	ssyncadd.s32 $0xFFFFC000  }
0xe7: {  	[tilespmem:s15], [sflag:$0x1] =	stream.indirect.gather [hbm4b:s4+s14], $0x80, s29, s14, $0xb8;
	[tilespmem:$0x18400] =	vst v63  }
0xe8: {  	_ =	swait.ge [sflag:s16], $0x4000  }
0xe9: {  	[sflag:s16] =	ssyncset.done $0x0  }
0xea: {  	[sflag:s16] =	ssyncadd.s32 $0xFFFFC000  }
0xeb: {  	[spmem:s2] =	stream.indirect.scatter.add.f32 [tilespmem:s15], [sflag:$0x2], $0x80, s30, s14, $0xb8;
	[tilespmem:$0x18400] =	vst v63  }
0xec: {  	_ =	swait.ge [sflag:s11], $0x4000  }
0xed: {  	[sflag:s11] =	ssyncset.done $0x0  }
0xee: {  	[sflag:s11] =	ssyncadd.s32 $0xFFFFC000  }
0xef: {  	[tilespmem:s15], [sflag:$0x1] =	stream.indirect.gather [hbm4b:s4+s14], $0x80, s31, s14, $0xb8;
	[tilespmem:$0x18400] =	vst v63  }
0xf0: {  	_ =	swait.ge [sflag:s16], $0x4000  }
0xf1: {  	[sflag:s16] =	ssyncset.done $0x0  }
0xf2: {  	[sflag:s16] =	ssyncadd.s32 $0xFFFFC000  }
0xf3: {  	[spmem:s2] =	stream.indirect.scatter.add.f32 [tilespmem:s15], [sflag:$0x2], $0x80, s0, s14, $0xb8;
	[tilespmem:$0x18400] =	vst v63  }
0xf4: {  	_ =	swait.ge [sflag:s11], $0x4000  }
0xf5: {  	[sflag:s11] =	ssyncset.done $0x0  }
0xf6: {  	[sflag:s11] =	ssyncadd.s32 $0xFFFFC000  }
0xf7: {  	[bflag:$0x0] =	sbarrier.arrive $0xFFFF  }
0xf8: {  	s6 =	rddreg [dreg:$0x6]  }
0xf9: {  	s10 =	rddreg [dreg:$0x8]  }
0xfa: {  	s7 =	rddreg [dreg:$0x9]  }
0xfb: {  	[hbm:s7], [sflag:s6] =	dma.local [spmem:s10], $0x2780  }
0xfc: {  	_ =	swait.ge [sflag:s11], $0x2780  }
0xfd: {  	s1 =	sadd.s32 $0x1, s1;
	s24 =	rddreg [dreg:$0x7]  }
0xfe: {  	p0 =	sne.s32 s1, s24  }
.Ltmp1:
0xff: {  	_ = 	snop;
	(pc) =	sbr.rel @p0 .LBB2_1-.Ltmp1, $3  }
0x100: {  	_ =	sdelay $0x1  }
0x101: {  	[sflag:s11] =	ssyncset.done $0x0  }
0x102: {  	[sflag:s11] =	ssyncadd.s32 $0xFFFFD880  }
0x103: {  	_ =	sfence.sel $0x180000  }
0x104: {  	[bflag:$0x0] =	sbarrier.arrive $0xFFFF  }
0x105: {  	_ =	strace $0x90000050  }
0x106: {  	s0 =	stileid.u32;
	[bflag:$0x2] =	sbarrier.arrive $0xFFFF  }
0x107: {  	p0 =	sne.s32 s0, $0x0;
	s0 =	rddreg [dreg:$0x4]  }
0x108: {  	s0 =	sadd.s32 @!p0 $0x100000, s0  }
0x109: {  	[sflag:s0] =	ssyncadd.tile.s32 @!p0 $0x1;
	_ =	shalt  }
.Lfunc_end2:
_tile_overlayer_lowered:
.L_overlay_start_2:
0x10a: {  	(tag) =	ssettag $0x2  }
0x10b: {  	s0 =	rddreg [dreg:$0x0];
	s2 =	stileid.u32  }
0x10c: {  	s1 =	rddreg [dreg:$0x1];
	p0 =	sne.s32 s2, $0x0  }
0x10d: {  	s3 =	rddreg [dreg:$0x2];
	[bflag:$0x3] =	sbarrier.arrive $0xFFFF;
	s2 =	simm.s32 @!p0 $0x1C02  }
0x10e: {  	[timem:s3], [sflag:s2] =	dma.local @!p0 [hbm:s0], s1  }
0x10f: {  	s0 =	simm.s32 @!p0 $0x2  }
0x110: {  	_ =	swait.ge @!p0 [sflag:s0], s1  }
0x111: {  	s1 =	ssub.s32 @!p0 $0x0, s1;
	[sflag:s0] =	ssyncset.done @!p0 $0x0  }
0x112: {  	[sflag:s0] =	ssyncadd.s32 @!p0 s1  }
0x113: {  	[bflag:$0x3] =	sbarrier.arrive $0xFFFF  }
0x114: {  	_ =	shalt  }

// kernel: sc_kg_gather.4.cloned.1.call-start
scs
__scs_entry_jumppad:
0x0: {  	(pc) =	sbr.rel $0x88, $3  }
0x1: {  	(tag) =	ssettag $0x0;
	lr =	simm.s32 $0x1  }
0x2: {  	[smem:$0x3F96] =	sst lr;
	_ =	strace $0xD0000000  }
0x3: {  	_ = 	snop  }
0x4: {  	_ = 	snop  }
0x5: {  	_ = 	snop  }
0x6: {  	_ = 	snop  }
0x7: {  	_ = 	snop  }
__scs_overlays_trampoline_lowered:
0x8: {  	[smem:$0x3FA5] =	sst s0  }
0x9: {  	[smem:$0x3FA6] =	sst s1  }
0xa: {  	[smem:$0x3FA7] =	sst s2  }
0xb: {  	[smem:$0x3FA8] =	sst s3  }
0xc: {  	[smem:$0x3FA9] =	sst s4  }
0xd: {  	[smem:$0x3FAA] =	sst s5  }
0xe: {  	[smem:$0x3FAB] =	sst s6  }
0xf: {  	[smem:$0x3FAC] =	sst s7  }
0x10: {  	[smem:$0x3FAD] =	sst s8  }
0x11: {  	[smem:$0x3FAE] =	sst s9;
	s0 =	simm.s32 @!p0 $0x0  }
0x12: {  	s1 =	sld [smem:$0x3F94];
	s0 =	simm.s32 @p0 $0x1  }
0x13: {  	[smem:$0x3FAF] =	sst s0;
	s0 =	simm.s32 @!p1 $0x0  }
0x14: {  	s2 =	sld [smem:$0x3F93];
	s0 =	simm.s32 @p1 $0x1  }
0x15: {  	[smem:$0x3FB0] =	sst s0;
	s0 =	simm.s32 @!p2 $0x0  }
0x16: {  	s3 =	sld [smem:$0x3FDB];
	s0 =	simm.s32 @p2 $0x1  }
0x17: {  	s4 =	simm.s32 $0x1BF5;
	[smem:$0x3FB2] =	sst s0  }
0x18: {  	s0 =	sld [smem:$0x3F95];
	_ =	swait.ge [sflag:s4], $0x0  }
0x19: {  	s7 =	sld [smem:$0x3F96]  }
0x1a: {  	s8 =	sadd.s32 $0xFFFFE003, lr  }
0x1b: {  	s9 =	sadd.s32 $0xFFFFFEF7, lr;
	s5 =	simm.s32 $0xFFFFFFFF;
	p2 =	slt.u32 s8, $0xFFFFF086  }
0x1c: {  	p1 =	slt.u32 s9, $0xF7A;
	s5 =	simm.s32 @!p2 $0x0  }
0x1d: {  	s5 =	simm.s32 @p1 $0x1;
	p0 =	seq.s32 s7, s2  }
0x1e: {  	s7 =	smul.u32 @!p0 $0xF7A, s2;
	p2 =	seq.s32 @!p0 s5, $0x0  }
0x1f: {  	s9 =	smul.u32 $0xF7A, s1;
	s8 =	simm.s32 @!p0 $0x1BF5;
	p2 =	por !p2, p0  }
0x20: {  	[sflag:s8] =	ssyncset.s32 @!p0 $0xFFFFF086;
	s6 =	sadd.s32 @!p0 s3, s7;
	s7 =	simm.s32 @!p0 $0x108  }
0x21: {  	s3 =	sadd.s32 s3, s9;
	s6 =	sadd.s32 @!p0 $0x88, s6;
	s7 =	simm.s32 @p2 $0x1082  }
0x22: {  	[simem:s7], [sflag:s8] =	dma.local @!p0 [hbm:s6], $0xF7A  }
0x23: {  	s9 =	sor.u32 $0xD0000000, s2;
	s6 =	simm.s32 $0x108;
	_ =	swait.ge @!p0 [sflag:s8], $0x0  }
0x24: {  	s3 =	sadd.s32 $0x88, s3;
	s6 =	simm.s32 @!p1 $0x1082;
	[sflag:s4] =	ssyncset.s32 $0xFFFFF086  }
0x25: {  	[simem:s6], [sflag:s4] =	dma.local [hbm:s3], $0xF7A  }
0x26: {  	[smem:$0x3F96] =	sst s1;
	(tag) =	ssettag s2;
	_ =	strace s9  }
0x27: {  	s1 =	sld [smem:$0x3FA6]  }
0x28: {  	s2 =	sld [smem:$0x3FA7]  }
0x29: {  	s4 =	sld [smem:$0x3FA9]  }
0x2a: {  	p0 =	seq.s32 s5, $0x0;
	s5 =	sld [smem:$0x3FAA]  }
0x2b: {  	s6 =	sld [smem:$0x3FAB]  }
0x2c: {  	s7 =	sld [smem:$0x3FAC]  }
0x2d: {  	s3 =	simm.s32 $0x108;
	s8 =	sld [smem:$0x3FAD]  }
0x2e: {  	s3 =	simm.s32 @!p0 $0x1082;
	s9 =	sld [smem:$0x3FAE]  }
0x2f: {  	lr =	sadd.s32 s0, s3;
	s0 =	sld [smem:$0x3FA5]  }
0x30: {  	s3 =	sld [smem:$0x3FA8]  }
0x31: {  	[smem:$0x3FB1] =	sst s10  }
0x32: {  	s10 =	sld [smem:$0x3FAF];
	_ =	sdelay $0x3  }
0x33: {  	p0 =	seq.s32 s10, $0x1;
	s10 =	sld [smem:$0x3FB1];
	_ =	sdelay $0x3  }
0x34: {  	[smem:$0x3FB1] =	sst s10  }
0x35: {  	s10 =	sld [smem:$0x3FB0];
	_ =	sdelay $0x3  }
0x36: {  	p1 =	seq.s32 s10, $0x1;
	s10 =	sld [smem:$0x3FB1];
	_ =	sdelay $0x3  }
0x37: {  	[smem:$0x3FB1] =	sst s10  }
0x38: {  	s10 =	sld [smem:$0x3FB2]  }
0x39: {  	_ = 	snop;
	(pc) =	sbr.ind lr, $3  }
0x3a: {  	_ = 	snop  }
0x3b: {  	_ = 	snop  }
0x3c: {  	p2 =	seq.s32 s10, $0x1;
	s10 =	sld [smem:$0x3FB1]  }
0x3d: {  	_ =	shalt  }
0x3e: {  	_ =	shalt  }
0x3f: {  	_ =	shalt  }
0x40: {  	_ =	shalt  }
0x41: {  	_ =	shalt  }
0x42: {  	_ =	shalt  }
0x43: {  	_ =	shalt  }
0x44: {  	_ =	shalt  }
0x45: {  	_ =	shalt  }
0x46: {  	_ =	shalt  }
0x47: {  	_ =	shalt  }
0x48: {  	_ =	shalt  }
0x49: {  	_ =	shalt  }
0x4a: {  	_ =	shalt  }
0x4b: {  	_ =	shalt  }
0x4c: {  	_ =	shalt  }
0x4d: {  	_ =	shalt  }
0x4e: {  	_ =	shalt  }
0x4f: {  	_ =	shalt  }
0x50: {  	_ =	shalt  }
0x51: {  	_ =	shalt  }
0x52: {  	_ =	shalt  }
0x53: {  	_ =	shalt  }
0x54: {  	_ =	shalt  }
0x55: {  	_ =	shalt  }
0x56: {  	_ =	shalt  }
0x57: {  	_ =	shalt  }
0x58: {  	_ =	shalt  }
0x59: {  	_ =	shalt  }
0x5a: {  	_ =	shalt  }
0x5b: {  	_ =	shalt  }
0x5c: {  	_ =	shalt  }
0x5d: {  	_ =	shalt  }
0x5e: {  	_ =	shalt  }
0x5f: {  	_ =	shalt  }
0x60: {  	_ =	shalt  }
0x61: {  	_ =	shalt  }
0x62: {  	_ =	shalt  }
0x63: {  	_ =	shalt  }
0x64: {  	_ =	shalt  }
0x65: {  	_ =	shalt  }
0x66: {  	_ =	shalt  }
0x67: {  	_ =	shalt  }
0x68: {  	_ =	shalt  }
0x69: {  	_ =	shalt  }
0x6a: {  	_ =	shalt  }
0x6b: {  	_ =	shalt  }
0x6c: {  	_ =	shalt  }
0x6d: {  	_ =	shalt  }
0x6e: {  	_ =	shalt  }
0x6f: {  	_ =	shalt  }
0x70: {  	_ =	shalt  }
0x71: {  	_ =	shalt  }
0x72: {  	_ =	shalt  }
0x73: {  	_ =	shalt  }
0x74: {  	_ =	shalt  }
0x75: {  	_ =	shalt  }
0x76: {  	_ =	shalt  }
0x77: {  	_ =	shalt  }
0x78: {  	_ =	shalt  }
0x79: {  	_ =	shalt  }
0x7a: {  	_ =	shalt  }
0x7b: {  	_ =	shalt  }
0x7c: {  	_ =	shalt  }
0x7d: {  	_ =	shalt  }
0x7e: {  	_ =	shalt  }
0x7f: {  	_ =	shalt  }
0x80: {  	_ =	shalt  }
0x81: {  	_ =	shalt  }
0x82: {  	_ =	shalt  }
0x83: {  	_ =	shalt  }
0x84: {  	_ =	shalt  }
0x85: {  	_ =	shalt  }
0x86: {  	_ =	shalt  }
0x87: {  	_ =	shalt  }
.Lfunc_end0:
.L_simem_size_0:
called_computation_lowered:
.L_overlay_start_0:
0x88: {  	s2 =	sld [smem:$0x3FD9]  }
0x89: {  	s3 =	sld [smem:$0x3FFE];
	_ =	sdelay $0x1  }
0x8a: {  	s1 =	srdreg.scid  }
0x8b: {  	s0 =	sand.u32 $0x1, s1  }
0x8c: {  	s17 =	sshll.u32 s0, $0xA;
	s2 =	sadd.s32 s3, s2  }
0x8d: {  	s2 =	sadd.s32 s2, s17  }
0x8e: {  	[smem:$0x3FBD] =	sst s2  }
0x8f: {  	_ = 	snop  }
0x90: {  	s2 =	sld [smem:$0x3FC9];
	(tm) =	ssettm $0x1  }
0x91: {  	s18 =	sld [smem:$0x3FFB];
	_ =	sdelay $0x3  }
0x92: {  	_ =	strace s18  }
0x93: {  	s3 =	sld [smem:$0x3FFC];
	_ =	sdelay $0x3  }
0x94: {  	_ =	strace s3  }
0x95: {  	s3 =	sld [smem:$0x3FFD];
	_ =	sdelay $0x3  }
0x96: {  	_ =	strace s3  }
0x97: {  	_ =	strace $0x8FFFFFFF  }
0x98: {  	s19 =	sld [smem:$0x3FDB];
	_ =	sdelay $0x1  }
0x99: {  	s4 =	simm.s32 $_scs_section_size  }
0x9a: {  	s5 =	simm.s32 $_size__tile_overlayer_lowered;
	s6 =	simm.s32 $_tile_overlayer_lowered  }
0x9b: {  	s22 =	simm.s32 $0x1BFF;
	s21 =	sshll.u32 s6, $0x1;
	s3 =	sadd.s32 s4, s19  }
0x9c: {  	s7 =	simm.s32 $0x0;
	s20 =	sshll.u32 s5, $0x1;
	s5 =	sadd.s32 s21, s3  }
0x9d: {  	[timem:s7], [sflag:s22] =	dma.local [hbm:s5], s20  }
0x9e: {  	_ =	swait.ge [sflag:s22], s20  }
0x9f: {  	s4 =	ssub.s32 $0x0, s20;
	[sflag:s22] =	ssyncset.done $0x0  }
0xa0: {  	[sflag:s22] =	ssyncadd.s32 s4;
	_ =	sdelay $0x1  }
0xa1: {  	s23 =	simm.s32 $0x1B8B  }
0xa2: {  	_ =	swait.ge [sflag:s23], $0x1  }
0xa3: {  	[sflag:s23] =	ssyncset.done $0x0  }
0xa4: {  	s25 =	simm.s32 $0x1B8E;
	s24 =	sld [smem:$0x3FFE];
	[sflag:s23] =	ssyncadd.s32 $0xFFFFFFFF  }
0xa5: {  	s26 =	simm.s32 $execute0_lowered;
	[smem:$0x3FD2] =	sst s25  }
0xa6: {  	s5 =	sshll.u32 s26, $0x1;
	_ =	strace $0x80000046;
	[dreg:$0x1] =	wrdreg $0xFFFFFFFF  }
0xa7: {  	s28 =	simm.s32 $_size_execute0_lowered;
	s3 =	sadd.s32 s3, s5;
	[dreg:$0x0] =	wrdreg $0x0  }
0xa8: {  	s5 =	sshll.u32 s28, $0x1;
	[dreg:$0x2] =	wrdreg s3  }
0xa9: {  	[dreg:$0x3] =	wrdreg s5  }
0xaa: {  	[dreg:$0x4] =	wrdreg $0xC0  }
0xab: {  	_ =	task [dreg:s7], $0x5FFFF  }
0xac: {  	[dreg:$0x1] =	wrdreg $0xFFFFFFFF  }
0xad: {  	[dreg:$0x0] =	wrdreg $0x60  }
0xae: {  	[dreg:$0x2] =	wrdreg s2  }
0xaf: {  	[dreg:$0x3] =	wrdreg s24  }
0xb0: {  	[dreg:$0x4] =	wrdreg $0xB  }
0xb1: {  	_ =	task.clear_ibuf [dreg:s7], $0x5FFFF;
	_ =	strace $0x90000046  }
0xb2: {  	s29 =	simm.s32 $0xB;
	_ =	strace $0x80000048  }
0xb3: {  	_ =	swait.ge [sflag:s29], $0x1  }
0xb4: {  	[sflag:s29] =	ssyncadd.s32 $0xFFFFFFFF  }
0xb5: {  	_ =	strace $0x90000048  }
0xb6: {  	_ =	sfence  }
0xb7: {  	s30 =	sld [smem:$0x0];
	_ =	sdelay $0x2  }
0xb8: {  	s31 =	sshll.u32 s1, $0xD;
	s1 =	sshrl.u32 s1, $0x2  }
0xb9: {  	s3 =	sand.u32 $0x4000, s31;
	s1 =	sadd.s32 s1, s30  }
0xba: {  	s0 =	sor.u32 s3, s0;
	s1 =	sshll.u32 s1, $0x11  }
0xbb: {  	s0 =	sor.u32 s1, s0  }
0xbc: {  	s0 =	sadd.s32 $0x8F2B, s0  }
0xbd: {  	[sflag:s0] =	ssyncadd.remote.s32 $0x1  }
0xbe: {  	_ =	sfence.sel $0xFFFF  }
0xbf: {  	[dreg:$0x0] =	wrdreg $0xFFFFFFFF;
	(pc) =	sbr.abs _section_cstart, $3  }
0xc0: {  	[dreg:$0x1] =	wrdreg $0xFFFFFFFF  }
0xc1: {  	_ =	task.clear_ibuf [dreg:s7], $0x2FFFF;
	_ =	strace $0x9FFFFFFF  }
0xc2: {  	(tm) =	ssettm $0x7FFFFFFF  }
0xc3: {  	_ =	shalt  }
tec
execute0_lowered:
.L_overlay_start_1:
0x0: {  	(tag) =	ssettag $0x1  }
0x1: {  	s2 =	rddreg [dreg:$0x0];
	s1 =	srdreg.scid  }
0x2: {  	s0 =	stileid.u32;
	s6 =	rddreg [dreg:$0x1];
	s3 =	simm.s32 $0x0  }
0x3: {  	s13 =	simm.s32 $0x1400;
	s14 =	simm.s32 $0x80;
	s15 =	simm.s32 $0x2800  }
0x4: {  	s16 =	simm.s32 $0x6800;
	s17 =	simm.s32 $0xA800;
	s19 =	simm.s32 $0xE800  }
0x5: {  	s20 =	simm.s32 $0x1;
	s21 =	simm.s32 $0x3;
	s22 =	simm.s32 $0x100  }
0x6: {  	s23 =	simm.s32 $0x1500;
	s24 =	simm.s32 $0x2;
	s25 =	simm.s32 $0x4  }
0x7: {  	s26 =	simm.s32 $0x1380;
	s28 =	simm.s32 $0x2780;
	s29 =	simm.s32 $0x0  }
0x8: {  	s1 =	sand.u32 $0x1, s1;
	s4 =	sshll.u32 s0, $0x1;
	[smem:$0x7FF] =	sst s3  }
0x9: {  	s9 =	sadd.s32 $0xDE00, s6;
	s11 =	sadd.s32 $0xEE00, s6;
	s12 =	smul.u32 $0x50000, s0  }
0xa: {  	s5 =	sor.u32 s1, s4;
	s7 =	ssub.s32 $0x2, s1;
	s1 =	smul.u32 $0x28000, s1  }
0xb: {  	_ =	strace $0x80000047;
	s4 =	smul.u32 $0x280, s5;
	s31 =	sshrl.u32 s7, $0x1  }
0xc: {  	s10 =	smul.u32 $0x28000, s5;
	s12 =	sadd.s32 s12, s9;
	s7 =	ssub.s32 s7, s31  }
0xd: {  	s1 =	sadd.s32 s1, s12;
	s12 =	simm.s32 $0x5;
	s8 =	sadd.s32 s4, s6  }
0xe: {  	s6 =	smax.u32 s7, $0x1;
	s7 =	sadd.s32 s9, s10;
	s4 =	sadd.s32 $0x8E00, s8  }
0xf: {  	s5 =	sadd.s32 $0x3E00, s8;
	s8 =	sadd.s32 s10, s11;
	s10 =	sadd.s32 $0x26000, s10  }
0x10: {  	s1 =	sadd.s32 $0x3000, s1;
	s9 =	sadd.s32 s9, s10;
	s10 =	sadd.s32 s10, s11  }
.LBB2_1:
0x11: {  	[tilespmem:s3], [sflag:$0x5] =	stream.linear.gather [hbm4b:s4+s3], $0x1400, $0x38;
	[tilespmem:$0x12800] =	vst v63  }
0x12: {  	_ =	swait.ge [sflag:s12], $0x1400  }
0x13: {  	[sflag:s12] =	ssyncset.done $0x0  }
0x14: {  	[sflag:s12] =	ssyncadd.s32 $0xFFFFEC00  }
0x15: {  	[tilespmem:s13], [sflag:$0x5] =	stream.linear.gather [hbm4b:s5+s3], $0x1400, $0x38;
	[tilespmem:$0x12800] =	vst v63  }
0x16: {  	_ =	swait.ge [sflag:s12], $0x1400  }
0x17: {  	[sflag:s12] =	ssyncset.done $0x0  }
0x18: {  	[sflag:s12] =	ssyncadd.s32 $0xFFFFEC00  }
0x19: {  	[tilespmem:s15], [sflag:$0x1] =	stream.indirect.gather [hbm4b:s2+s14], $0x80, s3, s14, $0xb8;
	[tilespmem:$0x12800] =	vst v63  }
0x1a: {  	_ = 	snop  }
0x1b: {  	[tilespmem:s16], [sflag:$0x1] =	stream.indirect.gather [hbm4b:s2+s14], $0x80, s13, s14, $0xb8;
	[tilespmem:$0x12800] =	vst v63  }
0x1c: {  	_ = 	snop  }
0x1d: {  	[tilespmem:s17], [sflag:$0x2] =	stream.indirect.gather [hbm4b:s2+s14], $0x80, s14, s14, $0xb8;
	[tilespmem:$0x12800] =	vst v63  }
0x1e: {  	s0 =	simm.s32 $0x1480  }
0x1f: {  	[tilespmem:s19], [sflag:$0x2] =	stream.indirect.gather [hbm4b:s2+s14], $0x80, s0, s14, $0xb8;
	[tilespmem:$0x12800] =	vst v63  }
0x20: {  	_ =	swait.ge [sflag:s20], $0x4000  }
0x21: {  	[sflag:s20] =	ssyncset.done $0x0  }
0x22: {  	[sflag:s20] =	ssyncadd.s32 $0xFFFFC000  }
0x23: {  	_ =	swait.ge [sflag:s20], $0x4000  }
0x24: {  	[sflag:s20] =	ssyncset.done $0x0  }
0x25: {  	[sflag:s20] =	ssyncadd.s32 $0xFFFFC000  }
0x26: {  	[hbm4b:s7+s3] =	stream.linear.scatter [tilespmem:s15], [sflag:$0x3], $0x8000, $0x38;
	[tilespmem:$0x12800] =	vst v63  }
0x27: {  	_ =	swait.ge [sflag:s21], $0x8000  }
0x28: {  	[sflag:s21] =	ssyncset.done $0x0  }
0x29: {  	[sflag:s21] =	ssyncadd.s32 $0xFFFF8000  }
0x2a: {  	[tilespmem:s15], [sflag:$0x1] =	stream.indirect.gather [hbm4b:s2+s14], $0x80, s22, s14, $0xb8;
	[tilespmem:$0x12800] =	vst v63  }
0x2b: {  	_ = 	snop  }
0x2c: {  	[tilespmem:s16], [sflag:$0x1] =	stream.indirect.gather [hbm4b:s2+s14], $0x80, s23, s14, $0xb8;
	[tilespmem:$0x12800] =	vst v63  }
0x2d: {  	_ =	swait.ge [sflag:s24], $0x4000  }
0x2e: {  	[sflag:s24] =	ssyncset.done $0x0  }
0x2f: {  	[sflag:s24] =	ssyncadd.s32 $0xFFFFC000  }
0x30: {  	_ =	swait.ge [sflag:s24], $0x4000  }
0x31: {  	[sflag:s24] =	ssyncset.done $0x0  }
0x32: {  	[sflag:s24] =	ssyncadd.s32 $0xFFFFC000  }
0x33: {  	[hbm4b:s8+s3] =	stream.linear.scatter [tilespmem:s17], [sflag:$0x4], $0x8000, $0x38;
	[tilespmem:$0x12800] =	vst v63  }
0x34: {  	_ =	swait.ge [sflag:s25], $0x8000  }
0x35: {  	[sflag:s25] =	ssyncset.done $0x0  }
0x36: {  	s11 =	simm.s32 $0x180;
	[sflag:s25] =	ssyncadd.s32 $0xFFFF8000  }
0x37: {  	[tilespmem:s17], [sflag:$0x2] =	stream.indirect.gather [hbm4b:s2+s14], $0x80, s11, s14, $0xb8;
	[tilespmem:$0x12800] =	vst v63  }
0x38: {  	s0 =	simm.s32 $0x1580  }
0x39: {  	[tilespmem:s19], [sflag:$0x2] =	stream.indirect.gather [hbm4b:s2+s14], $0x80, s0, s14, $0xb8;
	[tilespmem:$0x12800] =	vst v63  }
0x3a: {  	_ =	swait.ge [sflag:s20], $0x4000  }
0x3b: {  	[sflag:s20] =	ssyncset.done $0x0  }
0x3c: {  	[sflag:s20] =	ssyncadd.s32 $0xFFFFC000  }
0x3d: {  	_ =	swait.ge [sflag:s20], $0x4000  }
0x3e: {  	[sflag:s20] =	ssyncset.done $0x0  }
0x3f: {  	s18 =	sadd.s32 $0xFFFFF000, s1;
	[sflag:s20] =	ssyncadd.s32 $0xFFFFC000  }
0x40: {  	[hbm4b:s18+s3] =	stream.linear.scatter [tilespmem:s15], [sflag:$0x3], $0x8000, $0x38;
	[tilespmem:$0x12800] =	vst v63  }
0x41: {  	_ =	swait.ge [sflag:s21], $0x8000  }
0x42: {  	[sflag:s21] =	ssyncset.done $0x0  }
0x43: {  	s0 =	simm.s32 $0x200;
	[sflag:s21] =	ssyncadd.s32 $0xFFFF8000  }
0x44: {  	[tilespmem:s15], [sflag:$0x1] =	stream.indirect.gather [hbm4b:s2+s14], $0x80, s0, s14, $0xb8;
	[tilespmem:$0x12800] =	vst v63  }
0x45: {  	s18 =	simm.s32 $0x1600  }
0x46: {  	[tilespmem:s16], [sflag:$0x1] =	stream.indirect.gather [hbm4b:s2+s14], $0x80, s18, s14, $0xb8;
	[tilespmem:$0x12800] =	vst v63  }
0x47: {  	_ =	swait.ge [sflag:s24], $0x4000  }
0x48: {  	[sflag:s24] =	ssyncset.done $0x0  }
0x49: {  	[sflag:s24] =	ssyncadd.s32 $0xFFFFC000  }
0x4a: {  	_ =	swait.ge [sflag:s24], $0x4000  }
0x4b: {  	s30 =	simm.s32 $0x400;
	[sflag:s24] =	ssyncset.done $0x0  }
0x4c: {  	s31 =	sadd.s32 $0x2000, s1;
	s11 =	smov.u32 s1;
	[sflag:s24] =	ssyncadd.s32 $0xFFFFC000  }
.LBB2_2:
0x4d: {  	[hbm4b:s11+s3] =	stream.linear.scatter [tilespmem:s17], [sflag:$0x4], $0x8000, $0x38;
	[tilespmem:$0x12800] =	vst v63  }
0x4e: {  	s0 =	smov.u32 s30;
	s11 =	smov.u32 s31  }
0x4f: {  	p0 =	sne.s32 s30, $0x4400;
	s30 =	sadd.s32 $0x400, s30;
	_ =	swait.ge [sflag:s25], $0x8000  }
0x50: {  	s0 =	sshra.s32 s0, $0x2;
	[sflag:s25] =	ssyncset.done $0x0  }
0x51: {  	s18 =	sadd.s32 $0x180, s0;
	[sflag:s25] =	ssyncadd.s32 $0xFFFF8000  }
0x52: {  	[tilespmem:s17], [sflag:$0x2] =	stream.indirect.gather [hbm4b:s2+s14], $0x80, s18, s14, $0xb8;
	[tilespmem:$0x12800] =	vst v63  }
0x53: {  	s18 =	sadd.s32 $0x1580, s0  }
0x54: {  	[tilespmem:s19], [sflag:$0x2] =	stream.indirect.gather [hbm4b:s2+s14], $0x80, s18, s14, $0xb8;
	[tilespmem:$0x12800] =	vst v63  }
0x55: {  	_ =	swait.ge [sflag:s20], $0x4000  }
0x56: {  	[sflag:s20] =	ssyncset.done $0x0  }
0x57: {  	[sflag:s20] =	ssyncadd.s32 $0xFFFFC000  }
0x58: {  	_ =	swait.ge [sflag:s20], $0x4000  }
0x59: {  	[sflag:s20] =	ssyncset.done $0x0  }
0x5a: {  	s18 =	sadd.s32 $0xFFFFF000, s31;
	[sflag:s20] =	ssyncadd.s32 $0xFFFFC000  }
0x5b: {  	[hbm4b:s18+s3] =	stream.linear.scatter [tilespmem:s15], [sflag:$0x3], $0x8000, $0x38;
	[tilespmem:$0x12800] =	vst v63  }
0x5c: {  	_ =	swait.ge [sflag:s21], $0x8000  }
0x5d: {  	[sflag:s21] =	ssyncset.done $0x0  }
0x5e: {  	s18 =	sadd.s32 $0x200, s0;
	[sflag:s21] =	ssyncadd.s32 $0xFFFF8000  }
0x5f: {  	[tilespmem:s15], [sflag:$0x1] =	stream.indirect.gather [hbm4b:s2+s14], $0x80, s18, s14, $0xb8;
	[tilespmem:$0x12800] =	vst v63  }
0x60: {  	s0 =	sadd.s32 $0x1600, s0  }
0x61: {  	[tilespmem:s16], [sflag:$0x1] =	stream.indirect.gather [hbm4b:s2+s14], $0x80, s0, s14, $0xb8;
	[tilespmem:$0x12800] =	vst v63  }
0x62: {  	_ =	swait.ge [sflag:s24], $0x4000  }
.Ltmp0:
0x63: {  	[sflag:s24] =	ssyncset.done $0x0;
	(pc) =	sbr.rel @p0 .LBB2_2-.Ltmp0, $4  }
0x64: {  	[sflag:s24] =	ssyncadd.s32 $0xFFFFC000  }
0x65: {  	_ =	swait.ge [sflag:s24], $0x4000  }
0x66: {  	[sflag:s24] =	ssyncset.done $0x0  }
0x67: {  	s31 =	sadd.s32 $0x2000, s31;
	[sflag:s24] =	ssyncadd.s32 $0xFFFFC000  }
0x68: {  	[hbm4b:s11+s3] =	stream.linear.scatter [tilespmem:s17], [sflag:$0x4], $0x8000, $0x38;
	[tilespmem:$0x12800] =	vst v63  }
0x69: {  	_ =	swait.ge [sflag:s25], $0x8000  }
0x6a: {  	[sflag:s25] =	ssyncset.done $0x0  }
0x6b: {  	[sflag:s25] =	ssyncadd.s32 $0xFFFF8000  }
0x6c: {  	[tilespmem:s17], [sflag:$0x2] =	stream.indirect.gather [hbm4b:s2+s14], $0x80, s26, s14, $0xb8;
	[tilespmem:$0x12800] =	vst v63  }
0x6d: {  	_ = 	snop  }
0x6e: {  	[tilespmem:s19], [sflag:$0x2] =	stream.indirect.gather [hbm4b:s2+s14], $0x80, s28, s14, $0xb8;
	[tilespmem:$0x12800] =	vst v63  }
0x6f: {  	_ =	swait.ge [sflag:s20], $0x4000  }
0x70: {  	[sflag:s20] =	ssyncset.done $0x0  }
0x71: {  	[sflag:s20] =	ssyncadd.s32 $0xFFFFC000  }
0x72: {  	_ =	swait.ge [sflag:s20], $0x4000  }
0x73: {  	[sflag:s20] =	ssyncset.done $0x0  }
0x74: {  	[sflag:s20] =	ssyncadd.s32 $0xFFFFC000  }
0x75: {  	[hbm4b:s9+s3] =	stream.linear.scatter [tilespmem:s15], [sflag:$0x3], $0x8000, $0x38;
	[tilespmem:$0x12800] =	vst v63  }
0x76: {  	_ =	swait.ge [sflag:s24], $0x4000  }
0x77: {  	[sflag:s24] =	ssyncset.done $0x0  }
0x78: {  	[sflag:s24] =	ssyncadd.s32 $0xFFFFC000  }
0x79: {  	_ =	swait.ge [sflag:s24], $0x4000  }
0x7a: {  	[sflag:s24] =	ssyncset.done $0x0  }
0x7b: {  	s29 =	sadd.s32 $0x1, s29;
	[sflag:s24] =	ssyncadd.s32 $0xFFFFC000  }
0x7c: {  	[hbm4b:s10+s3] =	stream.linear.scatter [tilespmem:s17], [sflag:$0x4], $0x8000, $0x38;
	[tilespmem:$0x12800] =	vst v63  }
0x7d: {  	p0 =	sne.s32 s29, s6;
	_ =	swait.ge [sflag:s21], $0x8000  }
.Ltmp1:
0x7e: {  	[sflag:s21] =	ssyncset.done $0x0;
	(pc) =	sbr.rel @p0 .LBB2_1-.Ltmp1, $4  }
0x7f: {  	[sflag:s21] =	ssyncadd.s32 $0xFFFF8000  }
0x80: {  	_ =	swait.ge [sflag:s25], $0x8000  }
0x81: {  	[sflag:s25] =	ssyncset.done $0x0  }
0x82: {  	[sflag:s25] =	ssyncadd.s32 $0xFFFF8000  }
0x83: {  	_ =	sfence.sel $0x180000  }
0x84: {  	[bflag:$0x0] =	sbarrier.arrive $0xFFFF  }
0x85: {  	_ =	strace $0x90000047  }
0x86: {  	s0 =	stileid.u32;
	[bflag:$0x2] =	sbarrier.arrive $0xFFFF  }
0x87: {  	p0 =	sne.s32 s0, $0x0;
	s0 =	rddreg [dreg:$0x2]  }
0x88: {  	s0 =	sadd.s32 @!p0 $0x100000, s0  }
0x89: {  	[sflag:s0] =	ssyncadd.tile.s32 @!p0 $0x1;
	_ =	shalt  }
.Lfunc_end2:
_tile_overlayer_lowered:
.L_overlay_start_2:
0x8a: {  	(tag) =	ssettag $0x2  }
0x8b: {  	s0 =	rddreg [dreg:$0x0];
	s2 =	stileid.u32  }
0x8c: {  	s1 =	rddreg [dreg:$0x1];
	p0 =	sne.s32 s2, $0x0  }
0x8d: {  	s3 =	rddreg [dreg:$0x2];
	[bflag:$0x3] =	sbarrier.arrive $0xFFFF;
	s2 =	simm.s32 @!p0 $0x1C05  }
0x8e: {  	[timem:s3], [sflag:s2] =	dma.local @!p0 [hbm:s0], s1  }
0x8f: {  	s0 =	simm.s32 @!p0 $0x5  }
0x90: {  	_ =	swait.ge @!p0 [sflag:s0], s1  }
0x91: {  	s1 =	ssub.s32 @!p0 $0x0, s1;
	[sflag:s0] =	ssyncset.done @!p0 $0x0  }
0x92: {  	[sflag:s0] =	ssyncadd.s32 @!p0 s1  }
0x93: {  	[bflag:$0x3] =	sbarrier.arrive $0xFFFF  }
0x94: {  	_ =	shalt  }

// kernel: sc_kg_gather.7.cloned.1.call-start
scs
__scs_entry_jumppad:
0x0: {  	(pc) =	sbr.rel $0x88, $3  }
0x1: {  	(tag) =	ssettag $0x0;
	lr =	simm.s32 $0x1  }
0x2: {  	[smem:$0x3F96] =	sst lr;
	_ =	strace $0xD0000000  }
0x3: {  	_ = 	snop  }
0x4: {  	_ = 	snop  }
0x5: {  	_ = 	snop  }
0x6: {  	_ = 	snop  }
0x7: {  	_ = 	snop  }
__scs_overlays_trampoline_lowered:
0x8: {  	[smem:$0x3FA5] =	sst s0  }
0x9: {  	[smem:$0x3FA6] =	sst s1  }
0xa: {  	[smem:$0x3FA7] =	sst s2  }
0xb: {  	[smem:$0x3FA8] =	sst s3  }
0xc: {  	[smem:$0x3FA9] =	sst s4  }
0xd: {  	[smem:$0x3FAA] =	sst s5  }
0xe: {  	[smem:$0x3FAB] =	sst s6  }
0xf: {  	[smem:$0x3FAC] =	sst s7  }
0x10: {  	[smem:$0x3FAD] =	sst s8  }
0x11: {  	[smem:$0x3FAE] =	sst s9;
	s0 =	simm.s32 @!p0 $0x0  }
0x12: {  	s1 =	sld [smem:$0x3F94];
	s0 =	simm.s32 @p0 $0x1  }
0x13: {  	[smem:$0x3FAF] =	sst s0;
	s0 =	simm.s32 @!p1 $0x0  }
0x14: {  	s2 =	sld [smem:$0x3F93];
	s0 =	simm.s32 @p1 $0x1  }
0x15: {  	[smem:$0x3FB0] =	sst s0;
	s0 =	simm.s32 @!p2 $0x0  }
0x16: {  	s3 =	sld [smem:$0x3FDB];
	s0 =	simm.s32 @p2 $0x1  }
0x17: {  	s4 =	simm.s32 $0x1BF5;
	[smem:$0x3FB2] =	sst s0  }
0x18: {  	s0 =	sld [smem:$0x3F95];
	_ =	swait.ge [sflag:s4], $0x0  }
0x19: {  	s7 =	sld [smem:$0x3F96]  }
0x1a: {  	s8 =	sadd.s32 $0xFFFFE003, lr  }
0x1b: {  	s9 =	sadd.s32 $0xFFFFFEF7, lr;
	s5 =	simm.s32 $0xFFFFFFFF;
	p2 =	slt.u32 s8, $0xFFFFF086  }
0x1c: {  	p1 =	slt.u32 s9, $0xF7A;
	s5 =	simm.s32 @!p2 $0x0  }
0x1d: {  	s5 =	simm.s32 @p1 $0x1;
	p0 =	seq.s32 s7, s2  }
0x1e: {  	s7 =	smul.u32 @!p0 $0xF7A, s2;
	p2 =	seq.s32 @!p0 s5, $0x0  }
0x1f: {  	s9 =	smul.u32 $0xF7A, s1;
	s8 =	simm.s32 @!p0 $0x1BF5;
	p2 =	por !p2, p0  }
0x20: {  	[sflag:s8] =	ssyncset.s32 @!p0 $0xFFFFF086;
	s6 =	sadd.s32 @!p0 s3, s7;
	s7 =	simm.s32 @!p0 $0x108  }
0x21: {  	s3 =	sadd.s32 s3, s9;
	s6 =	sadd.s32 @!p0 $0x88, s6;
	s7 =	simm.s32 @p2 $0x1082  }
0x22: {  	[simem:s7], [sflag:s8] =	dma.local @!p0 [hbm:s6], $0xF7A  }
0x23: {  	s9 =	sor.u32 $0xD0000000, s2;
	s6 =	simm.s32 $0x108;
	_ =	swait.ge @!p0 [sflag:s8], $0x0  }
0x24: {  	s3 =	sadd.s32 $0x88, s3;
	s6 =	simm.s32 @!p1 $0x1082;
	[sflag:s4] =	ssyncset.s32 $0xFFFFF086  }
0x25: {  	[simem:s6], [sflag:s4] =	dma.local [hbm:s3], $0xF7A  }
0x26: {  	[smem:$0x3F96] =	sst s1;
	(tag) =	ssettag s2;
	_ =	strace s9  }
0x27: {  	s1 =	sld [smem:$0x3FA6]  }
0x28: {  	s2 =	sld [smem:$0x3FA7]  }
0x29: {  	s4 =	sld [smem:$0x3FA9]  }
0x2a: {  	p0 =	seq.s32 s5, $0x0;
	s5 =	sld [smem:$0x3FAA]  }
0x2b: {  	s6 =	sld [smem:$0x3FAB]  }
0x2c: {  	s7 =	sld [smem:$0x3FAC]  }
0x2d: {  	s3 =	simm.s32 $0x108;
	s8 =	sld [smem:$0x3FAD]  }
0x2e: {  	s3 =	simm.s32 @!p0 $0x1082;
	s9 =	sld [smem:$0x3FAE]  }
0x2f: {  	lr =	sadd.s32 s0, s3;
	s0 =	sld [smem:$0x3FA5]  }
0x30: {  	s3 =	sld [smem:$0x3FA8]  }
0x31: {  	[smem:$0x3FB1] =	sst s10  }
0x32: {  	s10 =	sld [smem:$0x3FAF];
	_ =	sdelay $0x3  }
0x33: {  	p0 =	seq.s32 s10, $0x1;
	s10 =	sld [smem:$0x3FB1];
	_ =	sdelay $0x3  }
0x34: {  	[smem:$0x3FB1] =	sst s10  }
0x35: {  	s10 =	sld [smem:$0x3FB0];
	_ =	sdelay $0x3  }
0x36: {  	p1 =	seq.s32 s10, $0x1;
	s10 =	sld [smem:$0x3FB1];
	_ =	sdelay $0x3  }
0x37: {  	[smem:$0x3FB1] =	sst s10  }
0x38: {  	s10 =	sld [smem:$0x3FB2]  }
0x39: {  	_ = 	snop;
	(pc) =	sbr.ind lr, $3  }
0x3a: {  	_ = 	snop  }
0x3b: {  	_ = 	snop  }
0x3c: {  	p2 =	seq.s32 s10, $0x1;
	s10 =	sld [smem:$0x3FB1]  }
0x3d: {  	_ =	shalt  }
0x3e: {  	_ =	shalt  }
0x3f: {  	_ =	shalt  }
0x40: {  	_ =	shalt  }
0x41: {  	_ =	shalt  }
0x42: {  	_ =	shalt  }
0x43: {  	_ =	shalt  }
0x44: {  	_ =	shalt  }
0x45: {  	_ =	shalt  }
0x46: {  	_ =	shalt  }
0x47: {  	_ =	shalt  }
0x48: {  	_ =	shalt  }
0x49: {  	_ =	shalt  }
0x4a: {  	_ =	shalt  }
0x4b: {  	_ =	shalt  }
0x4c: {  	_ =	shalt  }
0x4d: {  	_ =	shalt  }
0x4e: {  	_ =	shalt  }
0x4f: {  	_ =	shalt  }
0x50: {  	_ =	shalt  }
0x51: {  	_ =	shalt  }
0x52: {  	_ =	shalt  }
0x53: {  	_ =	shalt  }
0x54: {  	_ =	shalt  }
0x55: {  	_ =	shalt  }
0x56: {  	_ =	shalt  }
0x57: {  	_ =	shalt  }
0x58: {  	_ =	shalt  }
0x59: {  	_ =	shalt  }
0x5a: {  	_ =	shalt  }
0x5b: {  	_ =	shalt  }
0x5c: {  	_ =	shalt  }
0x5d: {  	_ =	shalt  }
0x5e: {  	_ =	shalt  }
0x5f: {  	_ =	shalt  }
0x60: {  	_ =	shalt  }
0x61: {  	_ =	shalt  }
0x62: {  	_ =	shalt  }
0x63: {  	_ =	shalt  }
0x64: {  	_ =	shalt  }
0x65: {  	_ =	shalt  }
0x66: {  	_ =	shalt  }
0x67: {  	_ =	shalt  }
0x68: {  	_ =	shalt  }
0x69: {  	_ =	shalt  }
0x6a: {  	_ =	shalt  }
0x6b: {  	_ =	shalt  }
0x6c: {  	_ =	shalt  }
0x6d: {  	_ =	shalt  }
0x6e: {  	_ =	shalt  }
0x6f: {  	_ =	shalt  }
0x70: {  	_ =	shalt  }
0x71: {  	_ =	shalt  }
0x72: {  	_ =	shalt  }
0x73: {  	_ =	shalt  }
0x74: {  	_ =	shalt  }
0x75: {  	_ =	shalt  }
0x76: {  	_ =	shalt  }
0x77: {  	_ =	shalt  }
0x78: {  	_ =	shalt  }
0x79: {  	_ =	shalt  }
0x7a: {  	_ =	shalt  }
0x7b: {  	_ =	shalt  }
0x7c: {  	_ =	shalt  }
0x7d: {  	_ =	shalt  }
0x7e: {  	_ =	shalt  }
0x7f: {  	_ =	shalt  }
0x80: {  	_ =	shalt  }
0x81: {  	_ =	shalt  }
0x82: {  	_ =	shalt  }
0x83: {  	_ =	shalt  }
0x84: {  	_ =	shalt  }
0x85: {  	_ =	shalt  }
0x86: {  	_ =	shalt  }
0x87: {  	_ =	shalt  }
.Lfunc_end0:
.L_simem_size_0:
called_computation.1_lowered:
.L_overlay_start_0:
0x88: {  	s2 =	sld [smem:$0x3FD9]  }
0x89: {  	s3 =	sld [smem:$0x3FFE];
	_ =	sdelay $0x1  }
0x8a: {  	s1 =	srdreg.scid  }
0x8b: {  	s0 =	sand.u32 $0x1, s1  }
0x8c: {  	s17 =	sshll.u32 s0, $0xA;
	s2 =	sadd.s32 s3, s2  }
0x8d: {  	s2 =	sadd.s32 s2, s17  }
0x8e: {  	[smem:$0x3FBD] =	sst s2  }
0x8f: {  	_ = 	snop  }
0x90: {  	s18 =	sld [smem:$0x3FC9];
	(tm) =	ssettm $0x1  }
0x91: {  	s19 =	sld [smem:$0x3FFB];
	_ =	sdelay $0x3  }
0x92: {  	_ =	strace s19  }
0x93: {  	s2 =	sld [smem:$0x3FFC];
	_ =	sdelay $0x3  }
0x94: {  	_ =	strace s2  }
0x95: {  	s2 =	sld [smem:$0x3FFD];
	_ =	sdelay $0x3  }
0x96: {  	_ =	strace s2  }
0x97: {  	_ =	strace $0x8FFFFFFF  }
0x98: {  	s20 =	sld [smem:$0x3FDB];
	_ =	sdelay $0x1  }
0x99: {  	s4 =	simm.s32 $_scs_section_size  }
0x9a: {  	s5 =	simm.s32 $_size__tile_overlayer_lowered;
	s6 =	simm.s32 $_tile_overlayer_lowered  }
0x9b: {  	s7 =	simm.s32 $0x1BFF;
	s21 =	sshll.u32 s6, $0x1;
	s4 =	sadd.s32 s4, s20  }
0x9c: {  	s22 =	simm.s32 $0x0;
	s5 =	sshll.u32 s5, $0x1;
	s6 =	sadd.s32 s21, s4  }
0x9d: {  	[timem:s22], [sflag:s7] =	dma.local [hbm:s6], s5  }
0x9e: {  	_ =	swait.ge [sflag:s7], s5  }
0x9f: {  	s5 =	ssub.s32 $0x0, s5;
	[sflag:s7] =	ssyncset.done $0x0  }
0xa0: {  	[sflag:s7] =	ssyncadd.s32 s5;
	_ =	sdelay $0x1  }
0xa1: {  	s23 =	simm.s32 $0x1B8B  }
0xa2: {  	_ =	swait.ge [sflag:s23], $0x1  }
0xa3: {  	[sflag:s23] =	ssyncset.done $0x0  }
0xa4: {  	[sflag:s23] =	ssyncadd.s32 $0xFFFFFFFF  }
0xa5: {  	s5 =	sld [smem:$0x0]  }
0xa6: {  	s6 =	sand.u32 $0xFFFFFFFE, s1  }
0xa7: {  	p0 =	sne.s32 s1, s6  }
0xa8: {  	s6 =	sshll.u32 @p0 s6, $0xE  }
0xa9: {  	s6 =	sadd.s32 @p0 $0x11B8D, s6;
	s7 =	sshll.u32 @p0 s5, $0x11  }
0xaa: {  	s6 =	sor.u32 @p0 s7, s6  }
0xab: {  	[sflag:s6] =	ssyncadd.remote.s32 @p0 $0x1;
	_ =	sdelay $0x1  }
0xac: {  	s6 =	simm.s32 @p0 $0x1B8D  }
0xad: {  	_ =	swait.eq @p0 [sflag:s6], $0x1  }
0xae: {  	[sflag:s6] =	ssyncadd.s32 @p0 $0xFFFFFFFF  }
0xaf: {  	s7 =	sshll.u32 @!p0 s1, $0xE  }
0xb0: {  	s7 =	sor.u32 @!p0 $0x4000, s7;
	s6 =	simm.s32 @!p0 $0x1B8D  }
0xb1: {  	s5 =	sshll.u32 @!p0 s5, $0x11;
	s7 =	sadd.s32 @!p0 $0x11B8D, s7;
	_ =	swait.eq @!p0 [sflag:s6], $0x1  }
0xb2: {  	s5 =	sor.u32 @!p0 s5, s7;
	[sflag:s6] =	ssyncadd.s32 @!p0 $0xFFFFFFFF  }
0xb3: {  	s25 =	simm.s32 $0x1B8E;
	s24 =	sld [smem:$0x3FFE];
	[sflag:s5] =	ssyncadd.remote.s32 @!p0 $0x1  }
0xb4: {  	s26 =	simm.s32 $execute0_lowered;
	[smem:$0x3FD2] =	sst s25  }
0xb5: {  	s6 =	sshll.u32 s26, $0x1;
	_ =	strace $0x80000049;
	[dreg:$0x1] =	wrdreg $0xFFFFFFFF  }
0xb6: {  	s28 =	simm.s32 $_size_execute0_lowered;
	s4 =	sadd.s32 s4, s6;
	[dreg:$0x0] =	wrdreg $0x0  }
0xb7: {  	s6 =	sshll.u32 s28, $0x1;
	[dreg:$0x2] =	wrdreg s4  }
0xb8: {  	[dreg:$0x3] =	wrdreg s6  }
0xb9: {  	[dreg:$0x4] =	wrdreg $0xC0  }
0xba: {  	_ =	task [dreg:s22], $0x5FFFF  }
0xbb: {  	[dreg:$0x1] =	wrdreg $0xFFFFFFFF  }
0xbc: {  	[dreg:$0x0] =	wrdreg $0x60  }
0xbd: {  	[dreg:$0x2] =	wrdreg s18  }
0xbe: {  	[dreg:$0x3] =	wrdreg s24  }
0xbf: {  	[dreg:$0x4] =	wrdreg $0xC  }
0xc0: {  	_ =	task.clear_ibuf [dreg:s22], $0x5FFFF;
	_ =	strace $0x90000049  }
0xc1: {  	s29 =	simm.s32 $0xC;
	_ =	strace $0x8000004B  }
0xc2: {  	_ =	swait.ge [sflag:s29], $0x1  }
0xc3: {  	[sflag:s29] =	ssyncadd.s32 $0xFFFFFFFF  }
0xc4: {  	_ =	strace $0x9000004B  }
0xc5: {  	_ =	sfence  }
0xc6: {  	s30 =	sld [smem:$0x0];
	_ =	sdelay $0x2  }
0xc7: {  	s31 =	sshll.u32 s1, $0xD;
	s1 =	sshrl.u32 s1, $0x2  }
0xc8: {  	s4 =	sand.u32 $0x4000, s31;
	s1 =	sadd.s32 s1, s30  }
0xc9: {  	s0 =	sor.u32 s4, s0;
	s1 =	sshll.u32 s1, $0x11  }
0xca: {  	s0 =	sor.u32 s1, s0  }
0xcb: {  	s0 =	sadd.s32 $0x8F2B, s0  }
0xcc: {  	[sflag:s0] =	ssyncadd.remote.s32 $0x1  }
0xcd: {  	_ =	sfence.sel $0xFFFF  }
0xce: {  	[dreg:$0x0] =	wrdreg $0xFFFFFFFF;
	(pc) =	sbr.abs _section_cstart, $3  }
0xcf: {  	[dreg:$0x1] =	wrdreg $0xFFFFFFFF  }
0xd0: {  	_ =	task.clear_ibuf [dreg:s22], $0x2FFFF;
	_ =	strace $0x9FFFFFFF  }
0xd1: {  	(tm) =	ssettm $0x7FFFFFFF  }
tec
execute0_lowered:
.L_overlay_start_1:
0x0: {  	(tag) =	ssettag $0x1  }
0x1: {  	s1 =	srdreg.scid;
	s2 =	rddreg [dreg:$0x0]  }
0x2: {  	s0 =	stileid.u32;
	s6 =	rddreg [dreg:$0x1];
	s13 =	simm.s32 $0x1400  }
0x3: {  	s14 =	simm.s32 $0x80;
	s15 =	simm.s32 $0x2800;
	s16 =	simm.s32 $0x6800  }
0x4: {  	s17 =	simm.s32 $0xA800;
	s19 =	simm.s32 $0xE800;
	s20 =	simm.s32 $0x1  }
0x5: {  	s21 =	simm.s32 $0x3;
	s22 =	simm.s32 $0x100;
	s23 =	simm.s32 $0x1500  }
0x6: {  	s24 =	simm.s32 $0x2;
	s25 =	simm.s32 $0x4;
	s26 =	simm.s32 $0x1380  }
0x7: {  	s28 =	simm.s32 $0x2780;
	s29 =	simm.s32 $0x0;
	s1 =	sand.u32 $0x1, s1  }
0x8: {  	s3 =	sshll.u32 s0, $0x1;
	s9 =	sadd.s32 $0x517E00, s6;
	s12 =	smul.u32 $0x50000, s0  }
0x9: {  	s7 =	sor.u32 s1, s3;
	s8 =	ssub.s32 $0x2, s1;
	s1 =	smul.u32 $0x28000, s1  }
0xa: {  	s31 =	sadd.s32 $0x518E00, s6;
	s3 =	simm.s32 $0x0;
	s4 =	smul.u32 $0x280, s7  }
0xb: {  	[smem:$0x7FF] =	sst s3;
	s10 =	sshrl.u32 s8, $0x1;
	s11 =	smul.u32 $0x28000, s7  }
0xc: {  	s12 =	sadd.s32 s12, s9;
	_ =	strace $0x8000004A;
	s30 =	ssub.s32 s8, s10  }
0xd: {  	s1 =	sadd.s32 s1, s12;
	s12 =	simm.s32 $0x5;
	s5 =	sadd.s32 s4, s6  }
0xe: {  	s6 =	smax.u32 s30, $0x1;
	s7 =	sadd.s32 s9, s11;
	s8 =	sadd.s32 s11, s31  }
0xf: {  	s11 =	sadd.s32 $0x26000, s11;
	s1 =	sadd.s32 $0x3000, s1;
	s4 =	sadd.s32 $0x50DE00, s5  }
0x10: {  	s5 =	sadd.s32 $0x512E00, s5;
	s9 =	sadd.s32 s9, s11;
	s10 =	sadd.s32 s11, s31  }
.LBB2_1:
0x11: {  	[tilespmem:s3], [sflag:$0x5] =	stream.linear.gather [hbm4b:s4+s3], $0x1400, $0x38;
	[tilespmem:$0x12800] =	vst v63  }
0x12: {  	_ =	swait.ge [sflag:s12], $0x1400  }
0x13: {  	[sflag:s12] =	ssyncset.done $0x0  }
0x14: {  	[sflag:s12] =	ssyncadd.s32 $0xFFFFEC00  }
0x15: {  	[tilespmem:s13], [sflag:$0x5] =	stream.linear.gather [hbm4b:s5+s3], $0x1400, $0x38;
	[tilespmem:$0x12800] =	vst v63  }
0x16: {  	_ =	swait.ge [sflag:s12], $0x1400  }
0x17: {  	[sflag:s12] =	ssyncset.done $0x0  }
0x18: {  	[sflag:s12] =	ssyncadd.s32 $0xFFFFEC00  }
0x19: {  	[tilespmem:s15], [sflag:$0x1] =	stream.indirect.gather [hbm4b:s2+s14], $0x80, s3, s14, $0xb8;
	[tilespmem:$0x12800] =	vst v63  }
0x1a: {  	_ = 	snop  }
0x1b: {  	[tilespmem:s16], [sflag:$0x1] =	stream.indirect.gather [hbm4b:s2+s14], $0x80, s13, s14, $0xb8;
	[tilespmem:$0x12800] =	vst v63  }
0x1c: {  	_ = 	snop  }
0x1d: {  	[tilespmem:s17], [sflag:$0x2] =	stream.indirect.gather [hbm4b:s2+s14], $0x80, s14, s14, $0xb8;
	[tilespmem:$0x12800] =	vst v63  }
0x1e: {  	s0 =	simm.s32 $0x1480  }
0x1f: {  	[tilespmem:s19], [sflag:$0x2] =	stream.indirect.gather [hbm4b:s2+s14], $0x80, s0, s14, $0xb8;
	[tilespmem:$0x12800] =	vst v63  }
0x20: {  	_ =	swait.ge [sflag:s20], $0x4000  }
0x21: {  	[sflag:s20] =	ssyncset.done $0x0  }
0x22: {  	[sflag:s20] =	ssyncadd.s32 $0xFFFFC000  }
0x23: {  	_ =	swait.ge [sflag:s20], $0x4000  }
0x24: {  	[sflag:s20] =	ssyncset.done $0x0  }
0x25: {  	[sflag:s20] =	ssyncadd.s32 $0xFFFFC000  }
0x26: {  	[hbm4b:s7+s3] =	stream.linear.scatter [tilespmem:s15], [sflag:$0x3], $0x8000, $0x38;
	[tilespmem:$0x12800] =	vst v63  }
0x27: {  	_ =	swait.ge [sflag:s21], $0x8000  }
0x28: {  	[sflag:s21] =	ssyncset.done $0x0  }
0x29: {  	[sflag:s21] =	ssyncadd.s32 $0xFFFF8000  }
0x2a: {  	[tilespmem:s15], [sflag:$0x1] =	stream.indirect.gather [hbm4b:s2+s14], $0x80, s22, s14, $0xb8;
	[tilespmem:$0x12800] =	vst v63  }
0x2b: {  	_ = 	snop  }
0x2c: {  	[tilespmem:s16], [sflag:$0x1] =	stream.indirect.gather [hbm4b:s2+s14], $0x80, s23, s14, $0xb8;
	[tilespmem:$0x12800] =	vst v63  }
0x2d: {  	_ =	swait.ge [sflag:s24], $0x4000  }
0x2e: {  	[sflag:s24] =	ssyncset.done $0x0  }
0x2f: {  	[sflag:s24] =	ssyncadd.s32 $0xFFFFC000  }
0x30: {  	_ =	swait.ge [sflag:s24], $0x4000  }
0x31: {  	[sflag:s24] =	ssyncset.done $0x0  }
0x32: {  	[sflag:s24] =	ssyncadd.s32 $0xFFFFC000  }
0x33: {  	[hbm4b:s8+s3] =	stream.linear.scatter [tilespmem:s17], [sflag:$0x4], $0x8000, $0x38;
	[tilespmem:$0x12800] =	vst v63  }
0x34: {  	_ =	swait.ge [sflag:s25], $0x8000  }
0x35: {  	[sflag:s25] =	ssyncset.done $0x0  }
0x36: {  	s11 =	simm.s32 $0x180;
	[sflag:s25] =	ssyncadd.s32 $0xFFFF8000  }
0x37: {  	[tilespmem:s17], [sflag:$0x2] =	stream.indirect.gather [hbm4b:s2+s14], $0x80, s11, s14, $0xb8;
	[tilespmem:$0x12800] =	vst v63  }
0x38: {  	s0 =	simm.s32 $0x1580  }
0x39: {  	[tilespmem:s19], [sflag:$0x2] =	stream.indirect.gather [hbm4b:s2+s14], $0x80, s0, s14, $0xb8;
	[tilespmem:$0x12800] =	vst v63  }
0x3a: {  	_ =	swait.ge [sflag:s20], $0x4000  }
0x3b: {  	[sflag:s20] =	ssyncset.done $0x0  }
0x3c: {  	[sflag:s20] =	ssyncadd.s32 $0xFFFFC000  }
0x3d: {  	_ =	swait.ge [sflag:s20], $0x4000  }
0x3e: {  	[sflag:s20] =	ssyncset.done $0x0  }
0x3f: {  	s18 =	sadd.s32 $0xFFFFF000, s1;
	[sflag:s20] =	ssyncadd.s32 $0xFFFFC000  }
0x40: {  	[hbm4b:s18+s3] =	stream.linear.scatter [tilespmem:s15], [sflag:$0x3], $0x8000, $0x38;
	[tilespmem:$0x12800] =	vst v63  }
0x41: {  	_ =	swait.ge [sflag:s21], $0x8000  }
0x42: {  	[sflag:s21] =	ssyncset.done $0x0  }
0x43: {  	s0 =	simm.s32 $0x200;
	[sflag:s21] =	ssyncadd.s32 $0xFFFF8000  }
0x44: {  	[tilespmem:s15], [sflag:$0x1] =	stream.indirect.gather [hbm4b:s2+s14], $0x80, s0, s14, $0xb8;
	[tilespmem:$0x12800] =	vst v63  }
0x45: {  	s18 =	simm.s32 $0x1600  }
0x46: {  	[tilespmem:s16], [sflag:$0x1] =	stream.indirect.gather [hbm4b:s2+s14], $0x80, s18, s14, $0xb8;
	[tilespmem:$0x12800] =	vst v63  }
0x47: {  	_ =	swait.ge [sflag:s24], $0x4000  }
0x48: {  	[sflag:s24] =	ssyncset.done $0x0  }
0x49: {  	[sflag:s24] =	ssyncadd.s32 $0xFFFFC000  }
0x4a: {  	_ =	swait.ge [sflag:s24], $0x4000  }
0x4b: {  	s30 =	simm.s32 $0x400;
	[sflag:s24] =	ssyncset.done $0x0  }
0x4c: {  	s31 =	sadd.s32 $0x2000, s1;
	s11 =	smov.u32 s1;
	[sflag:s24] =	ssyncadd.s32 $0xFFFFC000  }
.LBB2_2:
0x4d: {  	[hbm4b:s11+s3] =	stream.linear.scatter [tilespmem:s17], [sflag:$0x4], $0x8000, $0x38;
	[tilespmem:$0x12800] =	vst v63  }
0x4e: {  	s0 =	smov.u32 s30;
	s11 =	smov.u32 s31  }
0x4f: {  	p0 =	sne.s32 s30, $0x4400;
	s30 =	sadd.s32 $0x400, s30;
	_ =	swait.ge [sflag:s25], $0x8000  }
0x50: {  	s0 =	sshra.s32 s0, $0x2;
	[sflag:s25] =	ssyncset.done $0x0  }
0x51: {  	s18 =	sadd.s32 $0x180, s0;
	[sflag:s25] =	ssyncadd.s32 $0xFFFF8000  }
0x52: {  	[tilespmem:s17], [sflag:$0x2] =	stream.indirect.gather [hbm4b:s2+s14], $0x80, s18, s14, $0xb8;
	[tilespmem:$0x12800] =	vst v63  }
0x53: {  	s18 =	sadd.s32 $0x1580, s0  }
0x54: {  	[tilespmem:s19], [sflag:$0x2] =	stream.indirect.gather [hbm4b:s2+s14], $0x80, s18, s14, $0xb8;
	[tilespmem:$0x12800] =	vst v63  }
0x55: {  	_ =	swait.ge [sflag:s20], $0x4000  }
0x56: {  	[sflag:s20] =	ssyncset.done $0x0  }
0x57: {  	[sflag:s20] =	ssyncadd.s32 $0xFFFFC000  }
0x58: {  	_ =	swait.ge [sflag:s20], $0x4000  }
0x59: {  	[sflag:s20] =	ssyncset.done $0x0  }
0x5a: {  	s18 =	sadd.s32 $0xFFFFF000, s31;
	[sflag:s20] =	ssyncadd.s32 $0xFFFFC000  }
0x5b: {  	[hbm4b:s18+s3] =	stream.linear.scatter [tilespmem:s15], [sflag:$0x3], $0x8000, $0x38;
	[tilespmem:$0x12800] =	vst v63  }
0x5c: {  	_ =	swait.ge [sflag:s21], $0x8000  }
0x5d: {  	[sflag:s21] =	ssyncset.done $0x0  }
0x5e: {  	s18 =	sadd.s32 $0x200, s0;
	[sflag:s21] =	ssyncadd.s32 $0xFFFF8000  }
0x5f: {  	[tilespmem:s15], [sflag:$0x1] =	stream.indirect.gather [hbm4b:s2+s14], $0x80, s18, s14, $0xb8;
	[tilespmem:$0x12800] =	vst v63  }
0x60: {  	s0 =	sadd.s32 $0x1600, s0  }
0x61: {  	[tilespmem:s16], [sflag:$0x1] =	stream.indirect.gather [hbm4b:s2+s14], $0x80, s0, s14, $0xb8;
	[tilespmem:$0x12800] =	vst v63  }
0x62: {  	_ =	swait.ge [sflag:s24], $0x4000  }
.Ltmp0:
0x63: {  	[sflag:s24] =	ssyncset.done $0x0;
	(pc) =	sbr.rel @p0 .LBB2_2-.Ltmp0, $4  }
0x64: {  	[sflag:s24] =	ssyncadd.s32 $0xFFFFC000  }
0x65: {  	_ =	swait.ge [sflag:s24], $0x4000  }
0x66: {  	[sflag:s24] =	ssyncset.done $0x0  }
0x67: {  	s31 =	sadd.s32 $0x2000, s31;
	[sflag:s24] =	ssyncadd.s32 $0xFFFFC000  }
0x68: {  	[hbm4b:s11+s3] =	stream.linear.scatter [tilespmem:s17], [sflag:$0x4], $0x8000, $0x38;
	[tilespmem:$0x12800] =	vst v63  }
0x69: {  	_ =	swait.ge [sflag:s25], $0x8000  }
0x6a: {  	[sflag:s25] =	ssyncset.done $0x0  }
0x6b: {  	[sflag:s25] =	ssyncadd.s32 $0xFFFF8000  }
0x6c: {  	[tilespmem:s17], [sflag:$0x2] =	stream.indirect.gather [hbm4b:s2+s14], $0x80, s26, s14, $0xb8;
	[tilespmem:$0x12800] =	vst v63  }
0x6d: {  	_ = 	snop  }
0x6e: {  	[tilespmem:s19], [sflag:$0x2] =	stream.indirect.gather [hbm4b:s2+s14], $0x80, s28, s14, $0xb8;
	[tilespmem:$0x12800] =	vst v63  }
0x6f: {  	_ =	swait.ge [sflag:s20], $0x4000  }
0x70: {  	[sflag:s20] =	ssyncset.done $0x0  }
0x71: {  	[sflag:s20] =	ssyncadd.s32 $0xFFFFC000  }
0x72: {  	_ =	swait.ge [sflag:s20], $0x4000  }
0x73: {  	[sflag:s20] =	ssyncset.done $0x0  }
0x74: {  	[sflag:s20] =	ssyncadd.s32 $0xFFFFC000  }
0x75: {  	[hbm4b:s9+s3] =	stream.linear.scatter [tilespmem:s15], [sflag:$0x3], $0x8000, $0x38;
	[tilespmem:$0x12800] =	vst v63  }
0x76: {  	_ =	swait.ge [sflag:s24], $0x4000  }
0x77: {  	[sflag:s24] =	ssyncset.done $0x0  }
0x78: {  	[sflag:s24] =	ssyncadd.s32 $0xFFFFC000  }
0x79: {  	_ =	swait.ge [sflag:s24], $0x4000  }
0x7a: {  	[sflag:s24] =	ssyncset.done $0x0  }
0x7b: {  	s29 =	sadd.s32 $0x1, s29;
	[sflag:s24] =	ssyncadd.s32 $0xFFFFC000  }
0x7c: {  	[hbm4b:s10+s3] =	stream.linear.scatter [tilespmem:s17], [sflag:$0x4], $0x8000, $0x38;
	[tilespmem:$0x12800] =	vst v63  }
0x7d: {  	p0 =	sne.s32 s29, s6;
	_ =	swait.ge [sflag:s21], $0x8000  }
.Ltmp1:
0x7e: {  	[sflag:s21] =	ssyncset.done $0x0;
	(pc) =	sbr.rel @p0 .LBB2_1-.Ltmp1, $4  }
0x7f: {  	[sflag:s21] =	ssyncadd.s32 $0xFFFF8000  }
0x80: {  	_ =	swait.ge [sflag:s25], $0x8000  }
0x81: {  	[sflag:s25] =	ssyncset.done $0x0  }
0x82: {  	[sflag:s25] =	ssyncadd.s32 $0xFFFF8000  }
0x83: {  	_ =	sfence.sel $0x180000  }
0x84: {  	[bflag:$0x0] =	sbarrier.arrive $0xFFFF  }
0x85: {  	_ =	strace $0x9000004A  }
0x86: {  	s0 =	stileid.u32;
	[bflag:$0x2] =	sbarrier.arrive $0xFFFF  }
0x87: {  	p0 =	sne.s32 s0, $0x0;
	s0 =	rddreg [dreg:$0x2]  }
0x88: {  	s0 =	sadd.s32 @!p0 $0x100000, s0  }
0x89: {  	[sflag:s0] =	ssyncadd.tile.s32 @!p0 $0x1;
	_ =	shalt  }
.Lfunc_end2:
_tile_overlayer_lowered:
.L_overlay_start_2:
0x8a: {  	(tag) =	ssettag $0x2  }
0x8b: {  	s0 =	rddreg [dreg:$0x0];
	s2 =	stileid.u32  }
0x8c: {  	s1 =	rddreg [dreg:$0x1];
	p0 =	sne.s32 s2, $0x0  }
0x8d: {  	s3 =	rddreg [dreg:$0x2];
	[bflag:$0x3] =	sbarrier.arrive $0xFFFF;
	s2 =	simm.s32 @!p0 $0x1C05  }
0x8e: {  	[timem:s3], [sflag:s2] =	dma.local @!p0 [hbm:s0], s1  }
0x8f: {  	s0 =	simm.s32 @!p0 $0x5  }
0x90: {  	_ =	swait.ge @!p0 [sflag:s0], s1  }
0x91: {  	s1 =	ssub.s32 @!p0 $0x0, s1;
	[sflag:s0] =	ssyncset.done @!p0 $0x0  }
0x92: {  	[sflag:s0] =	ssyncadd.s32 @!p0 s1  }
0x93: {  	[bflag:$0x3] =	sbarrier.arrive $0xFFFF  }
0x94: {  	_ =	shalt  }

// kernel: sc_kg_scatter.3.cloned.1.call-start
scs
__scs_entry_jumppad:
0x0: {  	(pc) =	sbr.rel $0x88, $3  }
0x1: {  	(tag) =	ssettag $0x0;
	lr =	simm.s32 $0x1  }
0x2: {  	[smem:$0x3F96] =	sst lr;
	_ =	strace $0xD0000000  }
0x3: {  	_ = 	snop  }
0x4: {  	_ = 	snop  }
0x5: {  	_ = 	snop  }
0x6: {  	_ = 	snop  }
0x7: {  	_ = 	snop  }
__scs_overlays_trampoline_lowered:
0x8: {  	[smem:$0x3FA5] =	sst s0  }
0x9: {  	[smem:$0x3FA6] =	sst s1  }
0xa: {  	[smem:$0x3FA7] =	sst s2  }
0xb: {  	[smem:$0x3FA8] =	sst s3  }
0xc: {  	[smem:$0x3FA9] =	sst s4  }
0xd: {  	[smem:$0x3FAA] =	sst s5  }
0xe: {  	[smem:$0x3FAB] =	sst s6  }
0xf: {  	[smem:$0x3FAC] =	sst s7  }
0x10: {  	[smem:$0x3FAD] =	sst s8  }
0x11: {  	[smem:$0x3FAE] =	sst s9;
	s0 =	simm.s32 @!p0 $0x0  }
0x12: {  	s1 =	sld [smem:$0x3F94];
	s0 =	simm.s32 @p0 $0x1  }
0x13: {  	[smem:$0x3FAF] =	sst s0;
	s0 =	simm.s32 @!p1 $0x0  }
0x14: {  	s2 =	sld [smem:$0x3F93];
	s0 =	simm.s32 @p1 $0x1  }
0x15: {  	[smem:$0x3FB0] =	sst s0;
	s0 =	simm.s32 @!p2 $0x0  }
0x16: {  	s3 =	sld [smem:$0x3FDB];
	s0 =	simm.s32 @p2 $0x1  }
0x17: {  	s4 =	simm.s32 $0x1BF5;
	[smem:$0x3FB2] =	sst s0  }
0x18: {  	s0 =	sld [smem:$0x3F95];
	_ =	swait.ge [sflag:s4], $0x0  }
0x19: {  	s7 =	sld [smem:$0x3F96]  }
0x1a: {  	s8 =	sadd.s32 $0xFFFFE003, lr  }
0x1b: {  	s9 =	sadd.s32 $0xFFFFFEF7, lr;
	s5 =	simm.s32 $0xFFFFFFFF;
	p2 =	slt.u32 s8, $0xFFFFF086  }
0x1c: {  	p1 =	slt.u32 s9, $0xF7A;
	s5 =	simm.s32 @!p2 $0x0  }
0x1d: {  	s5 =	simm.s32 @p1 $0x1;
	p0 =	seq.s32 s7, s2  }
0x1e: {  	s7 =	smul.u32 @!p0 $0xF7A, s2;
	p2 =	seq.s32 @!p0 s5, $0x0  }
0x1f: {  	s9 =	smul.u32 $0xF7A, s1;
	s8 =	simm.s32 @!p0 $0x1BF5;
	p2 =	por !p2, p0  }
0x20: {  	[sflag:s8] =	ssyncset.s32 @!p0 $0xFFFFF086;
	s6 =	sadd.s32 @!p0 s3, s7;
	s7 =	simm.s32 @!p0 $0x108  }
0x21: {  	s3 =	sadd.s32 s3, s9;
	s6 =	sadd.s32 @!p0 $0x88, s6;
	s7 =	simm.s32 @p2 $0x1082  }
0x22: {  	[simem:s7], [sflag:s8] =	dma.local @!p0 [hbm:s6], $0xF7A  }
0x23: {  	s9 =	sor.u32 $0xD0000000, s2;
	s6 =	simm.s32 $0x108;
	_ =	swait.ge @!p0 [sflag:s8], $0x0  }
0x24: {  	s3 =	sadd.s32 $0x88, s3;
	s6 =	simm.s32 @!p1 $0x1082;
	[sflag:s4] =	ssyncset.s32 $0xFFFFF086  }
0x25: {  	[simem:s6], [sflag:s4] =	dma.local [hbm:s3], $0xF7A  }
0x26: {  	[smem:$0x3F96] =	sst s1;
	(tag) =	ssettag s2;
	_ =	strace s9  }
0x27: {  	s1 =	sld [smem:$0x3FA6]  }
0x28: {  	s2 =	sld [smem:$0x3FA7]  }
0x29: {  	s4 =	sld [smem:$0x3FA9]  }
0x2a: {  	p0 =	seq.s32 s5, $0x0;
	s5 =	sld [smem:$0x3FAA]  }
0x2b: {  	s6 =	sld [smem:$0x3FAB]  }
0x2c: {  	s7 =	sld [smem:$0x3FAC]  }
0x2d: {  	s3 =	simm.s32 $0x108;
	s8 =	sld [smem:$0x3FAD]  }
0x2e: {  	s3 =	simm.s32 @!p0 $0x1082;
	s9 =	sld [smem:$0x3FAE]  }
0x2f: {  	lr =	sadd.s32 s0, s3;
	s0 =	sld [smem:$0x3FA5]  }
0x30: {  	s3 =	sld [smem:$0x3FA8]  }
0x31: {  	[smem:$0x3FB1] =	sst s10  }
0x32: {  	s10 =	sld [smem:$0x3FAF];
	_ =	sdelay $0x3  }
0x33: {  	p0 =	seq.s32 s10, $0x1;
	s10 =	sld [smem:$0x3FB1];
	_ =	sdelay $0x3  }
0x34: {  	[smem:$0x3FB1] =	sst s10  }
0x35: {  	s10 =	sld [smem:$0x3FB0];
	_ =	sdelay $0x3  }
0x36: {  	p1 =	seq.s32 s10, $0x1;
	s10 =	sld [smem:$0x3FB1];
	_ =	sdelay $0x3  }
0x37: {  	[smem:$0x3FB1] =	sst s10  }
0x38: {  	s10 =	sld [smem:$0x3FB2]  }
0x39: {  	_ = 	snop;
	(pc) =	sbr.ind lr, $3  }
0x3a: {  	_ = 	snop  }
0x3b: {  	_ = 	snop  }
0x3c: {  	p2 =	seq.s32 s10, $0x1;
	s10 =	sld [smem:$0x3FB1]  }
0x3d: {  	_ =	shalt  }
0x3e: {  	_ =	shalt  }
0x3f: {  	_ =	shalt  }
0x40: {  	_ =	shalt  }
0x41: {  	_ =	shalt  }
0x42: {  	_ =	shalt  }
0x43: {  	_ =	shalt  }
0x44: {  	_ =	shalt  }
0x45: {  	_ =	shalt  }
0x46: {  	_ =	shalt  }
0x47: {  	_ =	shalt  }
0x48: {  	_ =	shalt  }
0x49: {  	_ =	shalt  }
0x4a: {  	_ =	shalt  }
0x4b: {  	_ =	shalt  }
0x4c: {  	_ =	shalt  }
0x4d: {  	_ =	shalt  }
0x4e: {  	_ =	shalt  }
0x4f: {  	_ =	shalt  }
0x50: {  	_ =	shalt  }
0x51: {  	_ =	shalt  }
0x52: {  	_ =	shalt  }
0x53: {  	_ =	shalt  }
0x54: {  	_ =	shalt  }
0x55: {  	_ =	shalt  }
0x56: {  	_ =	shalt  }
0x57: {  	_ =	shalt  }
0x58: {  	_ =	shalt  }
0x59: {  	_ =	shalt  }
0x5a: {  	_ =	shalt  }
0x5b: {  	_ =	shalt  }
0x5c: {  	_ =	shalt  }
0x5d: {  	_ =	shalt  }
0x5e: {  	_ =	shalt  }
0x5f: {  	_ =	shalt  }
0x60: {  	_ =	shalt  }
0x61: {  	_ =	shalt  }
0x62: {  	_ =	shalt  }
0x63: {  	_ =	shalt  }
0x64: {  	_ =	shalt  }
0x65: {  	_ =	shalt  }
0x66: {  	_ =	shalt  }
0x67: {  	_ =	shalt  }
0x68: {  	_ =	shalt  }
0x69: {  	_ =	shalt  }
0x6a: {  	_ =	shalt  }
0x6b: {  	_ =	shalt  }
0x6c: {  	_ =	shalt  }
0x6d: {  	_ =	shalt  }
0x6e: {  	_ =	shalt  }
0x6f: {  	_ =	shalt  }
0x70: {  	_ =	shalt  }
0x71: {  	_ =	shalt  }
0x72: {  	_ =	shalt  }
0x73: {  	_ =	shalt  }
0x74: {  	_ =	shalt  }
0x75: {  	_ =	shalt  }
0x76: {  	_ =	shalt  }
0x77: {  	_ =	shalt  }
0x78: {  	_ =	shalt  }
0x79: {  	_ =	shalt  }
0x7a: {  	_ =	shalt  }
0x7b: {  	_ =	shalt  }
0x7c: {  	_ =	shalt  }
0x7d: {  	_ =	shalt  }
0x7e: {  	_ =	shalt  }
0x7f: {  	_ =	shalt  }
0x80: {  	_ =	shalt  }
0x81: {  	_ =	shalt  }
0x82: {  	_ =	shalt  }
0x83: {  	_ =	shalt  }
0x84: {  	_ =	shalt  }
0x85: {  	_ =	shalt  }
0x86: {  	_ =	shalt  }
0x87: {  	_ =	shalt  }
.Lfunc_end0:
.L_simem_size_0:
called_computation.3_lowered:
.L_overlay_start_0:
0x88: {  	s2 =	sld [smem:$0x3FD9]  }
0x89: {  	s3 =	sld [smem:$0x3FFE];
	_ =	sdelay $0x1  }
0x8a: {  	s1 =	srdreg.scid  }
0x8b: {  	s0 =	sand.u32 $0x1, s1  }
0x8c: {  	s15 =	sshll.u32 s0, $0xA;
	s2 =	sadd.s32 s3, s2  }
0x8d: {  	s2 =	sadd.s32 s2, s15  }
0x8e: {  	[smem:$0x3FBD] =	sst s2  }
0x8f: {  	_ = 	snop  }
0x90: {  	s2 =	sld [smem:$0x3FD0];
	_ =	sdelay $0x2  }
0x91: {  	s16 =	simm.s32 $0xD;
	s4 =	simm.s32 $0x10  }
0x92: {  	[smem:s4], [sflag:s16] =	dma.local [hbm:s2], $0x1  }
0x93: {  	_ =	swait.eq [sflag:s16], $0x1  }
0x94: {  	[sflag:s16] =	ssyncset.done $0x0  }
0x95: {  	[sflag:s16] =	ssyncadd.s32 $0xFFFFFFFF  }
0x96: {  	s17 =	sld [smem:$0x10];
	(tm) =	ssettm $0x1  }
0x97: {  	s18 =	sld [smem:$0x3FFB];
	_ =	sdelay $0x3  }
0x98: {  	_ =	strace s18  }
0x99: {  	s2 =	sld [smem:$0x3FFC];
	_ =	sdelay $0x3  }
0x9a: {  	_ =	strace s2  }
0x9b: {  	s2 =	sld [smem:$0x3FFD];
	_ =	sdelay $0x3  }
0x9c: {  	_ =	strace s2  }
0x9d: {  	_ =	strace $0x8FFFFFFF  }
0x9e: {  	s19 =	sld [smem:$0x3FDB];
	_ =	sdelay $0x1  }
0x9f: {  	s20 =	simm.s32 $_scs_section_size  }
0xa0: {  	s5 =	simm.s32 $_size__tile_overlayer_lowered;
	s6 =	simm.s32 $_tile_overlayer_lowered  }
0xa1: {  	s7 =	simm.s32 $0x1BFF;
	s21 =	sshll.u32 s6, $0x1;
	s4 =	sadd.s32 s20, s19  }
0xa2: {  	s22 =	simm.s32 $0x0;
	s5 =	sshll.u32 s5, $0x1;
	s6 =	sadd.s32 s21, s4  }
0xa3: {  	[timem:s22], [sflag:s7] =	dma.local [hbm:s6], s5  }
0xa4: {  	_ =	swait.ge [sflag:s7], s5  }
0xa5: {  	s5 =	ssub.s32 $0x0, s5;
	[sflag:s7] =	ssyncset.done $0x0  }
0xa6: {  	[sflag:s7] =	ssyncadd.s32 s5;
	_ =	sdelay $0x1  }
0xa7: {  	s23 =	simm.s32 $0x1B8B  }
0xa8: {  	_ =	swait.ge [sflag:s23], $0x1  }
0xa9: {  	[sflag:s23] =	ssyncset.done $0x0  }
0xaa: {  	[sflag:s23] =	ssyncadd.s32 $0xFFFFFFFF  }
0xab: {  	s5 =	sld [smem:$0x0]  }
0xac: {  	s6 =	sand.u32 $0xFFFFFFFE, s1  }
0xad: {  	p0 =	sne.s32 s1, s6  }
0xae: {  	s6 =	sshll.u32 @p0 s6, $0xE  }
0xaf: {  	s6 =	sadd.s32 @p0 $0x11B8D, s6;
	s7 =	sshll.u32 @p0 s5, $0x11  }
0xb0: {  	s6 =	sor.u32 @p0 s7, s6  }
0xb1: {  	[sflag:s6] =	ssyncadd.remote.s32 @p0 $0x1;
	_ =	sdelay $0x1  }
0xb2: {  	s6 =	simm.s32 @p0 $0x1B8D  }
0xb3: {  	_ =	swait.eq @p0 [sflag:s6], $0x1  }
0xb4: {  	[sflag:s6] =	ssyncadd.s32 @p0 $0xFFFFFFFF  }
0xb5: {  	s7 =	sshll.u32 @!p0 s1, $0xE  }
0xb6: {  	s7 =	sor.u32 @!p0 $0x4000, s7;
	s6 =	simm.s32 @!p0 $0x1B8D  }
0xb7: {  	s5 =	sshll.u32 @!p0 s5, $0x11;
	s7 =	sadd.s32 @!p0 $0x11B8D, s7;
	_ =	swait.eq @!p0 [sflag:s6], $0x1  }
0xb8: {  	s5 =	sor.u32 @!p0 s5, s7;
	[sflag:s6] =	ssyncadd.s32 @!p0 $0xFFFFFFFF  }
0xb9: {  	s25 =	simm.s32 $0x1B8E;
	s24 =	sld [smem:$0x3FFE];
	[sflag:s5] =	ssyncadd.remote.s32 @!p0 $0x1  }
0xba: {  	s26 =	simm.s32 $execute0_lowered;
	[smem:$0x3FD2] =	sst s25  }
0xbb: {  	s6 =	sshll.u32 s26, $0x1;
	_ =	strace $0x80000052;
	[dreg:$0x1] =	wrdreg $0xFFFFFFFF  }
0xbc: {  	s28 =	simm.s32 $_size_execute0_lowered;
	s4 =	sadd.s32 s4, s6;
	[dreg:$0x0] =	wrdreg $0x0  }
0xbd: {  	s6 =	sshll.u32 s28, $0x1;
	[dreg:$0x2] =	wrdreg s4  }
0xbe: {  	[dreg:$0x3] =	wrdreg s6  }
0xbf: {  	[dreg:$0x4] =	wrdreg $0xC0  }
0xc0: {  	_ =	task [dreg:s22], $0x5FFFF  }
0xc1: {  	[dreg:$0x1] =	wrdreg $0xFFFFFFFF  }
0xc2: {  	[dreg:$0x0] =	wrdreg $0x60  }
0xc3: {  	[dreg:$0x2] =	wrdreg s24  }
0xc4: {  	[dreg:$0x3] =	wrdreg s17  }
0xc5: {  	[dreg:$0x4] =	wrdreg $0x0  }
0xc6: {  	[dreg:$0x5] =	wrdreg $0xB  }
0xc7: {  	_ =	task.clear_ibuf [dreg:s22], $0x6FFFF;
	_ =	strace $0x90000052  }
0xc8: {  	s29 =	simm.s32 $0xB;
	_ =	strace $0x80000054  }
0xc9: {  	_ =	swait.ge [sflag:s29], $0x1  }
0xca: {  	[sflag:s29] =	ssyncadd.s32 $0xFFFFFFFF  }
0xcb: {  	_ =	strace $0x90000054  }
0xcc: {  	_ =	sfence  }
0xcd: {  	s30 =	sld [smem:$0x0];
	_ =	sdelay $0x2  }
0xce: {  	s31 =	sshll.u32 s1, $0xD;
	s1 =	sshrl.u32 s1, $0x2  }
0xcf: {  	s4 =	sand.u32 $0x4000, s31;
	s1 =	sadd.s32 s1, s30  }
0xd0: {  	s0 =	sor.u32 s4, s0;
	s1 =	sshll.u32 s1, $0x11  }
0xd1: {  	s0 =	sor.u32 s1, s0  }
0xd2: {  	s0 =	sadd.s32 $0x8F2B, s0  }
0xd3: {  	[sflag:s0] =	ssyncadd.remote.s32 $0x1  }
0xd4: {  	_ =	sfence.sel $0xFFFF  }
0xd5: {  	[dreg:$0x0] =	wrdreg $0xFFFFFFFF;
	(pc) =	sbr.abs _section_cstart, $3  }
0xd6: {  	[dreg:$0x1] =	wrdreg $0xFFFFFFFF  }
0xd7: {  	_ =	task.clear_ibuf [dreg:s22], $0x2FFFF;
	_ =	strace $0x9FFFFFFF  }
0xd8: {  	(tm) =	ssettm $0x7FFFFFFF  }
0xd9: {  	_ =	shalt  }
tec
execute0_lowered:
.L_overlay_start_1:
0x0: {  	(tag) =	ssettag $0x1  }
0x1: {  	s4 =	rddreg [dreg:$0x0]  }
0x2: {  	s7 =	rddreg [dreg:$0x1]  }
0x3: {  	s2 =	rddreg [dreg:$0x2]  }
0x4: {  	s0 =	rddreg [dreg:$0x3]  }
0x5: {  	s1 =	stileid.u32;
	s6 =	srdreg.scid;
	s3 =	simm.s32 $0x0  }
0x6: {  	s15 =	simm.s32 $0x1;
	s16 =	simm.s32 $0x80;
	s17 =	simm.s32 $0x2  }
0x7: {  	s18 =	simm.s32 $0x13C80;
	s19 =	simm.s32 $0x13D00;
	s5 =	smul.u32 $0x50000, s1  }
0x8: {  	s20 =	simm.s32 $0x13D80;
	s21 =	simm.s32 $0x13E00;
	s24 =	smul.u32 $0x2780, s1  }
0x9: {  	s22 =	simm.s32 $0x13E80;
	s23 =	simm.s32 $0x13F00;
	s26 =	smul.u32 $0x4F000, s1  }
0xa: {  	s6 =	sand.u32 $0x1, s6;
	[smem:$0x7FF] =	sst s3;
	s12 =	smul.u32 $0x5000, s1  }
0xb: {  	s29 =	sshll.u32 s1, $0x6;
	p0 =	sgt.u32 s1, $0x7;
	s8 =	smul.u32 $0x27800, s6  }
0xc: {  	_ =	strace $0x80000053;
	s28 =	ssub.s32 $0x2, s6;
	s14 =	smul.u32 $0x2800, s6  }
0xd: {  	s30 =	smul.u32 $0x28000, s6;
	s9 =	sadd.s32 s5, s4;
	s10 =	sadd.s32 s24, s4  }
0xe: {  	s11 =	sshrl.u32 s28, $0x1;
	s5 =	sshrl.u32 s26, $0x2;
	s26 =	simm.s32 $0x0  }
0xf: {  	s8 =	sadd.s32 s8, s4;
	s11 =	ssub.s32 s28, s11;
	s13 =	sadd.s32 s5, s2  }
0x10: {  	s4 =	sadd.s32 $0xA17E00, s10;
	s5 =	sor.u32 $0x1C03, s29;
	s31 =	sadd.s32 s14, s12  }
.Ltmp0:
0x11: {  	s9 =	sadd.s32 s30, s9;
	s12 =	simm.s32 $0x13C00;
	(pc) =	sbr.rel .LBB2_1-.Ltmp0, $4  }
0x12: {  	s14 =	simm.s32 $0x18000;
	s25 =	sadd.s32 $0xDD4600, s8;
	s6 =	smax.u32 s11, $0x1  }
0x13: {  	s8 =	sshrl.u32 s31, $0x3;
	s10 =	sshrl.u32 s13, $0x3;
	s11 =	simm.s32 $0x3  }
0x14: {  	s13 =	simm.s32 $0x14000;
	s7 =	sadd.s32 s8, s7;
	s8 =	sadd.s32 $0xB54600, s9  }
0x15: {  	s9 =	sadd.s32 $0x1054600, s9;
	s24 =	sadd.s32 s24, s25;
	s25 =	simm.s32 $0x13F80  }
.LBB2_7:
0x16: {  	[sflag:s11] =	ssyncadd.s32 $0xFFFFC000  }
.LBB2_8:
0x17: {  	s26 =	sadd.s32 $0x1, s26  }
0x18: {  	p1 =	sne.s32 s26, s6  }
.Ltmp1:
0x19: {  	[bflag:$0x0] =	sbarrier.arrive $0xFFFF;
	(pc) =	sbr.rel @!p1 .LBB2_9-.Ltmp1, $4  }
0x1a: {  	[hbm:s24], [sflag:s5] =	dma.local [spmem:s10], $0x2780  }
0x1b: {  	_ =	swait.ge [sflag:s11], $0x2780  }
0x1c: {  	[sflag:s11] =	ssyncset.done $0x0  }
0x1d: {  	[sflag:s11] =	ssyncadd.s32 $0xFFFFD880  }
.LBB2_1:
0x1e: {  	[spmem:s10], [sflag:s5] =	dma.local [hbm:s4], $0x2780  }
.Ltmp2:
0x1f: {  	_ =	swait.ge [sflag:s11], $0x2780;
	(pc) =	sbr.rel @p0 .LBB2_5-.Ltmp2, $3  }
0x20: {  	[sflag:s11] =	ssyncset.done $0x0  }
0x21: {  	[sflag:s11] =	ssyncadd.s32 $0xFFFFD880  }
0x22: {  	[bflag:$0x0] =	sbarrier.arrive $0xFFFF;
	_ =	sdelay $0x1  }
0x23: {  	[tilespmem:s12], [sflag:$0x3] =	stream.linear.gather [hbm4b:s7+s3], $0x400, $0x38;
	[tilespmem:$0x1C000] =	vst v63  }
0x24: {  	_ =	swait.ge [sflag:s11], $0x400  }
0x25: {  	[sflag:s11] =	ssyncset.done $0x0  }
0x26: {  	s28 =	sadd.s32 $0x0, s9;
	[sflag:s11] =	ssyncadd.s32 $0xFFFFFC00  }
0x27: {  	[tilespmem:s13], [sflag:$0x1] =	stream.linear.gather [hbm4b:s28+s3], $0x4000, $0x38;
	[tilespmem:$0x1C000] =	vst v63  }
0x28: {  	s29 =	sadd.s32 $0x800, s28  }
0x29: {  	[tilespmem:s14], [sflag:$0x2] =	stream.linear.gather [hbm4b:s29+s3], $0x4000, $0x38;
	[tilespmem:$0x1C000] =	vst v63  }
0x2a: {  	_ =	swait.ge [sflag:s15], $0x4000  }
0x2b: {  	[sflag:s15] =	ssyncset.done $0x0  }
0x2c: {  	[sflag:s15] =	ssyncadd.s32 $0xFFFFC000  }
0x2d: {  	[spmem:s2] =	stream.indirect.scatter.add.f32 [tilespmem:s13], [sflag:$0x3], $0x80, s12, s16, $0xb8;
	[tilespmem:$0x1C000] =	vst v63  }
0x2e: {  	_ =	swait.ge [sflag:s11], $0x4000  }
0x2f: {  	[sflag:s11] =	ssyncset.done $0x0  }
0x30: {  	s29 =	sadd.s32 $0x1000, s28;
	[sflag:s11] =	ssyncadd.s32 $0xFFFFC000  }
0x31: {  	[tilespmem:s13], [sflag:$0x1] =	stream.linear.gather [hbm4b:s29+s3], $0x4000, $0x38;
	[tilespmem:$0x1C000] =	vst v63  }
0x32: {  	_ =	swait.ge [sflag:s17], $0x4000  }
0x33: {  	[sflag:s17] =	ssyncset.done $0x0  }
0x34: {  	[sflag:s17] =	ssyncadd.s32 $0xFFFFC000  }
0x35: {  	[spmem:s2] =	stream.indirect.scatter.add.f32 [tilespmem:s14], [sflag:$0x3], $0x80, s18, s16, $0xb8;
	[tilespmem:$0x1C000] =	vst v63  }
0x36: {  	_ =	swait.ge [sflag:s11], $0x4000  }
0x37: {  	[sflag:s11] =	ssyncset.done $0x0  }
0x38: {  	s29 =	sadd.s32 $0x1800, s28;
	[sflag:s11] =	ssyncadd.s32 $0xFFFFC000  }
0x39: {  	[tilespmem:s14], [sflag:$0x2] =	stream.linear.gather [hbm4b:s29+s3], $0x4000, $0x38;
	[tilespmem:$0x1C000] =	vst v63  }
0x3a: {  	_ =	swait.ge [sflag:s15], $0x4000  }
0x3b: {  	[sflag:s15] =	ssyncset.done $0x0  }
0x3c: {  	[sflag:s15] =	ssyncadd.s32 $0xFFFFC000  }
0x3d: {  	[spmem:s2] =	stream.indirect.scatter.add.f32 [tilespmem:s13], [sflag:$0x3], $0x80, s19, s16, $0xb8;
	[tilespmem:$0x1C000] =	vst v63  }
0x3e: {  	_ =	swait.ge [sflag:s11], $0x4000  }
0x3f: {  	[sflag:s11] =	ssyncset.done $0x0  }
0x40: {  	s29 =	sadd.s32 $0x2000, s28;
	[sflag:s11] =	ssyncadd.s32 $0xFFFFC000  }
0x41: {  	[tilespmem:s13], [sflag:$0x1] =	stream.linear.gather [hbm4b:s29+s3], $0x4000, $0x38;
	[tilespmem:$0x1C000] =	vst v63  }
0x42: {  	_ =	swait.ge [sflag:s17], $0x4000  }
0x43: {  	[sflag:s17] =	ssyncset.done $0x0  }
0x44: {  	[sflag:s17] =	ssyncadd.s32 $0xFFFFC000  }
0x45: {  	[spmem:s2] =	stream.indirect.scatter.add.f32 [tilespmem:s14], [sflag:$0x3], $0x80, s20, s16, $0xb8;
	[tilespmem:$0x1C000] =	vst v63  }
0x46: {  	_ =	swait.ge [sflag:s11], $0x4000  }
0x47: {  	[sflag:s11] =	ssyncset.done $0x0  }
0x48: {  	s29 =	sadd.s32 $0x2800, s28;
	[sflag:s11] =	ssyncadd.s32 $0xFFFFC000  }
0x49: {  	[tilespmem:s14], [sflag:$0x2] =	stream.linear.gather [hbm4b:s29+s3], $0x4000, $0x38;
	[tilespmem:$0x1C000] =	vst v63  }
0x4a: {  	_ =	swait.ge [sflag:s15], $0x4000  }
0x4b: {  	[sflag:s15] =	ssyncset.done $0x0  }
0x4c: {  	[sflag:s15] =	ssyncadd.s32 $0xFFFFC000  }
0x4d: {  	[spmem:s2] =	stream.indirect.scatter.add.f32 [tilespmem:s13], [sflag:$0x3], $0x80, s21, s16, $0xb8;
	[tilespmem:$0x1C000] =	vst v63  }
0x4e: {  	_ =	swait.ge [sflag:s11], $0x4000  }
0x4f: {  	[sflag:s11] =	ssyncset.done $0x0  }
0x50: {  	s29 =	sadd.s32 $0x3000, s28;
	[sflag:s11] =	ssyncadd.s32 $0xFFFFC000  }
0x51: {  	[tilespmem:s13], [sflag:$0x1] =	stream.linear.gather [hbm4b:s29+s3], $0x4000, $0x38;
	[tilespmem:$0x1C000] =	vst v63  }
0x52: {  	_ =	swait.ge [sflag:s17], $0x4000  }
0x53: {  	[sflag:s17] =	ssyncset.done $0x0  }
0x54: {  	[sflag:s17] =	ssyncadd.s32 $0xFFFFC000  }
0x55: {  	[spmem:s2] =	stream.indirect.scatter.add.f32 [tilespmem:s14], [sflag:$0x3], $0x80, s22, s16, $0xb8;
	[tilespmem:$0x1C000] =	vst v63  }
0x56: {  	_ =	swait.ge [sflag:s11], $0x4000  }
0x57: {  	[sflag:s11] =	ssyncset.done $0x0  }
0x58: {  	s28 =	sadd.s32 $0x3800, s28;
	[sflag:s11] =	ssyncadd.s32 $0xFFFFC000  }
0x59: {  	[tilespmem:s14], [sflag:$0x2] =	stream.linear.gather [hbm4b:s28+s3], $0x4000, $0x38;
	[tilespmem:$0x1C000] =	vst v63  }
0x5a: {  	_ =	swait.ge [sflag:s15], $0x4000  }
0x5b: {  	[sflag:s15] =	ssyncset.done $0x0  }
0x5c: {  	[sflag:s15] =	ssyncadd.s32 $0xFFFFC000  }
0x5d: {  	[spmem:s2] =	stream.indirect.scatter.add.f32 [tilespmem:s13], [sflag:$0x3], $0x80, s23, s16, $0xb8;
	[tilespmem:$0x1C000] =	vst v63  }
0x5e: {  	_ =	swait.ge [sflag:s11], $0x4000  }
0x5f: {  	[sflag:s11] =	ssyncset.done $0x0  }
0x60: {  	[sflag:s11] =	ssyncadd.s32 $0xFFFFC000  }
0x61: {  	_ =	swait.ge [sflag:s17], $0x4000  }
0x62: {  	[sflag:s17] =	ssyncset.done $0x0  }
0x63: {  	[sflag:s17] =	ssyncadd.s32 $0xFFFFC000  }
0x64: {  	[spmem:s2] =	stream.indirect.scatter.add.f32 [tilespmem:s14], [sflag:$0x3], $0x80, s25, s16, $0xb8;
	[tilespmem:$0x1C000] =	vst v63  }
0x65: {  	_ =	swait.ge [sflag:s11], $0x4000  }
0x66: {  	s29 =	smov.u32 s7;
	s28 =	simm.s32 $0x4000;
	[sflag:s11] =	ssyncset.done $0x0  }
.LBB2_3:
0x67: {  	p1 =	seq.s32 s28, $0x24000;
	[sflag:s11] =	ssyncadd.s32 $0xFFFFC000;
	s29 =	sadd.s32 $0x80, s29  }
0x68: {  	[tilespmem:s12], [sflag:$0x3] =	stream.linear.gather [hbm4b:s29+s3], $0x400, $0x38;
	[tilespmem:$0x1C000] =	vst v63  }
0x69: {  	s30 =	smov.u32 s28;
	s28 =	sadd.s32 $0x4000, s28;
	_ =	swait.ge [sflag:s11], $0x400  }
0x6a: {  	[sflag:s11] =	ssyncset.done $0x0  }
0x6b: {  	s30 =	sadd.s32 s30, s9;
	[sflag:s11] =	ssyncadd.s32 $0xFFFFFC00  }
0x6c: {  	[tilespmem:s13], [sflag:$0x1] =	stream.linear.gather [hbm4b:s30+s3], $0x4000, $0x38;
	[tilespmem:$0x1C000] =	vst v63  }
0x6d: {  	s31 =	sadd.s32 $0x800, s30  }
0x6e: {  	[tilespmem:s14], [sflag:$0x2] =	stream.linear.gather [hbm4b:s31+s3], $0x4000, $0x38;
	[tilespmem:$0x1C000] =	vst v63  }
0x6f: {  	_ =	swait.ge [sflag:s15], $0x4000  }
0x70: {  	[sflag:s15] =	ssyncset.done $0x0  }
0x71: {  	[sflag:s15] =	ssyncadd.s32 $0xFFFFC000  }
0x72: {  	[spmem:s2] =	stream.indirect.scatter.add.f32 [tilespmem:s13], [sflag:$0x3], $0x80, s12, s16, $0xb8;
	[tilespmem:$0x1C000] =	vst v63  }
0x73: {  	_ =	swait.ge [sflag:s11], $0x4000  }
0x74: {  	[sflag:s11] =	ssyncset.done $0x0  }
0x75: {  	s31 =	sadd.s32 $0x1000, s30;
	[sflag:s11] =	ssyncadd.s32 $0xFFFFC000  }
0x76: {  	[tilespmem:s13], [sflag:$0x1] =	stream.linear.gather [hbm4b:s31+s3], $0x4000, $0x38;
	[tilespmem:$0x1C000] =	vst v63  }
0x77: {  	_ =	swait.ge [sflag:s17], $0x4000  }
0x78: {  	[sflag:s17] =	ssyncset.done $0x0  }
0x79: {  	[sflag:s17] =	ssyncadd.s32 $0xFFFFC000  }
0x7a: {  	[spmem:s2] =	stream.indirect.scatter.add.f32 [tilespmem:s14], [sflag:$0x3], $0x80, s18, s16, $0xb8;
	[tilespmem:$0x1C000] =	vst v63  }
0x7b: {  	_ =	swait.ge [sflag:s11], $0x4000  }
0x7c: {  	[sflag:s11] =	ssyncset.done $0x0  }
0x7d: {  	s31 =	sadd.s32 $0x1800, s30;
	[sflag:s11] =	ssyncadd.s32 $0xFFFFC000  }
0x7e: {  	[tilespmem:s14], [sflag:$0x2] =	stream.linear.gather [hbm4b:s31+s3], $0x4000, $0x38;
	[tilespmem:$0x1C000] =	vst v63  }
0x7f: {  	_ =	swait.ge [sflag:s15], $0x4000  }
0x80: {  	[sflag:s15] =	ssyncset.done $0x0  }
0x81: {  	[sflag:s15] =	ssyncadd.s32 $0xFFFFC000  }
0x82: {  	[spmem:s2] =	stream.indirect.scatter.add.f32 [tilespmem:s13], [sflag:$0x3], $0x80, s19, s16, $0xb8;
	[tilespmem:$0x1C000] =	vst v63  }
0x83: {  	_ =	swait.ge [sflag:s11], $0x4000  }
0x84: {  	[sflag:s11] =	ssyncset.done $0x0  }
0x85: {  	s31 =	sadd.s32 $0x2000, s30;
	[sflag:s11] =	ssyncadd.s32 $0xFFFFC000  }
0x86: {  	[tilespmem:s13], [sflag:$0x1] =	stream.linear.gather [hbm4b:s31+s3], $0x4000, $0x38;
	[tilespmem:$0x1C000] =	vst v63  }
0x87: {  	_ =	swait.ge [sflag:s17], $0x4000  }
0x88: {  	[sflag:s17] =	ssyncset.done $0x0  }
0x89: {  	[sflag:s17] =	ssyncadd.s32 $0xFFFFC000  }
0x8a: {  	[spmem:s2] =	stream.indirect.scatter.add.f32 [tilespmem:s14], [sflag:$0x3], $0x80, s20, s16, $0xb8;
	[tilespmem:$0x1C000] =	vst v63  }
0x8b: {  	_ =	swait.ge [sflag:s11], $0x4000  }
0x8c: {  	[sflag:s11] =	ssyncset.done $0x0  }
0x8d: {  	s31 =	sadd.s32 $0x2800, s30;
	[sflag:s11] =	ssyncadd.s32 $0xFFFFC000  }
0x8e: {  	[tilespmem:s14], [sflag:$0x2] =	stream.linear.gather [hbm4b:s31+s3], $0x4000, $0x38;
	[tilespmem:$0x1C000] =	vst v63  }
0x8f: {  	_ =	swait.ge [sflag:s15], $0x4000  }
0x90: {  	[sflag:s15] =	ssyncset.done $0x0  }
0x91: {  	[sflag:s15] =	ssyncadd.s32 $0xFFFFC000  }
0x92: {  	[spmem:s2] =	stream.indirect.scatter.add.f32 [tilespmem:s13], [sflag:$0x3], $0x80, s21, s16, $0xb8;
	[tilespmem:$0x1C000] =	vst v63  }
0x93: {  	_ =	swait.ge [sflag:s11], $0x4000  }
0x94: {  	[sflag:s11] =	ssyncset.done $0x0  }
0x95: {  	s31 =	sadd.s32 $0x3000, s30;
	[sflag:s11] =	ssyncadd.s32 $0xFFFFC000  }
0x96: {  	[tilespmem:s13], [sflag:$0x1] =	stream.linear.gather [hbm4b:s31+s3], $0x4000, $0x38;
	[tilespmem:$0x1C000] =	vst v63  }
0x97: {  	_ =	swait.ge [sflag:s17], $0x4000  }
0x98: {  	[sflag:s17] =	ssyncset.done $0x0  }
0x99: {  	[sflag:s17] =	ssyncadd.s32 $0xFFFFC000  }
0x9a: {  	[spmem:s2] =	stream.indirect.scatter.add.f32 [tilespmem:s14], [sflag:$0x3], $0x80, s22, s16, $0xb8;
	[tilespmem:$0x1C000] =	vst v63  }
0x9b: {  	_ =	swait.ge [sflag:s11], $0x4000  }
0x9c: {  	[sflag:s11] =	ssyncset.done $0x0  }
0x9d: {  	s30 =	sadd.s32 $0x3800, s30;
	[sflag:s11] =	ssyncadd.s32 $0xFFFFC000  }
0x9e: {  	[tilespmem:s14], [sflag:$0x2] =	stream.linear.gather [hbm4b:s30+s3], $0x4000, $0x38;
	[tilespmem:$0x1C000] =	vst v63  }
0x9f: {  	_ =	swait.ge [sflag:s15], $0x4000  }
0xa0: {  	[sflag:s15] =	ssyncset.done $0x0  }
0xa1: {  	[sflag:s15] =	ssyncadd.s32 $0xFFFFC000  }
0xa2: {  	[spmem:s2] =	stream.indirect.scatter.add.f32 [tilespmem:s13], [sflag:$0x3], $0x80, s23, s16, $0xb8;
	[tilespmem:$0x1C000] =	vst v63  }
0xa3: {  	_ =	swait.ge [sflag:s11], $0x4000  }
0xa4: {  	[sflag:s11] =	ssyncset.done $0x0  }
0xa5: {  	[sflag:s11] =	ssyncadd.s32 $0xFFFFC000  }
0xa6: {  	_ =	swait.ge [sflag:s17], $0x4000  }
.Ltmp3:
0xa7: {  	[sflag:s17] =	ssyncset.done $0x0;
	(pc) =	sbr.rel @!p1 .LBB2_3-.Ltmp3, $4  }
0xa8: {  	[sflag:s17] =	ssyncadd.s32 $0xFFFFC000  }
0xa9: {  	[spmem:s2] =	stream.indirect.scatter.add.f32 [tilespmem:s14], [sflag:$0x3], $0x80, s25, s16, $0xb8;
	[tilespmem:$0x1C000] =	vst v63  }
0xaa: {  	_ =	swait.ge [sflag:s11], $0x4000  }
0xab: {  	[sflag:s11] =	ssyncset.done $0x0  }
.Ltmp4:
0xac: {  	(pc) =	sbr.rel .LBB2_8-.Ltmp4, $2  }
0xad: {  	_ =	sdelay $0x2  }
0xae: {  	[sflag:s11] =	ssyncadd.s32 $0xFFFFC000  }
.LBB2_5:
0xaf: {  	[tilespmem:s12], [sflag:$0x3] =	stream.linear.gather [hbm4b:s7+s3], $0x400, $0x38;
	[tilespmem:$0x1C000] =	vst v63  }
0xb0: {  	_ =	swait.ge [sflag:s11], $0x400  }
0xb1: {  	s28 =	sadd.s32 $0x0, s8;
	[sflag:s11] =	ssyncset.done $0x0  }
0xb2: {  	s29 =	sadd.s32 $0xFFD80000, s28;
	[sflag:s11] =	ssyncadd.s32 $0xFFFFFC00  }
0xb3: {  	[tilespmem:s13], [sflag:$0x1] =	stream.linear.gather [hbm4b:s29+s3], $0x4000, $0x38;
	[tilespmem:$0x1C000] =	vst v63  }
0xb4: {  	s29 =	sadd.s32 $0xFFD80800, s28  }
0xb5: {  	[tilespmem:s14], [sflag:$0x2] =	stream.linear.gather [hbm4b:s29+s3], $0x4000, $0x38;
	[tilespmem:$0x1C000] =	vst v63  }
0xb6: {  	_ =	swait.ge [sflag:s15], $0x4000  }
0xb7: {  	[sflag:s15] =	ssyncset.done $0x0  }
0xb8: {  	[sflag:s15] =	ssyncadd.s32 $0xFFFFC000  }
0xb9: {  	[spmem:s2] =	stream.indirect.scatter.add.f32 [tilespmem:s13], [sflag:$0x3], $0x80, s12, s16, $0xb8;
	[tilespmem:$0x1C000] =	vst v63  }
0xba: {  	_ =	swait.ge [sflag:s11], $0x4000  }
0xbb: {  	[sflag:s11] =	ssyncset.done $0x0  }
0xbc: {  	s29 =	sadd.s32 $0xFFD81000, s28;
	[sflag:s11] =	ssyncadd.s32 $0xFFFFC000  }
0xbd: {  	[tilespmem:s13], [sflag:$0x1] =	stream.linear.gather [hbm4b:s29+s3], $0x4000, $0x38;
	[tilespmem:$0x1C000] =	vst v63  }
0xbe: {  	_ =	swait.ge [sflag:s17], $0x4000  }
0xbf: {  	[sflag:s17] =	ssyncset.done $0x0  }
0xc0: {  	[sflag:s17] =	ssyncadd.s32 $0xFFFFC000  }
0xc1: {  	[spmem:s2] =	stream.indirect.scatter.add.f32 [tilespmem:s14], [sflag:$0x3], $0x80, s18, s16, $0xb8;
	[tilespmem:$0x1C000] =	vst v63  }
0xc2: {  	_ =	swait.ge [sflag:s11], $0x4000  }
0xc3: {  	[sflag:s11] =	ssyncset.done $0x0  }
0xc4: {  	s29 =	sadd.s32 $0xFFD81800, s28;
	[sflag:s11] =	ssyncadd.s32 $0xFFFFC000  }
0xc5: {  	[tilespmem:s14], [sflag:$0x2] =	stream.linear.gather [hbm4b:s29+s3], $0x4000, $0x38;
	[tilespmem:$0x1C000] =	vst v63  }
0xc6: {  	_ =	swait.ge [sflag:s15], $0x4000  }
0xc7: {  	[sflag:s15] =	ssyncset.done $0x0  }
0xc8: {  	[sflag:s15] =	ssyncadd.s32 $0xFFFFC000  }
0xc9: {  	[spmem:s2] =	stream.indirect.scatter.add.f32 [tilespmem:s13], [sflag:$0x3], $0x80, s19, s16, $0xb8;
	[tilespmem:$0x1C000] =	vst v63  }
0xca: {  	_ =	swait.ge [sflag:s11], $0x4000  }
0xcb: {  	[sflag:s11] =	ssyncset.done $0x0  }
0xcc: {  	s29 =	sadd.s32 $0xFFD82000, s28;
	[sflag:s11] =	ssyncadd.s32 $0xFFFFC000  }
0xcd: {  	[tilespmem:s13], [sflag:$0x1] =	stream.linear.gather [hbm4b:s29+s3], $0x4000, $0x38;
	[tilespmem:$0x1C000] =	vst v63  }
0xce: {  	_ =	swait.ge [sflag:s17], $0x4000  }
0xcf: {  	[sflag:s17] =	ssyncset.done $0x0  }
0xd0: {  	[sflag:s17] =	ssyncadd.s32 $0xFFFFC000  }
0xd1: {  	[spmem:s2] =	stream.indirect.scatter.add.f32 [tilespmem:s14], [sflag:$0x3], $0x80, s20, s16, $0xb8;
	[tilespmem:$0x1C000] =	vst v63  }
0xd2: {  	_ =	swait.ge [sflag:s11], $0x4000  }
0xd3: {  	[sflag:s11] =	ssyncset.done $0x0  }
0xd4: {  	s29 =	sadd.s32 $0xFFD82800, s28;
	[sflag:s11] =	ssyncadd.s32 $0xFFFFC000  }
0xd5: {  	[tilespmem:s14], [sflag:$0x2] =	stream.linear.gather [hbm4b:s29+s3], $0x4000, $0x38;
	[tilespmem:$0x1C000] =	vst v63  }
0xd6: {  	_ =	swait.ge [sflag:s15], $0x4000  }
0xd7: {  	[sflag:s15] =	ssyncset.done $0x0  }
0xd8: {  	[sflag:s15] =	ssyncadd.s32 $0xFFFFC000  }
0xd9: {  	[spmem:s2] =	stream.indirect.scatter.add.f32 [tilespmem:s13], [sflag:$0x3], $0x80, s21, s16, $0xb8;
	[tilespmem:$0x1C000] =	vst v63  }
0xda: {  	_ =	swait.ge [sflag:s11], $0x4000  }
0xdb: {  	[sflag:s11] =	ssyncset.done $0x0  }
0xdc: {  	s29 =	sadd.s32 $0xFFD83000, s28;
	[sflag:s11] =	ssyncadd.s32 $0xFFFFC000  }
0xdd: {  	[tilespmem:s13], [sflag:$0x1] =	stream.linear.gather [hbm4b:s29+s3], $0x4000, $0x38;
	[tilespmem:$0x1C000] =	vst v63  }
0xde: {  	_ =	swait.ge [sflag:s17], $0x4000  }
0xdf: {  	[sflag:s17] =	ssyncset.done $0x0  }
0xe0: {  	[sflag:s17] =	ssyncadd.s32 $0xFFFFC000  }
0xe1: {  	[spmem:s2] =	stream.indirect.scatter.add.f32 [tilespmem:s14], [sflag:$0x3], $0x80, s22, s16, $0xb8;
	[tilespmem:$0x1C000] =	vst v63  }
0xe2: {  	_ =	swait.ge [sflag:s11], $0x4000  }
0xe3: {  	[sflag:s11] =	ssyncset.done $0x0  }
0xe4: {  	s28 =	sadd.s32 $0xFFD83800, s28;
	[sflag:s11] =	ssyncadd.s32 $0xFFFFC000  }
0xe5: {  	[tilespmem:s14], [sflag:$0x2] =	stream.linear.gather [hbm4b:s28+s3], $0x4000, $0x38;
	[tilespmem:$0x1C000] =	vst v63  }
0xe6: {  	_ =	swait.ge [sflag:s15], $0x4000  }
0xe7: {  	[sflag:s15] =	ssyncset.done $0x0  }
0xe8: {  	[sflag:s15] =	ssyncadd.s32 $0xFFFFC000  }
0xe9: {  	[spmem:s2] =	stream.indirect.scatter.add.f32 [tilespmem:s13], [sflag:$0x3], $0x80, s23, s16, $0xb8;
	[tilespmem:$0x1C000] =	vst v63  }
0xea: {  	_ =	swait.ge [sflag:s11], $0x4000  }
0xeb: {  	[sflag:s11] =	ssyncset.done $0x0  }
0xec: {  	[sflag:s11] =	ssyncadd.s32 $0xFFFFC000  }
0xed: {  	_ =	swait.ge [sflag:s17], $0x4000  }
0xee: {  	[sflag:s17] =	ssyncset.done $0x0  }
0xef: {  	[sflag:s17] =	ssyncadd.s32 $0xFFFFC000  }
0xf0: {  	[spmem:s2] =	stream.indirect.scatter.add.f32 [tilespmem:s14], [sflag:$0x3], $0x80, s25, s16, $0xb8;
	[tilespmem:$0x1C000] =	vst v63  }
0xf1: {  	_ =	swait.ge [sflag:s11], $0x4000  }
0xf2: {  	s29 =	smov.u32 s7;
	s28 =	simm.s32 $0x4000;
	[sflag:s11] =	ssyncset.done $0x0  }
.LBB2_6:
0xf3: {  	p1 =	sne.s32 s28, $0x24000;
	[sflag:s11] =	ssyncadd.s32 $0xFFFFC000;
	s29 =	sadd.s32 $0x80, s29  }
0xf4: {  	[tilespmem:s12], [sflag:$0x3] =	stream.linear.gather [hbm4b:s29+s3], $0x400, $0x38;
	[tilespmem:$0x1C000] =	vst v63  }
0xf5: {  	s30 =	smov.u32 s28;
	s28 =	sadd.s32 $0x4000, s28;
	_ =	swait.ge [sflag:s11], $0x400  }
0xf6: {  	s30 =	sadd.s32 s30, s8;
	[sflag:s11] =	ssyncset.done $0x0  }
0xf7: {  	s31 =	sadd.s32 $0xFFD80000, s30;
	[sflag:s11] =	ssyncadd.s32 $0xFFFFFC00  }
0xf8: {  	[tilespmem:s13], [sflag:$0x1] =	stream.linear.gather [hbm4b:s31+s3], $0x4000, $0x38;
	[tilespmem:$0x1C000] =	vst v63  }
0xf9: {  	s31 =	sadd.s32 $0xFFD80800, s30  }
0xfa: {  	[tilespmem:s14], [sflag:$0x2] =	stream.linear.gather [hbm4b:s31+s3], $0x4000, $0x38;
	[tilespmem:$0x1C000] =	vst v63  }
0xfb: {  	_ =	swait.ge [sflag:s15], $0x4000  }
0xfc: {  	[sflag:s15] =	ssyncset.done $0x0  }
0xfd: {  	[sflag:s15] =	ssyncadd.s32 $0xFFFFC000  }
0xfe: {  	[spmem:s2] =	stream.indirect.scatter.add.f32 [tilespmem:s13], [sflag:$0x3], $0x80, s12, s16, $0xb8;
	[tilespmem:$0x1C000] =	vst v63  }
0xff: {  	_ =	swait.ge [sflag:s11], $0x4000  }
0x100: {  	[sflag:s11] =	ssyncset.done $0x0  }
0x101: {  	s31 =	sadd.s32 $0xFFD81000, s30;
	[sflag:s11] =	ssyncadd.s32 $0xFFFFC000  }
0x102: {  	[tilespmem:s13], [sflag:$0x1] =	stream.linear.gather [hbm4b:s31+s3], $0x4000, $0x38;
	[tilespmem:$0x1C000] =	vst v63  }
0x103: {  	_ =	swait.ge [sflag:s17], $0x4000  }
0x104: {  	[sflag:s17] =	ssyncset.done $0x0  }
0x105: {  	[sflag:s17] =	ssyncadd.s32 $0xFFFFC000  }
0x106: {  	[spmem:s2] =	stream.indirect.scatter.add.f32 [tilespmem:s14], [sflag:$0x3], $0x80, s18, s16, $0xb8;
	[tilespmem:$0x1C000] =	vst v63  }
0x107: {  	_ =	swait.ge [sflag:s11], $0x4000  }
0x108: {  	[sflag:s11] =	ssyncset.done $0x0  }
0x109: {  	s31 =	sadd.s32 $0xFFD81800, s30;
	[sflag:s11] =	ssyncadd.s32 $0xFFFFC000  }
0x10a: {  	[tilespmem:s14], [sflag:$0x2] =	stream.linear.gather [hbm4b:s31+s3], $0x4000, $0x38;
	[tilespmem:$0x1C000] =	vst v63  }
0x10b: {  	_ =	swait.ge [sflag:s15], $0x4000  }
0x10c: {  	[sflag:s15] =	ssyncset.done $0x0  }
0x10d: {  	[sflag:s15] =	ssyncadd.s32 $0xFFFFC000  }
0x10e: {  	[spmem:s2] =	stream.indirect.scatter.add.f32 [tilespmem:s13], [sflag:$0x3], $0x80, s19, s16, $0xb8;
	[tilespmem:$0x1C000] =	vst v63  }
0x10f: {  	_ =	swait.ge [sflag:s11], $0x4000  }
0x110: {  	[sflag:s11] =	ssyncset.done $0x0  }
0x111: {  	s31 =	sadd.s32 $0xFFD82000, s30;
	[sflag:s11] =	ssyncadd.s32 $0xFFFFC000  }
0x112: {  	[tilespmem:s13], [sflag:$0x1] =	stream.linear.gather [hbm4b:s31+s3], $0x4000, $0x38;
	[tilespmem:$0x1C000] =	vst v63  }
0x113: {  	_ =	swait.ge [sflag:s17], $0x4000  }
0x114: {  	[sflag:s17] =	ssyncset.done $0x0  }
0x115: {  	[sflag:s17] =	ssyncadd.s32 $0xFFFFC000  }
0x116: {  	[spmem:s2] =	stream.indirect.scatter.add.f32 [tilespmem:s14], [sflag:$0x3], $0x80, s20, s16, $0xb8;
	[tilespmem:$0x1C000] =	vst v63  }
0x117: {  	_ =	swait.ge [sflag:s11], $0x4000  }
0x118: {  	[sflag:s11] =	ssyncset.done $0x0  }
0x119: {  	s31 =	sadd.s32 $0xFFD82800, s30;
	[sflag:s11] =	ssyncadd.s32 $0xFFFFC000  }
0x11a: {  	[tilespmem:s14], [sflag:$0x2] =	stream.linear.gather [hbm4b:s31+s3], $0x4000, $0x38;
	[tilespmem:$0x1C000] =	vst v63  }
0x11b: {  	_ =	swait.ge [sflag:s15], $0x4000  }
0x11c: {  	[sflag:s15] =	ssyncset.done $0x0  }
0x11d: {  	[sflag:s15] =	ssyncadd.s32 $0xFFFFC000  }
0x11e: {  	[spmem:s2] =	stream.indirect.scatter.add.f32 [tilespmem:s13], [sflag:$0x3], $0x80, s21, s16, $0xb8;
	[tilespmem:$0x1C000] =	vst v63  }
0x11f: {  	_ =	swait.ge [sflag:s11], $0x4000  }
0x120: {  	[sflag:s11] =	ssyncset.done $0x0  }
0x121: {  	s31 =	sadd.s32 $0xFFD83000, s30;
	[sflag:s11] =	ssyncadd.s32 $0xFFFFC000  }
0x122: {  	[tilespmem:s13], [sflag:$0x1] =	stream.linear.gather [hbm4b:s31+s3], $0x4000, $0x38;
	[tilespmem:$0x1C000] =	vst v63  }
0x123: {  	_ =	swait.ge [sflag:s17], $0x4000  }
0x124: {  	[sflag:s17] =	ssyncset.done $0x0  }
0x125: {  	[sflag:s17] =	ssyncadd.s32 $0xFFFFC000  }
0x126: {  	[spmem:s2] =	stream.indirect.scatter.add.f32 [tilespmem:s14], [sflag:$0x3], $0x80, s22, s16, $0xb8;
	[tilespmem:$0x1C000] =	vst v63  }
0x127: {  	_ =	swait.ge [sflag:s11], $0x4000  }
0x128: {  	[sflag:s11] =	ssyncset.done $0x0  }
0x129: {  	s30 =	sadd.s32 $0xFFD83800, s30;
	[sflag:s11] =	ssyncadd.s32 $0xFFFFC000  }
0x12a: {  	[tilespmem:s14], [sflag:$0x2] =	stream.linear.gather [hbm4b:s30+s3], $0x4000, $0x38;
	[tilespmem:$0x1C000] =	vst v63  }
0x12b: {  	_ =	swait.ge [sflag:s15], $0x4000  }
0x12c: {  	[sflag:s15] =	ssyncset.done $0x0  }
0x12d: {  	[sflag:s15] =	ssyncadd.s32 $0xFFFFC000  }
0x12e: {  	[spmem:s2] =	stream.indirect.scatter.add.f32 [tilespmem:s13], [sflag:$0x3], $0x80, s23, s16, $0xb8;
	[tilespmem:$0x1C000] =	vst v63  }
0x12f: {  	_ =	swait.ge [sflag:s11], $0x4000  }
0x130: {  	[sflag:s11] =	ssyncset.done $0x0  }
0x131: {  	[sflag:s11] =	ssyncadd.s32 $0xFFFFC000  }
0x132: {  	_ =	swait.ge [sflag:s17], $0x4000  }
.Ltmp5:
0x133: {  	[sflag:s17] =	ssyncset.done $0x0;
	(pc) =	sbr.rel @p1 .LBB2_6-.Ltmp5, $4  }
0x134: {  	[sflag:s17] =	ssyncadd.s32 $0xFFFFC000  }
0x135: {  	[spmem:s2] =	stream.indirect.scatter.add.f32 [tilespmem:s14], [sflag:$0x3], $0x80, s25, s16, $0xb8;
	[tilespmem:$0x1C000] =	vst v63  }
0x136: {  	_ =	swait.ge [sflag:s11], $0x4000  }
0x137: {  	[sflag:s11] =	ssyncset.done $0x0  }
.Ltmp6:
0x138: {  	_ = 	snop;
	(pc) =	sbr.rel .LBB2_7-.Ltmp6, $1  }
0x139: {  	_ =	sdelay $0x3  }
.LBB2_9:
0x13a: {  	_ =	sfence.sel $0x180000  }
0x13b: {  	[bflag:$0x0] =	sbarrier.arrive $0xFFFF  }
0x13c: {  	p0 =	sne.s32 s1, $0x0;
	_ =	strace $0x90000053  }
0x13d: {  	s0 =	sadd.s32 @!p0 $0x100000, s0;
	[bflag:$0x2] =	sbarrier.arrive $0xFFFF  }
0x13e: {  	[sflag:s0] =	ssyncadd.tile.s32 @!p0 $0x1;
	_ =	shalt  }
.Lfunc_end2:
_tile_overlayer_lowered:
.L_overlay_start_2:
0x13f: {  	(tag) =	ssettag $0x2  }
0x140: {  	s0 =	rddreg [dreg:$0x0];
	s2 =	stileid.u32  }
0x141: {  	s1 =	rddreg [dreg:$0x1];
	p0 =	sne.s32 s2, $0x0  }
0x142: {  	s3 =	rddreg [dreg:$0x2];
	[bflag:$0x3] =	sbarrier.arrive $0xFFFF;
	s2 =	simm.s32 @!p0 $0x1C03  }
0x143: {  	[timem:s3], [sflag:s2] =	dma.local @!p0 [hbm:s0], s1  }
0x144: {  	s0 =	simm.s32 @!p0 $0x3  }
0x145: {  	_ =	swait.ge @!p0 [sflag:s0], s1  }
0x146: {  	s1 =	ssub.s32 @!p0 $0x0, s1;
	[sflag:s0] =	ssyncset.done @!p0 $0x0  }
0x147: {  	[sflag:s0] =	ssyncadd.s32 @!p0 s1  }
0x148: {  	[bflag:$0x3] =	sbarrier.arrive $0xFFFF  }
0x149: {  	_ =	shalt  }

</sc_bundles>
